<compile_context>
chip_gen: v7x
topology: tpu7x:2x2x1
jax: 0.10.2.dev20260603
libtpu: 0.0.44.dev20260713+nightly
codegen_flags: <defaults>
</compile_context>

<pallas_src>
import jax
import jax.numpy as jnp
from jax import lax
from jax.experimental import pallas as pl
from jax.experimental.pallas import tpu as pltpu
from jax.experimental.pallas import tpu_sc as plsc

_L = 16
_N = 200
_NROWS = 16384
_NW = 32
_RPW = _NROWS // _NW
_C = 64
_PADKEY = 2147483647
_LN2 = 0.6931471805599453
_LN_C = [0.4054594143811979, 0.6666792016628712, -0.2217512975295838,
         0.09832214680947896, -0.05486228119550331, 0.03010222662581689]


def _ln(x):
    bits = plsc.bitcast(x, jnp.int32)
    e = (bits >> 23) - 127
    f = plsc.bitcast((bits & 0x007FFFFF) | (127 << 23), jnp.float32)
    t = f - 1.5
    p = jnp.float32(_LN_C[-1])
    for c in _LN_C[-2::-1]:
        p = p * t + jnp.float32(c)
    return e.astype(jnp.float32) * jnp.float32(_LN2) + p


def _rev(k):
    if k is None:
        return None
    return lax.rev(k, (0,))


def _cmpex(a, b):
    if b is None:
        return a, None
    if a is None:
        return b, None
    return jnp.minimum(a, b), jnp.maximum(a, b)


def _bitonic_merge(vs):
    n = len(vs)
    if n == 1:
        return [vs[0] if vs[0] is None else jnp.sort(vs[0])]
    stride = n // 2
    while stride >= 1:
        for base in range(0, n, 2 * stride):
            for i in range(base, base + stride):
                vs[i], vs[i + stride] = _cmpex(vs[i], vs[i + stride])
        stride //= 2
    return [v if v is None else jnp.sort(v) for v in vs]


def _merge(a, b):
    return _bitonic_merge(a + [_rev(x) for x in reversed(b)])


def _take(x, idx):
    return x.at[idx].get(mode="promise_in_bounds", unique_indices=False)


def _row_terms(o_ref, l_ref, r, iota):
    offs = [16 * i for i in range(12)] + [184]
    lab = [l_ref[r, pl.ds(off, _L)] for off in offs]
    hi8 = iota >= 8

    keys = []
    for i, off in enumerate(offs):
        k = (lab[i] * jnp.float32(8388608.0)).astype(jnp.int32)
        keys.append((k << 8) | (iota + off))
    keys[12] = jnp.where(hi8, keys[12], jnp.int32(_PADKEY))

    runs = [[jnp.sort(keys[i])] for i in range(13)]
    runs += [[None], [None], [None]]
    while len(runs) > 1:
        runs = [_merge(runs[j], runs[j + 1]) for j in range(0, len(runs), 2)]
    srt = runs[0]

    lane15 = jnp.full((_L,), 15, jnp.int32)
    row_vec = jnp.zeros((_L,), jnp.int32) + r
    run_tot = jnp.zeros((_L,), jnp.float32)
    acc = None
    for i in range(13):
        idx = srt[i] & jnp.int32(0xFF)
        if i == 12:
            idx = jnp.minimum(idx, jnp.int32(_N - 1))
        g = plsc.load_gather(o_ref, [row_vec, idx])
        if i == 12:
            g = jnp.where(iota < 8, g, jnp.float32(0.0))
        e = jnp.exp(g)
        if i == 12:
            e = jnp.where(iota < 8, e, jnp.float32(0.0))
        cs = plsc.cumsum(e)
        s = cs + run_tot
        run_tot = run_tot + _take(cs, lane15)
        lnv = _ln(s)
        if i == 12:
            lnv = jnp.where(iota < 8, lnv, jnp.float32(0.0))
        acc = lnv - g if acc is None else acc + lnv - g
    return acc


def _sc_body(o_hbm, l_hbm, out_hbm, obuf_a, lbuf_a, obuf_b, lbuf_b, accv,
             sem_a, sem_b):
    cid = lax.axis_index("c")
    sid = lax.axis_index("s")
    wid = sid * 2 + cid
    row0 = wid * _RPW
    iota = lax.broadcasted_iota(jnp.int32, (_L,), 0)
    nch = _RPW // _C

    def copies(c, obuf, lbuf, sem):
        st = row0 + c * _C
        return (pltpu.make_async_copy(o_hbm.at[pl.ds(st, _C)], obuf, sem),
                pltpu.make_async_copy(l_hbm.at[pl.ds(st, _C)], lbuf, sem))

    for d in copies(0, obuf_a, lbuf_a, sem_a):
        d.start()

    def rows(oref, lref, acc):
        def row_body(r, a):
            return a + _row_terms(oref, lref, r, iota)

        return lax.fori_loop(0, _C, row_body, acc)

    def pair_body(cp, acc):
        for d in copies(2 * cp + 1, obuf_b, lbuf_b, sem_b):
            d.start()
        for d in copies(2 * cp, obuf_a, lbuf_a, sem_a):
            d.wait()
        acc = rows(obuf_a, lbuf_a, acc)

        @pl.when(cp < nch // 2 - 1)
        def _():
            for d in copies(2 * cp + 2, obuf_a, lbuf_a, sem_a):
                d.start()

        for d in copies(2 * cp + 1, obuf_b, lbuf_b, sem_b):
            d.wait()
        return rows(obuf_b, lbuf_b, acc)

    acc = lax.fori_loop(0, nch // 2, pair_body, jnp.zeros((_L,), jnp.float32))
    accv[...] = acc
    pltpu.sync_copy(accv, out_hbm.at[pl.ds(wid * _L, _L)])


@jax.jit
def _sc_call(o_flat, l_flat):
    mesh = plsc.VectorSubcoreMesh(core_axis_name="c", subcore_axis_name="s")
    return pl.kernel(
        _sc_body,
        mesh=mesh,
        compiler_params=pltpu.CompilerParams(needs_layout_passes=False),
        out_type=jax.ShapeDtypeStruct((_NW * _L,), jnp.float32),
        scratch_types=[
            pltpu.VMEM((_C, _N), jnp.float32),
            pltpu.VMEM((_C, _N), jnp.float32),
            pltpu.VMEM((_C, _N), jnp.float32),
            pltpu.VMEM((_C, _N), jnp.float32),
            pltpu.VMEM((_L,), jnp.float32),
            pltpu.SemaphoreType.DMA,
            pltpu.SemaphoreType.DMA,
        ],
    )(o_flat, l_flat)


def kernel(outputs, labels):
    n_rows, n_cols = outputs.shape
    partials = _sc_call(outputs, labels)
    return jnp.sum(partials) / (n_rows * n_cols)

# --- scband reference (transcript-rebuilt; emitter-appended) ---
"""Pipeline reference for scband-list-mle-50294067036268 (READ-ONLY COPY).

The authoritative reference and input builder live on the scoring server;
editing this copy changes nothing except your own understanding.
"""

import jax, jax.numpy as jnp
import numpy as np


def _logcumsumexp(x, axis):
    m = jnp.max(x, axis=axis, keepdims=True)
    m = jnp.where(jnp.isfinite(m), m, 0.0)
    return jnp.log(jnp.cumsum(jnp.exp(x - m), axis=axis)) + m


def setup_inputs(seed: int = 0) -> dict:
    key = jax.random.key(seed)
    k1, k2 = jax.random.split(key)
    outputs = jax.random.normal(k1, (16384, 200), dtype=jnp.float32)
    labels = jax.random.uniform(k2, (16384, 200), dtype=jnp.float32)
    return {"outputs": outputs, "labels": labels}


def reference(outputs, labels):
    # idx = argsort(labels, dim=1) ascending, per row
    idx = jnp.argsort(labels, axis=1)
    # gather outputs in label-sorted order per row, then cumulative logsumexp along the list dim
    gathered = jnp.take_along_axis(outputs, idx, axis=1)
    scores = _logcumsumexp(gathered, axis=1)
    loss = jnp.mean(scores - outputs)
    return loss

if __name__ == "__main__":
    import jax
    _d = setup_inputs()
    print(jax.jit(kernel)(*tuple(_d.values())))

</pallas_src>

<mosaic_0001>
#map = affine_map<(d0, d1) -> (0, 0)>
#map1 = affine_map<(d0, d1) -> (0)>
module attributes {stable_mosaic.version = 14 : i64} {
  func.func @_sc_body(%arg0: i32, %arg1: i32, %arg2: memref<16384x200xf32, #tpu.memory_space<hbm>>, %arg3: memref<16384x200xf32, #tpu.memory_space<hbm>>, %arg4: memref<512xf32, #tpu.memory_space<hbm>>, %arg5: memref<64x200xf32, #tpu.memory_space<vmem>>, %arg6: memref<64x200xf32, #tpu.memory_space<vmem>>, %arg7: memref<64x200xf32, #tpu.memory_space<vmem>>, %arg8: memref<64x200xf32, #tpu.memory_space<vmem>>, %arg9: memref<16xf32, #tpu.memory_space<vmem>>, %arg10: memref<!tpu.dma_semaphore, #tpu.memory_space<semaphore_mem>>, %arg11: memref<!tpu.dma_semaphore, #tpu.memory_space<semaphore_mem>>) attributes {dimension_semantics = [#tpu.dimension_semantics<core_parallel>, #tpu.dimension_semantics<subcore_parallel>], iteration_bounds = array<i64: 2, 16>, scalar_prefetch = 0 : i64, scratch_operands = 7 : i64, tpu.core_type = #tpu.core_type<sc_vector_subcore>, window_params = [{transform_indices = #map}, {transform_indices = #map}, {transform_indices = #map1}]} {
    %mul3A = arith.constant 2 : i32
    %mul3A_0 = arith.muli %arg1, %mul3A : i32
    %add3A = arith.addi %mul3A_0, %arg0 : i32
    %mul3A_1 = arith.constant 512 : i32
    %mul3A_2 = arith.muli %add3A, %mul3A_1 : i32
    %iota3A = tpu.iota {dimensions = array<i32: 0>} : vector<16xi32>
    %add3A_3 = arith.constant 0 : i32
    %add3A_4 = arith.addi %mul3A_2, %add3A_3 : i32
    %dma_start3A = arith.constant 0 : i32
    %dma_start3A_5 = tpu.memref_slice %arg2[%add3A_4, %dma_start3A] : memref<16384x200xf32, #tpu.memory_space<hbm>> -> memref<64x200xf32, #tpu.memory_space<hbm>>
    %dma_start3A_6 = arith.constant 0 : i32
    %dma_start3A_7 = tpu.memref_slice %arg2[%add3A_4, %dma_start3A_6] : memref<16384x200xf32, #tpu.memory_space<hbm>> -> memref<64x200xf32, #tpu.memory_space<hbm>>
    tpu.enqueue_dma source(%dma_start3A_7 : memref<64x200xf32, #tpu.memory_space<hbm>>) target(%arg5 : memref<64x200xf32, #tpu.memory_space<vmem>>) target_semaphore(%arg10 : memref<!tpu.dma_semaphore, #tpu.memory_space<semaphore_mem>>)
    %dma_start3A_8 = arith.constant 0 : i32
    %dma_start3A_9 = tpu.memref_slice %arg3[%add3A_4, %dma_start3A_8] : memref<16384x200xf32, #tpu.memory_space<hbm>> -> memref<64x200xf32, #tpu.memory_space<hbm>>
    %dma_start3A_10 = arith.constant 0 : i32
    %dma_start3A_11 = tpu.memref_slice %arg3[%add3A_4, %dma_start3A_10] : memref<16384x200xf32, #tpu.memory_space<hbm>> -> memref<64x200xf32, #tpu.memory_space<hbm>>
    tpu.enqueue_dma source(%dma_start3A_11 : memref<64x200xf32, #tpu.memory_space<hbm>>) target(%arg6 : memref<64x200xf32, #tpu.memory_space<vmem>>) target_semaphore(%arg10 : memref<!tpu.dma_semaphore, #tpu.memory_space<semaphore_mem>>)
    %broadcast_in_dim3A = arith.constant 0.000000e+00 : f32
    %broadcast_in_dim3A_12 = vector.broadcast %broadcast_in_dim3A : f32 to vector<16xf32>
    %scan3A = arith.constant 0 : i32
    %scan3A_13 = arith.constant 4 : i32
    %scan3A_14 = arith.addi %scan3A, %scan3A_13 : i32
    %scan3A_15 = arith.constant 1 : i32
    %scan3A_16 = scf.for %scan3A_21 = %scan3A to %scan3A_14 step %scan3A_15 iter_args(%scan3A_22 = %broadcast_in_dim3A_12) -> (vector<16xf32>)  : i32 {
      %mul3A_23 = arith.constant 2 : i32
      %mul3A_24 = arith.muli %mul3A_23, %scan3A_21 : i32
      %add3A_25 = arith.constant 1 : i32
      %add3A_26 = arith.addi %mul3A_24, %add3A_25 : i32
      %mul3A_27 = arith.constant 64 : i32
      %mul3A_28 = arith.muli %add3A_26, %mul3A_27 : i32
      %add3A_29 = arith.addi %mul3A_2, %mul3A_28 : i32
      %dma_start3A_30 = arith.constant 0 : i32
      %dma_start3A_31 = tpu.memref_slice %arg2[%add3A_29, %dma_start3A_30] : memref<16384x200xf32, #tpu.memory_space<hbm>> -> memref<64x200xf32, #tpu.memory_space<hbm>>
      %dma_start3A_32 = arith.constant 0 : i32
      %dma_start3A_33 = tpu.memref_slice %arg2[%add3A_29, %dma_start3A_32] : memref<16384x200xf32, #tpu.memory_space<hbm>> -> memref<64x200xf32, #tpu.memory_space<hbm>>
      tpu.enqueue_dma source(%dma_start3A_33 : memref<64x200xf32, #tpu.memory_space<hbm>>) target(%arg7 : memref<64x200xf32, #tpu.memory_space<vmem>>) target_semaphore(%arg11 : memref<!tpu.dma_semaphore, #tpu.memory_space<semaphore_mem>>)
      %dma_start3A_34 = arith.constant 0 : i32
      %dma_start3A_35 = tpu.memref_slice %arg3[%add3A_29, %dma_start3A_34] : memref<16384x200xf32, #tpu.memory_space<hbm>> -> memref<64x200xf32, #tpu.memory_space<hbm>>
      %dma_start3A_36 = arith.constant 0 : i32
      %dma_start3A_37 = tpu.memref_slice %arg3[%add3A_29, %dma_start3A_36] : memref<16384x200xf32, #tpu.memory_space<hbm>> -> memref<64x200xf32, #tpu.memory_space<hbm>>
      tpu.enqueue_dma source(%dma_start3A_37 : memref<64x200xf32, #tpu.memory_space<hbm>>) target(%arg8 : memref<64x200xf32, #tpu.memory_space<vmem>>) target_semaphore(%arg11 : memref<!tpu.dma_semaphore, #tpu.memory_space<semaphore_mem>>)
      %mul3A_38 = arith.constant 2 : i32
      %mul3A_39 = arith.muli %mul3A_38, %scan3A_21 : i32
      %mul3A_40 = arith.constant 64 : i32
      %mul3A_41 = arith.muli %mul3A_39, %mul3A_40 : i32
      %add3A_42 = arith.addi %mul3A_2, %mul3A_41 : i32
      %dma_wait3A = arith.constant 0 : i32
      %dma_wait3A_43 = tpu.memref_slice %arg2[%add3A_42, %dma_wait3A] : memref<16384x200xf32, #tpu.memory_space<hbm>> -> memref<64x200xf32, #tpu.memory_space<hbm>>
      %dma_wait3A_44 = arith.constant 0 : i32
      %dma_wait3A_45 = tpu.memref_slice %arg2[%add3A_42, %dma_wait3A_44] : memref<16384x200xf32, #tpu.memory_space<hbm>> -> memref<64x200xf32, #tpu.memory_space<hbm>>
      tpu.wait_dma2 semaphore(%arg10 : memref<!tpu.dma_semaphore, #tpu.memory_space<semaphore_mem>>) src(%dma_wait3A_45 : memref<64x200xf32, #tpu.memory_space<hbm>>) dst(%arg5 : memref<64x200xf32, #tpu.memory_space<vmem>>)
      %dma_wait3A_46 = arith.constant 0 : i32
      %dma_wait3A_47 = tpu.memref_slice %arg3[%add3A_42, %dma_wait3A_46] : memref<16384x200xf32, #tpu.memory_space<hbm>> -> memref<64x200xf32, #tpu.memory_space<hbm>>
      %dma_wait3A_48 = arith.constant 0 : i32
      %dma_wait3A_49 = tpu.memref_slice %arg3[%add3A_42, %dma_wait3A_48] : memref<16384x200xf32, #tpu.memory_space<hbm>> -> memref<64x200xf32, #tpu.memory_space<hbm>>
      tpu.wait_dma2 semaphore(%arg10 : memref<!tpu.dma_semaphore, #tpu.memory_space<semaphore_mem>>) src(%dma_wait3A_49 : memref<64x200xf32, #tpu.memory_space<hbm>>) dst(%arg6 : memref<64x200xf32, #tpu.memory_space<vmem>>)
      %scan3A_50 = arith.constant 0 : i32
      %scan3A_51 = arith.constant 64 : i32
      %scan3A_52 = arith.addi %scan3A_50, %scan3A_51 : i32
      %scan3A_53 = arith.constant 1 : i32
      %scan3A_54 = scf.for %scan3A_79 = %scan3A_50 to %scan3A_52 step %scan3A_53 iter_args(%scan3A_80 = %scan3A_22) -> (vector<16xf32>)  : i32 {
        %get3A = arith.index_cast %scan3A_79 : i32 to index
        %get3A_81 = arith.constant 0 : index
        %get3A_82 = tpu.vector_load %arg6[%get3A, %get3A_81] {strides = array<i32>} : memref<64x200xf32, #tpu.memory_space<vmem>>, vector<16xf32>,
        %get3A_83 = arith.index_cast %scan3A_79 : i32 to index
        %get3A_84 = arith.constant 16 : index
        %get3A_85 = tpu.vector_load %arg6[%get3A_83, %get3A_84] {strides = array<i32>} : memref<64x200xf32, #tpu.memory_space<vmem>>, vector<16xf32>,
        %get3A_86 = arith.index_cast %scan3A_79 : i32 to index
        %get3A_87 = arith.constant 32 : index
        %get3A_88 = tpu.vector_load %arg6[%get3A_86, %get3A_87] {strides = array<i32>} : memref<64x200xf32, #tpu.memory_space<vmem>>, vector<16xf32>,
        %get3A_89 = arith.index_cast %scan3A_79 : i32 to index
        %get3A_90 = arith.constant 48 : index
        %get3A_91 = tpu.vector_load %arg6[%get3A_89, %get3A_90] {strides = array<i32>} : memref<64x200xf32, #tpu.memory_space<vmem>>, vector<16xf32>,
        %get3A_92 = arith.index_cast %scan3A_79 : i32 to index
        %get3A_93 = arith.constant 64 : index
        %get3A_94 = tpu.vector_load %arg6[%get3A_92, %get3A_93] {strides = array<i32>} : memref<64x200xf32, #tpu.memory_space<vmem>>, vector<16xf32>,
        %get3A_95 = arith.index_cast %scan3A_79 : i32 to index
        %get3A_96 = arith.constant 80 : index
        %get3A_97 = tpu.vector_load %arg6[%get3A_95, %get3A_96] {strides = array<i32>} : memref<64x200xf32, #tpu.memory_space<vmem>>, vector<16xf32>,
        %get3A_98 = arith.index_cast %scan3A_79 : i32 to index
        %get3A_99 = arith.constant 96 : index
        %get3A_100 = tpu.vector_load %arg6[%get3A_98, %get3A_99] {strides = array<i32>} : memref<64x200xf32, #tpu.memory_space<vmem>>, vector<16xf32>,
        %get3A_101 = arith.index_cast %scan3A_79 : i32 to index
        %get3A_102 = arith.constant 112 : index
        %get3A_103 = tpu.vector_load %arg6[%get3A_101, %get3A_102] {strides = array<i32>} : memref<64x200xf32, #tpu.memory_space<vmem>>, vector<16xf32>,
        %get3A_104 = arith.index_cast %scan3A_79 : i32 to index
        %get3A_105 = arith.constant 128 : index
        %get3A_106 = tpu.vector_load %arg6[%get3A_104, %get3A_105] {strides = array<i32>} : memref<64x200xf32, #tpu.memory_space<vmem>>, vector<16xf32>,
        %get3A_107 = arith.index_cast %scan3A_79 : i32 to index
        %get3A_108 = arith.constant 144 : index
        %get3A_109 = tpu.vector_load %arg6[%get3A_107, %get3A_108] {strides = array<i32>} : memref<64x200xf32, #tpu.memory_space<vmem>>, vector<16xf32>,
        %get3A_110 = arith.index_cast %scan3A_79 : i32 to index
        %get3A_111 = arith.constant 160 : index
        %get3A_112 = tpu.vector_load %arg6[%get3A_110, %get3A_111] {strides = array<i32>} : memref<64x200xf32, #tpu.memory_space<vmem>>, vector<16xf32>,
        %get3A_113 = arith.index_cast %scan3A_79 : i32 to index
        %get3A_114 = arith.constant 176 : index
        %get3A_115 = tpu.vector_load %arg6[%get3A_113, %get3A_114] {strides = array<i32>} : memref<64x200xf32, #tpu.memory_space<vmem>>, vector<16xf32>,
        %get3A_116 = arith.index_cast %scan3A_79 : i32 to index
        %get3A_117 = arith.constant 184 : index
        %get3A_118 = tpu.vector_load %arg6[%get3A_116, %get3A_117] {strides = array<i32>} : memref<64x200xf32, #tpu.memory_space<vmem>>, vector<16xf32>,
        %ge3A = arith.constant 8 : i32
        %ge3A_119 = vector.broadcast %ge3A : i32 to vector<16xi32>
        %ge3A_120 = arith.cmpi sge, %iota3A, %ge3A_119 : vector<16xi32>
        %mul3A_121 = arith.constant 0x4B000000 : f32
        %mul3A_122 = vector.broadcast %mul3A_121 : f32 to vector<16xf32>
        %mul3A_123 = arith.mulf %get3A_82, %mul3A_122 : vector<16xf32>
        %convert_element_type3A_124 = arith.fptosi %mul3A_123 : vector<16xf32> to vector<16xi32>
        %shift_left3A = arith.constant 8 : i32
        %shift_left3A_125 = vector.broadcast %shift_left3A : i32 to vector<16xi32>
        %shift_left3A_126 = arith.shli %convert_element_type3A_124, %shift_left3A_125 : vector<16xi32>
        %add3A_127 = arith.constant 0 : i32
        %add3A_128 = vector.broadcast %add3A_127 : i32 to vector<16xi32>
        %add3A_129 = arith.addi %iota3A, %add3A_128 : vector<16xi32>
        %or3A = arith.ori %shift_left3A_126, %add3A_129 : vector<16xi32>
        %mul3A_130 = arith.constant 0x4B000000 : f32
        %mul3A_131 = vector.broadcast %mul3A_130 : f32 to vector<16xf32>
        %mul3A_132 = arith.mulf %get3A_85, %mul3A_131 : vector<16xf32>
        %convert_element_type3A_133 = arith.fptosi %mul3A_132 : vector<16xf32> to vector<16xi32>
        %shift_left3A_134 = arith.constant 8 : i32
        %shift_left3A_135 = vector.broadcast %shift_left3A_134 : i32 to vector<16xi32>
        %shift_left3A_136 = arith.shli %convert_element_type3A_133, %shift_left3A_135 : vector<16xi32>
        %add3A_137 = arith.constant 16 : i32
        %add3A_138 = vector.broadcast %add3A_137 : i32 to vector<16xi32>
        %add3A_139 = arith.addi %iota3A, %add3A_138 : vector<16xi32>
        %or3A_140 = arith.ori %shift_left3A_136, %add3A_139 : vector<16xi32>
        %mul3A_141 = arith.constant 0x4B000000 : f32
        %mul3A_142 = vector.broadcast %mul3A_141 : f32 to vector<16xf32>
        %mul3A_143 = arith.mulf %get3A_88, %mul3A_142 : vector<16xf32>
        %convert_element_type3A_144 = arith.fptosi %mul3A_143 : vector<16xf32> to vector<16xi32>
        %shift_left3A_145 = arith.constant 8 : i32
        %shift_left3A_146 = vector.broadcast %shift_left3A_145 : i32 to vector<16xi32>
        %shift_left3A_147 = arith.shli %convert_element_type3A_144, %shift_left3A_146 : vector<16xi32>
        %add3A_148 = arith.constant 32 : i32
        %add3A_149 = vector.broadcast %add3A_148 : i32 to vector<16xi32>
        %add3A_150 = arith.addi %iota3A, %add3A_149 : vector<16xi32>
        %or3A_151 = arith.ori %shift_left3A_147, %add3A_150 : vector<16xi32>
        %mul3A_152 = arith.constant 0x4B000000 : f32
        %mul3A_153 = vector.broadcast %mul3A_152 : f32 to vector<16xf32>
        %mul3A_154 = arith.mulf %get3A_91, %mul3A_153 : vector<16xf32>
        %convert_element_type3A_155 = arith.fptosi %mul3A_154 : vector<16xf32> to vector<16xi32>
        %shift_left3A_156 = arith.constant 8 : i32
        %shift_left3A_157 = vector.broadcast %shift_left3A_156 : i32 to vector<16xi32>
        %shift_left3A_158 = arith.shli %convert_element_type3A_155, %shift_left3A_157 : vector<16xi32>
        %add3A_159 = arith.constant 48 : i32
        %add3A_160 = vector.broadcast %add3A_159 : i32 to vector<16xi32>
        %add3A_161 = arith.addi %iota3A, %add3A_160 : vector<16xi32>
        %or3A_162 = arith.ori %shift_left3A_158, %add3A_161 : vector<16xi32>
        %mul3A_163 = arith.constant 0x4B000000 : f32
        %mul3A_164 = vector.broadcast %mul3A_163 : f32 to vector<16xf32>
        %mul3A_165 = arith.mulf %get3A_94, %mul3A_164 : vector<16xf32>
        %convert_element_type3A_166 = arith.fptosi %mul3A_165 : vector<16xf32> to vector<16xi32>
        %shift_left3A_167 = arith.constant 8 : i32
        %shift_left3A_168 = vector.broadcast %shift_left3A_167 : i32 to vector<16xi32>
        %shift_left3A_169 = arith.shli %convert_element_type3A_166, %shift_left3A_168 : vector<16xi32>
        %add3A_170 = arith.constant 64 : i32
        %add3A_171 = vector.broadcast %add3A_170 : i32 to vector<16xi32>
        %add3A_172 = arith.addi %iota3A, %add3A_171 : vector<16xi32>
        %or3A_173 = arith.ori %shift_left3A_169, %add3A_172 : vector<16xi32>
        %mul3A_174 = arith.constant 0x4B000000 : f32
        %mul3A_175 = vector.broadcast %mul3A_174 : f32 to vector<16xf32>
        %mul3A_176 = arith.mulf %get3A_97, %mul3A_175 : vector<16xf32>
        %convert_element_type3A_177 = arith.fptosi %mul3A_176 : vector<16xf32> to vector<16xi32>
        %shift_left3A_178 = arith.constant 8 : i32
        %shift_left3A_179 = vector.broadcast %shift_left3A_178 : i32 to vector<16xi32>
        %shift_left3A_180 = arith.shli %convert_element_type3A_177, %shift_left3A_179 : vector<16xi32>
        %add3A_181 = arith.constant 80 : i32
        %add3A_182 = vector.broadcast %add3A_181 : i32 to vector<16xi32>
        %add3A_183 = arith.addi %iota3A, %add3A_182 : vector<16xi32>
        %or3A_184 = arith.ori %shift_left3A_180, %add3A_183 : vector<16xi32>
        %mul3A_185 = arith.constant 0x4B000000 : f32
        %mul3A_186 = vector.broadcast %mul3A_185 : f32 to vector<16xf32>
        %mul3A_187 = arith.mulf %get3A_100, %mul3A_186 : vector<16xf32>
        %convert_element_type3A_188 = arith.fptosi %mul3A_187 : vector<16xf32> to vector<16xi32>
        %shift_left3A_189 = arith.constant 8 : i32
        %shift_left3A_190 = vector.broadcast %shift_left3A_189 : i32 to vector<16xi32>
        %shift_left3A_191 = arith.shli %convert_element_type3A_188, %shift_left3A_190 : vector<16xi32>
        %add3A_192 = arith.constant 96 : i32
        %add3A_193 = vector.broadcast %add3A_192 : i32 to vector<16xi32>
        %add3A_194 = arith.addi %iota3A, %add3A_193 : vector<16xi32>
        %or3A_195 = arith.ori %shift_left3A_191, %add3A_194 : vector<16xi32>
        %mul3A_196 = arith.constant 0x4B000000 : f32
        %mul3A_197 = vector.broadcast %mul3A_196 : f32 to vector<16xf32>
        %mul3A_198 = arith.mulf %get3A_103, %mul3A_197 : vector<16xf32>
        %convert_element_type3A_199 = arith.fptosi %mul3A_198 : vector<16xf32> to vector<16xi32>
        %shift_left3A_200 = arith.constant 8 : i32
        %shift_left3A_201 = vector.broadcast %shift_left3A_200 : i32 to vector<16xi32>
        %shift_left3A_202 = arith.shli %convert_element_type3A_199, %shift_left3A_201 : vector<16xi32>
        %add3A_203 = arith.constant 112 : i32
        %add3A_204 = vector.broadcast %add3A_203 : i32 to vector<16xi32>
        %add3A_205 = arith.addi %iota3A, %add3A_204 : vector<16xi32>
        %or3A_206 = arith.ori %shift_left3A_202, %add3A_205 : vector<16xi32>
        %mul3A_207 = arith.constant 0x4B000000 : f32
        %mul3A_208 = vector.broadcast %mul3A_207 : f32 to vector<16xf32>
        %mul3A_209 = arith.mulf %get3A_106, %mul3A_208 : vector<16xf32>
        %convert_element_type3A_210 = arith.fptosi %mul3A_209 : vector<16xf32> to vector<16xi32>
        %shift_left3A_211 = arith.constant 8 : i32
        %shift_left3A_212 = vector.broadcast %shift_left3A_211 : i32 to vector<16xi32>
        %shift_left3A_213 = arith.shli %convert_element_type3A_210, %shift_left3A_212 : vector<16xi32>
        %add3A_214 = arith.constant 128 : i32
        %add3A_215 = vector.broadcast %add3A_214 : i32 to vector<16xi32>
        %add3A_216 = arith.addi %iota3A, %add3A_215 : vector<16xi32>
        %or3A_217 = arith.ori %shift_left3A_213, %add3A_216 : vector<16xi32>
        %mul3A_218 = arith.constant 0x4B000000 : f32
        %mul3A_219 = vector.broadcast %mul3A_218 : f32 to vector<16xf32>
        %mul3A_220 = arith.mulf %get3A_109, %mul3A_219 : vector<16xf32>
        %convert_element_type3A_221 = arith.fptosi %mul3A_220 : vector<16xf32> to vector<16xi32>
        %shift_left3A_222 = arith.constant 8 : i32
        %shift_left3A_223 = vector.broadcast %shift_left3A_222 : i32 to vector<16xi32>
        %shift_left3A_224 = arith.shli %convert_element_type3A_221, %shift_left3A_223 : vector<16xi32>
        %add3A_225 = arith.constant 144 : i32
        %add3A_226 = vector.broadcast %add3A_225 : i32 to vector<16xi32>
        %add3A_227 = arith.addi %iota3A, %add3A_226 : vector<16xi32>
        %or3A_228 = arith.ori %shift_left3A_224, %add3A_227 : vector<16xi32>
        %mul3A_229 = arith.constant 0x4B000000 : f32
        %mul3A_230 = vector.broadcast %mul3A_229 : f32 to vector<16xf32>
        %mul3A_231 = arith.mulf %get3A_112, %mul3A_230 : vector<16xf32>
        %convert_element_type3A_232 = arith.fptosi %mul3A_231 : vector<16xf32> to vector<16xi32>
        %shift_left3A_233 = arith.constant 8 : i32
        %shift_left3A_234 = vector.broadcast %shift_left3A_233 : i32 to vector<16xi32>
        %shift_left3A_235 = arith.shli %convert_element_type3A_232, %shift_left3A_234 : vector<16xi32>
        %add3A_236 = arith.constant 160 : i32
        %add3A_237 = vector.broadcast %add3A_236 : i32 to vector<16xi32>
        %add3A_238 = arith.addi %iota3A, %add3A_237 : vector<16xi32>
        %or3A_239 = arith.ori %shift_left3A_235, %add3A_238 : vector<16xi32>
        %mul3A_240 = arith.constant 0x4B000000 : f32
        %mul3A_241 = vector.broadcast %mul3A_240 : f32 to vector<16xf32>
        %mul3A_242 = arith.mulf %get3A_115, %mul3A_241 : vector<16xf32>
        %convert_element_type3A_243 = arith.fptosi %mul3A_242 : vector<16xf32> to vector<16xi32>
        %shift_left3A_244 = arith.constant 8 : i32
        %shift_left3A_245 = vector.broadcast %shift_left3A_244 : i32 to vector<16xi32>
        %shift_left3A_246 = arith.shli %convert_element_type3A_243, %shift_left3A_245 : vector<16xi32>
        %add3A_247 = arith.constant 176 : i32
        %add3A_248 = vector.broadcast %add3A_247 : i32 to vector<16xi32>
        %add3A_249 = arith.addi %iota3A, %add3A_248 : vector<16xi32>
        %or3A_250 = arith.ori %shift_left3A_246, %add3A_249 : vector<16xi32>
        %mul3A_251 = arith.constant 0x4B000000 : f32
        %mul3A_252 = vector.broadcast %mul3A_251 : f32 to vector<16xf32>
        %mul3A_253 = arith.mulf %get3A_118, %mul3A_252 : vector<16xf32>
        %convert_element_type3A_254 = arith.fptosi %mul3A_253 : vector<16xf32> to vector<16xi32>
        %shift_left3A_255 = arith.constant 8 : i32
        %shift_left3A_256 = vector.broadcast %shift_left3A_255 : i32 to vector<16xi32>
        %shift_left3A_257 = arith.shli %convert_element_type3A_254, %shift_left3A_256 : vector<16xi32>
        %add3A_258 = arith.constant 184 : i32
        %add3A_259 = vector.broadcast %add3A_258 : i32 to vector<16xi32>
        %add3A_260 = arith.addi %iota3A, %add3A_259 : vector<16xi32>
        %or3A_261 = arith.ori %shift_left3A_257, %add3A_260 : vector<16xi32>
        %jit3A = arith.constant 2147483647 : i32
        %broadcast_in_dim3A_262 = vector.broadcast %jit3A : i32 to vector<16xi32>
        %select_n3A = arith.select %ge3A_120, %or3A_261, %broadcast_in_dim3A_262 : vector<16xi1>, vector<16xi32>
        %sort3A = arith.constant dense<true> : vector<16xi1>
        %sort3A_263, %sort3A_264, %sort3A_265 = tpu.sort %or3A, %or3A masked %sort3A : (vector<16xi32>, vector<16xi32>, vector<16xi1>) -> (vector<16xi1>, vector<16xi32>, vector<16xi32>)
        %sort3A_266 = arith.constant dense<true> : vector<16xi1>
        %sort3A_267, %sort3A_268, %sort3A_269 = tpu.sort %or3A_140, %or3A_140 masked %sort3A_266 : (vector<16xi32>, vector<16xi32>, vector<16xi1>) -> (vector<16xi1>, vector<16xi32>, vector<16xi32>)
        %sort3A_270 = arith.constant dense<true> : vector<16xi1>
        %sort3A_271, %sort3A_272, %sort3A_273 = tpu.sort %or3A_151, %or3A_151 masked %sort3A_270 : (vector<16xi32>, vector<16xi32>, vector<16xi1>) -> (vector<16xi1>, vector<16xi32>, vector<16xi32>)
        %sort3A_274 = arith.constant dense<true> : vector<16xi1>
        %sort3A_275, %sort3A_276, %sort3A_277 = tpu.sort %or3A_162, %or3A_162 masked %sort3A_274 : (vector<16xi32>, vector<16xi32>, vector<16xi1>) -> (vector<16xi1>, vector<16xi32>, vector<16xi32>)
        %sort3A_278 = arith.constant dense<true> : vector<16xi1>
        %sort3A_279, %sort3A_280, %sort3A_281 = tpu.sort %or3A_173, %or3A_173 masked %sort3A_278 : (vector<16xi32>, vector<16xi32>, vector<16xi1>) -> (vector<16xi1>, vector<16xi32>, vector<16xi32>)
        %sort3A_282 = arith.constant dense<true> : vector<16xi1>
        %sort3A_283, %sort3A_284, %sort3A_285 = tpu.sort %or3A_184, %or3A_184 masked %sort3A_282 : (vector<16xi32>, vector<16xi32>, vector<16xi1>) -> (vector<16xi1>, vector<16xi32>, vector<16xi32>)
        %sort3A_286 = arith.constant dense<true> : vector<16xi1>
        %sort3A_287, %sort3A_288, %sort3A_289 = tpu.sort %or3A_195, %or3A_195 masked %sort3A_286 : (vector<16xi32>, vector<16xi32>, vector<16xi1>) -> (vector<16xi1>, vector<16xi32>, vector<16xi32>)
        %sort3A_290 = arith.constant dense<true> : vector<16xi1>
        %sort3A_291, %sort3A_292, %sort3A_293 = tpu.sort %or3A_206, %or3A_206 masked %sort3A_290 : (vector<16xi32>, vector<16xi32>, vector<16xi1>) -> (vector<16xi1>, vector<16xi32>, vector<16xi32>)
        %sort3A_294 = arith.constant dense<true> : vector<16xi1>
        %sort3A_295, %sort3A_296, %sort3A_297 = tpu.sort %or3A_217, %or3A_217 masked %sort3A_294 : (vector<16xi32>, vector<16xi32>, vector<16xi1>) -> (vector<16xi1>, vector<16xi32>, vector<16xi32>)
        %sort3A_298 = arith.constant dense<true> : vector<16xi1>
        %sort3A_299, %sort3A_300, %sort3A_301 = tpu.sort %or3A_228, %or3A_228 masked %sort3A_298 : (vector<16xi32>, vector<16xi32>, vector<16xi1>) -> (vector<16xi1>, vector<16xi32>, vector<16xi32>)
        %sort3A_302 = arith.constant dense<true> : vector<16xi1>
        %sort3A_303, %sort3A_304, %sort3A_305 = tpu.sort %or3A_239, %or3A_239 masked %sort3A_302 : (vector<16xi32>, vector<16xi32>, vector<16xi1>) -> (vector<16xi1>, vector<16xi32>, vector<16xi32>)
        %sort3A_306 = arith.constant dense<true> : vector<16xi1>
        %sort3A_307, %sort3A_308, %sort3A_309 = tpu.sort %or3A_250, %or3A_250 masked %sort3A_306 : (vector<16xi32>, vector<16xi32>, vector<16xi1>) -> (vector<16xi1>, vector<16xi32>, vector<16xi32>)
        %sort3A_310 = arith.constant dense<true> : vector<16xi1>
        %sort3A_311, %sort3A_312, %sort3A_313 = tpu.sort %select_n3A, %select_n3A masked %sort3A_310 : (vector<16xi32>, vector<16xi32>, vector<16xi1>) -> (vector<16xi1>, vector<16xi32>, vector<16xi32>)
        %rev3A = arith.constant 15 : i32
        %rev3A_314 = vector.broadcast %rev3A : i32 to vector<16xi32>
        %rev3A_315 = tpu.iota {dimensions = array<i32: 0>} : vector<16xi32>
        %rev3A_316 = arith.subi %rev3A_314, %rev3A_315 : vector<16xi32>
        %rev3A_317 = tpu.dynamic_gather %sort3A_268[%rev3A_316] in [0] : vector<16xi32>, vector<16xi32> -> vector<16xi32>
        %min3A = arith.minsi %sort3A_264, %rev3A_317 : vector<16xi32>
        %max3A = arith.maxsi %sort3A_264, %rev3A_317 : vector<16xi32>
        %sort3A_318 = arith.constant dense<true> : vector<16xi1>
        %sort3A_319, %sort3A_320, %sort3A_321 = tpu.sort %min3A, %min3A masked %sort3A_318 : (vector<16xi32>, vector<16xi32>, vector<16xi1>) -> (vector<16xi1>, vector<16xi32>, vector<16xi32>)
        %sort3A_322 = arith.constant dense<true> : vector<16xi1>
        %sort3A_323, %sort3A_324, %sort3A_325 = tpu.sort %max3A, %max3A masked %sort3A_322 : (vector<16xi32>, vector<16xi32>, vector<16xi1>) -> (vector<16xi1>, vector<16xi32>, vector<16xi32>)
        %rev3A_326 = arith.constant 15 : i32
        %rev3A_327 = vector.broadcast %rev3A_326 : i32 to vector<16xi32>
        %rev3A_328 = tpu.iota {dimensions = array<i32: 0>} : vector<16xi32>
        %rev3A_329 = arith.subi %rev3A_327, %rev3A_328 : vector<16xi32>
        %rev3A_330 = tpu.dynamic_gather %sort3A_276[%rev3A_329] in [0] : vector<16xi32>, vector<16xi32> -> vector<16xi32>
        %min3A_331 = arith.minsi %sort3A_272, %rev3A_330 : vector<16xi32>
        %max3A_332 = arith.maxsi %sort3A_272, %rev3A_330 : vector<16xi32>
        %sort3A_333 = arith.constant dense<true> : vector<16xi1>
        %sort3A_334, %sort3A_335, %sort3A_336 = tpu.sort %min3A_331, %min3A_331 masked %sort3A_333 : (vector<16xi32>, vector<16xi32>, vector<16xi1>) -> (vector<16xi1>, vector<16xi32>, vector<16xi32>)
        %sort3A_337 = arith.constant dense<true> : vector<16xi1>
        %sort3A_338, %sort3A_339, %sort3A_340 = tpu.sort %max3A_332, %max3A_332 masked %sort3A_337 : (vector<16xi32>, vector<16xi32>, vector<16xi1>) -> (vector<16xi1>, vector<16xi32>, vector<16xi32>)
        %rev3A_341 = arith.constant 15 : i32
        %rev3A_342 = vector.broadcast %rev3A_341 : i32 to vector<16xi32>
        %rev3A_343 = tpu.iota {dimensions = array<i32: 0>} : vector<16xi32>
        %rev3A_344 = arith.subi %rev3A_342, %rev3A_343 : vector<16xi32>
        %rev3A_345 = tpu.dynamic_gather %sort3A_284[%rev3A_344] in [0] : vector<16xi32>, vector<16xi32> -> vector<16xi32>
        %min3A_346 = arith.minsi %sort3A_280, %rev3A_345 : vector<16xi32>
        %max3A_347 = arith.maxsi %sort3A_280, %rev3A_345 : vector<16xi32>
        %sort3A_348 = arith.constant dense<true> : vector<16xi1>
        %sort3A_349, %sort3A_350, %sort3A_351 = tpu.sort %min3A_346, %min3A_346 masked %sort3A_348 : (vector<16xi32>, vector<16xi32>, vector<16xi1>) -> (vector<16xi1>, vector<16xi32>, vector<16xi32>)
        %sort3A_352 = arith.constant dense<true> : vector<16xi1>
        %sort3A_353, %sort3A_354, %sort3A_355 = tpu.sort %max3A_347, %max3A_347 masked %sort3A_352 : (vector<16xi32>, vector<16xi32>, vector<16xi1>) -> (vector<16xi1>, vector<16xi32>, vector<16xi32>)
        %rev3A_356 = arith.constant 15 : i32
        %rev3A_357 = vector.broadcast %rev3A_356 : i32 to vector<16xi32>
        %rev3A_358 = tpu.iota {dimensions = array<i32: 0>} : vector<16xi32>
        %rev3A_359 = arith.subi %rev3A_357, %rev3A_358 : vector<16xi32>
        %rev3A_360 = tpu.dynamic_gather %sort3A_292[%rev3A_359] in [0] : vector<16xi32>, vector<16xi32> -> vector<16xi32>
        %min3A_361 = arith.minsi %sort3A_288, %rev3A_360 : vector<16xi32>
        %max3A_362 = arith.maxsi %sort3A_288, %rev3A_360 : vector<16xi32>
        %sort3A_363 = arith.constant dense<true> : vector<16xi1>
        %sort3A_364, %sort3A_365, %sort3A_366 = tpu.sort %min3A_361, %min3A_361 masked %sort3A_363 : (vector<16xi32>, vector<16xi32>, vector<16xi1>) -> (vector<16xi1>, vector<16xi32>, vector<16xi32>)
        %sort3A_367 = arith.constant dense<true> : vector<16xi1>
        %sort3A_368, %sort3A_369, %sort3A_370 = tpu.sort %max3A_362, %max3A_362 masked %sort3A_367 : (vector<16xi32>, vector<16xi32>, vector<16xi1>) -> (vector<16xi1>, vector<16xi32>, vector<16xi32>)
        %rev3A_371 = arith.constant 15 : i32
        %rev3A_372 = vector.broadcast %rev3A_371 : i32 to vector<16xi32>
        %rev3A_373 = tpu.iota {dimensions = array<i32: 0>} : vector<16xi32>
        %rev3A_374 = arith.subi %rev3A_372, %rev3A_373 : vector<16xi32>
        %rev3A_375 = tpu.dynamic_gather %sort3A_300[%rev3A_374] in [0] : vector<16xi32>, vector<16xi32> -> vector<16xi32>
        %min3A_376 = arith.minsi %sort3A_296, %rev3A_375 : vector<16xi32>
        %max3A_377 = arith.maxsi %sort3A_296, %rev3A_375 : vector<16xi32>
        %sort3A_378 = arith.constant dense<true> : vector<16xi1>
        %sort3A_379, %sort3A_380, %sort3A_381 = tpu.sort %min3A_376, %min3A_376 masked %sort3A_378 : (vector<16xi32>, vector<16xi32>, vector<16xi1>) -> (vector<16xi1>, vector<16xi32>, vector<16xi32>)
        %sort3A_382 = arith.constant dense<true> : vector<16xi1>
        %sort3A_383, %sort3A_384, %sort3A_385 = tpu.sort %max3A_377, %max3A_377 masked %sort3A_382 : (vector<16xi32>, vector<16xi32>, vector<16xi1>) -> (vector<16xi1>, vector<16xi32>, vector<16xi32>)
        %rev3A_386 = arith.constant 15 : i32
        %rev3A_387 = vector.broadcast %rev3A_386 : i32 to vector<16xi32>
        %rev3A_388 = tpu.iota {dimensions = array<i32: 0>} : vector<16xi32>
        %rev3A_389 = arith.subi %rev3A_387, %rev3A_388 : vector<16xi32>
        %rev3A_390 = tpu.dynamic_gather %sort3A_308[%rev3A_389] in [0] : vector<16xi32>, vector<16xi32> -> vector<16xi32>
        %min3A_391 = arith.minsi %sort3A_304, %rev3A_390 : vector<16xi32>
        %max3A_392 = arith.maxsi %sort3A_304, %rev3A_390 : vector<16xi32>
        %sort3A_393 = arith.constant dense<true> : vector<16xi1>
        %sort3A_394, %sort3A_395, %sort3A_396 = tpu.sort %min3A_391, %min3A_391 masked %sort3A_393 : (vector<16xi32>, vector<16xi32>, vector<16xi1>) -> (vector<16xi1>, vector<16xi32>, vector<16xi32>)
        %sort3A_397 = arith.constant dense<true> : vector<16xi1>
        %sort3A_398, %sort3A_399, %sort3A_400 = tpu.sort %max3A_392, %max3A_392 masked %sort3A_397 : (vector<16xi32>, vector<16xi32>, vector<16xi1>) -> (vector<16xi1>, vector<16xi32>, vector<16xi32>)
        %sort3A_401 = arith.constant dense<true> : vector<16xi1>
        %sort3A_402, %sort3A_403, %sort3A_404 = tpu.sort %sort3A_312, %sort3A_312 masked %sort3A_401 : (vector<16xi32>, vector<16xi32>, vector<16xi1>) -> (vector<16xi1>, vector<16xi32>, vector<16xi32>)
        %rev3A_405 = arith.constant 15 : i32
        %rev3A_406 = vector.broadcast %rev3A_405 : i32 to vector<16xi32>
        %rev3A_407 = tpu.iota {dimensions = array<i32: 0>} : vector<16xi32>
        %rev3A_408 = arith.subi %rev3A_406, %rev3A_407 : vector<16xi32>
        %rev3A_409 = tpu.dynamic_gather %sort3A_339[%rev3A_408] in [0] : vector<16xi32>, vector<16xi32> -> vector<16xi32>
        %rev3A_410 = arith.constant 15 : i32
        %rev3A_411 = vector.broadcast %rev3A_410 : i32 to vector<16xi32>
        %rev3A_412 = tpu.iota {dimensions = array<i32: 0>} : vector<16xi32>
        %rev3A_413 = arith.subi %rev3A_411, %rev3A_412 : vector<16xi32>
        %rev3A_414 = tpu.dynamic_gather %sort3A_335[%rev3A_413] in [0] : vector<16xi32>, vector<16xi32> -> vector<16xi32>
        %min3A_415 = arith.minsi %sort3A_320, %rev3A_409 : vector<16xi32>
        %max3A_416 = arith.maxsi %sort3A_320, %rev3A_409 : vector<16xi32>
        %min3A_417 = arith.minsi %sort3A_324, %rev3A_414 : vector<16xi32>
        %max3A_418 = arith.maxsi %sort3A_324, %rev3A_414 : vector<16xi32>
        %min3A_419 = arith.minsi %min3A_415, %min3A_417 : vector<16xi32>
        %max3A_420 = arith.maxsi %min3A_415, %min3A_417 : vector<16xi32>
        %min3A_421 = arith.minsi %max3A_416, %max3A_418 : vector<16xi32>
        %max3A_422 = arith.maxsi %max3A_416, %max3A_418 : vector<16xi32>
        %sort3A_423 = arith.constant dense<true> : vector<16xi1>
        %sort3A_424, %sort3A_425, %sort3A_426 = tpu.sort %min3A_419, %min3A_419 masked %sort3A_423 : (vector<16xi32>, vector<16xi32>, vector<16xi1>) -> (vector<16xi1>, vector<16xi32>, vector<16xi32>)
        %sort3A_427 = arith.constant dense<true> : vector<16xi1>
        %sort3A_428, %sort3A_429, %sort3A_430 = tpu.sort %max3A_420, %max3A_420 masked %sort3A_427 : (vector<16xi32>, vector<16xi32>, vector<16xi1>) -> (vector<16xi1>, vector<16xi32>, vector<16xi32>)
        %sort3A_431 = arith.constant dense<true> : vector<16xi1>
        %sort3A_432, %sort3A_433, %sort3A_434 = tpu.sort %min3A_421, %min3A_421 masked %sort3A_431 : (vector<16xi32>, vector<16xi32>, vector<16xi1>) -> (vector<16xi1>, vector<16xi32>, vector<16xi32>)
        %sort3A_435 = arith.constant dense<true> : vector<16xi1>
        %sort3A_436, %sort3A_437, %sort3A_438 = tpu.sort %max3A_422, %max3A_422 masked %sort3A_435 : (vector<16xi32>, vector<16xi32>, vector<16xi1>) -> (vector<16xi1>, vector<16xi32>, vector<16xi32>)
        %rev3A_439 = arith.constant 15 : i32
        %rev3A_440 = vector.broadcast %rev3A_439 : i32 to vector<16xi32>
        %rev3A_441 = tpu.iota {dimensions = array<i32: 0>} : vector<16xi32>
        %rev3A_442 = arith.subi %rev3A_440, %rev3A_441 : vector<16xi32>
        %rev3A_443 = tpu.dynamic_gather %sort3A_369[%rev3A_442] in [0] : vector<16xi32>, vector<16xi32> -> vector<16xi32>
        %rev3A_444 = arith.constant 15 : i32
        %rev3A_445 = vector.broadcast %rev3A_444 : i32 to vector<16xi32>
        %rev3A_446 = tpu.iota {dimensions = array<i32: 0>} : vector<16xi32>
        %rev3A_447 = arith.subi %rev3A_445, %rev3A_446 : vector<16xi32>
        %rev3A_448 = tpu.dynamic_gather %sort3A_365[%rev3A_447] in [0] : vector<16xi32>, vector<16xi32> -> vector<16xi32>
        %min3A_449 = arith.minsi %sort3A_350, %rev3A_443 : vector<16xi32>
        %max3A_450 = arith.maxsi %sort3A_350, %rev3A_443 : vector<16xi32>
        %min3A_451 = arith.minsi %sort3A_354, %rev3A_448 : vector<16xi32>
        %max3A_452 = arith.maxsi %sort3A_354, %rev3A_448 : vector<16xi32>
        %min3A_453 = arith.minsi %min3A_449, %min3A_451 : vector<16xi32>
        %max3A_454 = arith.maxsi %min3A_449, %min3A_451 : vector<16xi32>
        %min3A_455 = arith.minsi %max3A_450, %max3A_452 : vector<16xi32>
        %max3A_456 = arith.maxsi %max3A_450, %max3A_452 : vector<16xi32>
        %sort3A_457 = arith.constant dense<true> : vector<16xi1>
        %sort3A_458, %sort3A_459, %sort3A_460 = tpu.sort %min3A_453, %min3A_453 masked %sort3A_457 : (vector<16xi32>, vector<16xi32>, vector<16xi1>) -> (vector<16xi1>, vector<16xi32>, vector<16xi32>)
        %sort3A_461 = arith.constant dense<true> : vector<16xi1>
        %sort3A_462, %sort3A_463, %sort3A_464 = tpu.sort %max3A_454, %max3A_454 masked %sort3A_461 : (vector<16xi32>, vector<16xi32>, vector<16xi1>) -> (vector<16xi1>, vector<16xi32>, vector<16xi32>)
        %sort3A_465 = arith.constant dense<true> : vector<16xi1>
        %sort3A_466, %sort3A_467, %sort3A_468 = tpu.sort %min3A_455, %min3A_455 masked %sort3A_465 : (vector<16xi32>, vector<16xi32>, vector<16xi1>) -> (vector<16xi1>, vector<16xi32>, vector<16xi32>)
        %sort3A_469 = arith.constant dense<true> : vector<16xi1>
        %sort3A_470, %sort3A_471, %sort3A_472 = tpu.sort %max3A_456, %max3A_456 masked %sort3A_469 : (vector<16xi32>, vector<16xi32>, vector<16xi1>) -> (vector<16xi1>, vector<16xi32>, vector<16xi32>)
        %rev3A_473 = arith.constant 15 : i32
        %rev3A_474 = vector.broadcast %rev3A_473 : i32 to vector<16xi32>
        %rev3A_475 = tpu.iota {dimensions = array<i32: 0>} : vector<16xi32>
        %rev3A_476 = arith.subi %rev3A_474, %rev3A_475 : vector<16xi32>
        %rev3A_477 = tpu.dynamic_gather %sort3A_399[%rev3A_476] in [0] : vector<16xi32>, vector<16xi32> -> vector<16xi32>
        %rev3A_478 = arith.constant 15 : i32
        %rev3A_479 = vector.broadcast %rev3A_478 : i32 to vector<16xi32>
        %rev3A_480 = tpu.iota {dimensions = array<i32: 0>} : vector<16xi32>
        %rev3A_481 = arith.subi %rev3A_479, %rev3A_480 : vector<16xi32>
        %rev3A_482 = tpu.dynamic_gather %sort3A_395[%rev3A_481] in [0] : vector<16xi32>, vector<16xi32> -> vector<16xi32>
        %min3A_483 = arith.minsi %sort3A_380, %rev3A_477 : vector<16xi32>
        %max3A_484 = arith.maxsi %sort3A_380, %rev3A_477 : vector<16xi32>
        %min3A_485 = arith.minsi %sort3A_384, %rev3A_482 : vector<16xi32>
        %max3A_486 = arith.maxsi %sort3A_384, %rev3A_482 : vector<16xi32>
        %min3A_487 = arith.minsi %min3A_483, %min3A_485 : vector<16xi32>
        %max3A_488 = arith.maxsi %min3A_483, %min3A_485 : vector<16xi32>
        %min3A_489 = arith.minsi %max3A_484, %max3A_486 : vector<16xi32>
        %max3A_490 = arith.maxsi %max3A_484, %max3A_486 : vector<16xi32>
        %sort3A_491 = arith.constant dense<true> : vector<16xi1>
        %sort3A_492, %sort3A_493, %sort3A_494 = tpu.sort %min3A_487, %min3A_487 masked %sort3A_491 : (vector<16xi32>, vector<16xi32>, vector<16xi1>) -> (vector<16xi1>, vector<16xi32>, vector<16xi32>)
        %sort3A_495 = arith.constant dense<true> : vector<16xi1>
        %sort3A_496, %sort3A_497, %sort3A_498 = tpu.sort %max3A_488, %max3A_488 masked %sort3A_495 : (vector<16xi32>, vector<16xi32>, vector<16xi1>) -> (vector<16xi1>, vector<16xi32>, vector<16xi32>)
        %sort3A_499 = arith.constant dense<true> : vector<16xi1>
        %sort3A_500, %sort3A_501, %sort3A_502 = tpu.sort %min3A_489, %min3A_489 masked %sort3A_499 : (vector<16xi32>, vector<16xi32>, vector<16xi1>) -> (vector<16xi1>, vector<16xi32>, vector<16xi32>)
        %sort3A_503 = arith.constant dense<true> : vector<16xi1>
        %sort3A_504, %sort3A_505, %sort3A_506 = tpu.sort %max3A_490, %max3A_490 masked %sort3A_503 : (vector<16xi32>, vector<16xi32>, vector<16xi1>) -> (vector<16xi1>, vector<16xi32>, vector<16xi32>)
        %sort3A_507 = arith.constant dense<true> : vector<16xi1>
        %sort3A_508, %sort3A_509, %sort3A_510 = tpu.sort %sort3A_403, %sort3A_403 masked %sort3A_507 : (vector<16xi32>, vector<16xi32>, vector<16xi1>) -> (vector<16xi1>, vector<16xi32>, vector<16xi32>)
        %rev3A_511 = arith.constant 15 : i32
        %rev3A_512 = vector.broadcast %rev3A_511 : i32 to vector<16xi32>
        %rev3A_513 = tpu.iota {dimensions = array<i32: 0>} : vector<16xi32>
        %rev3A_514 = arith.subi %rev3A_512, %rev3A_513 : vector<16xi32>
        %rev3A_515 = tpu.dynamic_gather %sort3A_471[%rev3A_514] in [0] : vector<16xi32>, vector<16xi32> -> vector<16xi32>
        %rev3A_516 = arith.constant 15 : i32
        %rev3A_517 = vector.broadcast %rev3A_516 : i32 to vector<16xi32>
        %rev3A_518 = tpu.iota {dimensions = array<i32: 0>} : vector<16xi32>
        %rev3A_519 = arith.subi %rev3A_517, %rev3A_518 : vector<16xi32>
        %rev3A_520 = tpu.dynamic_gather %sort3A_467[%rev3A_519] in [0] : vector<16xi32>, vector<16xi32> -> vector<16xi32>
        %rev3A_521 = arith.constant 15 : i32
        %rev3A_522 = vector.broadcast %rev3A_521 : i32 to vector<16xi32>
        %rev3A_523 = tpu.iota {dimensions = array<i32: 0>} : vector<16xi32>
        %rev3A_524 = arith.subi %rev3A_522, %rev3A_523 : vector<16xi32>
        %rev3A_525 = tpu.dynamic_gather %sort3A_463[%rev3A_524] in [0] : vector<16xi32>, vector<16xi32> -> vector<16xi32>
        %rev3A_526 = arith.constant 15 : i32
        %rev3A_527 = vector.broadcast %rev3A_526 : i32 to vector<16xi32>
        %rev3A_528 = tpu.iota {dimensions = array<i32: 0>} : vector<16xi32>
        %rev3A_529 = arith.subi %rev3A_527, %rev3A_528 : vector<16xi32>
        %rev3A_530 = tpu.dynamic_gather %sort3A_459[%rev3A_529] in [0] : vector<16xi32>, vector<16xi32> -> vector<16xi32>
        %min3A_531 = arith.minsi %sort3A_425, %rev3A_515 : vector<16xi32>
        %max3A_532 = arith.maxsi %sort3A_425, %rev3A_515 : vector<16xi32>
        %min3A_533 = arith.minsi %sort3A_429, %rev3A_520 : vector<16xi32>
        %max3A_534 = arith.maxsi %sort3A_429, %rev3A_520 : vector<16xi32>
        %min3A_535 = arith.minsi %sort3A_433, %rev3A_525 : vector<16xi32>
        %max3A_536 = arith.maxsi %sort3A_433, %rev3A_525 : vector<16xi32>
        %min3A_537 = arith.minsi %sort3A_437, %rev3A_530 : vector<16xi32>
        %max3A_538 = arith.maxsi %sort3A_437, %rev3A_530 : vector<16xi32>
        %min3A_539 = arith.minsi %min3A_531, %min3A_535 : vector<16xi32>
        %max3A_540 = arith.maxsi %min3A_531, %min3A_535 : vector<16xi32>
        %min3A_541 = arith.minsi %min3A_533, %min3A_537 : vector<16xi32>
        %max3A_542 = arith.maxsi %min3A_533, %min3A_537 : vector<16xi32>
        %min3A_543 = arith.minsi %max3A_532, %max3A_536 : vector<16xi32>
        %max3A_544 = arith.maxsi %max3A_532, %max3A_536 : vector<16xi32>
        %min3A_545 = arith.minsi %max3A_534, %max3A_538 : vector<16xi32>
        %max3A_546 = arith.maxsi %max3A_534, %max3A_538 : vector<16xi32>
        %min3A_547 = arith.minsi %min3A_539, %min3A_541 : vector<16xi32>
        %max3A_548 = arith.maxsi %min3A_539, %min3A_541 : vector<16xi32>
        %min3A_549 = arith.minsi %max3A_540, %max3A_542 : vector<16xi32>
        %max3A_550 = arith.maxsi %max3A_540, %max3A_542 : vector<16xi32>
        %min3A_551 = arith.minsi %min3A_543, %min3A_545 : vector<16xi32>
        %max3A_552 = arith.maxsi %min3A_543, %min3A_545 : vector<16xi32>
        %min3A_553 = arith.minsi %max3A_544, %max3A_546 : vector<16xi32>
        %max3A_554 = arith.maxsi %max3A_544, %max3A_546 : vector<16xi32>
        %sort3A_555 = arith.constant dense<true> : vector<16xi1>
        %sort3A_556, %sort3A_557, %sort3A_558 = tpu.sort %min3A_547, %min3A_547 masked %sort3A_555 : (vector<16xi32>, vector<16xi32>, vector<16xi1>) -> (vector<16xi1>, vector<16xi32>, vector<16xi32>)
        %sort3A_559 = arith.constant dense<true> : vector<16xi1>
        %sort3A_560, %sort3A_561, %sort3A_562 = tpu.sort %max3A_548, %max3A_548 masked %sort3A_559 : (vector<16xi32>, vector<16xi32>, vector<16xi1>) -> (vector<16xi1>, vector<16xi32>, vector<16xi32>)
        %sort3A_563 = arith.constant dense<true> : vector<16xi1>
        %sort3A_564, %sort3A_565, %sort3A_566 = tpu.sort %min3A_549, %min3A_549 masked %sort3A_563 : (vector<16xi32>, vector<16xi32>, vector<16xi1>) -> (vector<16xi1>, vector<16xi32>, vector<16xi32>)
        %sort3A_567 = arith.constant dense<true> : vector<16xi1>
        %sort3A_568, %sort3A_569, %sort3A_570 = tpu.sort %max3A_550, %max3A_550 masked %sort3A_567 : (vector<16xi32>, vector<16xi32>, vector<16xi1>) -> (vector<16xi1>, vector<16xi32>, vector<16xi32>)
        %sort3A_571 = arith.constant dense<true> : vector<16xi1>
        %sort3A_572, %sort3A_573, %sort3A_574 = tpu.sort %min3A_551, %min3A_551 masked %sort3A_571 : (vector<16xi32>, vector<16xi32>, vector<16xi1>) -> (vector<16xi1>, vector<16xi32>, vector<16xi32>)
        %sort3A_575 = arith.constant dense<true> : vector<16xi1>
        %sort3A_576, %sort3A_577, %sort3A_578 = tpu.sort %max3A_552, %max3A_552 masked %sort3A_575 : (vector<16xi32>, vector<16xi32>, vector<16xi1>) -> (vector<16xi1>, vector<16xi32>, vector<16xi32>)
        %sort3A_579 = arith.constant dense<true> : vector<16xi1>
        %sort3A_580, %sort3A_581, %sort3A_582 = tpu.sort %min3A_553, %min3A_553 masked %sort3A_579 : (vector<16xi32>, vector<16xi32>, vector<16xi1>) -> (vector<16xi1>, vector<16xi32>, vector<16xi32>)
        %sort3A_583 = arith.constant dense<true> : vector<16xi1>
        %sort3A_584, %sort3A_585, %sort3A_586 = tpu.sort %max3A_554, %max3A_554 masked %sort3A_583 : (vector<16xi32>, vector<16xi32>, vector<16xi1>) -> (vector<16xi1>, vector<16xi32>, vector<16xi32>)
        %rev3A_587 = arith.constant 15 : i32
        %rev3A_588 = vector.broadcast %rev3A_587 : i32 to vector<16xi32>
        %rev3A_589 = tpu.iota {dimensions = array<i32: 0>} : vector<16xi32>
        %rev3A_590 = arith.subi %rev3A_588, %rev3A_589 : vector<16xi32>
        %rev3A_591 = tpu.dynamic_gather %sort3A_509[%rev3A_590] in [0] : vector<16xi32>, vector<16xi32> -> vector<16xi32>
        %min3A_592 = arith.minsi %sort3A_505, %rev3A_591 : vector<16xi32>
        %max3A_593 = arith.maxsi %sort3A_505, %rev3A_591 : vector<16xi32>
        %min3A_594 = arith.minsi %sort3A_493, %sort3A_501 : vector<16xi32>
        %max3A_595 = arith.maxsi %sort3A_493, %sort3A_501 : vector<16xi32>
        %min3A_596 = arith.minsi %sort3A_497, %min3A_592 : vector<16xi32>
        %max3A_597 = arith.maxsi %sort3A_497, %min3A_592 : vector<16xi32>
        %min3A_598 = arith.minsi %min3A_594, %min3A_596 : vector<16xi32>
        %max3A_599 = arith.maxsi %min3A_594, %min3A_596 : vector<16xi32>
        %min3A_600 = arith.minsi %max3A_595, %max3A_597 : vector<16xi32>
        %max3A_601 = arith.maxsi %max3A_595, %max3A_597 : vector<16xi32>
        %sort3A_602 = arith.constant dense<true> : vector<16xi1>
        %sort3A_603, %sort3A_604, %sort3A_605 = tpu.sort %min3A_598, %min3A_598 masked %sort3A_602 : (vector<16xi32>, vector<16xi32>, vector<16xi1>) -> (vector<16xi1>, vector<16xi32>, vector<16xi32>)
        %sort3A_606 = arith.constant dense<true> : vector<16xi1>
        %sort3A_607, %sort3A_608, %sort3A_609 = tpu.sort %max3A_599, %max3A_599 masked %sort3A_606 : (vector<16xi32>, vector<16xi32>, vector<16xi1>) -> (vector<16xi1>, vector<16xi32>, vector<16xi32>)
        %sort3A_610 = arith.constant dense<true> : vector<16xi1>
        %sort3A_611, %sort3A_612, %sort3A_613 = tpu.sort %min3A_600, %min3A_600 masked %sort3A_610 : (vector<16xi32>, vector<16xi32>, vector<16xi1>) -> (vector<16xi1>, vector<16xi32>, vector<16xi32>)
        %sort3A_614 = arith.constant dense<true> : vector<16xi1>
        %sort3A_615, %sort3A_616, %sort3A_617 = tpu.sort %max3A_601, %max3A_601 masked %sort3A_614 : (vector<16xi32>, vector<16xi32>, vector<16xi1>) -> (vector<16xi1>, vector<16xi32>, vector<16xi32>)
        %sort3A_618 = arith.constant dense<true> : vector<16xi1>
        %sort3A_619, %sort3A_620, %sort3A_621 = tpu.sort %max3A_593, %max3A_593 masked %sort3A_618 : (vector<16xi32>, vector<16xi32>, vector<16xi1>) -> (vector<16xi1>, vector<16xi32>, vector<16xi32>)
        %rev3A_622 = arith.constant 15 : i32
        %rev3A_623 = vector.broadcast %rev3A_622 : i32 to vector<16xi32>
        %rev3A_624 = tpu.iota {dimensions = array<i32: 0>} : vector<16xi32>
        %rev3A_625 = arith.subi %rev3A_623, %rev3A_624 : vector<16xi32>
        %rev3A_626 = tpu.dynamic_gather %sort3A_620[%rev3A_625] in [0] : vector<16xi32>, vector<16xi32> -> vector<16xi32>
        %rev3A_627 = arith.constant 15 : i32
        %rev3A_628 = vector.broadcast %rev3A_627 : i32 to vector<16xi32>
        %rev3A_629 = tpu.iota {dimensions = array<i32: 0>} : vector<16xi32>
        %rev3A_630 = arith.subi %rev3A_628, %rev3A_629 : vector<16xi32>
        %rev3A_631 = tpu.dynamic_gather %sort3A_616[%rev3A_630] in [0] : vector<16xi32>, vector<16xi32> -> vector<16xi32>
        %rev3A_632 = arith.constant 15 : i32
        %rev3A_633 = vector.broadcast %rev3A_632 : i32 to vector<16xi32>
        %rev3A_634 = tpu.iota {dimensions = array<i32: 0>} : vector<16xi32>
        %rev3A_635 = arith.subi %rev3A_633, %rev3A_634 : vector<16xi32>
        %rev3A_636 = tpu.dynamic_gather %sort3A_612[%rev3A_635] in [0] : vector<16xi32>, vector<16xi32> -> vector<16xi32>
        %rev3A_637 = arith.constant 15 : i32
        %rev3A_638 = vector.broadcast %rev3A_637 : i32 to vector<16xi32>
        %rev3A_639 = tpu.iota {dimensions = array<i32: 0>} : vector<16xi32>
        %rev3A_640 = arith.subi %rev3A_638, %rev3A_639 : vector<16xi32>
        %rev3A_641 = tpu.dynamic_gather %sort3A_608[%rev3A_640] in [0] : vector<16xi32>, vector<16xi32> -> vector<16xi32>
        %rev3A_642 = arith.constant 15 : i32
        %rev3A_643 = vector.broadcast %rev3A_642 : i32 to vector<16xi32>
        %rev3A_644 = tpu.iota {dimensions = array<i32: 0>} : vector<16xi32>
        %rev3A_645 = arith.subi %rev3A_643, %rev3A_644 : vector<16xi32>
        %rev3A_646 = tpu.dynamic_gather %sort3A_604[%rev3A_645] in [0] : vector<16xi32>, vector<16xi32> -> vector<16xi32>
        %min3A_647 = arith.minsi %sort3A_569, %rev3A_626 : vector<16xi32>
        %max3A_648 = arith.maxsi %sort3A_569, %rev3A_626 : vector<16xi32>
        %min3A_649 = arith.minsi %sort3A_573, %rev3A_631 : vector<16xi32>
        %max3A_650 = arith.maxsi %sort3A_573, %rev3A_631 : vector<16xi32>
        %min3A_651 = arith.minsi %sort3A_577, %rev3A_636 : vector<16xi32>
        %max3A_652 = arith.maxsi %sort3A_577, %rev3A_636 : vector<16xi32>
        %min3A_653 = arith.minsi %sort3A_581, %rev3A_641 : vector<16xi32>
        %max3A_654 = arith.maxsi %sort3A_581, %rev3A_641 : vector<16xi32>
        %min3A_655 = arith.minsi %sort3A_585, %rev3A_646 : vector<16xi32>
        %max3A_656 = arith.maxsi %sort3A_585, %rev3A_646 : vector<16xi32>
        %min3A_657 = arith.minsi %sort3A_557, %min3A_649 : vector<16xi32>
        %max3A_658 = arith.maxsi %sort3A_557, %min3A_649 : vector<16xi32>
        %min3A_659 = arith.minsi %sort3A_561, %min3A_651 : vector<16xi32>
        %max3A_660 = arith.maxsi %sort3A_561, %min3A_651 : vector<16xi32>
        %min3A_661 = arith.minsi %sort3A_565, %min3A_653 : vector<16xi32>
        %max3A_662 = arith.maxsi %sort3A_565, %min3A_653 : vector<16xi32>
        %min3A_663 = arith.minsi %min3A_647, %min3A_655 : vector<16xi32>
        %max3A_664 = arith.maxsi %min3A_647, %min3A_655 : vector<16xi32>
        %min3A_665 = arith.minsi %max3A_648, %max3A_656 : vector<16xi32>
        %max3A_666 = arith.maxsi %max3A_648, %max3A_656 : vector<16xi32>
        %min3A_667 = arith.minsi %min3A_657, %min3A_661 : vector<16xi32>
        %max3A_668 = arith.maxsi %min3A_657, %min3A_661 : vector<16xi32>
        %min3A_669 = arith.minsi %min3A_659, %min3A_663 : vector<16xi32>
        %max3A_670 = arith.maxsi %min3A_659, %min3A_663 : vector<16xi32>
        %min3A_671 = arith.minsi %max3A_658, %max3A_662 : vector<16xi32>
        %max3A_672 = arith.maxsi %max3A_658, %max3A_662 : vector<16xi32>
        %min3A_673 = arith.minsi %max3A_660, %max3A_664 : vector<16xi32>
        %max3A_674 = arith.maxsi %max3A_660, %max3A_664 : vector<16xi32>
        %min3A_675 = arith.minsi %max3A_650, %max3A_654 : vector<16xi32>
        %max3A_676 = arith.maxsi %max3A_650, %max3A_654 : vector<16xi32>
        %min3A_677 = arith.minsi %max3A_652, %min3A_665 : vector<16xi32>
        %max3A_678 = arith.maxsi %max3A_652, %min3A_665 : vector<16xi32>
        %min3A_679 = arith.minsi %min3A_667, %min3A_669 : vector<16xi32>
        %max3A_680 = arith.maxsi %min3A_667, %min3A_669 : vector<16xi32>
        %min3A_681 = arith.minsi %max3A_668, %max3A_670 : vector<16xi32>
        %max3A_682 = arith.maxsi %max3A_668, %max3A_670 : vector<16xi32>
        %min3A_683 = arith.minsi %min3A_671, %min3A_673 : vector<16xi32>
        %max3A_684 = arith.maxsi %min3A_671, %min3A_673 : vector<16xi32>
        %min3A_685 = arith.minsi %max3A_672, %max3A_674 : vector<16xi32>
        %max3A_686 = arith.maxsi %max3A_672, %max3A_674 : vector<16xi32>
        %min3A_687 = arith.minsi %min3A_675, %min3A_677 : vector<16xi32>
        %max3A_688 = arith.maxsi %min3A_675, %min3A_677 : vector<16xi32>
        %min3A_689 = arith.minsi %max3A_676, %max3A_678 : vector<16xi32>
        %max3A_690 = arith.maxsi %max3A_676, %max3A_678 : vector<16xi32>
        %sort3A_691 = arith.constant dense<true> : vector<16xi1>
        %sort3A_692, %sort3A_693, %sort3A_694 = tpu.sort %min3A_679, %min3A_679 masked %sort3A_691 : (vector<16xi32>, vector<16xi32>, vector<16xi1>) -> (vector<16xi1>, vector<16xi32>, vector<16xi32>)
        %sort3A_695 = arith.constant dense<true> : vector<16xi1>
        %sort3A_696, %sort3A_697, %sort3A_698 = tpu.sort %max3A_680, %max3A_680 masked %sort3A_695 : (vector<16xi32>, vector<16xi32>, vector<16xi1>) -> (vector<16xi1>, vector<16xi32>, vector<16xi32>)
        %sort3A_699 = arith.constant dense<true> : vector<16xi1>
        %sort3A_700, %sort3A_701, %sort3A_702 = tpu.sort %min3A_681, %min3A_681 masked %sort3A_699 : (vector<16xi32>, vector<16xi32>, vector<16xi1>) -> (vector<16xi1>, vector<16xi32>, vector<16xi32>)
        %sort3A_703 = arith.constant dense<true> : vector<16xi1>
        %sort3A_704, %sort3A_705, %sort3A_706 = tpu.sort %max3A_682, %max3A_682 masked %sort3A_703 : (vector<16xi32>, vector<16xi32>, vector<16xi1>) -> (vector<16xi1>, vector<16xi32>, vector<16xi32>)
        %sort3A_707 = arith.constant dense<true> : vector<16xi1>
        %sort3A_708, %sort3A_709, %sort3A_710 = tpu.sort %min3A_683, %min3A_683 masked %sort3A_707 : (vector<16xi32>, vector<16xi32>, vector<16xi1>) -> (vector<16xi1>, vector<16xi32>, vector<16xi32>)
        %sort3A_711 = arith.constant dense<true> : vector<16xi1>
        %sort3A_712, %sort3A_713, %sort3A_714 = tpu.sort %max3A_684, %max3A_684 masked %sort3A_711 : (vector<16xi32>, vector<16xi32>, vector<16xi1>) -> (vector<16xi1>, vector<16xi32>, vector<16xi32>)
        %sort3A_715 = arith.constant dense<true> : vector<16xi1>
        %sort3A_716, %sort3A_717, %sort3A_718 = tpu.sort %min3A_685, %min3A_685 masked %sort3A_715 : (vector<16xi32>, vector<16xi32>, vector<16xi1>) -> (vector<16xi1>, vector<16xi32>, vector<16xi32>)
        %sort3A_719 = arith.constant dense<true> : vector<16xi1>
        %sort3A_720, %sort3A_721, %sort3A_722 = tpu.sort %max3A_686, %max3A_686 masked %sort3A_719 : (vector<16xi32>, vector<16xi32>, vector<16xi1>) -> (vector<16xi1>, vector<16xi32>, vector<16xi32>)
        %sort3A_723 = arith.constant dense<true> : vector<16xi1>
        %sort3A_724, %sort3A_725, %sort3A_726 = tpu.sort %min3A_687, %min3A_687 masked %sort3A_723 : (vector<16xi32>, vector<16xi32>, vector<16xi1>) -> (vector<16xi1>, vector<16xi32>, vector<16xi32>)
        %sort3A_727 = arith.constant dense<true> : vector<16xi1>
        %sort3A_728, %sort3A_729, %sort3A_730 = tpu.sort %max3A_688, %max3A_688 masked %sort3A_727 : (vector<16xi32>, vector<16xi32>, vector<16xi1>) -> (vector<16xi1>, vector<16xi32>, vector<16xi32>)
        %sort3A_731 = arith.constant dense<true> : vector<16xi1>
        %sort3A_732, %sort3A_733, %sort3A_734 = tpu.sort %min3A_689, %min3A_689 masked %sort3A_731 : (vector<16xi32>, vector<16xi32>, vector<16xi1>) -> (vector<16xi1>, vector<16xi32>, vector<16xi32>)
        %sort3A_735 = arith.constant dense<true> : vector<16xi1>
        %sort3A_736, %sort3A_737, %sort3A_738 = tpu.sort %max3A_690, %max3A_690 masked %sort3A_735 : (vector<16xi32>, vector<16xi32>, vector<16xi1>) -> (vector<16xi1>, vector<16xi32>, vector<16xi32>)
        %sort3A_739 = arith.constant dense<true> : vector<16xi1>
        %sort3A_740, %sort3A_741, %sort3A_742 = tpu.sort %max3A_666, %max3A_666 masked %sort3A_739 : (vector<16xi32>, vector<16xi32>, vector<16xi1>) -> (vector<16xi1>, vector<16xi32>, vector<16xi32>)
        %broadcast_in_dim3A_743 = arith.constant 15 : i32
        %broadcast_in_dim3A_744 = vector.broadcast %broadcast_in_dim3A_743 : i32 to vector<16xi32>
        %broadcast_in_dim3A_745 = arith.constant 0 : i32
        %broadcast_in_dim3A_746 = vector.broadcast %broadcast_in_dim3A_745 : i32 to vector<16xi32>
        %add3A_747 = vector.broadcast %scan3A_79 : i32 to vector<16xi32>
        %add3A_748 = arith.addi %broadcast_in_dim3A_746, %add3A_747 : vector<16xi32>
        %broadcast_in_dim3A_749 = arith.constant 0.000000e+00 : f32
        %broadcast_in_dim3A_750 = vector.broadcast %broadcast_in_dim3A_749 : f32 to vector<16xf32>
        %and3A = arith.constant 255 : i32
        %and3A_751 = vector.broadcast %and3A : i32 to vector<16xi32>
        %and3A_752 = arith.andi %sort3A_693, %and3A_751 : vector<16xi32>
        %gather3A = tpu.vector_load_idx %arg5[%add3A_748, %and3A_752] : memref<64x200xf32, #tpu.memory_space<vmem>>[vector<16xi32>, vector<16xi32>], vector<16xf32>,
        %exp3A = math.exp %gather3A : vector<16xf32>
        %broadcast_in_dim3A_753 = arith.constant true
        %broadcast_in_dim3A_754 = vector.broadcast %broadcast_in_dim3A_753 : i1 to vector<16xi1>
        %masked_cumsum3A = tpu.scan <sum>, %exp3A masked %broadcast_in_dim3A_754 : vector<16xf32>, vector<16xi1> -> vector<16xf32>
        %add3A_755 = arith.addf %masked_cumsum3A, %broadcast_in_dim3A_750 : vector<16xf32>
        %lt3A_756 = arith.constant 0 : i32
        %lt3A_757 = vector.broadcast %lt3A_756 : i32 to vector<16xi32>
        %lt3A_758 = arith.cmpi slt, %broadcast_in_dim3A_744, %lt3A_757 : vector<16xi32>
        %add3A_759 = arith.constant 16 : i32
        %add3A_760 = vector.broadcast %add3A_759 : i32 to vector<16xi32>
        %add3A_761 = arith.addi %broadcast_in_dim3A_744, %add3A_760 : vector<16xi32>
        %select_n3A_762 = arith.select %lt3A_758, %add3A_761, %broadcast_in_dim3A_744 : vector<16xi1>, vector<16xi32>
        %broadcast_in_dim3A_763 = vector.shape_cast %select_n3A_762 : vector<16xi32> to vector<16x1xi32>
        %gather3A_764 = vector.shape_cast %broadcast_in_dim3A_763 : vector<16x1xi32> to vector<16xi32>
        %gather3A_765 = tpu.dynamic_gather %masked_cumsum3A[%gather3A_764] in [0] : vector<16xf32>, vector<16xi32> -> vector<16xf32>
        %add3A_766 = arith.addf %broadcast_in_dim3A_750, %gather3A_765 : vector<16xf32>
        %bitcast3A = vector.bitcast %add3A_755 : vector<16xf32> to vector<16xi32>
        %shift_right_arithmetic3A = arith.constant 23 : i32
        %shift_right_arithmetic3A_767 = vector.broadcast %shift_right_arithmetic3A : i32 to vector<16xi32>
        %shift_right_arithmetic3A_768 = arith.shrsi %bitcast3A, %shift_right_arithmetic3A_767 : vector<16xi32>
        %sub3A = arith.constant 127 : i32
        %sub3A_769 = vector.broadcast %sub3A : i32 to vector<16xi32>
        %sub3A_770 = arith.subi %shift_right_arithmetic3A_768, %sub3A_769 : vector<16xi32>
        %and3A_771 = arith.constant 8388607 : i32
        %and3A_772 = vector.broadcast %and3A_771 : i32 to vector<16xi32>
        %and3A_773 = arith.andi %bitcast3A, %and3A_772 : vector<16xi32>
        %or3A_774 = arith.constant 1065353216 : i32
        %or3A_775 = vector.broadcast %or3A_774 : i32 to vector<16xi32>
        %or3A_776 = arith.ori %and3A_773, %or3A_775 : vector<16xi32>
        %bitcast3A_777 = vector.bitcast %or3A_776 : vector<16xi32> to vector<16xf32>
        %sub3A_778 = arith.constant 1.500000e+00 : f32
        %sub3A_779 = vector.broadcast %sub3A_778 : f32 to vector<16xf32>
        %sub3A_780 = arith.subf %bitcast3A_777, %sub3A_779 : vector<16xf32>
        %mul3A_781 = arith.constant 0.0301022269 : f32
        %mul3A_782 = vector.broadcast %mul3A_781 : f32 to vector<16xf32>
        %mul3A_783 = arith.mulf %mul3A_782, %sub3A_780 : vector<16xf32>
        %add3A_784 = arith.constant -0.0548622794 : f32
        %add3A_785 = vector.broadcast %add3A_784 : f32 to vector<16xf32>
        %add3A_786 = arith.addf %mul3A_783, %add3A_785 : vector<16xf32>
        %mul3A_787 = arith.mulf %add3A_786, %sub3A_780 : vector<16xf32>
        %add3A_788 = arith.constant 0.0983221456 : f32
        %add3A_789 = vector.broadcast %add3A_788 : f32 to vector<16xf32>
        %add3A_790 = arith.addf %mul3A_787, %add3A_789 : vector<16xf32>
        %mul3A_791 = arith.mulf %add3A_790, %sub3A_780 : vector<16xf32>
        %add3A_792 = arith.constant -0.221751302 : f32
        %add3A_793 = vector.broadcast %add3A_792 : f32 to vector<16xf32>
        %add3A_794 = arith.addf %mul3A_791, %add3A_793 : vector<16xf32>
        %mul3A_795 = arith.mulf %add3A_794, %sub3A_780 : vector<16xf32>
        %add3A_796 = arith.constant 0.666679203 : f32
        %add3A_797 = vector.broadcast %add3A_796 : f32 to vector<16xf32>
        %add3A_798 = arith.addf %mul3A_795, %add3A_797 : vector<16xf32>
        %mul3A_799 = arith.mulf %add3A_798, %sub3A_780 : vector<16xf32>
        %add3A_800 = arith.constant 0.405459404 : f32
        %add3A_801 = vector.broadcast %add3A_800 : f32 to vector<16xf32>
        %add3A_802 = arith.addf %mul3A_799, %add3A_801 : vector<16xf32>
        %convert_element_type3A_803 = arith.sitofp %sub3A_770 : vector<16xi32> to vector<16xf32>
        %mul3A_804 = arith.constant 0.693147182 : f32
        %mul3A_805 = vector.broadcast %mul3A_804 : f32 to vector<16xf32>
        %mul3A_806 = arith.mulf %convert_element_type3A_803, %mul3A_805 : vector<16xf32>
        %add3A_807 = arith.addf %mul3A_806, %add3A_802 : vector<16xf32>
        %sub3A_808 = arith.subf %add3A_807, %gather3A : vector<16xf32>
        %and3A_809 = arith.constant 255 : i32
        %and3A_810 = vector.broadcast %and3A_809 : i32 to vector<16xi32>
        %and3A_811 = arith.andi %sort3A_697, %and3A_810 : vector<16xi32>
        %gather3A_812 = tpu.vector_load_idx %arg5[%add3A_748, %and3A_811] : memref<64x200xf32, #tpu.memory_space<vmem>>[vector<16xi32>, vector<16xi32>], vector<16xf32>,
        %exp3A_813 = math.exp %gather3A_812 : vector<16xf32>
        %broadcast_in_dim3A_814 = arith.constant true
        %broadcast_in_dim3A_815 = vector.broadcast %broadcast_in_dim3A_814 : i1 to vector<16xi1>
        %masked_cumsum3A_816 = tpu.scan <sum>, %exp3A_813 masked %broadcast_in_dim3A_815 : vector<16xf32>, vector<16xi1> -> vector<16xf32>
        %add3A_817 = arith.addf %masked_cumsum3A_816, %add3A_766 : vector<16xf32>
        %lt3A_818 = arith.constant 0 : i32
        %lt3A_819 = vector.broadcast %lt3A_818 : i32 to vector<16xi32>
        %lt3A_820 = arith.cmpi slt, %broadcast_in_dim3A_744, %lt3A_819 : vector<16xi32>
        %add3A_821 = arith.constant 16 : i32
        %add3A_822 = vector.broadcast %add3A_821 : i32 to vector<16xi32>
        %add3A_823 = arith.addi %broadcast_in_dim3A_744, %add3A_822 : vector<16xi32>
        %select_n3A_824 = arith.select %lt3A_820, %add3A_823, %broadcast_in_dim3A_744 : vector<16xi1>, vector<16xi32>
        %broadcast_in_dim3A_825 = vector.shape_cast %select_n3A_824 : vector<16xi32> to vector<16x1xi32>
        %gather3A_826 = vector.shape_cast %broadcast_in_dim3A_825 : vector<16x1xi32> to vector<16xi32>
        %gather3A_827 = tpu.dynamic_gather %masked_cumsum3A_816[%gather3A_826] in [0] : vector<16xf32>, vector<16xi32> -> vector<16xf32>
        %add3A_828 = arith.addf %add3A_766, %gather3A_827 : vector<16xf32>
        %bitcast3A_829 = vector.bitcast %add3A_817 : vector<16xf32> to vector<16xi32>
        %shift_right_arithmetic3A_830 = arith.constant 23 : i32
        %shift_right_arithmetic3A_831 = vector.broadcast %shift_right_arithmetic3A_830 : i32 to vector<16xi32>
        %shift_right_arithmetic3A_832 = arith.shrsi %bitcast3A_829, %shift_right_arithmetic3A_831 : vector<16xi32>
        %sub3A_833 = arith.constant 127 : i32
        %sub3A_834 = vector.broadcast %sub3A_833 : i32 to vector<16xi32>
        %sub3A_835 = arith.subi %shift_right_arithmetic3A_832, %sub3A_834 : vector<16xi32>
        %and3A_836 = arith.constant 8388607 : i32
        %and3A_837 = vector.broadcast %and3A_836 : i32 to vector<16xi32>
        %and3A_838 = arith.andi %bitcast3A_829, %and3A_837 : vector<16xi32>
        %or3A_839 = arith.constant 1065353216 : i32
        %or3A_840 = vector.broadcast %or3A_839 : i32 to vector<16xi32>
        %or3A_841 = arith.ori %and3A_838, %or3A_840 : vector<16xi32>
        %bitcast3A_842 = vector.bitcast %or3A_841 : vector<16xi32> to vector<16xf32>
        %sub3A_843 = arith.constant 1.500000e+00 : f32
        %sub3A_844 = vector.broadcast %sub3A_843 : f32 to vector<16xf32>
        %sub3A_845 = arith.subf %bitcast3A_842, %sub3A_844 : vector<16xf32>
        %mul3A_846 = arith.constant 0.0301022269 : f32
        %mul3A_847 = vector.broadcast %mul3A_846 : f32 to vector<16xf32>
        %mul3A_848 = arith.mulf %mul3A_847, %sub3A_845 : vector<16xf32>
        %add3A_849 = arith.constant -0.0548622794 : f32
        %add3A_850 = vector.broadcast %add3A_849 : f32 to vector<16xf32>
        %add3A_851 = arith.addf %mul3A_848, %add3A_850 : vector<16xf32>
        %mul3A_852 = arith.mulf %add3A_851, %sub3A_845 : vector<16xf32>
        %add3A_853 = arith.constant 0.0983221456 : f32
        %add3A_854 = vector.broadcast %add3A_853 : f32 to vector<16xf32>
        %add3A_855 = arith.addf %mul3A_852, %add3A_854 : vector<16xf32>
        %mul3A_856 = arith.mulf %add3A_855, %sub3A_845 : vector<16xf32>
        %add3A_857 = arith.constant -0.221751302 : f32
        %add3A_858 = vector.broadcast %add3A_857 : f32 to vector<16xf32>
        %add3A_859 = arith.addf %mul3A_856, %add3A_858 : vector<16xf32>
        %mul3A_860 = arith.mulf %add3A_859, %sub3A_845 : vector<16xf32>
        %add3A_861 = arith.constant 0.666679203 : f32
        %add3A_862 = vector.broadcast %add3A_861 : f32 to vector<16xf32>
        %add3A_863 = arith.addf %mul3A_860, %add3A_862 : vector<16xf32>
        %mul3A_864 = arith.mulf %add3A_863, %sub3A_845 : vector<16xf32>
        %add3A_865 = arith.constant 0.405459404 : f32
        %add3A_866 = vector.broadcast %add3A_865 : f32 to vector<16xf32>
        %add3A_867 = arith.addf %mul3A_864, %add3A_866 : vector<16xf32>
        %convert_element_type3A_868 = arith.sitofp %sub3A_835 : vector<16xi32> to vector<16xf32>
        %mul3A_869 = arith.constant 0.693147182 : f32
        %mul3A_870 = vector.broadcast %mul3A_869 : f32 to vector<16xf32>
        %mul3A_871 = arith.mulf %convert_element_type3A_868, %mul3A_870 : vector<16xf32>
        %add3A_872 = arith.addf %mul3A_871, %add3A_867 : vector<16xf32>
        %add3A_873 = arith.addf %sub3A_808, %add3A_872 : vector<16xf32>
        %sub3A_874 = arith.subf %add3A_873, %gather3A_812 : vector<16xf32>
        %and3A_875 = arith.constant 255 : i32
        %and3A_876 = vector.broadcast %and3A_875 : i32 to vector<16xi32>
        %and3A_877 = arith.andi %sort3A_701, %and3A_876 : vector<16xi32>
        %gather3A_878 = tpu.vector_load_idx %arg5[%add3A_748, %and3A_877] : memref<64x200xf32, #tpu.memory_space<vmem>>[vector<16xi32>, vector<16xi32>], vector<16xf32>,
        %exp3A_879 = math.exp %gather3A_878 : vector<16xf32>
        %broadcast_in_dim3A_880 = arith.constant true
        %broadcast_in_dim3A_881 = vector.broadcast %broadcast_in_dim3A_880 : i1 to vector<16xi1>
        %masked_cumsum3A_882 = tpu.scan <sum>, %exp3A_879 masked %broadcast_in_dim3A_881 : vector<16xf32>, vector<16xi1> -> vector<16xf32>
        %add3A_883 = arith.addf %masked_cumsum3A_882, %add3A_828 : vector<16xf32>
        %lt3A_884 = arith.constant 0 : i32
        %lt3A_885 = vector.broadcast %lt3A_884 : i32 to vector<16xi32>
        %lt3A_886 = arith.cmpi slt, %broadcast_in_dim3A_744, %lt3A_885 : vector<16xi32>
        %add3A_887 = arith.constant 16 : i32
        %add3A_888 = vector.broadcast %add3A_887 : i32 to vector<16xi32>
        %add3A_889 = arith.addi %broadcast_in_dim3A_744, %add3A_888 : vector<16xi32>
        %select_n3A_890 = arith.select %lt3A_886, %add3A_889, %broadcast_in_dim3A_744 : vector<16xi1>, vector<16xi32>
        %broadcast_in_dim3A_891 = vector.shape_cast %select_n3A_890 : vector<16xi32> to vector<16x1xi32>
        %gather3A_892 = vector.shape_cast %broadcast_in_dim3A_891 : vector<16x1xi32> to vector<16xi32>
        %gather3A_893 = tpu.dynamic_gather %masked_cumsum3A_882[%gather3A_892] in [0] : vector<16xf32>, vector<16xi32> -> vector<16xf32>
        %add3A_894 = arith.addf %add3A_828, %gather3A_893 : vector<16xf32>
        %bitcast3A_895 = vector.bitcast %add3A_883 : vector<16xf32> to vector<16xi32>
        %shift_right_arithmetic3A_896 = arith.constant 23 : i32
        %shift_right_arithmetic3A_897 = vector.broadcast %shift_right_arithmetic3A_896 : i32 to vector<16xi32>
        %shift_right_arithmetic3A_898 = arith.shrsi %bitcast3A_895, %shift_right_arithmetic3A_897 : vector<16xi32>
        %sub3A_899 = arith.constant 127 : i32
        %sub3A_900 = vector.broadcast %sub3A_899 : i32 to vector<16xi32>
        %sub3A_901 = arith.subi %shift_right_arithmetic3A_898, %sub3A_900 : vector<16xi32>
        %and3A_902 = arith.constant 8388607 : i32
        %and3A_903 = vector.broadcast %and3A_902 : i32 to vector<16xi32>
        %and3A_904 = arith.andi %bitcast3A_895, %and3A_903 : vector<16xi32>
        %or3A_905 = arith.constant 1065353216 : i32
        %or3A_906 = vector.broadcast %or3A_905 : i32 to vector<16xi32>
        %or3A_907 = arith.ori %and3A_904, %or3A_906 : vector<16xi32>
        %bitcast3A_908 = vector.bitcast %or3A_907 : vector<16xi32> to vector<16xf32>
        %sub3A_909 = arith.constant 1.500000e+00 : f32
        %sub3A_910 = vector.broadcast %sub3A_909 : f32 to vector<16xf32>
        %sub3A_911 = arith.subf %bitcast3A_908, %sub3A_910 : vector<16xf32>
        %mul3A_912 = arith.constant 0.0301022269 : f32
        %mul3A_913 = vector.broadcast %mul3A_912 : f32 to vector<16xf32>
        %mul3A_914 = arith.mulf %mul3A_913, %sub3A_911 : vector<16xf32>
        %add3A_915 = arith.constant -0.0548622794 : f32
        %add3A_916 = vector.broadcast %add3A_915 : f32 to vector<16xf32>
        %add3A_917 = arith.addf %mul3A_914, %add3A_916 : vector<16xf32>
        %mul3A_918 = arith.mulf %add3A_917, %sub3A_911 : vector<16xf32>
        %add3A_919 = arith.constant 0.0983221456 : f32
        %add3A_920 = vector.broadcast %add3A_919 : f32 to vector<16xf32>
        %add3A_921 = arith.addf %mul3A_918, %add3A_920 : vector<16xf32>
        %mul3A_922 = arith.mulf %add3A_921, %sub3A_911 : vector<16xf32>
        %add3A_923 = arith.constant -0.221751302 : f32
        %add3A_924 = vector.broadcast %add3A_923 : f32 to vector<16xf32>
        %add3A_925 = arith.addf %mul3A_922, %add3A_924 : vector<16xf32>
        %mul3A_926 = arith.mulf %add3A_925, %sub3A_911 : vector<16xf32>
        %add3A_927 = arith.constant 0.666679203 : f32
        %add3A_928 = vector.broadcast %add3A_927 : f32 to vector<16xf32>
        %add3A_929 = arith.addf %mul3A_926, %add3A_928 : vector<16xf32>
        %mul3A_930 = arith.mulf %add3A_929, %sub3A_911 : vector<16xf32>
        %add3A_931 = arith.constant 0.405459404 : f32
        %add3A_932 = vector.broadcast %add3A_931 : f32 to vector<16xf32>
        %add3A_933 = arith.addf %mul3A_930, %add3A_932 : vector<16xf32>
        %convert_element_type3A_934 = arith.sitofp %sub3A_901 : vector<16xi32> to vector<16xf32>
        %mul3A_935 = arith.constant 0.693147182 : f32
        %mul3A_936 = vector.broadcast %mul3A_935 : f32 to vector<16xf32>
        %mul3A_937 = arith.mulf %convert_element_type3A_934, %mul3A_936 : vector<16xf32>
        %add3A_938 = arith.addf %mul3A_937, %add3A_933 : vector<16xf32>
        %add3A_939 = arith.addf %sub3A_874, %add3A_938 : vector<16xf32>
        %sub3A_940 = arith.subf %add3A_939, %gather3A_878 : vector<16xf32>
        %and3A_941 = arith.constant 255 : i32
        %and3A_942 = vector.broadcast %and3A_941 : i32 to vector<16xi32>
        %and3A_943 = arith.andi %sort3A_705, %and3A_942 : vector<16xi32>
        %gather3A_944 = tpu.vector_load_idx %arg5[%add3A_748, %and3A_943] : memref<64x200xf32, #tpu.memory_space<vmem>>[vector<16xi32>, vector<16xi32>], vector<16xf32>,
        %exp3A_945 = math.exp %gather3A_944 : vector<16xf32>
        %broadcast_in_dim3A_946 = arith.constant true
        %broadcast_in_dim3A_947 = vector.broadcast %broadcast_in_dim3A_946 : i1 to vector<16xi1>
        %masked_cumsum3A_948 = tpu.scan <sum>, %exp3A_945 masked %broadcast_in_dim3A_947 : vector<16xf32>, vector<16xi1> -> vector<16xf32>
        %add3A_949 = arith.addf %masked_cumsum3A_948, %add3A_894 : vector<16xf32>
        %lt3A_950 = arith.constant 0 : i32
        %lt3A_951 = vector.broadcast %lt3A_950 : i32 to vector<16xi32>
        %lt3A_952 = arith.cmpi slt, %broadcast_in_dim3A_744, %lt3A_951 : vector<16xi32>
        %add3A_953 = arith.constant 16 : i32
        %add3A_954 = vector.broadcast %add3A_953 : i32 to vector<16xi32>
        %add3A_955 = arith.addi %broadcast_in_dim3A_744, %add3A_954 : vector<16xi32>
        %select_n3A_956 = arith.select %lt3A_952, %add3A_955, %broadcast_in_dim3A_744 : vector<16xi1>, vector<16xi32>
        %broadcast_in_dim3A_957 = vector.shape_cast %select_n3A_956 : vector<16xi32> to vector<16x1xi32>
        %gather3A_958 = vector.shape_cast %broadcast_in_dim3A_957 : vector<16x1xi32> to vector<16xi32>
        %gather3A_959 = tpu.dynamic_gather %masked_cumsum3A_948[%gather3A_958] in [0] : vector<16xf32>, vector<16xi32> -> vector<16xf32>
        %add3A_960 = arith.addf %add3A_894, %gather3A_959 : vector<16xf32>
        %bitcast3A_961 = vector.bitcast %add3A_949 : vector<16xf32> to vector<16xi32>
        %shift_right_arithmetic3A_962 = arith.constant 23 : i32
        %shift_right_arithmetic3A_963 = vector.broadcast %shift_right_arithmetic3A_962 : i32 to vector<16xi32>
        %shift_right_arithmetic3A_964 = arith.shrsi %bitcast3A_961, %shift_right_arithmetic3A_963 : vector<16xi32>
        %sub3A_965 = arith.constant 127 : i32
        %sub3A_966 = vector.broadcast %sub3A_965 : i32 to vector<16xi32>
        %sub3A_967 = arith.subi %shift_right_arithmetic3A_964, %sub3A_966 : vector<16xi32>
        %and3A_968 = arith.constant 8388607 : i32
        %and3A_969 = vector.broadcast %and3A_968 : i32 to vector<16xi32>
        %and3A_970 = arith.andi %bitcast3A_961, %and3A_969 : vector<16xi32>
        %or3A_971 = arith.constant 1065353216 : i32
        %or3A_972 = vector.broadcast %or3A_971 : i32 to vector<16xi32>
        %or3A_973 = arith.ori %and3A_970, %or3A_972 : vector<16xi32>
        %bitcast3A_974 = vector.bitcast %or3A_973 : vector<16xi32> to vector<16xf32>
        %sub3A_975 = arith.constant 1.500000e+00 : f32
        %sub3A_976 = vector.broadcast %sub3A_975 : f32 to vector<16xf32>
        %sub3A_977 = arith.subf %bitcast3A_974, %sub3A_976 : vector<16xf32>
        %mul3A_978 = arith.constant 0.0301022269 : f32
        %mul3A_979 = vector.broadcast %mul3A_978 : f32 to vector<16xf32>
        %mul3A_980 = arith.mulf %mul3A_979, %sub3A_977 : vector<16xf32>
        %add3A_981 = arith.constant -0.0548622794 : f32
        %add3A_982 = vector.broadcast %add3A_981 : f32 to vector<16xf32>
        %add3A_983 = arith.addf %mul3A_980, %add3A_982 : vector<16xf32>
        %mul3A_984 = arith.mulf %add3A_983, %sub3A_977 : vector<16xf32>
        %add3A_985 = arith.constant 0.0983221456 : f32
        %add3A_986 = vector.broadcast %add3A_985 : f32 to vector<16xf32>
        %add3A_987 = arith.addf %mul3A_984, %add3A_986 : vector<16xf32>
        %mul3A_988 = arith.mulf %add3A_987, %sub3A_977 : vector<16xf32>
        %add3A_989 = arith.constant -0.221751302 : f32
        %add3A_990 = vector.broadcast %add3A_989 : f32 to vector<16xf32>
        %add3A_991 = arith.addf %mul3A_988, %add3A_990 : vector<16xf32>
        %mul3A_992 = arith.mulf %add3A_991, %sub3A_977 : vector<16xf32>
        %add3A_993 = arith.constant 0.666679203 : f32
        %add3A_994 = vector.broadcast %add3A_993 : f32 to vector<16xf32>
        %add3A_995 = arith.addf %mul3A_992, %add3A_994 : vector<16xf32>
        %mul3A_996 = arith.mulf %add3A_995, %sub3A_977 : vector<16xf32>
        %add3A_997 = arith.constant 0.405459404 : f32
        %add3A_998 = vector.broadcast %add3A_997 : f32 to vector<16xf32>
        %add3A_999 = arith.addf %mul3A_996, %add3A_998 : vector<16xf32>
        %convert_element_type3A_1000 = arith.sitofp %sub3A_967 : vector<16xi32> to vector<16xf32>
        %mul3A_1001 = arith.constant 0.693147182 : f32
        %mul3A_1002 = vector.broadcast %mul3A_1001 : f32 to vector<16xf32>
        %mul3A_1003 = arith.mulf %convert_element_type3A_1000, %mul3A_1002 : vector<16xf32>
        %add3A_1004 = arith.addf %mul3A_1003, %add3A_999 : vector<16xf32>
        %add3A_1005 = arith.addf %sub3A_940, %add3A_1004 : vector<16xf32>
        %sub3A_1006 = arith.subf %add3A_1005, %gather3A_944 : vector<16xf32>
        %and3A_1007 = arith.constant 255 : i32
        %and3A_1008 = vector.broadcast %and3A_1007 : i32 to vector<16xi32>
        %and3A_1009 = arith.andi %sort3A_709, %and3A_1008 : vector<16xi32>
        %gather3A_1010 = tpu.vector_load_idx %arg5[%add3A_748, %and3A_1009] : memref<64x200xf32, #tpu.memory_space<vmem>>[vector<16xi32>, vector<16xi32>], vector<16xf32>,
        %exp3A_1011 = math.exp %gather3A_1010 : vector<16xf32>
        %broadcast_in_dim3A_1012 = arith.constant true
        %broadcast_in_dim3A_1013 = vector.broadcast %broadcast_in_dim3A_1012 : i1 to vector<16xi1>
        %masked_cumsum3A_1014 = tpu.scan <sum>, %exp3A_1011 masked %broadcast_in_dim3A_1013 : vector<16xf32>, vector<16xi1> -> vector<16xf32>
        %add3A_1015 = arith.addf %masked_cumsum3A_1014, %add3A_960 : vector<16xf32>
        %lt3A_1016 = arith.constant 0 : i32
        %lt3A_1017 = vector.broadcast %lt3A_1016 : i32 to vector<16xi32>
        %lt3A_1018 = arith.cmpi slt, %broadcast_in_dim3A_744, %lt3A_1017 : vector<16xi32>
        %add3A_1019 = arith.constant 16 : i32
        %add3A_1020 = vector.broadcast %add3A_1019 : i32 to vector<16xi32>
        %add3A_1021 = arith.addi %broadcast_in_dim3A_744, %add3A_1020 : vector<16xi32>
        %select_n3A_1022 = arith.select %lt3A_1018, %add3A_1021, %broadcast_in_dim3A_744 : vector<16xi1>, vector<16xi32>
        %broadcast_in_dim3A_1023 = vector.shape_cast %select_n3A_1022 : vector<16xi32> to vector<16x1xi32>
        %gather3A_1024 = vector.shape_cast %broadcast_in_dim3A_1023 : vector<16x1xi32> to vector<16xi32>
        %gather3A_1025 = tpu.dynamic_gather %masked_cumsum3A_1014[%gather3A_1024] in [0] : vector<16xf32>, vector<16xi32> -> vector<16xf32>
        %add3A_1026 = arith.addf %add3A_960, %gather3A_1025 : vector<16xf32>
        %bitcast3A_1027 = vector.bitcast %add3A_1015 : vector<16xf32> to vector<16xi32>
        %shift_right_arithmetic3A_1028 = arith.constant 23 : i32
        %shift_right_arithmetic3A_1029 = vector.broadcast %shift_right_arithmetic3A_1028 : i32 to vector<16xi32>
        %shift_right_arithmetic3A_1030 = arith.shrsi %bitcast3A_1027, %shift_right_arithmetic3A_1029 : vector<16xi32>
        %sub3A_1031 = arith.constant 127 : i32
        %sub3A_1032 = vector.broadcast %sub3A_1031 : i32 to vector<16xi32>
        %sub3A_1033 = arith.subi %shift_right_arithmetic3A_1030, %sub3A_1032 : vector<16xi32>
        %and3A_1034 = arith.constant 8388607 : i32
        %and3A_1035 = vector.broadcast %and3A_1034 : i32 to vector<16xi32>
        %and3A_1036 = arith.andi %bitcast3A_1027, %and3A_1035 : vector<16xi32>
        %or3A_1037 = arith.constant 1065353216 : i32
        %or3A_1038 = vector.broadcast %or3A_1037 : i32 to vector<16xi32>
        %or3A_1039 = arith.ori %and3A_1036, %or3A_1038 : vector<16xi32>
        %bitcast3A_1040 = vector.bitcast %or3A_1039 : vector<16xi32> to vector<16xf32>
        %sub3A_1041 = arith.constant 1.500000e+00 : f32
        %sub3A_1042 = vector.broadcast %sub3A_1041 : f32 to vector<16xf32>
        %sub3A_1043 = arith.subf %bitcast3A_1040, %sub3A_1042 : vector<16xf32>
        %mul3A_1044 = arith.constant 0.0301022269 : f32
        %mul3A_1045 = vector.broadcast %mul3A_1044 : f32 to vector<16xf32>
        %mul3A_1046 = arith.mulf %mul3A_1045, %sub3A_1043 : vector<16xf32>
        %add3A_1047 = arith.constant -0.0548622794 : f32
        %add3A_1048 = vector.broadcast %add3A_1047 : f32 to vector<16xf32>
        %add3A_1049 = arith.addf %mul3A_1046, %add3A_1048 : vector<16xf32>
        %mul3A_1050 = arith.mulf %add3A_1049, %sub3A_1043 : vector<16xf32>
        %add3A_1051 = arith.constant 0.0983221456 : f32
        %add3A_1052 = vector.broadcast %add3A_1051 : f32 to vector<16xf32>
        %add3A_1053 = arith.addf %mul3A_1050, %add3A_1052 : vector<16xf32>
        %mul3A_1054 = arith.mulf %add3A_1053, %sub3A_1043 : vector<16xf32>
        %add3A_1055 = arith.constant -0.221751302 : f32
        %add3A_1056 = vector.broadcast %add3A_1055 : f32 to vector<16xf32>
        %add3A_1057 = arith.addf %mul3A_1054, %add3A_1056 : vector<16xf32>
        %mul3A_1058 = arith.mulf %add3A_1057, %sub3A_1043 : vector<16xf32>
        %add3A_1059 = arith.constant 0.666679203 : f32
        %add3A_1060 = vector.broadcast %add3A_1059 : f32 to vector<16xf32>
        %add3A_1061 = arith.addf %mul3A_1058, %add3A_1060 : vector<16xf32>
        %mul3A_1062 = arith.mulf %add3A_1061, %sub3A_1043 : vector<16xf32>
        %add3A_1063 = arith.constant 0.405459404 : f32
        %add3A_1064 = vector.broadcast %add3A_1063 : f32 to vector<16xf32>
        %add3A_1065 = arith.addf %mul3A_1062, %add3A_1064 : vector<16xf32>
        %convert_element_type3A_1066 = arith.sitofp %sub3A_1033 : vector<16xi32> to vector<16xf32>
        %mul3A_1067 = arith.constant 0.693147182 : f32
        %mul3A_1068 = vector.broadcast %mul3A_1067 : f32 to vector<16xf32>
        %mul3A_1069 = arith.mulf %convert_element_type3A_1066, %mul3A_1068 : vector<16xf32>
        %add3A_1070 = arith.addf %mul3A_1069, %add3A_1065 : vector<16xf32>
        %add3A_1071 = arith.addf %sub3A_1006, %add3A_1070 : vector<16xf32>
        %sub3A_1072 = arith.subf %add3A_1071, %gather3A_1010 : vector<16xf32>
        %and3A_1073 = arith.constant 255 : i32
        %and3A_1074 = vector.broadcast %and3A_1073 : i32 to vector<16xi32>
        %and3A_1075 = arith.andi %sort3A_713, %and3A_1074 : vector<16xi32>
        %gather3A_1076 = tpu.vector_load_idx %arg5[%add3A_748, %and3A_1075] : memref<64x200xf32, #tpu.memory_space<vmem>>[vector<16xi32>, vector<16xi32>], vector<16xf32>,
        %exp3A_1077 = math.exp %gather3A_1076 : vector<16xf32>
        %broadcast_in_dim3A_1078 = arith.constant true
        %broadcast_in_dim3A_1079 = vector.broadcast %broadcast_in_dim3A_1078 : i1 to vector<16xi1>
        %masked_cumsum3A_1080 = tpu.scan <sum>, %exp3A_1077 masked %broadcast_in_dim3A_1079 : vector<16xf32>, vector<16xi1> -> vector<16xf32>
        %add3A_1081 = arith.addf %masked_cumsum3A_1080, %add3A_1026 : vector<16xf32>
        %lt3A_1082 = arith.constant 0 : i32
        %lt3A_1083 = vector.broadcast %lt3A_1082 : i32 to vector<16xi32>
        %lt3A_1084 = arith.cmpi slt, %broadcast_in_dim3A_744, %lt3A_1083 : vector<16xi32>
        %add3A_1085 = arith.constant 16 : i32
        %add3A_1086 = vector.broadcast %add3A_1085 : i32 to vector<16xi32>
        %add3A_1087 = arith.addi %broadcast_in_dim3A_744, %add3A_1086 : vector<16xi32>
        %select_n3A_1088 = arith.select %lt3A_1084, %add3A_1087, %broadcast_in_dim3A_744 : vector<16xi1>, vector<16xi32>
        %broadcast_in_dim3A_1089 = vector.shape_cast %select_n3A_1088 : vector<16xi32> to vector<16x1xi32>
        %gather3A_1090 = vector.shape_cast %broadcast_in_dim3A_1089 : vector<16x1xi32> to vector<16xi32>
        %gather3A_1091 = tpu.dynamic_gather %masked_cumsum3A_1080[%gather3A_1090] in [0] : vector<16xf32>, vector<16xi32> -> vector<16xf32>
        %add3A_1092 = arith.addf %add3A_1026, %gather3A_1091 : vector<16xf32>
        %bitcast3A_1093 = vector.bitcast %add3A_1081 : vector<16xf32> to vector<16xi32>
        %shift_right_arithmetic3A_1094 = arith.constant 23 : i32
        %shift_right_arithmetic3A_1095 = vector.broadcast %shift_right_arithmetic3A_1094 : i32 to vector<16xi32>
        %shift_right_arithmetic3A_1096 = arith.shrsi %bitcast3A_1093, %shift_right_arithmetic3A_1095 : vector<16xi32>
        %sub3A_1097 = arith.constant 127 : i32
        %sub3A_1098 = vector.broadcast %sub3A_1097 : i32 to vector<16xi32>
        %sub3A_1099 = arith.subi %shift_right_arithmetic3A_1096, %sub3A_1098 : vector<16xi32>
        %and3A_1100 = arith.constant 8388607 : i32
        %and3A_1101 = vector.broadcast %and3A_1100 : i32 to vector<16xi32>
        %and3A_1102 = arith.andi %bitcast3A_1093, %and3A_1101 : vector<16xi32>
        %or3A_1103 = arith.constant 1065353216 : i32
        %or3A_1104 = vector.broadcast %or3A_1103 : i32 to vector<16xi32>
        %or3A_1105 = arith.ori %and3A_1102, %or3A_1104 : vector<16xi32>
        %bitcast3A_1106 = vector.bitcast %or3A_1105 : vector<16xi32> to vector<16xf32>
        %sub3A_1107 = arith.constant 1.500000e+00 : f32
        %sub3A_1108 = vector.broadcast %sub3A_1107 : f32 to vector<16xf32>
        %sub3A_1109 = arith.subf %bitcast3A_1106, %sub3A_1108 : vector<16xf32>
        %mul3A_1110 = arith.constant 0.0301022269 : f32
        %mul3A_1111 = vector.broadcast %mul3A_1110 : f32 to vector<16xf32>
        %mul3A_1112 = arith.mulf %mul3A_1111, %sub3A_1109 : vector<16xf32>
        %add3A_1113 = arith.constant -0.0548622794 : f32
        %add3A_1114 = vector.broadcast %add3A_1113 : f32 to vector<16xf32>
        %add3A_1115 = arith.addf %mul3A_1112, %add3A_1114 : vector<16xf32>
        %mul3A_1116 = arith.mulf %add3A_1115, %sub3A_1109 : vector<16xf32>
        %add3A_1117 = arith.constant 0.0983221456 : f32
        %add3A_1118 = vector.broadcast %add3A_1117 : f32 to vector<16xf32>
        %add3A_1119 = arith.addf %mul3A_1116, %add3A_1118 : vector<16xf32>
        %mul3A_1120 = arith.mulf %add3A_1119, %sub3A_1109 : vector<16xf32>
        %add3A_1121 = arith.constant -0.221751302 : f32
        %add3A_1122 = vector.broadcast %add3A_1121 : f32 to vector<16xf32>
        %add3A_1123 = arith.addf %mul3A_1120, %add3A_1122 : vector<16xf32>
        %mul3A_1124 = arith.mulf %add3A_1123, %sub3A_1109 : vector<16xf32>
        %add3A_1125 = arith.constant 0.666679203 : f32
        %add3A_1126 = vector.broadcast %add3A_1125 : f32 to vector<16xf32>
        %add3A_1127 = arith.addf %mul3A_1124, %add3A_1126 : vector<16xf32>
        %mul3A_1128 = arith.mulf %add3A_1127, %sub3A_1109 : vector<16xf32>
        %add3A_1129 = arith.constant 0.405459404 : f32
        %add3A_1130 = vector.broadcast %add3A_1129 : f32 to vector<16xf32>
        %add3A_1131 = arith.addf %mul3A_1128, %add3A_1130 : vector<16xf32>
        %convert_element_type3A_1132 = arith.sitofp %sub3A_1099 : vector<16xi32> to vector<16xf32>
        %mul3A_1133 = arith.constant 0.693147182 : f32
        %mul3A_1134 = vector.broadcast %mul3A_1133 : f32 to vector<16xf32>
        %mul3A_1135 = arith.mulf %convert_element_type3A_1132, %mul3A_1134 : vector<16xf32>
        %add3A_1136 = arith.addf %mul3A_1135, %add3A_1131 : vector<16xf32>
        %add3A_1137 = arith.addf %sub3A_1072, %add3A_1136 : vector<16xf32>
        %sub3A_1138 = arith.subf %add3A_1137, %gather3A_1076 : vector<16xf32>
        %and3A_1139 = arith.constant 255 : i32
        %and3A_1140 = vector.broadcast %and3A_1139 : i32 to vector<16xi32>
        %and3A_1141 = arith.andi %sort3A_717, %and3A_1140 : vector<16xi32>
        %gather3A_1142 = tpu.vector_load_idx %arg5[%add3A_748, %and3A_1141] : memref<64x200xf32, #tpu.memory_space<vmem>>[vector<16xi32>, vector<16xi32>], vector<16xf32>,
        %exp3A_1143 = math.exp %gather3A_1142 : vector<16xf32>
        %broadcast_in_dim3A_1144 = arith.constant true
        %broadcast_in_dim3A_1145 = vector.broadcast %broadcast_in_dim3A_1144 : i1 to vector<16xi1>
        %masked_cumsum3A_1146 = tpu.scan <sum>, %exp3A_1143 masked %broadcast_in_dim3A_1145 : vector<16xf32>, vector<16xi1> -> vector<16xf32>
        %add3A_1147 = arith.addf %masked_cumsum3A_1146, %add3A_1092 : vector<16xf32>
        %lt3A_1148 = arith.constant 0 : i32
        %lt3A_1149 = vector.broadcast %lt3A_1148 : i32 to vector<16xi32>
        %lt3A_1150 = arith.cmpi slt, %broadcast_in_dim3A_744, %lt3A_1149 : vector<16xi32>
        %add3A_1151 = arith.constant 16 : i32
        %add3A_1152 = vector.broadcast %add3A_1151 : i32 to vector<16xi32>
        %add3A_1153 = arith.addi %broadcast_in_dim3A_744, %add3A_1152 : vector<16xi32>
        %select_n3A_1154 = arith.select %lt3A_1150, %add3A_1153, %broadcast_in_dim3A_744 : vector<16xi1>, vector<16xi32>
        %broadcast_in_dim3A_1155 = vector.shape_cast %select_n3A_1154 : vector<16xi32> to vector<16x1xi32>
        %gather3A_1156 = vector.shape_cast %broadcast_in_dim3A_1155 : vector<16x1xi32> to vector<16xi32>
        %gather3A_1157 = tpu.dynamic_gather %masked_cumsum3A_1146[%gather3A_1156] in [0] : vector<16xf32>, vector<16xi32> -> vector<16xf32>
        %add3A_1158 = arith.addf %add3A_1092, %gather3A_1157 : vector<16xf32>
        %bitcast3A_1159 = vector.bitcast %add3A_1147 : vector<16xf32> to vector<16xi32>
        %shift_right_arithmetic3A_1160 = arith.constant 23 : i32
        %shift_right_arithmetic3A_1161 = vector.broadcast %shift_right_arithmetic3A_1160 : i32 to vector<16xi32>
        %shift_right_arithmetic3A_1162 = arith.shrsi %bitcast3A_1159, %shift_right_arithmetic3A_1161 : vector<16xi32>
        %sub3A_1163 = arith.constant 127 : i32
        %sub3A_1164 = vector.broadcast %sub3A_1163 : i32 to vector<16xi32>
        %sub3A_1165 = arith.subi %shift_right_arithmetic3A_1162, %sub3A_1164 : vector<16xi32>
        %and3A_1166 = arith.constant 8388607 : i32
        %and3A_1167 = vector.broadcast %and3A_1166 : i32 to vector<16xi32>
        %and3A_1168 = arith.andi %bitcast3A_1159, %and3A_1167 : vector<16xi32>
        %or3A_1169 = arith.constant 1065353216 : i32
        %or3A_1170 = vector.broadcast %or3A_1169 : i32 to vector<16xi32>
        %or3A_1171 = arith.ori %and3A_1168, %or3A_1170 : vector<16xi32>
        %bitcast3A_1172 = vector.bitcast %or3A_1171 : vector<16xi32> to vector<16xf32>
        %sub3A_1173 = arith.constant 1.500000e+00 : f32
        %sub3A_1174 = vector.broadcast %sub3A_1173 : f32 to vector<16xf32>
        %sub3A_1175 = arith.subf %bitcast3A_1172, %sub3A_1174 : vector<16xf32>
        %mul3A_1176 = arith.constant 0.0301022269 : f32
        %mul3A_1177 = vector.broadcast %mul3A_1176 : f32 to vector<16xf32>
        %mul3A_1178 = arith.mulf %mul3A_1177, %sub3A_1175 : vector<16xf32>
        %add3A_1179 = arith.constant -0.0548622794 : f32
        %add3A_1180 = vector.broadcast %add3A_1179 : f32 to vector<16xf32>
        %add3A_1181 = arith.addf %mul3A_1178, %add3A_1180 : vector<16xf32>
        %mul3A_1182 = arith.mulf %add3A_1181, %sub3A_1175 : vector<16xf32>
        %add3A_1183 = arith.constant 0.0983221456 : f32
        %add3A_1184 = vector.broadcast %add3A_1183 : f32 to vector<16xf32>
        %add3A_1185 = arith.addf %mul3A_1182, %add3A_1184 : vector<16xf32>
        %mul3A_1186 = arith.mulf %add3A_1185, %sub3A_1175 : vector<16xf32>
        %add3A_1187 = arith.constant -0.221751302 : f32
        %add3A_1188 = vector.broadcast %add3A_1187 : f32 to vector<16xf32>
        %add3A_1189 = arith.addf %mul3A_1186, %add3A_1188 : vector<16xf32>
        %mul3A_1190 = arith.mulf %add3A_1189, %sub3A_1175 : vector<16xf32>
        %add3A_1191 = arith.constant 0.666679203 : f32
        %add3A_1192 = vector.broadcast %add3A_1191 : f32 to vector<16xf32>
        %add3A_1193 = arith.addf %mul3A_1190, %add3A_1192 : vector<16xf32>
        %mul3A_1194 = arith.mulf %add3A_1193, %sub3A_1175 : vector<16xf32>
        %add3A_1195 = arith.constant 0.405459404 : f32
        %add3A_1196 = vector.broadcast %add3A_1195 : f32 to vector<16xf32>
        %add3A_1197 = arith.addf %mul3A_1194, %add3A_1196 : vector<16xf32>
        %convert_element_type3A_1198 = arith.sitofp %sub3A_1165 : vector<16xi32> to vector<16xf32>
        %mul3A_1199 = arith.constant 0.693147182 : f32
        %mul3A_1200 = vector.broadcast %mul3A_1199 : f32 to vector<16xf32>
        %mul3A_1201 = arith.mulf %convert_element_type3A_1198, %mul3A_1200 : vector<16xf32>
        %add3A_1202 = arith.addf %mul3A_1201, %add3A_1197 : vector<16xf32>
        %add3A_1203 = arith.addf %sub3A_1138, %add3A_1202 : vector<16xf32>
        %sub3A_1204 = arith.subf %add3A_1203, %gather3A_1142 : vector<16xf32>
        %and3A_1205 = arith.constant 255 : i32
        %and3A_1206 = vector.broadcast %and3A_1205 : i32 to vector<16xi32>
        %and3A_1207 = arith.andi %sort3A_721, %and3A_1206 : vector<16xi32>
        %gather3A_1208 = tpu.vector_load_idx %arg5[%add3A_748, %and3A_1207] : memref<64x200xf32, #tpu.memory_space<vmem>>[vector<16xi32>, vector<16xi32>], vector<16xf32>,
        %exp3A_1209 = math.exp %gather3A_1208 : vector<16xf32>
        %broadcast_in_dim3A_1210 = arith.constant true
        %broadcast_in_dim3A_1211 = vector.broadcast %broadcast_in_dim3A_1210 : i1 to vector<16xi1>
        %masked_cumsum3A_1212 = tpu.scan <sum>, %exp3A_1209 masked %broadcast_in_dim3A_1211 : vector<16xf32>, vector<16xi1> -> vector<16xf32>
        %add3A_1213 = arith.addf %masked_cumsum3A_1212, %add3A_1158 : vector<16xf32>
        %lt3A_1214 = arith.constant 0 : i32
        %lt3A_1215 = vector.broadcast %lt3A_1214 : i32 to vector<16xi32>
        %lt3A_1216 = arith.cmpi slt, %broadcast_in_dim3A_744, %lt3A_1215 : vector<16xi32>
        %add3A_1217 = arith.constant 16 : i32
        %add3A_1218 = vector.broadcast %add3A_1217 : i32 to vector<16xi32>
        %add3A_1219 = arith.addi %broadcast_in_dim3A_744, %add3A_1218 : vector<16xi32>
        %select_n3A_1220 = arith.select %lt3A_1216, %add3A_1219, %broadcast_in_dim3A_744 : vector<16xi1>, vector<16xi32>
        %broadcast_in_dim3A_1221 = vector.shape_cast %select_n3A_1220 : vector<16xi32> to vector<16x1xi32>
        %gather3A_1222 = vector.shape_cast %broadcast_in_dim3A_1221 : vector<16x1xi32> to vector<16xi32>
        %gather3A_1223 = tpu.dynamic_gather %masked_cumsum3A_1212[%gather3A_1222] in [0] : vector<16xf32>, vector<16xi32> -> vector<16xf32>
        %add3A_1224 = arith.addf %add3A_1158, %gather3A_1223 : vector<16xf32>
        %bitcast3A_1225 = vector.bitcast %add3A_1213 : vector<16xf32> to vector<16xi32>
        %shift_right_arithmetic3A_1226 = arith.constant 23 : i32
        %shift_right_arithmetic3A_1227 = vector.broadcast %shift_right_arithmetic3A_1226 : i32 to vector<16xi32>
        %shift_right_arithmetic3A_1228 = arith.shrsi %bitcast3A_1225, %shift_right_arithmetic3A_1227 : vector<16xi32>
        %sub3A_1229 = arith.constant 127 : i32
        %sub3A_1230 = vector.broadcast %sub3A_1229 : i32 to vector<16xi32>
        %sub3A_1231 = arith.subi %shift_right_arithmetic3A_1228, %sub3A_1230 : vector<16xi32>
        %and3A_1232 = arith.constant 8388607 : i32
        %and3A_1233 = vector.broadcast %and3A_1232 : i32 to vector<16xi32>
        %and3A_1234 = arith.andi %bitcast3A_1225, %and3A_1233 : vector<16xi32>
        %or3A_1235 = arith.constant 1065353216 : i32
        %or3A_1236 = vector.broadcast %or3A_1235 : i32 to vector<16xi32>
        %or3A_1237 = arith.ori %and3A_1234, %or3A_1236 : vector<16xi32>
        %bitcast3A_1238 = vector.bitcast %or3A_1237 : vector<16xi32> to vector<16xf32>
        %sub3A_1239 = arith.constant 1.500000e+00 : f32
        %sub3A_1240 = vector.broadcast %sub3A_1239 : f32 to vector<16xf32>
        %sub3A_1241 = arith.subf %bitcast3A_1238, %sub3A_1240 : vector<16xf32>
        %mul3A_1242 = arith.constant 0.0301022269 : f32
        %mul3A_1243 = vector.broadcast %mul3A_1242 : f32 to vector<16xf32>
        %mul3A_1244 = arith.mulf %mul3A_1243, %sub3A_1241 : vector<16xf32>
        %add3A_1245 = arith.constant -0.0548622794 : f32
        %add3A_1246 = vector.broadcast %add3A_1245 : f32 to vector<16xf32>
        %add3A_1247 = arith.addf %mul3A_1244, %add3A_1246 : vector<16xf32>
        %mul3A_1248 = arith.mulf %add3A_1247, %sub3A_1241 : vector<16xf32>
        %add3A_1249 = arith.constant 0.0983221456 : f32
        %add3A_1250 = vector.broadcast %add3A_1249 : f32 to vector<16xf32>
        %add3A_1251 = arith.addf %mul3A_1248, %add3A_1250 : vector<16xf32>
        %mul3A_1252 = arith.mulf %add3A_1251, %sub3A_1241 : vector<16xf32>
        %add3A_1253 = arith.constant -0.221751302 : f32
        %add3A_1254 = vector.broadcast %add3A_1253 : f32 to vector<16xf32>
        %add3A_1255 = arith.addf %mul3A_1252, %add3A_1254 : vector<16xf32>
        %mul3A_1256 = arith.mulf %add3A_1255, %sub3A_1241 : vector<16xf32>
        %add3A_1257 = arith.constant 0.666679203 : f32
        %add3A_1258 = vector.broadcast %add3A_1257 : f32 to vector<16xf32>
        %add3A_1259 = arith.addf %mul3A_1256, %add3A_1258 : vector<16xf32>
        %mul3A_1260 = arith.mulf %add3A_1259, %sub3A_1241 : vector<16xf32>
        %add3A_1261 = arith.constant 0.405459404 : f32
        %add3A_1262 = vector.broadcast %add3A_1261 : f32 to vector<16xf32>
        %add3A_1263 = arith.addf %mul3A_1260, %add3A_1262 : vector<16xf32>
        %convert_element_type3A_1264 = arith.sitofp %sub3A_1231 : vector<16xi32> to vector<16xf32>
        %mul3A_1265 = arith.constant 0.693147182 : f32
        %mul3A_1266 = vector.broadcast %mul3A_1265 : f32 to vector<16xf32>
        %mul3A_1267 = arith.mulf %convert_element_type3A_1264, %mul3A_1266 : vector<16xf32>
        %add3A_1268 = arith.addf %mul3A_1267, %add3A_1263 : vector<16xf32>
        %add3A_1269 = arith.addf %sub3A_1204, %add3A_1268 : vector<16xf32>
        %sub3A_1270 = arith.subf %add3A_1269, %gather3A_1208 : vector<16xf32>
        %and3A_1271 = arith.constant 255 : i32
        %and3A_1272 = vector.broadcast %and3A_1271 : i32 to vector<16xi32>
        %and3A_1273 = arith.andi %sort3A_725, %and3A_1272 : vector<16xi32>
        %gather3A_1274 = tpu.vector_load_idx %arg5[%add3A_748, %and3A_1273] : memref<64x200xf32, #tpu.memory_space<vmem>>[vector<16xi32>, vector<16xi32>], vector<16xf32>,
        %exp3A_1275 = math.exp %gather3A_1274 : vector<16xf32>
        %broadcast_in_dim3A_1276 = arith.constant true
        %broadcast_in_dim3A_1277 = vector.broadcast %broadcast_in_dim3A_1276 : i1 to vector<16xi1>
        %masked_cumsum3A_1278 = tpu.scan <sum>, %exp3A_1275 masked %broadcast_in_dim3A_1277 : vector<16xf32>, vector<16xi1> -> vector<16xf32>
        %add3A_1279 = arith.addf %masked_cumsum3A_1278, %add3A_1224 : vector<16xf32>
        %lt3A_1280 = arith.constant 0 : i32
        %lt3A_1281 = vector.broadcast %lt3A_1280 : i32 to vector<16xi32>
        %lt3A_1282 = arith.cmpi slt, %broadcast_in_dim3A_744, %lt3A_1281 : vector<16xi32>
        %add3A_1283 = arith.constant 16 : i32
        %add3A_1284 = vector.broadcast %add3A_1283 : i32 to vector<16xi32>
        %add3A_1285 = arith.addi %broadcast_in_dim3A_744, %add3A_1284 : vector<16xi32>
        %select_n3A_1286 = arith.select %lt3A_1282, %add3A_1285, %broadcast_in_dim3A_744 : vector<16xi1>, vector<16xi32>
        %broadcast_in_dim3A_1287 = vector.shape_cast %select_n3A_1286 : vector<16xi32> to vector<16x1xi32>
        %gather3A_1288 = vector.shape_cast %broadcast_in_dim3A_1287 : vector<16x1xi32> to vector<16xi32>
        %gather3A_1289 = tpu.dynamic_gather %masked_cumsum3A_1278[%gather3A_1288] in [0] : vector<16xf32>, vector<16xi32> -> vector<16xf32>
        %add3A_1290 = arith.addf %add3A_1224, %gather3A_1289 : vector<16xf32>
        %bitcast3A_1291 = vector.bitcast %add3A_1279 : vector<16xf32> to vector<16xi32>
        %shift_right_arithmetic3A_1292 = arith.constant 23 : i32
        %shift_right_arithmetic3A_1293 = vector.broadcast %shift_right_arithmetic3A_1292 : i32 to vector<16xi32>
        %shift_right_arithmetic3A_1294 = arith.shrsi %bitcast3A_1291, %shift_right_arithmetic3A_1293 : vector<16xi32>
        %sub3A_1295 = arith.constant 127 : i32
        %sub3A_1296 = vector.broadcast %sub3A_1295 : i32 to vector<16xi32>
        %sub3A_1297 = arith.subi %shift_right_arithmetic3A_1294, %sub3A_1296 : vector<16xi32>
        %and3A_1298 = arith.constant 8388607 : i32
        %and3A_1299 = vector.broadcast %and3A_1298 : i32 to vector<16xi32>
        %and3A_1300 = arith.andi %bitcast3A_1291, %and3A_1299 : vector<16xi32>
        %or3A_1301 = arith.constant 1065353216 : i32
        %or3A_1302 = vector.broadcast %or3A_1301 : i32 to vector<16xi32>
        %or3A_1303 = arith.ori %and3A_1300, %or3A_1302 : vector<16xi32>
        %bitcast3A_1304 = vector.bitcast %or3A_1303 : vector<16xi32> to vector<16xf32>
        %sub3A_1305 = arith.constant 1.500000e+00 : f32
        %sub3A_1306 = vector.broadcast %sub3A_1305 : f32 to vector<16xf32>
        %sub3A_1307 = arith.subf %bitcast3A_1304, %sub3A_1306 : vector<16xf32>
        %mul3A_1308 = arith.constant 0.0301022269 : f32
        %mul3A_1309 = vector.broadcast %mul3A_1308 : f32 to vector<16xf32>
        %mul3A_1310 = arith.mulf %mul3A_1309, %sub3A_1307 : vector<16xf32>
        %add3A_1311 = arith.constant -0.0548622794 : f32
        %add3A_1312 = vector.broadcast %add3A_1311 : f32 to vector<16xf32>
        %add3A_1313 = arith.addf %mul3A_1310, %add3A_1312 : vector<16xf32>
        %mul3A_1314 = arith.mulf %add3A_1313, %sub3A_1307 : vector<16xf32>
        %add3A_1315 = arith.constant 0.0983221456 : f32
        %add3A_1316 = vector.broadcast %add3A_1315 : f32 to vector<16xf32>
        %add3A_1317 = arith.addf %mul3A_1314, %add3A_1316 : vector<16xf32>
        %mul3A_1318 = arith.mulf %add3A_1317, %sub3A_1307 : vector<16xf32>
        %add3A_1319 = arith.constant -0.221751302 : f32
        %add3A_1320 = vector.broadcast %add3A_1319 : f32 to vector<16xf32>
        %add3A_1321 = arith.addf %mul3A_1318, %add3A_1320 : vector<16xf32>
        %mul3A_1322 = arith.mulf %add3A_1321, %sub3A_1307 : vector<16xf32>
        %add3A_1323 = arith.constant 0.666679203 : f32
        %add3A_1324 = vector.broadcast %add3A_1323 : f32 to vector<16xf32>
        %add3A_1325 = arith.addf %mul3A_1322, %add3A_1324 : vector<16xf32>
        %mul3A_1326 = arith.mulf %add3A_1325, %sub3A_1307 : vector<16xf32>
        %add3A_1327 = arith.constant 0.405459404 : f32
        %add3A_1328 = vector.broadcast %add3A_1327 : f32 to vector<16xf32>
        %add3A_1329 = arith.addf %mul3A_1326, %add3A_1328 : vector<16xf32>
        %convert_element_type3A_1330 = arith.sitofp %sub3A_1297 : vector<16xi32> to vector<16xf32>
        %mul3A_1331 = arith.constant 0.693147182 : f32
        %mul3A_1332 = vector.broadcast %mul3A_1331 : f32 to vector<16xf32>
        %mul3A_1333 = arith.mulf %convert_element_type3A_1330, %mul3A_1332 : vector<16xf32>
        %add3A_1334 = arith.addf %mul3A_1333, %add3A_1329 : vector<16xf32>
        %add3A_1335 = arith.addf %sub3A_1270, %add3A_1334 : vector<16xf32>
        %sub3A_1336 = arith.subf %add3A_1335, %gather3A_1274 : vector<16xf32>
        %and3A_1337 = arith.constant 255 : i32
        %and3A_1338 = vector.broadcast %and3A_1337 : i32 to vector<16xi32>
        %and3A_1339 = arith.andi %sort3A_729, %and3A_1338 : vector<16xi32>
        %gather3A_1340 = tpu.vector_load_idx %arg5[%add3A_748, %and3A_1339] : memref<64x200xf32, #tpu.memory_space<vmem>>[vector<16xi32>, vector<16xi32>], vector<16xf32>,
        %exp3A_1341 = math.exp %gather3A_1340 : vector<16xf32>
        %broadcast_in_dim3A_1342 = arith.constant true
        %broadcast_in_dim3A_1343 = vector.broadcast %broadcast_in_dim3A_1342 : i1 to vector<16xi1>
        %masked_cumsum3A_1344 = tpu.scan <sum>, %exp3A_1341 masked %broadcast_in_dim3A_1343 : vector<16xf32>, vector<16xi1> -> vector<16xf32>
        %add3A_1345 = arith.addf %masked_cumsum3A_1344, %add3A_1290 : vector<16xf32>
        %lt3A_1346 = arith.constant 0 : i32
        %lt3A_1347 = vector.broadcast %lt3A_1346 : i32 to vector<16xi32>
        %lt3A_1348 = arith.cmpi slt, %broadcast_in_dim3A_744, %lt3A_1347 : vector<16xi32>
        %add3A_1349 = arith.constant 16 : i32
        %add3A_1350 = vector.broadcast %add3A_1349 : i32 to vector<16xi32>
        %add3A_1351 = arith.addi %broadcast_in_dim3A_744, %add3A_1350 : vector<16xi32>
        %select_n3A_1352 = arith.select %lt3A_1348, %add3A_1351, %broadcast_in_dim3A_744 : vector<16xi1>, vector<16xi32>
        %broadcast_in_dim3A_1353 = vector.shape_cast %select_n3A_1352 : vector<16xi32> to vector<16x1xi32>
        %gather3A_1354 = vector.shape_cast %broadcast_in_dim3A_1353 : vector<16x1xi32> to vector<16xi32>
        %gather3A_1355 = tpu.dynamic_gather %masked_cumsum3A_1344[%gather3A_1354] in [0] : vector<16xf32>, vector<16xi32> -> vector<16xf32>
        %add3A_1356 = arith.addf %add3A_1290, %gather3A_1355 : vector<16xf32>
        %bitcast3A_1357 = vector.bitcast %add3A_1345 : vector<16xf32> to vector<16xi32>
        %shift_right_arithmetic3A_1358 = arith.constant 23 : i32
        %shift_right_arithmetic3A_1359 = vector.broadcast %shift_right_arithmetic3A_1358 : i32 to vector<16xi32>
        %shift_right_arithmetic3A_1360 = arith.shrsi %bitcast3A_1357, %shift_right_arithmetic3A_1359 : vector<16xi32>
        %sub3A_1361 = arith.constant 127 : i32
        %sub3A_1362 = vector.broadcast %sub3A_1361 : i32 to vector<16xi32>
        %sub3A_1363 = arith.subi %shift_right_arithmetic3A_1360, %sub3A_1362 : vector<16xi32>
        %and3A_1364 = arith.constant 8388607 : i32
        %and3A_1365 = vector.broadcast %and3A_1364 : i32 to vector<16xi32>
        %and3A_1366 = arith.andi %bitcast3A_1357, %and3A_1365 : vector<16xi32>
        %or3A_1367 = arith.constant 1065353216 : i32
        %or3A_1368 = vector.broadcast %or3A_1367 : i32 to vector<16xi32>
        %or3A_1369 = arith.ori %and3A_1366, %or3A_1368 : vector<16xi32>
        %bitcast3A_1370 = vector.bitcast %or3A_1369 : vector<16xi32> to vector<16xf32>
        %sub3A_1371 = arith.constant 1.500000e+00 : f32
        %sub3A_1372 = vector.broadcast %sub3A_1371 : f32 to vector<16xf32>
        %sub3A_1373 = arith.subf %bitcast3A_1370, %sub3A_1372 : vector<16xf32>
        %mul3A_1374 = arith.constant 0.0301022269 : f32
        %mul3A_1375 = vector.broadcast %mul3A_1374 : f32 to vector<16xf32>
        %mul3A_1376 = arith.mulf %mul3A_1375, %sub3A_1373 : vector<16xf32>
        %add3A_1377 = arith.constant -0.0548622794 : f32
        %add3A_1378 = vector.broadcast %add3A_1377 : f32 to vector<16xf32>
        %add3A_1379 = arith.addf %mul3A_1376, %add3A_1378 : vector<16xf32>
        %mul3A_1380 = arith.mulf %add3A_1379, %sub3A_1373 : vector<16xf32>
        %add3A_1381 = arith.constant 0.0983221456 : f32
        %add3A_1382 = vector.broadcast %add3A_1381 : f32 to vector<16xf32>
        %add3A_1383 = arith.addf %mul3A_1380, %add3A_1382 : vector<16xf32>
        %mul3A_1384 = arith.mulf %add3A_1383, %sub3A_1373 : vector<16xf32>
        %add3A_1385 = arith.constant -0.221751302 : f32
        %add3A_1386 = vector.broadcast %add3A_1385 : f32 to vector<16xf32>
        %add3A_1387 = arith.addf %mul3A_1384, %add3A_1386 : vector<16xf32>
        %mul3A_1388 = arith.mulf %add3A_1387, %sub3A_1373 : vector<16xf32>
        %add3A_1389 = arith.constant 0.666679203 : f32
        %add3A_1390 = vector.broadcast %add3A_1389 : f32 to vector<16xf32>
        %add3A_1391 = arith.addf %mul3A_1388, %add3A_1390 : vector<16xf32>
        %mul3A_1392 = arith.mulf %add3A_1391, %sub3A_1373 : vector<16xf32>
        %add3A_1393 = arith.constant 0.405459404 : f32
        %add3A_1394 = vector.broadcast %add3A_1393 : f32 to vector<16xf32>
        %add3A_1395 = arith.addf %mul3A_1392, %add3A_1394 : vector<16xf32>
        %convert_element_type3A_1396 = arith.sitofp %sub3A_1363 : vector<16xi32> to vector<16xf32>
        %mul3A_1397 = arith.constant 0.693147182 : f32
        %mul3A_1398 = vector.broadcast %mul3A_1397 : f32 to vector<16xf32>
        %mul3A_1399 = arith.mulf %convert_element_type3A_1396, %mul3A_1398 : vector<16xf32>
        %add3A_1400 = arith.addf %mul3A_1399, %add3A_1395 : vector<16xf32>
        %add3A_1401 = arith.addf %sub3A_1336, %add3A_1400 : vector<16xf32>
        %sub3A_1402 = arith.subf %add3A_1401, %gather3A_1340 : vector<16xf32>
        %and3A_1403 = arith.constant 255 : i32
        %and3A_1404 = vector.broadcast %and3A_1403 : i32 to vector<16xi32>
        %and3A_1405 = arith.andi %sort3A_733, %and3A_1404 : vector<16xi32>
        %gather3A_1406 = tpu.vector_load_idx %arg5[%add3A_748, %and3A_1405] : memref<64x200xf32, #tpu.memory_space<vmem>>[vector<16xi32>, vector<16xi32>], vector<16xf32>,
        %exp3A_1407 = math.exp %gather3A_1406 : vector<16xf32>
        %broadcast_in_dim3A_1408 = arith.constant true
        %broadcast_in_dim3A_1409 = vector.broadcast %broadcast_in_dim3A_1408 : i1 to vector<16xi1>
        %masked_cumsum3A_1410 = tpu.scan <sum>, %exp3A_1407 masked %broadcast_in_dim3A_1409 : vector<16xf32>, vector<16xi1> -> vector<16xf32>
        %add3A_1411 = arith.addf %masked_cumsum3A_1410, %add3A_1356 : vector<16xf32>
        %lt3A_1412 = arith.constant 0 : i32
        %lt3A_1413 = vector.broadcast %lt3A_1412 : i32 to vector<16xi32>
        %lt3A_1414 = arith.cmpi slt, %broadcast_in_dim3A_744, %lt3A_1413 : vector<16xi32>
        %add3A_1415 = arith.constant 16 : i32
        %add3A_1416 = vector.broadcast %add3A_1415 : i32 to vector<16xi32>
        %add3A_1417 = arith.addi %broadcast_in_dim3A_744, %add3A_1416 : vector<16xi32>
        %select_n3A_1418 = arith.select %lt3A_1414, %add3A_1417, %broadcast_in_dim3A_744 : vector<16xi1>, vector<16xi32>
        %broadcast_in_dim3A_1419 = vector.shape_cast %select_n3A_1418 : vector<16xi32> to vector<16x1xi32>
        %gather3A_1420 = vector.shape_cast %broadcast_in_dim3A_1419 : vector<16x1xi32> to vector<16xi32>
        %gather3A_1421 = tpu.dynamic_gather %masked_cumsum3A_1410[%gather3A_1420] in [0] : vector<16xf32>, vector<16xi32> -> vector<16xf32>
        %add3A_1422 = arith.addf %add3A_1356, %gather3A_1421 : vector<16xf32>
        %bitcast3A_1423 = vector.bitcast %add3A_1411 : vector<16xf32> to vector<16xi32>
        %shift_right_arithmetic3A_1424 = arith.constant 23 : i32
        %shift_right_arithmetic3A_1425 = vector.broadcast %shift_right_arithmetic3A_1424 : i32 to vector<16xi32>
        %shift_right_arithmetic3A_1426 = arith.shrsi %bitcast3A_1423, %shift_right_arithmetic3A_1425 : vector<16xi32>
        %sub3A_1427 = arith.constant 127 : i32
        %sub3A_1428 = vector.broadcast %sub3A_1427 : i32 to vector<16xi32>
        %sub3A_1429 = arith.subi %shift_right_arithmetic3A_1426, %sub3A_1428 : vector<16xi32>
        %and3A_1430 = arith.constant 8388607 : i32
        %and3A_1431 = vector.broadcast %and3A_1430 : i32 to vector<16xi32>
        %and3A_1432 = arith.andi %bitcast3A_1423, %and3A_1431 : vector<16xi32>
        %or3A_1433 = arith.constant 1065353216 : i32
        %or3A_1434 = vector.broadcast %or3A_1433 : i32 to vector<16xi32>
        %or3A_1435 = arith.ori %and3A_1432, %or3A_1434 : vector<16xi32>
        %bitcast3A_1436 = vector.bitcast %or3A_1435 : vector<16xi32> to vector<16xf32>
        %sub3A_1437 = arith.constant 1.500000e+00 : f32
        %sub3A_1438 = vector.broadcast %sub3A_1437 : f32 to vector<16xf32>
        %sub3A_1439 = arith.subf %bitcast3A_1436, %sub3A_1438 : vector<16xf32>
        %mul3A_1440 = arith.constant 0.0301022269 : f32
        %mul3A_1441 = vector.broadcast %mul3A_1440 : f32 to vector<16xf32>
        %mul3A_1442 = arith.mulf %mul3A_1441, %sub3A_1439 : vector<16xf32>
        %add3A_1443 = arith.constant -0.0548622794 : f32
        %add3A_1444 = vector.broadcast %add3A_1443 : f32 to vector<16xf32>
        %add3A_1445 = arith.addf %mul3A_1442, %add3A_1444 : vector<16xf32>
        %mul3A_1446 = arith.mulf %add3A_1445, %sub3A_1439 : vector<16xf32>
        %add3A_1447 = arith.constant 0.0983221456 : f32
        %add3A_1448 = vector.broadcast %add3A_1447 : f32 to vector<16xf32>
        %add3A_1449 = arith.addf %mul3A_1446, %add3A_1448 : vector<16xf32>
        %mul3A_1450 = arith.mulf %add3A_1449, %sub3A_1439 : vector<16xf32>
        %add3A_1451 = arith.constant -0.221751302 : f32
        %add3A_1452 = vector.broadcast %add3A_1451 : f32 to vector<16xf32>
        %add3A_1453 = arith.addf %mul3A_1450, %add3A_1452 : vector<16xf32>
        %mul3A_1454 = arith.mulf %add3A_1453, %sub3A_1439 : vector<16xf32>
        %add3A_1455 = arith.constant 0.666679203 : f32
        %add3A_1456 = vector.broadcast %add3A_1455 : f32 to vector<16xf32>
        %add3A_1457 = arith.addf %mul3A_1454, %add3A_1456 : vector<16xf32>
        %mul3A_1458 = arith.mulf %add3A_1457, %sub3A_1439 : vector<16xf32>
        %add3A_1459 = arith.constant 0.405459404 : f32
        %add3A_1460 = vector.broadcast %add3A_1459 : f32 to vector<16xf32>
        %add3A_1461 = arith.addf %mul3A_1458, %add3A_1460 : vector<16xf32>
        %convert_element_type3A_1462 = arith.sitofp %sub3A_1429 : vector<16xi32> to vector<16xf32>
        %mul3A_1463 = arith.constant 0.693147182 : f32
        %mul3A_1464 = vector.broadcast %mul3A_1463 : f32 to vector<16xf32>
        %mul3A_1465 = arith.mulf %convert_element_type3A_1462, %mul3A_1464 : vector<16xf32>
        %add3A_1466 = arith.addf %mul3A_1465, %add3A_1461 : vector<16xf32>
        %add3A_1467 = arith.addf %sub3A_1402, %add3A_1466 : vector<16xf32>
        %sub3A_1468 = arith.subf %add3A_1467, %gather3A_1406 : vector<16xf32>
        %and3A_1469 = arith.constant 255 : i32
        %and3A_1470 = vector.broadcast %and3A_1469 : i32 to vector<16xi32>
        %and3A_1471 = arith.andi %sort3A_737, %and3A_1470 : vector<16xi32>
        %gather3A_1472 = tpu.vector_load_idx %arg5[%add3A_748, %and3A_1471] : memref<64x200xf32, #tpu.memory_space<vmem>>[vector<16xi32>, vector<16xi32>], vector<16xf32>,
        %exp3A_1473 = math.exp %gather3A_1472 : vector<16xf32>
        %broadcast_in_dim3A_1474 = arith.constant true
        %broadcast_in_dim3A_1475 = vector.broadcast %broadcast_in_dim3A_1474 : i1 to vector<16xi1>
        %masked_cumsum3A_1476 = tpu.scan <sum>, %exp3A_1473 masked %broadcast_in_dim3A_1475 : vector<16xf32>, vector<16xi1> -> vector<16xf32>
        %add3A_1477 = arith.addf %masked_cumsum3A_1476, %add3A_1422 : vector<16xf32>
        %lt3A_1478 = arith.constant 0 : i32
        %lt3A_1479 = vector.broadcast %lt3A_1478 : i32 to vector<16xi32>
        %lt3A_1480 = arith.cmpi slt, %broadcast_in_dim3A_744, %lt3A_1479 : vector<16xi32>
        %add3A_1481 = arith.constant 16 : i32
        %add3A_1482 = vector.broadcast %add3A_1481 : i32 to vector<16xi32>
        %add3A_1483 = arith.addi %broadcast_in_dim3A_744, %add3A_1482 : vector<16xi32>
        %select_n3A_1484 = arith.select %lt3A_1480, %add3A_1483, %broadcast_in_dim3A_744 : vector<16xi1>, vector<16xi32>
        %broadcast_in_dim3A_1485 = vector.shape_cast %select_n3A_1484 : vector<16xi32> to vector<16x1xi32>
        %gather3A_1486 = vector.shape_cast %broadcast_in_dim3A_1485 : vector<16x1xi32> to vector<16xi32>
        %gather3A_1487 = tpu.dynamic_gather %masked_cumsum3A_1476[%gather3A_1486] in [0] : vector<16xf32>, vector<16xi32> -> vector<16xf32>
        %add3A_1488 = arith.addf %add3A_1422, %gather3A_1487 : vector<16xf32>
        %bitcast3A_1489 = vector.bitcast %add3A_1477 : vector<16xf32> to vector<16xi32>
        %shift_right_arithmetic3A_1490 = arith.constant 23 : i32
        %shift_right_arithmetic3A_1491 = vector.broadcast %shift_right_arithmetic3A_1490 : i32 to vector<16xi32>
        %shift_right_arithmetic3A_1492 = arith.shrsi %bitcast3A_1489, %shift_right_arithmetic3A_1491 : vector<16xi32>
        %sub3A_1493 = arith.constant 127 : i32
        %sub3A_1494 = vector.broadcast %sub3A_1493 : i32 to vector<16xi32>
        %sub3A_1495 = arith.subi %shift_right_arithmetic3A_1492, %sub3A_1494 : vector<16xi32>
        %and3A_1496 = arith.constant 8388607 : i32
        %and3A_1497 = vector.broadcast %and3A_1496 : i32 to vector<16xi32>
        %and3A_1498 = arith.andi %bitcast3A_1489, %and3A_1497 : vector<16xi32>
        %or3A_1499 = arith.constant 1065353216 : i32
        %or3A_1500 = vector.broadcast %or3A_1499 : i32 to vector<16xi32>
        %or3A_1501 = arith.ori %and3A_1498, %or3A_1500 : vector<16xi32>
        %bitcast3A_1502 = vector.bitcast %or3A_1501 : vector<16xi32> to vector<16xf32>
        %sub3A_1503 = arith.constant 1.500000e+00 : f32
        %sub3A_1504 = vector.broadcast %sub3A_1503 : f32 to vector<16xf32>
        %sub3A_1505 = arith.subf %bitcast3A_1502, %sub3A_1504 : vector<16xf32>
        %mul3A_1506 = arith.constant 0.0301022269 : f32
        %mul3A_1507 = vector.broadcast %mul3A_1506 : f32 to vector<16xf32>
        %mul3A_1508 = arith.mulf %mul3A_1507, %sub3A_1505 : vector<16xf32>
        %add3A_1509 = arith.constant -0.0548622794 : f32
        %add3A_1510 = vector.broadcast %add3A_1509 : f32 to vector<16xf32>
        %add3A_1511 = arith.addf %mul3A_1508, %add3A_1510 : vector<16xf32>
        %mul3A_1512 = arith.mulf %add3A_1511, %sub3A_1505 : vector<16xf32>
        %add3A_1513 = arith.constant 0.0983221456 : f32
        %add3A_1514 = vector.broadcast %add3A_1513 : f32 to vector<16xf32>
        %add3A_1515 = arith.addf %mul3A_1512, %add3A_1514 : vector<16xf32>
        %mul3A_1516 = arith.mulf %add3A_1515, %sub3A_1505 : vector<16xf32>
        %add3A_1517 = arith.constant -0.221751302 : f32
        %add3A_1518 = vector.broadcast %add3A_1517 : f32 to vector<16xf32>
        %add3A_1519 = arith.addf %mul3A_1516, %add3A_1518 : vector<16xf32>
        %mul3A_1520 = arith.mulf %add3A_1519, %sub3A_1505 : vector<16xf32>
        %add3A_1521 = arith.constant 0.666679203 : f32
        %add3A_1522 = vector.broadcast %add3A_1521 : f32 to vector<16xf32>
        %add3A_1523 = arith.addf %mul3A_1520, %add3A_1522 : vector<16xf32>
        %mul3A_1524 = arith.mulf %add3A_1523, %sub3A_1505 : vector<16xf32>
        %add3A_1525 = arith.constant 0.405459404 : f32
        %add3A_1526 = vector.broadcast %add3A_1525 : f32 to vector<16xf32>
        %add3A_1527 = arith.addf %mul3A_1524, %add3A_1526 : vector<16xf32>
        %convert_element_type3A_1528 = arith.sitofp %sub3A_1495 : vector<16xi32> to vector<16xf32>
        %mul3A_1529 = arith.constant 0.693147182 : f32
        %mul3A_1530 = vector.broadcast %mul3A_1529 : f32 to vector<16xf32>
        %mul3A_1531 = arith.mulf %convert_element_type3A_1528, %mul3A_1530 : vector<16xf32>
        %add3A_1532 = arith.addf %mul3A_1531, %add3A_1527 : vector<16xf32>
        %add3A_1533 = arith.addf %sub3A_1468, %add3A_1532 : vector<16xf32>
        %sub3A_1534 = arith.subf %add3A_1533, %gather3A_1472 : vector<16xf32>
        %and3A_1535 = arith.constant 255 : i32
        %and3A_1536 = vector.broadcast %and3A_1535 : i32 to vector<16xi32>
        %and3A_1537 = arith.andi %sort3A_741, %and3A_1536 : vector<16xi32>
        %min3A_1538 = arith.constant 199 : i32
        %min3A_1539 = vector.broadcast %min3A_1538 : i32 to vector<16xi32>
        %min3A_1540 = arith.minsi %and3A_1537, %min3A_1539 : vector<16xi32>
        %gather3A_1541 = tpu.vector_load_idx %arg5[%add3A_748, %min3A_1540] : memref<64x200xf32, #tpu.memory_space<vmem>>[vector<16xi32>, vector<16xi32>], vector<16xf32>,
        %lt3A_1542 = arith.constant 8 : i32
        %lt3A_1543 = vector.broadcast %lt3A_1542 : i32 to vector<16xi32>
        %lt3A_1544 = arith.cmpi slt, %iota3A, %lt3A_1543 : vector<16xi32>
        %jit3A_1545 = arith.constant 0.000000e+00 : f32
        %broadcast_in_dim3A_1546 = vector.broadcast %jit3A_1545 : f32 to vector<16xf32>
        %select_n3A_1547 = arith.select %lt3A_1544, %gather3A_1541, %broadcast_in_dim3A_1546 : vector<16xi1>, vector<16xf32>
        %exp3A_1548 = math.exp %select_n3A_1547 : vector<16xf32>
        %lt3A_1549 = arith.constant 8 : i32
        %lt3A_1550 = vector.broadcast %lt3A_1549 : i32 to vector<16xi32>
        %lt3A_1551 = arith.cmpi slt, %iota3A, %lt3A_1550 : vector<16xi32>
        %jit3A_1552 = arith.constant 0.000000e+00 : f32
        %broadcast_in_dim3A_1553 = vector.broadcast %jit3A_1552 : f32 to vector<16xf32>
        %select_n3A_1554 = arith.select %lt3A_1551, %exp3A_1548, %broadcast_in_dim3A_1553 : vector<16xi1>, vector<16xf32>
        %broadcast_in_dim3A_1555 = arith.constant true
        %broadcast_in_dim3A_1556 = vector.broadcast %broadcast_in_dim3A_1555 : i1 to vector<16xi1>
        %masked_cumsum3A_1557 = tpu.scan <sum>, %select_n3A_1554 masked %broadcast_in_dim3A_1556 : vector<16xf32>, vector<16xi1> -> vector<16xf32>
        %add3A_1558 = arith.addf %masked_cumsum3A_1557, %add3A_1488 : vector<16xf32>
        %lt3A_1559 = arith.constant 0 : i32
        %lt3A_1560 = vector.broadcast %lt3A_1559 : i32 to vector<16xi32>
        %lt3A_1561 = arith.cmpi slt, %broadcast_in_dim3A_744, %lt3A_1560 : vector<16xi32>
        %add3A_1562 = arith.constant 16 : i32
        %add3A_1563 = vector.broadcast %add3A_1562 : i32 to vector<16xi32>
        %add3A_1564 = arith.addi %broadcast_in_dim3A_744, %add3A_1563 : vector<16xi32>
        %select_n3A_1565 = arith.select %lt3A_1561, %add3A_1564, %broadcast_in_dim3A_744 : vector<16xi1>, vector<16xi32>
        %broadcast_in_dim3A_1566 = vector.shape_cast %select_n3A_1565 : vector<16xi32> to vector<16x1xi32>
        %gather3A_1567 = vector.shape_cast %broadcast_in_dim3A_1566 : vector<16x1xi32> to vector<16xi32>
        %gather3A_1568 = tpu.dynamic_gather %masked_cumsum3A_1557[%gather3A_1567] in [0] : vector<16xf32>, vector<16xi32> -> vector<16xf32>
        %add3A_1569 = arith.addf %add3A_1488, %gather3A_1568 : vector<16xf32>
        %bitcast3A_1570 = vector.bitcast %add3A_1558 : vector<16xf32> to vector<16xi32>
        %shift_right_arithmetic3A_1571 = arith.constant 23 : i32
        %shift_right_arithmetic3A_1572 = vector.broadcast %shift_right_arithmetic3A_1571 : i32 to vector<16xi32>
        %shift_right_arithmetic3A_1573 = arith.shrsi %bitcast3A_1570, %shift_right_arithmetic3A_1572 : vector<16xi32>
        %sub3A_1574 = arith.constant 127 : i32
        %sub3A_1575 = vector.broadcast %sub3A_1574 : i32 to vector<16xi32>
        %sub3A_1576 = arith.subi %shift_right_arithmetic3A_1573, %sub3A_1575 : vector<16xi32>
        %and3A_1577 = arith.constant 8388607 : i32
        %and3A_1578 = vector.broadcast %and3A_1577 : i32 to vector<16xi32>
        %and3A_1579 = arith.andi %bitcast3A_1570, %and3A_1578 : vector<16xi32>
        %or3A_1580 = arith.constant 1065353216 : i32
        %or3A_1581 = vector.broadcast %or3A_1580 : i32 to vector<16xi32>
        %or3A_1582 = arith.ori %and3A_1579, %or3A_1581 : vector<16xi32>
        %bitcast3A_1583 = vector.bitcast %or3A_1582 : vector<16xi32> to vector<16xf32>
        %sub3A_1584 = arith.constant 1.500000e+00 : f32
        %sub3A_1585 = vector.broadcast %sub3A_1584 : f32 to vector<16xf32>
        %sub3A_1586 = arith.subf %bitcast3A_1583, %sub3A_1585 : vector<16xf32>
        %mul3A_1587 = arith.constant 0.0301022269 : f32
        %mul3A_1588 = vector.broadcast %mul3A_1587 : f32 to vector<16xf32>
        %mul3A_1589 = arith.mulf %mul3A_1588, %sub3A_1586 : vector<16xf32>
        %add3A_1590 = arith.constant -0.0548622794 : f32
        %add3A_1591 = vector.broadcast %add3A_1590 : f32 to vector<16xf32>
        %add3A_1592 = arith.addf %mul3A_1589, %add3A_1591 : vector<16xf32>
        %mul3A_1593 = arith.mulf %add3A_1592, %sub3A_1586 : vector<16xf32>
        %add3A_1594 = arith.constant 0.0983221456 : f32
        %add3A_1595 = vector.broadcast %add3A_1594 : f32 to vector<16xf32>
        %add3A_1596 = arith.addf %mul3A_1593, %add3A_1595 : vector<16xf32>
        %mul3A_1597 = arith.mulf %add3A_1596, %sub3A_1586 : vector<16xf32>
        %add3A_1598 = arith.constant -0.221751302 : f32
        %add3A_1599 = vector.broadcast %add3A_1598 : f32 to vector<16xf32>
        %add3A_1600 = arith.addf %mul3A_1597, %add3A_1599 : vector<16xf32>
        %mul3A_1601 = arith.mulf %add3A_1600, %sub3A_1586 : vector<16xf32>
        %add3A_1602 = arith.constant 0.666679203 : f32
        %add3A_1603 = vector.broadcast %add3A_1602 : f32 to vector<16xf32>
        %add3A_1604 = arith.addf %mul3A_1601, %add3A_1603 : vector<16xf32>
        %mul3A_1605 = arith.mulf %add3A_1604, %sub3A_1586 : vector<16xf32>
        %add3A_1606 = arith.constant 0.405459404 : f32
        %add3A_1607 = vector.broadcast %add3A_1606 : f32 to vector<16xf32>
        %add3A_1608 = arith.addf %mul3A_1605, %add3A_1607 : vector<16xf32>
        %convert_element_type3A_1609 = arith.sitofp %sub3A_1576 : vector<16xi32> to vector<16xf32>
        %mul3A_1610 = arith.constant 0.693147182 : f32
        %mul3A_1611 = vector.broadcast %mul3A_1610 : f32 to vector<16xf32>
        %mul3A_1612 = arith.mulf %convert_element_type3A_1609, %mul3A_1611 : vector<16xf32>
        %add3A_1613 = arith.addf %mul3A_1612, %add3A_1608 : vector<16xf32>
        %lt3A_1614 = arith.constant 8 : i32
        %lt3A_1615 = vector.broadcast %lt3A_1614 : i32 to vector<16xi32>
        %lt3A_1616 = arith.cmpi slt, %iota3A, %lt3A_1615 : vector<16xi32>
        %jit3A_1617 = arith.constant 0.000000e+00 : f32
        %broadcast_in_dim3A_1618 = vector.broadcast %jit3A_1617 : f32 to vector<16xf32>
        %select_n3A_1619 = arith.select %lt3A_1616, %add3A_1613, %broadcast_in_dim3A_1618 : vector<16xi1>, vector<16xf32>
        %add3A_1620 = arith.addf %sub3A_1534, %select_n3A_1619 : vector<16xf32>
        %sub3A_1621 = arith.subf %add3A_1620, %select_n3A_1547 : vector<16xf32>
        %add3A_1622 = arith.addf %scan3A_80, %sub3A_1621 : vector<16xf32>
        scf.yield %add3A_1622 : vector<16xf32>
      }
      %scan3A_55 = arith.constant 64 : i32
      %lt3A = arith.constant 3 : i32
      %lt3A_56 = arith.cmpi slt, %scan3A_21, %lt3A : i32
      %convert_element_type3A = arith.extui %lt3A_56 : i1 to i32
      %cond3A = arith.constant 0 : i32
      %cond3A_57 = arith.cmpi ne, %convert_element_type3A, %cond3A : i32
      scf.if %cond3A_57 {
        %mul3A_79 = arith.constant 2 : i32
        %mul3A_80 = arith.muli %mul3A_79, %scan3A_21 : i32
        %add3A_81 = arith.constant 2 : i32
        %add3A_82 = arith.addi %mul3A_80, %add3A_81 : i32
        %mul3A_83 = arith.constant 64 : i32
        %mul3A_84 = arith.muli %add3A_82, %mul3A_83 : i32
        %add3A_85 = arith.addi %mul3A_2, %mul3A_84 : i32
        %dma_start3A_86 = arith.constant 0 : i32
        %dma_start3A_87 = tpu.memref_slice %arg2[%add3A_85, %dma_start3A_86] : memref<16384x200xf32, #tpu.memory_space<hbm>> -> memref<64x200xf32, #tpu.memory_space<hbm>>
        %dma_start3A_88 = arith.constant 0 : i32
        %dma_start3A_89 = tpu.memref_slice %arg2[%add3A_85, %dma_start3A_88] : memref<16384x200xf32, #tpu.memory_space<hbm>> -> memref<64x200xf32, #tpu.memory_space<hbm>>
        tpu.enqueue_dma source(%dma_start3A_89 : memref<64x200xf32, #tpu.memory_space<hbm>>) target(%arg5 : memref<64x200xf32, #tpu.memory_space<vmem>>) target_semaphore(%arg10 : memref<!tpu.dma_semaphore, #tpu.memory_space<semaphore_mem>>)
        %dma_start3A_90 = arith.constant 0 : i32
        %dma_start3A_91 = tpu.memref_slice %arg3[%add3A_85, %dma_start3A_90] : memref<16384x200xf32, #tpu.memory_space<hbm>> -> memref<64x200xf32, #tpu.memory_space<hbm>>
        %dma_start3A_92 = arith.constant 0 : i32
        %dma_start3A_93 = tpu.memref_slice %arg3[%add3A_85, %dma_start3A_92] : memref<16384x200xf32, #tpu.memory_space<hbm>> -> memref<64x200xf32, #tpu.memory_space<hbm>>
        tpu.enqueue_dma source(%dma_start3A_93 : memref<64x200xf32, #tpu.memory_space<hbm>>) target(%arg6 : memref<64x200xf32, #tpu.memory_space<vmem>>) target_semaphore(%arg10 : memref<!tpu.dma_semaphore, #tpu.memory_space<semaphore_mem>>)
      } else {
      }
      %mul3A_58 = arith.constant 2 : i32
      %mul3A_59 = arith.muli %mul3A_58, %scan3A_21 : i32
      %add3A_60 = arith.constant 1 : i32
      %add3A_61 = arith.addi %mul3A_59, %add3A_60 : i32
      %mul3A_62 = arith.constant 64 : i32
      %mul3A_63 = arith.muli %add3A_61, %mul3A_62 : i32
      %add3A_64 = arith.addi %mul3A_2, %mul3A_63 : i32
      %dma_wait3A_65 = arith.constant 0 : i32
      %dma_wait3A_66 = tpu.memref_slice %arg2[%add3A_64, %dma_wait3A_65] : memref<16384x200xf32, #tpu.memory_space<hbm>> -> memref<64x200xf32, #tpu.memory_space<hbm>>
      %dma_wait3A_67 = arith.constant 0 : i32
      %dma_wait3A_68 = tpu.memref_slice %arg2[%add3A_64, %dma_wait3A_67] : memref<16384x200xf32, #tpu.memory_space<hbm>> -> memref<64x200xf32, #tpu.memory_space<hbm>>
      tpu.wait_dma2 semaphore(%arg11 : memref<!tpu.dma_semaphore, #tpu.memory_space<semaphore_mem>>) src(%dma_wait3A_68 : memref<64x200xf32, #tpu.memory_space<hbm>>) dst(%arg7 : memref<64x200xf32, #tpu.memory_space<vmem>>)
      %dma_wait3A_69 = arith.constant 0 : i32
      %dma_wait3A_70 = tpu.memref_slice %arg3[%add3A_64, %dma_wait3A_69] : memref<16384x200xf32, #tpu.memory_space<hbm>> -> memref<64x200xf32, #tpu.memory_space<hbm>>
      %dma_wait3A_71 = arith.constant 0 : i32
      %dma_wait3A_72 = tpu.memref_slice %arg3[%add3A_64, %dma_wait3A_71] : memref<16384x200xf32, #tpu.memory_space<hbm>> -> memref<64x200xf32, #tpu.memory_space<hbm>>
      tpu.wait_dma2 semaphore(%arg11 : memref<!tpu.dma_semaphore, #tpu.memory_space<semaphore_mem>>) src(%dma_wait3A_72 : memref<64x200xf32, #tpu.memory_space<hbm>>) dst(%arg8 : memref<64x200xf32, #tpu.memory_space<vmem>>)
      %scan3A_73 = arith.constant 0 : i32
      %scan3A_74 = arith.constant 64 : i32
      %scan3A_75 = arith.addi %scan3A_73, %scan3A_74 : i32
      %scan3A_76 = arith.constant 1 : i32
      %scan3A_77 = scf.for %scan3A_79 = %scan3A_73 to %scan3A_75 step %scan3A_76 iter_args(%scan3A_80 = %scan3A_54) -> (vector<16xf32>)  : i32 {
        %get3A = arith.index_cast %scan3A_79 : i32 to index
        %get3A_81 = arith.constant 0 : index
        %get3A_82 = tpu.vector_load %arg8[%get3A, %get3A_81] {strides = array<i32>} : memref<64x200xf32, #tpu.memory_space<vmem>>, vector<16xf32>,
        %get3A_83 = arith.index_cast %scan3A_79 : i32 to index
        %get3A_84 = arith.constant 16 : index
        %get3A_85 = tpu.vector_load %arg8[%get3A_83, %get3A_84] {strides = array<i32>} : memref<64x200xf32, #tpu.memory_space<vmem>>, vector<16xf32>,
        %get3A_86 = arith.index_cast %scan3A_79 : i32 to index
        %get3A_87 = arith.constant 32 : index
        %get3A_88 = tpu.vector_load %arg8[%get3A_86, %get3A_87] {strides = array<i32>} : memref<64x200xf32, #tpu.memory_space<vmem>>, vector<16xf32>,
        %get3A_89 = arith.index_cast %scan3A_79 : i32 to index
        %get3A_90 = arith.constant 48 : index
        %get3A_91 = tpu.vector_load %arg8[%get3A_89, %get3A_90] {strides = array<i32>} : memref<64x200xf32, #tpu.memory_space<vmem>>, vector<16xf32>,
        %get3A_92 = arith.index_cast %scan3A_79 : i32 to index
        %get3A_93 = arith.constant 64 : index
        %get3A_94 = tpu.vector_load %arg8[%get3A_92, %get3A_93] {strides = array<i32>} : memref<64x200xf32, #tpu.memory_space<vmem>>, vector<16xf32>,
        %get3A_95 = arith.index_cast %scan3A_79 : i32 to index
        %get3A_96 = arith.constant 80 : index
        %get3A_97 = tpu.vector_load %arg8[%get3A_95, %get3A_96] {strides = array<i32>} : memref<64x200xf32, #tpu.memory_space<vmem>>, vector<16xf32>,
        %get3A_98 = arith.index_cast %scan3A_79 : i32 to index
        %get3A_99 = arith.constant 96 : index
        %get3A_100 = tpu.vector_load %arg8[%get3A_98, %get3A_99] {strides = array<i32>} : memref<64x200xf32, #tpu.memory_space<vmem>>, vector<16xf32>,
        %get3A_101 = arith.index_cast %scan3A_79 : i32 to index
        %get3A_102 = arith.constant 112 : index
        %get3A_103 = tpu.vector_load %arg8[%get3A_101, %get3A_102] {strides = array<i32>} : memref<64x200xf32, #tpu.memory_space<vmem>>, vector<16xf32>,
        %get3A_104 = arith.index_cast %scan3A_79 : i32 to index
        %get3A_105 = arith.constant 128 : index
        %get3A_106 = tpu.vector_load %arg8[%get3A_104, %get3A_105] {strides = array<i32>} : memref<64x200xf32, #tpu.memory_space<vmem>>, vector<16xf32>,
        %get3A_107 = arith.index_cast %scan3A_79 : i32 to index
        %get3A_108 = arith.constant 144 : index
        %get3A_109 = tpu.vector_load %arg8[%get3A_107, %get3A_108] {strides = array<i32>} : memref<64x200xf32, #tpu.memory_space<vmem>>, vector<16xf32>,
        %get3A_110 = arith.index_cast %scan3A_79 : i32 to index
        %get3A_111 = arith.constant 160 : index
        %get3A_112 = tpu.vector_load %arg8[%get3A_110, %get3A_111] {strides = array<i32>} : memref<64x200xf32, #tpu.memory_space<vmem>>, vector<16xf32>,
        %get3A_113 = arith.index_cast %scan3A_79 : i32 to index
        %get3A_114 = arith.constant 176 : index
        %get3A_115 = tpu.vector_load %arg8[%get3A_113, %get3A_114] {strides = array<i32>} : memref<64x200xf32, #tpu.memory_space<vmem>>, vector<16xf32>,
        %get3A_116 = arith.index_cast %scan3A_79 : i32 to index
        %get3A_117 = arith.constant 184 : index
        %get3A_118 = tpu.vector_load %arg8[%get3A_116, %get3A_117] {strides = array<i32>} : memref<64x200xf32, #tpu.memory_space<vmem>>, vector<16xf32>,
        %ge3A = arith.constant 8 : i32
        %ge3A_119 = vector.broadcast %ge3A : i32 to vector<16xi32>
        %ge3A_120 = arith.cmpi sge, %iota3A, %ge3A_119 : vector<16xi32>
        %mul3A_121 = arith.constant 0x4B000000 : f32
        %mul3A_122 = vector.broadcast %mul3A_121 : f32 to vector<16xf32>
        %mul3A_123 = arith.mulf %get3A_82, %mul3A_122 : vector<16xf32>
        %convert_element_type3A_124 = arith.fptosi %mul3A_123 : vector<16xf32> to vector<16xi32>
        %shift_left3A = arith.constant 8 : i32
        %shift_left3A_125 = vector.broadcast %shift_left3A : i32 to vector<16xi32>
        %shift_left3A_126 = arith.shli %convert_element_type3A_124, %shift_left3A_125 : vector<16xi32>
        %add3A_127 = arith.constant 0 : i32
        %add3A_128 = vector.broadcast %add3A_127 : i32 to vector<16xi32>
        %add3A_129 = arith.addi %iota3A, %add3A_128 : vector<16xi32>
        %or3A = arith.ori %shift_left3A_126, %add3A_129 : vector<16xi32>
        %mul3A_130 = arith.constant 0x4B000000 : f32
        %mul3A_131 = vector.broadcast %mul3A_130 : f32 to vector<16xf32>
        %mul3A_132 = arith.mulf %get3A_85, %mul3A_131 : vector<16xf32>
        %convert_element_type3A_133 = arith.fptosi %mul3A_132 : vector<16xf32> to vector<16xi32>
        %shift_left3A_134 = arith.constant 8 : i32
        %shift_left3A_135 = vector.broadcast %shift_left3A_134 : i32 to vector<16xi32>
        %shift_left3A_136 = arith.shli %convert_element_type3A_133, %shift_left3A_135 : vector<16xi32>
        %add3A_137 = arith.constant 16 : i32
        %add3A_138 = vector.broadcast %add3A_137 : i32 to vector<16xi32>
        %add3A_139 = arith.addi %iota3A, %add3A_138 : vector<16xi32>
        %or3A_140 = arith.ori %shift_left3A_136, %add3A_139 : vector<16xi32>
        %mul3A_141 = arith.constant 0x4B000000 : f32
        %mul3A_142 = vector.broadcast %mul3A_141 : f32 to vector<16xf32>
        %mul3A_143 = arith.mulf %get3A_88, %mul3A_142 : vector<16xf32>
        %convert_element_type3A_144 = arith.fptosi %mul3A_143 : vector<16xf32> to vector<16xi32>
        %shift_left3A_145 = arith.constant 8 : i32
        %shift_left3A_146 = vector.broadcast %shift_left3A_145 : i32 to vector<16xi32>
        %shift_left3A_147 = arith.shli %convert_element_type3A_144, %shift_left3A_146 : vector<16xi32>
        %add3A_148 = arith.constant 32 : i32
        %add3A_149 = vector.broadcast %add3A_148 : i32 to vector<16xi32>
        %add3A_150 = arith.addi %iota3A, %add3A_149 : vector<16xi32>
        %or3A_151 = arith.ori %shift_left3A_147, %add3A_150 : vector<16xi32>
        %mul3A_152 = arith.constant 0x4B000000 : f32
        %mul3A_153 = vector.broadcast %mul3A_152 : f32 to vector<16xf32>
        %mul3A_154 = arith.mulf %get3A_91, %mul3A_153 : vector<16xf32>
        %convert_element_type3A_155 = arith.fptosi %mul3A_154 : vector<16xf32> to vector<16xi32>
        %shift_left3A_156 = arith.constant 8 : i32
        %shift_left3A_157 = vector.broadcast %shift_left3A_156 : i32 to vector<16xi32>
        %shift_left3A_158 = arith.shli %convert_element_type3A_155, %shift_left3A_157 : vector<16xi32>
        %add3A_159 = arith.constant 48 : i32
        %add3A_160 = vector.broadcast %add3A_159 : i32 to vector<16xi32>
        %add3A_161 = arith.addi %iota3A, %add3A_160 : vector<16xi32>
        %or3A_162 = arith.ori %shift_left3A_158, %add3A_161 : vector<16xi32>
        %mul3A_163 = arith.constant 0x4B000000 : f32
        %mul3A_164 = vector.broadcast %mul3A_163 : f32 to vector<16xf32>
        %mul3A_165 = arith.mulf %get3A_94, %mul3A_164 : vector<16xf32>
        %convert_element_type3A_166 = arith.fptosi %mul3A_165 : vector<16xf32> to vector<16xi32>
        %shift_left3A_167 = arith.constant 8 : i32
        %shift_left3A_168 = vector.broadcast %shift_left3A_167 : i32 to vector<16xi32>
        %shift_left3A_169 = arith.shli %convert_element_type3A_166, %shift_left3A_168 : vector<16xi32>
        %add3A_170 = arith.constant 64 : i32
        %add3A_171 = vector.broadcast %add3A_170 : i32 to vector<16xi32>
        %add3A_172 = arith.addi %iota3A, %add3A_171 : vector<16xi32>
        %or3A_173 = arith.ori %shift_left3A_169, %add3A_172 : vector<16xi32>
        %mul3A_174 = arith.constant 0x4B000000 : f32
        %mul3A_175 = vector.broadcast %mul3A_174 : f32 to vector<16xf32>
        %mul3A_176 = arith.mulf %get3A_97, %mul3A_175 : vector<16xf32>
        %convert_element_type3A_177 = arith.fptosi %mul3A_176 : vector<16xf32> to vector<16xi32>
        %shift_left3A_178 = arith.constant 8 : i32
        %shift_left3A_179 = vector.broadcast %shift_left3A_178 : i32 to vector<16xi32>
        %shift_left3A_180 = arith.shli %convert_element_type3A_177, %shift_left3A_179 : vector<16xi32>
        %add3A_181 = arith.constant 80 : i32
        %add3A_182 = vector.broadcast %add3A_181 : i32 to vector<16xi32>
        %add3A_183 = arith.addi %iota3A, %add3A_182 : vector<16xi32>
        %or3A_184 = arith.ori %shift_left3A_180, %add3A_183 : vector<16xi32>
        %mul3A_185 = arith.constant 0x4B000000 : f32
        %mul3A_186 = vector.broadcast %mul3A_185 : f32 to vector<16xf32>
        %mul3A_187 = arith.mulf %get3A_100, %mul3A_186 : vector<16xf32>
        %convert_element_type3A_188 = arith.fptosi %mul3A_187 : vector<16xf32> to vector<16xi32>
        %shift_left3A_189 = arith.constant 8 : i32
        %shift_left3A_190 = vector.broadcast %shift_left3A_189 : i32 to vector<16xi32>
        %shift_left3A_191 = arith.shli %convert_element_type3A_188, %shift_left3A_190 : vector<16xi32>
        %add3A_192 = arith.constant 96 : i32
        %add3A_193 = vector.broadcast %add3A_192 : i32 to vector<16xi32>
        %add3A_194 = arith.addi %iota3A, %add3A_193 : vector<16xi32>
        %or3A_195 = arith.ori %shift_left3A_191, %add3A_194 : vector<16xi32>
        %mul3A_196 = arith.constant 0x4B000000 : f32
        %mul3A_197 = vector.broadcast %mul3A_196 : f32 to vector<16xf32>
        %mul3A_198 = arith.mulf %get3A_103, %mul3A_197 : vector<16xf32>
        %convert_element_type3A_199 = arith.fptosi %mul3A_198 : vector<16xf32> to vector<16xi32>
        %shift_left3A_200 = arith.constant 8 : i32
        %shift_left3A_201 = vector.broadcast %shift_left3A_200 : i32 to vector<16xi32>
        %shift_left3A_202 = arith.shli %convert_element_type3A_199, %shift_left3A_201 : vector<16xi32>
        %add3A_203 = arith.constant 112 : i32
        %add3A_204 = vector.broadcast %add3A_203 : i32 to vector<16xi32>
        %add3A_205 = arith.addi %iota3A, %add3A_204 : vector<16xi32>
        %or3A_206 = arith.ori %shift_left3A_202, %add3A_205 : vector<16xi32>
        %mul3A_207 = arith.constant 0x4B000000 : f32
        %mul3A_208 = vector.broadcast %mul3A_207 : f32 to vector<16xf32>
        %mul3A_209 = arith.mulf %get3A_106, %mul3A_208 : vector<16xf32>
        %convert_element_type3A_210 = arith.fptosi %mul3A_209 : vector<16xf32> to vector<16xi32>
        %shift_left3A_211 = arith.constant 8 : i32
        %shift_left3A_212 = vector.broadcast %shift_left3A_211 : i32 to vector<16xi32>
        %shift_left3A_213 = arith.shli %convert_element_type3A_210, %shift_left3A_212 : vector<16xi32>
        %add3A_214 = arith.constant 128 : i32
        %add3A_215 = vector.broadcast %add3A_214 : i32 to vector<16xi32>
        %add3A_216 = arith.addi %iota3A, %add3A_215 : vector<16xi32>
        %or3A_217 = arith.ori %shift_left3A_213, %add3A_216 : vector<16xi32>
        %mul3A_218 = arith.constant 0x4B000000 : f32
        %mul3A_219 = vector.broadcast %mul3A_218 : f32 to vector<16xf32>
        %mul3A_220 = arith.mulf %get3A_109, %mul3A_219 : vector<16xf32>
        %convert_element_type3A_221 = arith.fptosi %mul3A_220 : vector<16xf32> to vector<16xi32>
        %shift_left3A_222 = arith.constant 8 : i32
        %shift_left3A_223 = vector.broadcast %shift_left3A_222 : i32 to vector<16xi32>
        %shift_left3A_224 = arith.shli %convert_element_type3A_221, %shift_left3A_223 : vector<16xi32>
        %add3A_225 = arith.constant 144 : i32
        %add3A_226 = vector.broadcast %add3A_225 : i32 to vector<16xi32>
        %add3A_227 = arith.addi %iota3A, %add3A_226 : vector<16xi32>
        %or3A_228 = arith.ori %shift_left3A_224, %add3A_227 : vector<16xi32>
        %mul3A_229 = arith.constant 0x4B000000 : f32
        %mul3A_230 = vector.broadcast %mul3A_229 : f32 to vector<16xf32>
        %mul3A_231 = arith.mulf %get3A_112, %mul3A_230 : vector<16xf32>
        %convert_element_type3A_232 = arith.fptosi %mul3A_231 : vector<16xf32> to vector<16xi32>
        %shift_left3A_233 = arith.constant 8 : i32
        %shift_left3A_234 = vector.broadcast %shift_left3A_233 : i32 to vector<16xi32>
        %shift_left3A_235 = arith.shli %convert_element_type3A_232, %shift_left3A_234 : vector<16xi32>
        %add3A_236 = arith.constant 160 : i32
        %add3A_237 = vector.broadcast %add3A_236 : i32 to vector<16xi32>
        %add3A_238 = arith.addi %iota3A, %add3A_237 : vector<16xi32>
        %or3A_239 = arith.ori %shift_left3A_235, %add3A_238 : vector<16xi32>
        %mul3A_240 = arith.constant 0x4B000000 : f32
        %mul3A_241 = vector.broadcast %mul3A_240 : f32 to vector<16xf32>
        %mul3A_242 = arith.mulf %get3A_115, %mul3A_241 : vector<16xf32>
        %convert_element_type3A_243 = arith.fptosi %mul3A_242 : vector<16xf32> to vector<16xi32>
        %shift_left3A_244 = arith.constant 8 : i32
        %shift_left3A_245 = vector.broadcast %shift_left3A_244 : i32 to vector<16xi32>
        %shift_left3A_246 = arith.shli %convert_element_type3A_243, %shift_left3A_245 : vector<16xi32>
        %add3A_247 = arith.constant 176 : i32
        %add3A_248 = vector.broadcast %add3A_247 : i32 to vector<16xi32>
        %add3A_249 = arith.addi %iota3A, %add3A_248 : vector<16xi32>
        %or3A_250 = arith.ori %shift_left3A_246, %add3A_249 : vector<16xi32>
        %mul3A_251 = arith.constant 0x4B000000 : f32
        %mul3A_252 = vector.broadcast %mul3A_251 : f32 to vector<16xf32>
        %mul3A_253 = arith.mulf %get3A_118, %mul3A_252 : vector<16xf32>
        %convert_element_type3A_254 = arith.fptosi %mul3A_253 : vector<16xf32> to vector<16xi32>
        %shift_left3A_255 = arith.constant 8 : i32
        %shift_left3A_256 = vector.broadcast %shift_left3A_255 : i32 to vector<16xi32>
        %shift_left3A_257 = arith.shli %convert_element_type3A_254, %shift_left3A_256 : vector<16xi32>
        %add3A_258 = arith.constant 184 : i32
        %add3A_259 = vector.broadcast %add3A_258 : i32 to vector<16xi32>
        %add3A_260 = arith.addi %iota3A, %add3A_259 : vector<16xi32>
        %or3A_261 = arith.ori %shift_left3A_257, %add3A_260 : vector<16xi32>
        %jit3A = arith.constant 2147483647 : i32
        %broadcast_in_dim3A_262 = vector.broadcast %jit3A : i32 to vector<16xi32>
        %select_n3A = arith.select %ge3A_120, %or3A_261, %broadcast_in_dim3A_262 : vector<16xi1>, vector<16xi32>
        %sort3A = arith.constant dense<true> : vector<16xi1>
        %sort3A_263, %sort3A_264, %sort3A_265 = tpu.sort %or3A, %or3A masked %sort3A : (vector<16xi32>, vector<16xi32>, vector<16xi1>) -> (vector<16xi1>, vector<16xi32>, vector<16xi32>)
        %sort3A_266 = arith.constant dense<true> : vector<16xi1>
        %sort3A_267, %sort3A_268, %sort3A_269 = tpu.sort %or3A_140, %or3A_140 masked %sort3A_266 : (vector<16xi32>, vector<16xi32>, vector<16xi1>) -> (vector<16xi1>, vector<16xi32>, vector<16xi32>)
        %sort3A_270 = arith.constant dense<true> : vector<16xi1>
        %sort3A_271, %sort3A_272, %sort3A_273 = tpu.sort %or3A_151, %or3A_151 masked %sort3A_270 : (vector<16xi32>, vector<16xi32>, vector<16xi1>) -> (vector<16xi1>, vector<16xi32>, vector<16xi32>)
        %sort3A_274 = arith.constant dense<true> : vector<16xi1>
        %sort3A_275, %sort3A_276, %sort3A_277 = tpu.sort %or3A_162, %or3A_162 masked %sort3A_274 : (vector<16xi32>, vector<16xi32>, vector<16xi1>) -> (vector<16xi1>, vector<16xi32>, vector<16xi32>)
        %sort3A_278 = arith.constant dense<true> : vector<16xi1>
        %sort3A_279, %sort3A_280, %sort3A_281 = tpu.sort %or3A_173, %or3A_173 masked %sort3A_278 : (vector<16xi32>, vector<16xi32>, vector<16xi1>) -> (vector<16xi1>, vector<16xi32>, vector<16xi32>)
        %sort3A_282 = arith.constant dense<true> : vector<16xi1>
        %sort3A_283, %sort3A_284, %sort3A_285 = tpu.sort %or3A_184, %or3A_184 masked %sort3A_282 : (vector<16xi32>, vector<16xi32>, vector<16xi1>) -> (vector<16xi1>, vector<16xi32>, vector<16xi32>)
        %sort3A_286 = arith.constant dense<true> : vector<16xi1>
        %sort3A_287, %sort3A_288, %sort3A_289 = tpu.sort %or3A_195, %or3A_195 masked %sort3A_286 : (vector<16xi32>, vector<16xi32>, vector<16xi1>) -> (vector<16xi1>, vector<16xi32>, vector<16xi32>)
        %sort3A_290 = arith.constant dense<true> : vector<16xi1>
        %sort3A_291, %sort3A_292, %sort3A_293 = tpu.sort %or3A_206, %or3A_206 masked %sort3A_290 : (vector<16xi32>, vector<16xi32>, vector<16xi1>) -> (vector<16xi1>, vector<16xi32>, vector<16xi32>)
        %sort3A_294 = arith.constant dense<true> : vector<16xi1>
        %sort3A_295, %sort3A_296, %sort3A_297 = tpu.sort %or3A_217, %or3A_217 masked %sort3A_294 : (vector<16xi32>, vector<16xi32>, vector<16xi1>) -> (vector<16xi1>, vector<16xi32>, vector<16xi32>)
        %sort3A_298 = arith.constant dense<true> : vector<16xi1>
        %sort3A_299, %sort3A_300, %sort3A_301 = tpu.sort %or3A_228, %or3A_228 masked %sort3A_298 : (vector<16xi32>, vector<16xi32>, vector<16xi1>) -> (vector<16xi1>, vector<16xi32>, vector<16xi32>)
        %sort3A_302 = arith.constant dense<true> : vector<16xi1>
        %sort3A_303, %sort3A_304, %sort3A_305 = tpu.sort %or3A_239, %or3A_239 masked %sort3A_302 : (vector<16xi32>, vector<16xi32>, vector<16xi1>) -> (vector<16xi1>, vector<16xi32>, vector<16xi32>)
        %sort3A_306 = arith.constant dense<true> : vector<16xi1>
        %sort3A_307, %sort3A_308, %sort3A_309 = tpu.sort %or3A_250, %or3A_250 masked %sort3A_306 : (vector<16xi32>, vector<16xi32>, vector<16xi1>) -> (vector<16xi1>, vector<16xi32>, vector<16xi32>)
        %sort3A_310 = arith.constant dense<true> : vector<16xi1>
        %sort3A_311, %sort3A_312, %sort3A_313 = tpu.sort %select_n3A, %select_n3A masked %sort3A_310 : (vector<16xi32>, vector<16xi32>, vector<16xi1>) -> (vector<16xi1>, vector<16xi32>, vector<16xi32>)
        %rev3A = arith.constant 15 : i32
        %rev3A_314 = vector.broadcast %rev3A : i32 to vector<16xi32>
        %rev3A_315 = tpu.iota {dimensions = array<i32: 0>} : vector<16xi32>
        %rev3A_316 = arith.subi %rev3A_314, %rev3A_315 : vector<16xi32>
        %rev3A_317 = tpu.dynamic_gather %sort3A_268[%rev3A_316] in [0] : vector<16xi32>, vector<16xi32> -> vector<16xi32>
        %min3A = arith.minsi %sort3A_264, %rev3A_317 : vector<16xi32>
        %max3A = arith.maxsi %sort3A_264, %rev3A_317 : vector<16xi32>
        %sort3A_318 = arith.constant dense<true> : vector<16xi1>
        %sort3A_319, %sort3A_320, %sort3A_321 = tpu.sort %min3A, %min3A masked %sort3A_318 : (vector<16xi32>, vector<16xi32>, vector<16xi1>) -> (vector<16xi1>, vector<16xi32>, vector<16xi32>)
        %sort3A_322 = arith.constant dense<true> : vector<16xi1>
        %sort3A_323, %sort3A_324, %sort3A_325 = tpu.sort %max3A, %max3A masked %sort3A_322 : (vector<16xi32>, vector<16xi32>, vector<16xi1>) -> (vector<16xi1>, vector<16xi32>, vector<16xi32>)
        %rev3A_326 = arith.constant 15 : i32
        %rev3A_327 = vector.broadcast %rev3A_326 : i32 to vector<16xi32>
        %rev3A_328 = tpu.iota {dimensions = array<i32: 0>} : vector<16xi32>
        %rev3A_329 = arith.subi %rev3A_327, %rev3A_328 : vector<16xi32>
        %rev3A_330 = tpu.dynamic_gather %sort3A_276[%rev3A_329] in [0] : vector<16xi32>, vector<16xi32> -> vector<16xi32>
        %min3A_331 = arith.minsi %sort3A_272, %rev3A_330 : vector<16xi32>
        %max3A_332 = arith.maxsi %sort3A_272, %rev3A_330 : vector<16xi32>
        %sort3A_333 = arith.constant dense<true> : vector<16xi1>
        %sort3A_334, %sort3A_335, %sort3A_336 = tpu.sort %min3A_331, %min3A_331 masked %sort3A_333 : (vector<16xi32>, vector<16xi32>, vector<16xi1>) -> (vector<16xi1>, vector<16xi32>, vector<16xi32>)
        %sort3A_337 = arith.constant dense<true> : vector<16xi1>
        %sort3A_338, %sort3A_339, %sort3A_340 = tpu.sort %max3A_332, %max3A_332 masked %sort3A_337 : (vector<16xi32>, vector<16xi32>, vector<16xi1>) -> (vector<16xi1>, vector<16xi32>, vector<16xi32>)
        %rev3A_341 = arith.constant 15 : i32
        %rev3A_342 = vector.broadcast %rev3A_341 : i32 to vector<16xi32>
        %rev3A_343 = tpu.iota {dimensions = array<i32: 0>} : vector<16xi32>
        %rev3A_344 = arith.subi %rev3A_342, %rev3A_343 : vector<16xi32>
        %rev3A_345 = tpu.dynamic_gather %sort3A_284[%rev3A_344] in [0] : vector<16xi32>, vector<16xi32> -> vector<16xi32>
        %min3A_346 = arith.minsi %sort3A_280, %rev3A_345 : vector<16xi32>
        %max3A_347 = arith.maxsi %sort3A_280, %rev3A_345 : vector<16xi32>
        %sort3A_348 = arith.constant dense<true> : vector<16xi1>
        %sort3A_349, %sort3A_350, %sort3A_351 = tpu.sort %min3A_346, %min3A_346 masked %sort3A_348 : (vector<16xi32>, vector<16xi32>, vector<16xi1>) -> (vector<16xi1>, vector<16xi32>, vector<16xi32>)
        %sort3A_352 = arith.constant dense<true> : vector<16xi1>
        %sort3A_353, %sort3A_354, %sort3A_355 = tpu.sort %max3A_347, %max3A_347 masked %sort3A_352 : (vector<16xi32>, vector<16xi32>, vector<16xi1>) -> (vector<16xi1>, vector<16xi32>, vector<16xi32>)
        %rev3A_356 = arith.constant 15 : i32
        %rev3A_357 = vector.broadcast %rev3A_356 : i32 to vector<16xi32>
        %rev3A_358 = tpu.iota {dimensions = array<i32: 0>} : vector<16xi32>
        %rev3A_359 = arith.subi %rev3A_357, %rev3A_358 : vector<16xi32>
        %rev3A_360 = tpu.dynamic_gather %sort3A_292[%rev3A_359] in [0] : vector<16xi32>, vector<16xi32> -> vector<16xi32>
        %min3A_361 = arith.minsi %sort3A_288, %rev3A_360 : vector<16xi32>
        %max3A_362 = arith.maxsi %sort3A_288, %rev3A_360 : vector<16xi32>
        %sort3A_363 = arith.constant dense<true> : vector<16xi1>
        %sort3A_364, %sort3A_365, %sort3A_366 = tpu.sort %min3A_361, %min3A_361 masked %sort3A_363 : (vector<16xi32>, vector<16xi32>, vector<16xi1>) -> (vector<16xi1>, vector<16xi32>, vector<16xi32>)
        %sort3A_367 = arith.constant dense<true> : vector<16xi1>
        %sort3A_368, %sort3A_369, %sort3A_370 = tpu.sort %max3A_362, %max3A_362 masked %sort3A_367 : (vector<16xi32>, vector<16xi32>, vector<16xi1>) -> (vector<16xi1>, vector<16xi32>, vector<16xi32>)
        %rev3A_371 = arith.constant 15 : i32
        %rev3A_372 = vector.broadcast %rev3A_371 : i32 to vector<16xi32>
        %rev3A_373 = tpu.iota {dimensions = array<i32: 0>} : vector<16xi32>
        %rev3A_374 = arith.subi %rev3A_372, %rev3A_373 : vector<16xi32>
        %rev3A_375 = tpu.dynamic_gather %sort3A_300[%rev3A_374] in [0] : vector<16xi32>, vector<16xi32> -> vector<16xi32>
        %min3A_376 = arith.minsi %sort3A_296, %rev3A_375 : vector<16xi32>
        %max3A_377 = arith.maxsi %sort3A_296, %rev3A_375 : vector<16xi32>
        %sort3A_378 = arith.constant dense<true> : vector<16xi1>
        %sort3A_379, %sort3A_380, %sort3A_381 = tpu.sort %min3A_376, %min3A_376 masked %sort3A_378 : (vector<16xi32>, vector<16xi32>, vector<16xi1>) -> (vector<16xi1>, vector<16xi32>, vector<16xi32>)
        %sort3A_382 = arith.constant dense<true> : vector<16xi1>
        %sort3A_383, %sort3A_384, %sort3A_385 = tpu.sort %max3A_377, %max3A_377 masked %sort3A_382 : (vector<16xi32>, vector<16xi32>, vector<16xi1>) -> (vector<16xi1>, vector<16xi32>, vector<16xi32>)
        %rev3A_386 = arith.constant 15 : i32
        %rev3A_387 = vector.broadcast %rev3A_386 : i32 to vector<16xi32>
        %rev3A_388 = tpu.iota {dimensions = array<i32: 0>} : vector<16xi32>
        %rev3A_389 = arith.subi %rev3A_387, %rev3A_388 : vector<16xi32>
        %rev3A_390 = tpu.dynamic_gather %sort3A_308[%rev3A_389] in [0] : vector<16xi32>, vector<16xi32> -> vector<16xi32>
        %min3A_391 = arith.minsi %sort3A_304, %rev3A_390 : vector<16xi32>
        %max3A_392 = arith.maxsi %sort3A_304, %rev3A_390 : vector<16xi32>
        %sort3A_393 = arith.constant dense<true> : vector<16xi1>
        %sort3A_394, %sort3A_395, %sort3A_396 = tpu.sort %min3A_391, %min3A_391 masked %sort3A_393 : (vector<16xi32>, vector<16xi32>, vector<16xi1>) -> (vector<16xi1>, vector<16xi32>, vector<16xi32>)
        %sort3A_397 = arith.constant dense<true> : vector<16xi1>
        %sort3A_398, %sort3A_399, %sort3A_400 = tpu.sort %max3A_392, %max3A_392 masked %sort3A_397 : (vector<16xi32>, vector<16xi32>, vector<16xi1>) -> (vector<16xi1>, vector<16xi32>, vector<16xi32>)
        %sort3A_401 = arith.constant dense<true> : vector<16xi1>
        %sort3A_402, %sort3A_403, %sort3A_404 = tpu.sort %sort3A_312, %sort3A_312 masked %sort3A_401 : (vector<16xi32>, vector<16xi32>, vector<16xi1>) -> (vector<16xi1>, vector<16xi32>, vector<16xi32>)
        %rev3A_405 = arith.constant 15 : i32
        %rev3A_406 = vector.broadcast %rev3A_405 : i32 to vector<16xi32>
        %rev3A_407 = tpu.iota {dimensions = array<i32: 0>} : vector<16xi32>
        %rev3A_408 = arith.subi %rev3A_406, %rev3A_407 : vector<16xi32>
        %rev3A_409 = tpu.dynamic_gather %sort3A_339[%rev3A_408] in [0] : vector<16xi32>, vector<16xi32> -> vector<16xi32>
        %rev3A_410 = arith.constant 15 : i32
        %rev3A_411 = vector.broadcast %rev3A_410 : i32 to vector<16xi32>
        %rev3A_412 = tpu.iota {dimensions = array<i32: 0>} : vector<16xi32>
        %rev3A_413 = arith.subi %rev3A_411, %rev3A_412 : vector<16xi32>
        %rev3A_414 = tpu.dynamic_gather %sort3A_335[%rev3A_413] in [0] : vector<16xi32>, vector<16xi32> -> vector<16xi32>
        %min3A_415 = arith.minsi %sort3A_320, %rev3A_409 : vector<16xi32>
        %max3A_416 = arith.maxsi %sort3A_320, %rev3A_409 : vector<16xi32>
        %min3A_417 = arith.minsi %sort3A_324, %rev3A_414 : vector<16xi32>
        %max3A_418 = arith.maxsi %sort3A_324, %rev3A_414 : vector<16xi32>
        %min3A_419 = arith.minsi %min3A_415, %min3A_417 : vector<16xi32>
        %max3A_420 = arith.maxsi %min3A_415, %min3A_417 : vector<16xi32>
        %min3A_421 = arith.minsi %max3A_416, %max3A_418 : vector<16xi32>
        %max3A_422 = arith.maxsi %max3A_416, %max3A_418 : vector<16xi32>
        %sort3A_423 = arith.constant dense<true> : vector<16xi1>
        %sort3A_424, %sort3A_425, %sort3A_426 = tpu.sort %min3A_419, %min3A_419 masked %sort3A_423 : (vector<16xi32>, vector<16xi32>, vector<16xi1>) -> (vector<16xi1>, vector<16xi32>, vector<16xi32>)
        %sort3A_427 = arith.constant dense<true> : vector<16xi1>
        %sort3A_428, %sort3A_429, %sort3A_430 = tpu.sort %max3A_420, %max3A_420 masked %sort3A_427 : (vector<16xi32>, vector<16xi32>, vector<16xi1>) -> (vector<16xi1>, vector<16xi32>, vector<16xi32>)
        %sort3A_431 = arith.constant dense<true> : vector<16xi1>
        %sort3A_432, %sort3A_433, %sort3A_434 = tpu.sort %min3A_421, %min3A_421 masked %sort3A_431 : (vector<16xi32>, vector<16xi32>, vector<16xi1>) -> (vector<16xi1>, vector<16xi32>, vector<16xi32>)
        %sort3A_435 = arith.constant dense<true> : vector<16xi1>
        %sort3A_436, %sort3A_437, %sort3A_438 = tpu.sort %max3A_422, %max3A_422 masked %sort3A_435 : (vector<16xi32>, vector<16xi32>, vector<16xi1>) -> (vector<16xi1>, vector<16xi32>, vector<16xi32>)
        %rev3A_439 = arith.constant 15 : i32
        %rev3A_440 = vector.broadcast %rev3A_439 : i32 to vector<16xi32>
        %rev3A_441 = tpu.iota {dimensions = array<i32: 0>} : vector<16xi32>
        %rev3A_442 = arith.subi %rev3A_440, %rev3A_441 : vector<16xi32>
        %rev3A_443 = tpu.dynamic_gather %sort3A_369[%rev3A_442] in [0] : vector<16xi32>, vector<16xi32> -> vector<16xi32>
        %rev3A_444 = arith.constant 15 : i32
        %rev3A_445 = vector.broadcast %rev3A_444 : i32 to vector<16xi32>
        %rev3A_446 = tpu.iota {dimensions = array<i32: 0>} : vector<16xi32>
        %rev3A_447 = arith.subi %rev3A_445, %rev3A_446 : vector<16xi32>
        %rev3A_448 = tpu.dynamic_gather %sort3A_365[%rev3A_447] in [0] : vector<16xi32>, vector<16xi32> -> vector<16xi32>
        %min3A_449 = arith.minsi %sort3A_350, %rev3A_443 : vector<16xi32>
        %max3A_450 = arith.maxsi %sort3A_350, %rev3A_443 : vector<16xi32>
        %min3A_451 = arith.minsi %sort3A_354, %rev3A_448 : vector<16xi32>
        %max3A_452 = arith.maxsi %sort3A_354, %rev3A_448 : vector<16xi32>
        %min3A_453 = arith.minsi %min3A_449, %min3A_451 : vector<16xi32>
        %max3A_454 = arith.maxsi %min3A_449, %min3A_451 : vector<16xi32>
        %min3A_455 = arith.minsi %max3A_450, %max3A_452 : vector<16xi32>
        %max3A_456 = arith.maxsi %max3A_450, %max3A_452 : vector<16xi32>
        %sort3A_457 = arith.constant dense<true> : vector<16xi1>
        %sort3A_458, %sort3A_459, %sort3A_460 = tpu.sort %min3A_453, %min3A_453 masked %sort3A_457 : (vector<16xi32>, vector<16xi32>, vector<16xi1>) -> (vector<16xi1>, vector<16xi32>, vector<16xi32>)
        %sort3A_461 = arith.constant dense<true> : vector<16xi1>
        %sort3A_462, %sort3A_463, %sort3A_464 = tpu.sort %max3A_454, %max3A_454 masked %sort3A_461 : (vector<16xi32>, vector<16xi32>, vector<16xi1>) -> (vector<16xi1>, vector<16xi32>, vector<16xi32>)
        %sort3A_465 = arith.constant dense<true> : vector<16xi1>
        %sort3A_466, %sort3A_467, %sort3A_468 = tpu.sort %min3A_455, %min3A_455 masked %sort3A_465 : (vector<16xi32>, vector<16xi32>, vector<16xi1>) -> (vector<16xi1>, vector<16xi32>, vector<16xi32>)
        %sort3A_469 = arith.constant dense<true> : vector<16xi1>
        %sort3A_470, %sort3A_471, %sort3A_472 = tpu.sort %max3A_456, %max3A_456 masked %sort3A_469 : (vector<16xi32>, vector<16xi32>, vector<16xi1>) -> (vector<16xi1>, vector<16xi32>, vector<16xi32>)
        %rev3A_473 = arith.constant 15 : i32
        %rev3A_474 = vector.broadcast %rev3A_473 : i32 to vector<16xi32>
        %rev3A_475 = tpu.iota {dimensions = array<i32: 0>} : vector<16xi32>
        %rev3A_476 = arith.subi %rev3A_474, %rev3A_475 : vector<16xi32>
        %rev3A_477 = tpu.dynamic_gather %sort3A_399[%rev3A_476] in [0] : vector<16xi32>, vector<16xi32> -> vector<16xi32>
        %rev3A_478 = arith.constant 15 : i32
        %rev3A_479 = vector.broadcast %rev3A_478 : i32 to vector<16xi32>
        %rev3A_480 = tpu.iota {dimensions = array<i32: 0>} : vector<16xi32>
        %rev3A_481 = arith.subi %rev3A_479, %rev3A_480 : vector<16xi32>
        %rev3A_482 = tpu.dynamic_gather %sort3A_395[%rev3A_481] in [0] : vector<16xi32>, vector<16xi32> -> vector<16xi32>
        %min3A_483 = arith.minsi %sort3A_380, %rev3A_477 : vector<16xi32>
        %max3A_484 = arith.maxsi %sort3A_380, %rev3A_477 : vector<16xi32>
        %min3A_485 = arith.minsi %sort3A_384, %rev3A_482 : vector<16xi32>
        %max3A_486 = arith.maxsi %sort3A_384, %rev3A_482 : vector<16xi32>
        %min3A_487 = arith.minsi %min3A_483, %min3A_485 : vector<16xi32>
        %max3A_488 = arith.maxsi %min3A_483, %min3A_485 : vector<16xi32>
        %min3A_489 = arith.minsi %max3A_484, %max3A_486 : vector<16xi32>
        %max3A_490 = arith.maxsi %max3A_484, %max3A_486 : vector<16xi32>
        %sort3A_491 = arith.constant dense<true> : vector<16xi1>
        %sort3A_492, %sort3A_493, %sort3A_494 = tpu.sort %min3A_487, %min3A_487 masked %sort3A_491 : (vector<16xi32>, vector<16xi32>, vector<16xi1>) -> (vector<16xi1>, vector<16xi32>, vector<16xi32>)
        %sort3A_495 = arith.constant dense<true> : vector<16xi1>
        %sort3A_496, %sort3A_497, %sort3A_498 = tpu.sort %max3A_488, %max3A_488 masked %sort3A_495 : (vector<16xi32>, vector<16xi32>, vector<16xi1>) -> (vector<16xi1>, vector<16xi32>, vector<16xi32>)
        %sort3A_499 = arith.constant dense<true> : vector<16xi1>
        %sort3A_500, %sort3A_501, %sort3A_502 = tpu.sort %min3A_489, %min3A_489 masked %sort3A_499 : (vector<16xi32>, vector<16xi32>, vector<16xi1>) -> (vector<16xi1>, vector<16xi32>, vector<16xi32>)
        %sort3A_503 = arith.constant dense<true> : vector<16xi1>
        %sort3A_504, %sort3A_505, %sort3A_506 = tpu.sort %max3A_490, %max3A_490 masked %sort3A_503 : (vector<16xi32>, vector<16xi32>, vector<16xi1>) -> (vector<16xi1>, vector<16xi32>, vector<16xi32>)
        %sort3A_507 = arith.constant dense<true> : vector<16xi1>
        %sort3A_508, %sort3A_509, %sort3A_510 = tpu.sort %sort3A_403, %sort3A_403 masked %sort3A_507 : (vector<16xi32>, vector<16xi32>, vector<16xi1>) -> (vector<16xi1>, vector<16xi32>, vector<16xi32>)
        %rev3A_511 = arith.constant 15 : i32
        %rev3A_512 = vector.broadcast %rev3A_511 : i32 to vector<16xi32>
        %rev3A_513 = tpu.iota {dimensions = array<i32: 0>} : vector<16xi32>
        %rev3A_514 = arith.subi %rev3A_512, %rev3A_513 : vector<16xi32>
        %rev3A_515 = tpu.dynamic_gather %sort3A_471[%rev3A_514] in [0] : vector<16xi32>, vector<16xi32> -> vector<16xi32>
        %rev3A_516 = arith.constant 15 : i32
        %rev3A_517 = vector.broadcast %rev3A_516 : i32 to vector<16xi32>
        %rev3A_518 = tpu.iota {dimensions = array<i32: 0>} : vector<16xi32>
        %rev3A_519 = arith.subi %rev3A_517, %rev3A_518 : vector<16xi32>
        %rev3A_520 = tpu.dynamic_gather %sort3A_467[%rev3A_519] in [0] : vector<16xi32>, vector<16xi32> -> vector<16xi32>
        %rev3A_521 = arith.constant 15 : i32
        %rev3A_522 = vector.broadcast %rev3A_521 : i32 to vector<16xi32>
        %rev3A_523 = tpu.iota {dimensions = array<i32: 0>} : vector<16xi32>
        %rev3A_524 = arith.subi %rev3A_522, %rev3A_523 : vector<16xi32>
        %rev3A_525 = tpu.dynamic_gather %sort3A_463[%rev3A_524] in [0] : vector<16xi32>, vector<16xi32> -> vector<16xi32>
        %rev3A_526 = arith.constant 15 : i32
        %rev3A_527 = vector.broadcast %rev3A_526 : i32 to vector<16xi32>
        %rev3A_528 = tpu.iota {dimensions = array<i32: 0>} : vector<16xi32>
        %rev3A_529 = arith.subi %rev3A_527, %rev3A_528 : vector<16xi32>
        %rev3A_530 = tpu.dynamic_gather %sort3A_459[%rev3A_529] in [0] : vector<16xi32>, vector<16xi32> -> vector<16xi32>
        %min3A_531 = arith.minsi %sort3A_425, %rev3A_515 : vector<16xi32>
        %max3A_532 = arith.maxsi %sort3A_425, %rev3A_515 : vector<16xi32>
        %min3A_533 = arith.minsi %sort3A_429, %rev3A_520 : vector<16xi32>
        %max3A_534 = arith.maxsi %sort3A_429, %rev3A_520 : vector<16xi32>
        %min3A_535 = arith.minsi %sort3A_433, %rev3A_525 : vector<16xi32>
        %max3A_536 = arith.maxsi %sort3A_433, %rev3A_525 : vector<16xi32>
        %min3A_537 = arith.minsi %sort3A_437, %rev3A_530 : vector<16xi32>
        %max3A_538 = arith.maxsi %sort3A_437, %rev3A_530 : vector<16xi32>
        %min3A_539 = arith.minsi %min3A_531, %min3A_535 : vector<16xi32>
        %max3A_540 = arith.maxsi %min3A_531, %min3A_535 : vector<16xi32>
        %min3A_541 = arith.minsi %min3A_533, %min3A_537 : vector<16xi32>
        %max3A_542 = arith.maxsi %min3A_533, %min3A_537 : vector<16xi32>
        %min3A_543 = arith.minsi %max3A_532, %max3A_536 : vector<16xi32>
        %max3A_544 = arith.maxsi %max3A_532, %max3A_536 : vector<16xi32>
        %min3A_545 = arith.minsi %max3A_534, %max3A_538 : vector<16xi32>
        %max3A_546 = arith.maxsi %max3A_534, %max3A_538 : vector<16xi32>
        %min3A_547 = arith.minsi %min3A_539, %min3A_541 : vector<16xi32>
        %max3A_548 = arith.maxsi %min3A_539, %min3A_541 : vector<16xi32>
        %min3A_549 = arith.minsi %max3A_540, %max3A_542 : vector<16xi32>
        %max3A_550 = arith.maxsi %max3A_540, %max3A_542 : vector<16xi32>
        %min3A_551 = arith.minsi %min3A_543, %min3A_545 : vector<16xi32>
        %max3A_552 = arith.maxsi %min3A_543, %min3A_545 : vector<16xi32>
        %min3A_553 = arith.minsi %max3A_544, %max3A_546 : vector<16xi32>
        %max3A_554 = arith.maxsi %max3A_544, %max3A_546 : vector<16xi32>
        %sort3A_555 = arith.constant dense<true> : vector<16xi1>
        %sort3A_556, %sort3A_557, %sort3A_558 = tpu.sort %min3A_547, %min3A_547 masked %sort3A_555 : (vector<16xi32>, vector<16xi32>, vector<16xi1>) -> (vector<16xi1>, vector<16xi32>, vector<16xi32>)
        %sort3A_559 = arith.constant dense<true> : vector<16xi1>
        %sort3A_560, %sort3A_561, %sort3A_562 = tpu.sort %max3A_548, %max3A_548 masked %sort3A_559 : (vector<16xi32>, vector<16xi32>, vector<16xi1>) -> (vector<16xi1>, vector<16xi32>, vector<16xi32>)
        %sort3A_563 = arith.constant dense<true> : vector<16xi1>
        %sort3A_564, %sort3A_565, %sort3A_566 = tpu.sort %min3A_549, %min3A_549 masked %sort3A_563 : (vector<16xi32>, vector<16xi32>, vector<16xi1>) -> (vector<16xi1>, vector<16xi32>, vector<16xi32>)
        %sort3A_567 = arith.constant dense<true> : vector<16xi1>
        %sort3A_568, %sort3A_569, %sort3A_570 = tpu.sort %max3A_550, %max3A_550 masked %sort3A_567 : (vector<16xi32>, vector<16xi32>, vector<16xi1>) -> (vector<16xi1>, vector<16xi32>, vector<16xi32>)
        %sort3A_571 = arith.constant dense<true> : vector<16xi1>
        %sort3A_572, %sort3A_573, %sort3A_574 = tpu.sort %min3A_551, %min3A_551 masked %sort3A_571 : (vector<16xi32>, vector<16xi32>, vector<16xi1>) -> (vector<16xi1>, vector<16xi32>, vector<16xi32>)
        %sort3A_575 = arith.constant dense<true> : vector<16xi1>
        %sort3A_576, %sort3A_577, %sort3A_578 = tpu.sort %max3A_552, %max3A_552 masked %sort3A_575 : (vector<16xi32>, vector<16xi32>, vector<16xi1>) -> (vector<16xi1>, vector<16xi32>, vector<16xi32>)
        %sort3A_579 = arith.constant dense<true> : vector<16xi1>
        %sort3A_580, %sort3A_581, %sort3A_582 = tpu.sort %min3A_553, %min3A_553 masked %sort3A_579 : (vector<16xi32>, vector<16xi32>, vector<16xi1>) -> (vector<16xi1>, vector<16xi32>, vector<16xi32>)
        %sort3A_583 = arith.constant dense<true> : vector<16xi1>
        %sort3A_584, %sort3A_585, %sort3A_586 = tpu.sort %max3A_554, %max3A_554 masked %sort3A_583 : (vector<16xi32>, vector<16xi32>, vector<16xi1>) -> (vector<16xi1>, vector<16xi32>, vector<16xi32>)
        %rev3A_587 = arith.constant 15 : i32
        %rev3A_588 = vector.broadcast %rev3A_587 : i32 to vector<16xi32>
        %rev3A_589 = tpu.iota {dimensions = array<i32: 0>} : vector<16xi32>
        %rev3A_590 = arith.subi %rev3A_588, %rev3A_589 : vector<16xi32>
        %rev3A_591 = tpu.dynamic_gather %sort3A_509[%rev3A_590] in [0] : vector<16xi32>, vector<16xi32> -> vector<16xi32>
        %min3A_592 = arith.minsi %sort3A_505, %rev3A_591 : vector<16xi32>
        %max3A_593 = arith.maxsi %sort3A_505, %rev3A_591 : vector<16xi32>
        %min3A_594 = arith.minsi %sort3A_493, %sort3A_501 : vector<16xi32>
        %max3A_595 = arith.maxsi %sort3A_493, %sort3A_501 : vector<16xi32>
        %min3A_596 = arith.minsi %sort3A_497, %min3A_592 : vector<16xi32>
        %max3A_597 = arith.maxsi %sort3A_497, %min3A_592 : vector<16xi32>
        %min3A_598 = arith.minsi %min3A_594, %min3A_596 : vector<16xi32>
        %max3A_599 = arith.maxsi %min3A_594, %min3A_596 : vector<16xi32>
        %min3A_600 = arith.minsi %max3A_595, %max3A_597 : vector<16xi32>
        %max3A_601 = arith.maxsi %max3A_595, %max3A_597 : vector<16xi32>
        %sort3A_602 = arith.constant dense<true> : vector<16xi1>
        %sort3A_603, %sort3A_604, %sort3A_605 = tpu.sort %min3A_598, %min3A_598 masked %sort3A_602 : (vector<16xi32>, vector<16xi32>, vector<16xi1>) -> (vector<16xi1>, vector<16xi32>, vector<16xi32>)
        %sort3A_606 = arith.constant dense<true> : vector<16xi1>
        %sort3A_607, %sort3A_608, %sort3A_609 = tpu.sort %max3A_599, %max3A_599 masked %sort3A_606 : (vector<16xi32>, vector<16xi32>, vector<16xi1>) -> (vector<16xi1>, vector<16xi32>, vector<16xi32>)
        %sort3A_610 = arith.constant dense<true> : vector<16xi1>
        %sort3A_611, %sort3A_612, %sort3A_613 = tpu.sort %min3A_600, %min3A_600 masked %sort3A_610 : (vector<16xi32>, vector<16xi32>, vector<16xi1>) -> (vector<16xi1>, vector<16xi32>, vector<16xi32>)
        %sort3A_614 = arith.constant dense<true> : vector<16xi1>
        %sort3A_615, %sort3A_616, %sort3A_617 = tpu.sort %max3A_601, %max3A_601 masked %sort3A_614 : (vector<16xi32>, vector<16xi32>, vector<16xi1>) -> (vector<16xi1>, vector<16xi32>, vector<16xi32>)
        %sort3A_618 = arith.constant dense<true> : vector<16xi1>
        %sort3A_619, %sort3A_620, %sort3A_621 = tpu.sort %max3A_593, %max3A_593 masked %sort3A_618 : (vector<16xi32>, vector<16xi32>, vector<16xi1>) -> (vector<16xi1>, vector<16xi32>, vector<16xi32>)
        %rev3A_622 = arith.constant 15 : i32
        %rev3A_623 = vector.broadcast %rev3A_622 : i32 to vector<16xi32>
        %rev3A_624 = tpu.iota {dimensions = array<i32: 0>} : vector<16xi32>
        %rev3A_625 = arith.subi %rev3A_623, %rev3A_624 : vector<16xi32>
        %rev3A_626 = tpu.dynamic_gather %sort3A_620[%rev3A_625] in [0] : vector<16xi32>, vector<16xi32> -> vector<16xi32>
        %rev3A_627 = arith.constant 15 : i32
        %rev3A_628 = vector.broadcast %rev3A_627 : i32 to vector<16xi32>
        %rev3A_629 = tpu.iota {dimensions = array<i32: 0>} : vector<16xi32>
        %rev3A_630 = arith.subi %rev3A_628, %rev3A_629 : vector<16xi32>
        %rev3A_631 = tpu.dynamic_gather %sort3A_616[%rev3A_630] in [0] : vector<16xi32>, vector<16xi32> -> vector<16xi32>
        %rev3A_632 = arith.constant 15 : i32
        %rev3A_633 = vector.broadcast %rev3A_632 : i32 to vector<16xi32>
        %rev3A_634 = tpu.iota {dimensions = array<i32: 0>} : vector<16xi32>
        %rev3A_635 = arith.subi %rev3A_633, %rev3A_634 : vector<16xi32>
        %rev3A_636 = tpu.dynamic_gather %sort3A_612[%rev3A_635] in [0] : vector<16xi32>, vector<16xi32> -> vector<16xi32>
        %rev3A_637 = arith.constant 15 : i32
        %rev3A_638 = vector.broadcast %rev3A_637 : i32 to vector<16xi32>
        %rev3A_639 = tpu.iota {dimensions = array<i32: 0>} : vector<16xi32>
        %rev3A_640 = arith.subi %rev3A_638, %rev3A_639 : vector<16xi32>
        %rev3A_641 = tpu.dynamic_gather %sort3A_608[%rev3A_640] in [0] : vector<16xi32>, vector<16xi32> -> vector<16xi32>
        %rev3A_642 = arith.constant 15 : i32
        %rev3A_643 = vector.broadcast %rev3A_642 : i32 to vector<16xi32>
        %rev3A_644 = tpu.iota {dimensions = array<i32: 0>} : vector<16xi32>
        %rev3A_645 = arith.subi %rev3A_643, %rev3A_644 : vector<16xi32>
        %rev3A_646 = tpu.dynamic_gather %sort3A_604[%rev3A_645] in [0] : vector<16xi32>, vector<16xi32> -> vector<16xi32>
        %min3A_647 = arith.minsi %sort3A_569, %rev3A_626 : vector<16xi32>
        %max3A_648 = arith.maxsi %sort3A_569, %rev3A_626 : vector<16xi32>
        %min3A_649 = arith.minsi %sort3A_573, %rev3A_631 : vector<16xi32>
        %max3A_650 = arith.maxsi %sort3A_573, %rev3A_631 : vector<16xi32>
        %min3A_651 = arith.minsi %sort3A_577, %rev3A_636 : vector<16xi32>
        %max3A_652 = arith.maxsi %sort3A_577, %rev3A_636 : vector<16xi32>
        %min3A_653 = arith.minsi %sort3A_581, %rev3A_641 : vector<16xi32>
        %max3A_654 = arith.maxsi %sort3A_581, %rev3A_641 : vector<16xi32>
        %min3A_655 = arith.minsi %sort3A_585, %rev3A_646 : vector<16xi32>
        %max3A_656 = arith.maxsi %sort3A_585, %rev3A_646 : vector<16xi32>
        %min3A_657 = arith.minsi %sort3A_557, %min3A_649 : vector<16xi32>
        %max3A_658 = arith.maxsi %sort3A_557, %min3A_649 : vector<16xi32>
        %min3A_659 = arith.minsi %sort3A_561, %min3A_651 : vector<16xi32>
        %max3A_660 = arith.maxsi %sort3A_561, %min3A_651 : vector<16xi32>
        %min3A_661 = arith.minsi %sort3A_565, %min3A_653 : vector<16xi32>
        %max3A_662 = arith.maxsi %sort3A_565, %min3A_653 : vector<16xi32>
        %min3A_663 = arith.minsi %min3A_647, %min3A_655 : vector<16xi32>
        %max3A_664 = arith.maxsi %min3A_647, %min3A_655 : vector<16xi32>
        %min3A_665 = arith.minsi %max3A_648, %max3A_656 : vector<16xi32>
        %max3A_666 = arith.maxsi %max3A_648, %max3A_656 : vector<16xi32>
        %min3A_667 = arith.minsi %min3A_657, %min3A_661 : vector<16xi32>
        %max3A_668 = arith.maxsi %min3A_657, %min3A_661 : vector<16xi32>
        %min3A_669 = arith.minsi %min3A_659, %min3A_663 : vector<16xi32>
        %max3A_670 = arith.maxsi %min3A_659, %min3A_663 : vector<16xi32>
        %min3A_671 = arith.minsi %max3A_658, %max3A_662 : vector<16xi32>
        %max3A_672 = arith.maxsi %max3A_658, %max3A_662 : vector<16xi32>
        %min3A_673 = arith.minsi %max3A_660, %max3A_664 : vector<16xi32>
        %max3A_674 = arith.maxsi %max3A_660, %max3A_664 : vector<16xi32>
        %min3A_675 = arith.minsi %max3A_650, %max3A_654 : vector<16xi32>
        %max3A_676 = arith.maxsi %max3A_650, %max3A_654 : vector<16xi32>
        %min3A_677 = arith.minsi %max3A_652, %min3A_665 : vector<16xi32>
        %max3A_678 = arith.maxsi %max3A_652, %min3A_665 : vector<16xi32>
        %min3A_679 = arith.minsi %min3A_667, %min3A_669 : vector<16xi32>
        %max3A_680 = arith.maxsi %min3A_667, %min3A_669 : vector<16xi32>
        %min3A_681 = arith.minsi %max3A_668, %max3A_670 : vector<16xi32>
        %max3A_682 = arith.maxsi %max3A_668, %max3A_670 : vector<16xi32>
        %min3A_683 = arith.minsi %min3A_671, %min3A_673 : vector<16xi32>
        %max3A_684 = arith.maxsi %min3A_671, %min3A_673 : vector<16xi32>
        %min3A_685 = arith.minsi %max3A_672, %max3A_674 : vector<16xi32>
        %max3A_686 = arith.maxsi %max3A_672, %max3A_674 : vector<16xi32>
        %min3A_687 = arith.minsi %min3A_675, %min3A_677 : vector<16xi32>
        %max3A_688 = arith.maxsi %min3A_675, %min3A_677 : vector<16xi32>
        %min3A_689 = arith.minsi %max3A_676, %max3A_678 : vector<16xi32>
        %max3A_690 = arith.maxsi %max3A_676, %max3A_678 : vector<16xi32>
        %sort3A_691 = arith.constant dense<true> : vector<16xi1>
        %sort3A_692, %sort3A_693, %sort3A_694 = tpu.sort %min3A_679, %min3A_679 masked %sort3A_691 : (vector<16xi32>, vector<16xi32>, vector<16xi1>) -> (vector<16xi1>, vector<16xi32>, vector<16xi32>)
        %sort3A_695 = arith.constant dense<true> : vector<16xi1>
        %sort3A_696, %sort3A_697, %sort3A_698 = tpu.sort %max3A_680, %max3A_680 masked %sort3A_695 : (vector<16xi32>, vector<16xi32>, vector<16xi1>) -> (vector<16xi1>, vector<16xi32>, vector<16xi32>)
        %sort3A_699 = arith.constant dense<true> : vector<16xi1>
        %sort3A_700, %sort3A_701, %sort3A_702 = tpu.sort %min3A_681, %min3A_681 masked %sort3A_699 : (vector<16xi32>, vector<16xi32>, vector<16xi1>) -> (vector<16xi1>, vector<16xi32>, vector<16xi32>)
        %sort3A_703 = arith.constant dense<true> : vector<16xi1>
        %sort3A_704, %sort3A_705, %sort3A_706 = tpu.sort %max3A_682, %max3A_682 masked %sort3A_703 : (vector<16xi32>, vector<16xi32>, vector<16xi1>) -> (vector<16xi1>, vector<16xi32>, vector<16xi32>)
        %sort3A_707 = arith.constant dense<true> : vector<16xi1>
        %sort3A_708, %sort3A_709, %sort3A_710 = tpu.sort %min3A_683, %min3A_683 masked %sort3A_707 : (vector<16xi32>, vector<16xi32>, vector<16xi1>) -> (vector<16xi1>, vector<16xi32>, vector<16xi32>)
        %sort3A_711 = arith.constant dense<true> : vector<16xi1>
        %sort3A_712, %sort3A_713, %sort3A_714 = tpu.sort %max3A_684, %max3A_684 masked %sort3A_711 : (vector<16xi32>, vector<16xi32>, vector<16xi1>) -> (vector<16xi1>, vector<16xi32>, vector<16xi32>)
        %sort3A_715 = arith.constant dense<true> : vector<16xi1>
        %sort3A_716, %sort3A_717, %sort3A_718 = tpu.sort %min3A_685, %min3A_685 masked %sort3A_715 : (vector<16xi32>, vector<16xi32>, vector<16xi1>) -> (vector<16xi1>, vector<16xi32>, vector<16xi32>)
        %sort3A_719 = arith.constant dense<true> : vector<16xi1>
        %sort3A_720, %sort3A_721, %sort3A_722 = tpu.sort %max3A_686, %max3A_686 masked %sort3A_719 : (vector<16xi32>, vector<16xi32>, vector<16xi1>) -> (vector<16xi1>, vector<16xi32>, vector<16xi32>)
        %sort3A_723 = arith.constant dense<true> : vector<16xi1>
        %sort3A_724, %sort3A_725, %sort3A_726 = tpu.sort %min3A_687, %min3A_687 masked %sort3A_723 : (vector<16xi32>, vector<16xi32>, vector<16xi1>) -> (vector<16xi1>, vector<16xi32>, vector<16xi32>)
        %sort3A_727 = arith.constant dense<true> : vector<16xi1>
        %sort3A_728, %sort3A_729, %sort3A_730 = tpu.sort %max3A_688, %max3A_688 masked %sort3A_727 : (vector<16xi32>, vector<16xi32>, vector<16xi1>) -> (vector<16xi1>, vector<16xi32>, vector<16xi32>)
        %sort3A_731 = arith.constant dense<true> : vector<16xi1>
        %sort3A_732, %sort3A_733, %sort3A_734 = tpu.sort %min3A_689, %min3A_689 masked %sort3A_731 : (vector<16xi32>, vector<16xi32>, vector<16xi1>) -> (vector<16xi1>, vector<16xi32>, vector<16xi32>)
        %sort3A_735 = arith.constant dense<true> : vector<16xi1>
        %sort3A_736, %sort3A_737, %sort3A_738 = tpu.sort %max3A_690, %max3A_690 masked %sort3A_735 : (vector<16xi32>, vector<16xi32>, vector<16xi1>) -> (vector<16xi1>, vector<16xi32>, vector<16xi32>)
        %sort3A_739 = arith.constant dense<true> : vector<16xi1>
        %sort3A_740, %sort3A_741, %sort3A_742 = tpu.sort %max3A_666, %max3A_666 masked %sort3A_739 : (vector<16xi32>, vector<16xi32>, vector<16xi1>) -> (vector<16xi1>, vector<16xi32>, vector<16xi32>)
        %broadcast_in_dim3A_743 = arith.constant 15 : i32
        %broadcast_in_dim3A_744 = vector.broadcast %broadcast_in_dim3A_743 : i32 to vector<16xi32>
        %broadcast_in_dim3A_745 = arith.constant 0 : i32
        %broadcast_in_dim3A_746 = vector.broadcast %broadcast_in_dim3A_745 : i32 to vector<16xi32>
        %add3A_747 = vector.broadcast %scan3A_79 : i32 to vector<16xi32>
        %add3A_748 = arith.addi %broadcast_in_dim3A_746, %add3A_747 : vector<16xi32>
        %broadcast_in_dim3A_749 = arith.constant 0.000000e+00 : f32
        %broadcast_in_dim3A_750 = vector.broadcast %broadcast_in_dim3A_749 : f32 to vector<16xf32>
        %and3A = arith.constant 255 : i32
        %and3A_751 = vector.broadcast %and3A : i32 to vector<16xi32>
        %and3A_752 = arith.andi %sort3A_693, %and3A_751 : vector<16xi32>
        %gather3A = tpu.vector_load_idx %arg7[%add3A_748, %and3A_752] : memref<64x200xf32, #tpu.memory_space<vmem>>[vector<16xi32>, vector<16xi32>], vector<16xf32>,
        %exp3A = math.exp %gather3A : vector<16xf32>
        %broadcast_in_dim3A_753 = arith.constant true
        %broadcast_in_dim3A_754 = vector.broadcast %broadcast_in_dim3A_753 : i1 to vector<16xi1>
        %masked_cumsum3A = tpu.scan <sum>, %exp3A masked %broadcast_in_dim3A_754 : vector<16xf32>, vector<16xi1> -> vector<16xf32>
        %add3A_755 = arith.addf %masked_cumsum3A, %broadcast_in_dim3A_750 : vector<16xf32>
        %lt3A_756 = arith.constant 0 : i32
        %lt3A_757 = vector.broadcast %lt3A_756 : i32 to vector<16xi32>
        %lt3A_758 = arith.cmpi slt, %broadcast_in_dim3A_744, %lt3A_757 : vector<16xi32>
        %add3A_759 = arith.constant 16 : i32
        %add3A_760 = vector.broadcast %add3A_759 : i32 to vector<16xi32>
        %add3A_761 = arith.addi %broadcast_in_dim3A_744, %add3A_760 : vector<16xi32>
        %select_n3A_762 = arith.select %lt3A_758, %add3A_761, %broadcast_in_dim3A_744 : vector<16xi1>, vector<16xi32>
        %broadcast_in_dim3A_763 = vector.shape_cast %select_n3A_762 : vector<16xi32> to vector<16x1xi32>
        %gather3A_764 = vector.shape_cast %broadcast_in_dim3A_763 : vector<16x1xi32> to vector<16xi32>
        %gather3A_765 = tpu.dynamic_gather %masked_cumsum3A[%gather3A_764] in [0] : vector<16xf32>, vector<16xi32> -> vector<16xf32>
        %add3A_766 = arith.addf %broadcast_in_dim3A_750, %gather3A_765 : vector<16xf32>
        %bitcast3A = vector.bitcast %add3A_755 : vector<16xf32> to vector<16xi32>
        %shift_right_arithmetic3A = arith.constant 23 : i32
        %shift_right_arithmetic3A_767 = vector.broadcast %shift_right_arithmetic3A : i32 to vector<16xi32>
        %shift_right_arithmetic3A_768 = arith.shrsi %bitcast3A, %shift_right_arithmetic3A_767 : vector<16xi32>
        %sub3A = arith.constant 127 : i32
        %sub3A_769 = vector.broadcast %sub3A : i32 to vector<16xi32>
        %sub3A_770 = arith.subi %shift_right_arithmetic3A_768, %sub3A_769 : vector<16xi32>
        %and3A_771 = arith.constant 8388607 : i32
        %and3A_772 = vector.broadcast %and3A_771 : i32 to vector<16xi32>
        %and3A_773 = arith.andi %bitcast3A, %and3A_772 : vector<16xi32>
        %or3A_774 = arith.constant 1065353216 : i32
        %or3A_775 = vector.broadcast %or3A_774 : i32 to vector<16xi32>
        %or3A_776 = arith.ori %and3A_773, %or3A_775 : vector<16xi32>
        %bitcast3A_777 = vector.bitcast %or3A_776 : vector<16xi32> to vector<16xf32>
        %sub3A_778 = arith.constant 1.500000e+00 : f32
        %sub3A_779 = vector.broadcast %sub3A_778 : f32 to vector<16xf32>
        %sub3A_780 = arith.subf %bitcast3A_777, %sub3A_779 : vector<16xf32>
        %mul3A_781 = arith.constant 0.0301022269 : f32
        %mul3A_782 = vector.broadcast %mul3A_781 : f32 to vector<16xf32>
        %mul3A_783 = arith.mulf %mul3A_782, %sub3A_780 : vector<16xf32>
        %add3A_784 = arith.constant -0.0548622794 : f32
        %add3A_785 = vector.broadcast %add3A_784 : f32 to vector<16xf32>
        %add3A_786 = arith.addf %mul3A_783, %add3A_785 : vector<16xf32>
        %mul3A_787 = arith.mulf %add3A_786, %sub3A_780 : vector<16xf32>
        %add3A_788 = arith.constant 0.0983221456 : f32
        %add3A_789 = vector.broadcast %add3A_788 : f32 to vector<16xf32>
        %add3A_790 = arith.addf %mul3A_787, %add3A_789 : vector<16xf32>
        %mul3A_791 = arith.mulf %add3A_790, %sub3A_780 : vector<16xf32>
        %add3A_792 = arith.constant -0.221751302 : f32
        %add3A_793 = vector.broadcast %add3A_792 : f32 to vector<16xf32>
        %add3A_794 = arith.addf %mul3A_791, %add3A_793 : vector<16xf32>
        %mul3A_795 = arith.mulf %add3A_794, %sub3A_780 : vector<16xf32>
        %add3A_796 = arith.constant 0.666679203 : f32
        %add3A_797 = vector.broadcast %add3A_796 : f32 to vector<16xf32>
        %add3A_798 = arith.addf %mul3A_795, %add3A_797 : vector<16xf32>
        %mul3A_799 = arith.mulf %add3A_798, %sub3A_780 : vector<16xf32>
        %add3A_800 = arith.constant 0.405459404 : f32
        %add3A_801 = vector.broadcast %add3A_800 : f32 to vector<16xf32>
        %add3A_802 = arith.addf %mul3A_799, %add3A_801 : vector<16xf32>
        %convert_element_type3A_803 = arith.sitofp %sub3A_770 : vector<16xi32> to vector<16xf32>
        %mul3A_804 = arith.constant 0.693147182 : f32
        %mul3A_805 = vector.broadcast %mul3A_804 : f32 to vector<16xf32>
        %mul3A_806 = arith.mulf %convert_element_type3A_803, %mul3A_805 : vector<16xf32>
        %add3A_807 = arith.addf %mul3A_806, %add3A_802 : vector<16xf32>
        %sub3A_808 = arith.subf %add3A_807, %gather3A : vector<16xf32>
        %and3A_809 = arith.constant 255 : i32
        %and3A_810 = vector.broadcast %and3A_809 : i32 to vector<16xi32>
        %and3A_811 = arith.andi %sort3A_697, %and3A_810 : vector<16xi32>
        %gather3A_812 = tpu.vector_load_idx %arg7[%add3A_748, %and3A_811] : memref<64x200xf32, #tpu.memory_space<vmem>>[vector<16xi32>, vector<16xi32>], vector<16xf32>,
        %exp3A_813 = math.exp %gather3A_812 : vector<16xf32>
        %broadcast_in_dim3A_814 = arith.constant true
        %broadcast_in_dim3A_815 = vector.broadcast %broadcast_in_dim3A_814 : i1 to vector<16xi1>
        %masked_cumsum3A_816 = tpu.scan <sum>, %exp3A_813 masked %broadcast_in_dim3A_815 : vector<16xf32>, vector<16xi1> -> vector<16xf32>
        %add3A_817 = arith.addf %masked_cumsum3A_816, %add3A_766 : vector<16xf32>
        %lt3A_818 = arith.constant 0 : i32
        %lt3A_819 = vector.broadcast %lt3A_818 : i32 to vector<16xi32>
        %lt3A_820 = arith.cmpi slt, %broadcast_in_dim3A_744, %lt3A_819 : vector<16xi32>
        %add3A_821 = arith.constant 16 : i32
        %add3A_822 = vector.broadcast %add3A_821 : i32 to vector<16xi32>
        %add3A_823 = arith.addi %broadcast_in_dim3A_744, %add3A_822 : vector<16xi32>
        %select_n3A_824 = arith.select %lt3A_820, %add3A_823, %broadcast_in_dim3A_744 : vector<16xi1>, vector<16xi32>
        %broadcast_in_dim3A_825 = vector.shape_cast %select_n3A_824 : vector<16xi32> to vector<16x1xi32>
        %gather3A_826 = vector.shape_cast %broadcast_in_dim3A_825 : vector<16x1xi32> to vector<16xi32>
        %gather3A_827 = tpu.dynamic_gather %masked_cumsum3A_816[%gather3A_826] in [0] : vector<16xf32>, vector<16xi32> -> vector<16xf32>
        %add3A_828 = arith.addf %add3A_766, %gather3A_827 : vector<16xf32>
        %bitcast3A_829 = vector.bitcast %add3A_817 : vector<16xf32> to vector<16xi32>
        %shift_right_arithmetic3A_830 = arith.constant 23 : i32
        %shift_right_arithmetic3A_831 = vector.broadcast %shift_right_arithmetic3A_830 : i32 to vector<16xi32>
        %shift_right_arithmetic3A_832 = arith.shrsi %bitcast3A_829, %shift_right_arithmetic3A_831 : vector<16xi32>
        %sub3A_833 = arith.constant 127 : i32
        %sub3A_834 = vector.broadcast %sub3A_833 : i32 to vector<16xi32>
        %sub3A_835 = arith.subi %shift_right_arithmetic3A_832, %sub3A_834 : vector<16xi32>
        %and3A_836 = arith.constant 8388607 : i32
        %and3A_837 = vector.broadcast %and3A_836 : i32 to vector<16xi32>
        %and3A_838 = arith.andi %bitcast3A_829, %and3A_837 : vector<16xi32>
        %or3A_839 = arith.constant 1065353216 : i32
        %or3A_840 = vector.broadcast %or3A_839 : i32 to vector<16xi32>
        %or3A_841 = arith.ori %and3A_838, %or3A_840 : vector<16xi32>
        %bitcast3A_842 = vector.bitcast %or3A_841 : vector<16xi32> to vector<16xf32>
        %sub3A_843 = arith.constant 1.500000e+00 : f32
        %sub3A_844 = vector.broadcast %sub3A_843 : f32 to vector<16xf32>
        %sub3A_845 = arith.subf %bitcast3A_842, %sub3A_844 : vector<16xf32>
        %mul3A_846 = arith.constant 0.0301022269 : f32
        %mul3A_847 = vector.broadcast %mul3A_846 : f32 to vector<16xf32>
        %mul3A_848 = arith.mulf %mul3A_847, %sub3A_845 : vector<16xf32>
        %add3A_849 = arith.constant -0.0548622794 : f32
        %add3A_850 = vector.broadcast %add3A_849 : f32 to vector<16xf32>
        %add3A_851 = arith.addf %mul3A_848, %add3A_850 : vector<16xf32>
        %mul3A_852 = arith.mulf %add3A_851, %sub3A_845 : vector<16xf32>
        %add3A_853 = arith.constant 0.0983221456 : f32
        %add3A_854 = vector.broadcast %add3A_853 : f32 to vector<16xf32>
        %add3A_855 = arith.addf %mul3A_852, %add3A_854 : vector<16xf32>
        %mul3A_856 = arith.mulf %add3A_855, %sub3A_845 : vector<16xf32>
        %add3A_857 = arith.constant -0.221751302 : f32
        %add3A_858 = vector.broadcast %add3A_857 : f32 to vector<16xf32>
        %add3A_859 = arith.addf %mul3A_856, %add3A_858 : vector<16xf32>
        %mul3A_860 = arith.mulf %add3A_859, %sub3A_845 : vector<16xf32>
        %add3A_861 = arith.constant 0.666679203 : f32
        %add3A_862 = vector.broadcast %add3A_861 : f32 to vector<16xf32>
        %add3A_863 = arith.addf %mul3A_860, %add3A_862 : vector<16xf32>
        %mul3A_864 = arith.mulf %add3A_863, %sub3A_845 : vector<16xf32>
        %add3A_865 = arith.constant 0.405459404 : f32
        %add3A_866 = vector.broadcast %add3A_865 : f32 to vector<16xf32>
        %add3A_867 = arith.addf %mul3A_864, %add3A_866 : vector<16xf32>
        %convert_element_type3A_868 = arith.sitofp %sub3A_835 : vector<16xi32> to vector<16xf32>
        %mul3A_869 = arith.constant 0.693147182 : f32
        %mul3A_870 = vector.broadcast %mul3A_869 : f32 to vector<16xf32>
        %mul3A_871 = arith.mulf %convert_element_type3A_868, %mul3A_870 : vector<16xf32>
        %add3A_872 = arith.addf %mul3A_871, %add3A_867 : vector<16xf32>
        %add3A_873 = arith.addf %sub3A_808, %add3A_872 : vector<16xf32>
        %sub3A_874 = arith.subf %add3A_873, %gather3A_812 : vector<16xf32>
        %and3A_875 = arith.constant 255 : i32
        %and3A_876 = vector.broadcast %and3A_875 : i32 to vector<16xi32>
        %and3A_877 = arith.andi %sort3A_701, %and3A_876 : vector<16xi32>
        %gather3A_878 = tpu.vector_load_idx %arg7[%add3A_748, %and3A_877] : memref<64x200xf32, #tpu.memory_space<vmem>>[vector<16xi32>, vector<16xi32>], vector<16xf32>,
        %exp3A_879 = math.exp %gather3A_878 : vector<16xf32>
        %broadcast_in_dim3A_880 = arith.constant true
        %broadcast_in_dim3A_881 = vector.broadcast %broadcast_in_dim3A_880 : i1 to vector<16xi1>
        %masked_cumsum3A_882 = tpu.scan <sum>, %exp3A_879 masked %broadcast_in_dim3A_881 : vector<16xf32>, vector<16xi1> -> vector<16xf32>
        %add3A_883 = arith.addf %masked_cumsum3A_882, %add3A_828 : vector<16xf32>
        %lt3A_884 = arith.constant 0 : i32
        %lt3A_885 = vector.broadcast %lt3A_884 : i32 to vector<16xi32>
        %lt3A_886 = arith.cmpi slt, %broadcast_in_dim3A_744, %lt3A_885 : vector<16xi32>
        %add3A_887 = arith.constant 16 : i32
        %add3A_888 = vector.broadcast %add3A_887 : i32 to vector<16xi32>
        %add3A_889 = arith.addi %broadcast_in_dim3A_744, %add3A_888 : vector<16xi32>
        %select_n3A_890 = arith.select %lt3A_886, %add3A_889, %broadcast_in_dim3A_744 : vector<16xi1>, vector<16xi32>
        %broadcast_in_dim3A_891 = vector.shape_cast %select_n3A_890 : vector<16xi32> to vector<16x1xi32>
        %gather3A_892 = vector.shape_cast %broadcast_in_dim3A_891 : vector<16x1xi32> to vector<16xi32>
        %gather3A_893 = tpu.dynamic_gather %masked_cumsum3A_882[%gather3A_892] in [0] : vector<16xf32>, vector<16xi32> -> vector<16xf32>
        %add3A_894 = arith.addf %add3A_828, %gather3A_893 : vector<16xf32>
        %bitcast3A_895 = vector.bitcast %add3A_883 : vector<16xf32> to vector<16xi32>
        %shift_right_arithmetic3A_896 = arith.constant 23 : i32
        %shift_right_arithmetic3A_897 = vector.broadcast %shift_right_arithmetic3A_896 : i32 to vector<16xi32>
        %shift_right_arithmetic3A_898 = arith.shrsi %bitcast3A_895, %shift_right_arithmetic3A_897 : vector<16xi32>
        %sub3A_899 = arith.constant 127 : i32
        %sub3A_900 = vector.broadcast %sub3A_899 : i32 to vector<16xi32>
        %sub3A_901 = arith.subi %shift_right_arithmetic3A_898, %sub3A_900 : vector<16xi32>
        %and3A_902 = arith.constant 8388607 : i32
        %and3A_903 = vector.broadcast %and3A_902 : i32 to vector<16xi32>
        %and3A_904 = arith.andi %bitcast3A_895, %and3A_903 : vector<16xi32>
        %or3A_905 = arith.constant 1065353216 : i32
        %or3A_906 = vector.broadcast %or3A_905 : i32 to vector<16xi32>
        %or3A_907 = arith.ori %and3A_904, %or3A_906 : vector<16xi32>
        %bitcast3A_908 = vector.bitcast %or3A_907 : vector<16xi32> to vector<16xf32>
        %sub3A_909 = arith.constant 1.500000e+00 : f32
        %sub3A_910 = vector.broadcast %sub3A_909 : f32 to vector<16xf32>
        %sub3A_911 = arith.subf %bitcast3A_908, %sub3A_910 : vector<16xf32>
        %mul3A_912 = arith.constant 0.0301022269 : f32
        %mul3A_913 = vector.broadcast %mul3A_912 : f32 to vector<16xf32>
        %mul3A_914 = arith.mulf %mul3A_913, %sub3A_911 : vector<16xf32>
        %add3A_915 = arith.constant -0.0548622794 : f32
        %add3A_916 = vector.broadcast %add3A_915 : f32 to vector<16xf32>
        %add3A_917 = arith.addf %mul3A_914, %add3A_916 : vector<16xf32>
        %mul3A_918 = arith.mulf %add3A_917, %sub3A_911 : vector<16xf32>
        %add3A_919 = arith.constant 0.0983221456 : f32
        %add3A_920 = vector.broadcast %add3A_919 : f32 to vector<16xf32>
        %add3A_921 = arith.addf %mul3A_918, %add3A_920 : vector<16xf32>
        %mul3A_922 = arith.mulf %add3A_921, %sub3A_911 : vector<16xf32>
        %add3A_923 = arith.constant -0.221751302 : f32
        %add3A_924 = vector.broadcast %add3A_923 : f32 to vector<16xf32>
        %add3A_925 = arith.addf %mul3A_922, %add3A_924 : vector<16xf32>
        %mul3A_926 = arith.mulf %add3A_925, %sub3A_911 : vector<16xf32>
        %add3A_927 = arith.constant 0.666679203 : f32
        %add3A_928 = vector.broadcast %add3A_927 : f32 to vector<16xf32>
        %add3A_929 = arith.addf %mul3A_926, %add3A_928 : vector<16xf32>
        %mul3A_930 = arith.mulf %add3A_929, %sub3A_911 : vector<16xf32>
        %add3A_931 = arith.constant 0.405459404 : f32
        %add3A_932 = vector.broadcast %add3A_931 : f32 to vector<16xf32>
        %add3A_933 = arith.addf %mul3A_930, %add3A_932 : vector<16xf32>
        %convert_element_type3A_934 = arith.sitofp %sub3A_901 : vector<16xi32> to vector<16xf32>
        %mul3A_935 = arith.constant 0.693147182 : f32
        %mul3A_936 = vector.broadcast %mul3A_935 : f32 to vector<16xf32>
        %mul3A_937 = arith.mulf %convert_element_type3A_934, %mul3A_936 : vector<16xf32>
        %add3A_938 = arith.addf %mul3A_937, %add3A_933 : vector<16xf32>
        %add3A_939 = arith.addf %sub3A_874, %add3A_938 : vector<16xf32>
        %sub3A_940 = arith.subf %add3A_939, %gather3A_878 : vector<16xf32>
        %and3A_941 = arith.constant 255 : i32
        %and3A_942 = vector.broadcast %and3A_941 : i32 to vector<16xi32>
        %and3A_943 = arith.andi %sort3A_705, %and3A_942 : vector<16xi32>
        %gather3A_944 = tpu.vector_load_idx %arg7[%add3A_748, %and3A_943] : memref<64x200xf32, #tpu.memory_space<vmem>>[vector<16xi32>, vector<16xi32>], vector<16xf32>,
        %exp3A_945 = math.exp %gather3A_944 : vector<16xf32>
        %broadcast_in_dim3A_946 = arith.constant true
        %broadcast_in_dim3A_947 = vector.broadcast %broadcast_in_dim3A_946 : i1 to vector<16xi1>
        %masked_cumsum3A_948 = tpu.scan <sum>, %exp3A_945 masked %broadcast_in_dim3A_947 : vector<16xf32>, vector<16xi1> -> vector<16xf32>
        %add3A_949 = arith.addf %masked_cumsum3A_948, %add3A_894 : vector<16xf32>
        %lt3A_950 = arith.constant 0 : i32
        %lt3A_951 = vector.broadcast %lt3A_950 : i32 to vector<16xi32>
        %lt3A_952 = arith.cmpi slt, %broadcast_in_dim3A_744, %lt3A_951 : vector<16xi32>
        %add3A_953 = arith.constant 16 : i32
        %add3A_954 = vector.broadcast %add3A_953 : i32 to vector<16xi32>
        %add3A_955 = arith.addi %broadcast_in_dim3A_744, %add3A_954 : vector<16xi32>
        %select_n3A_956 = arith.select %lt3A_952, %add3A_955, %broadcast_in_dim3A_744 : vector<16xi1>, vector<16xi32>
        %broadcast_in_dim3A_957 = vector.shape_cast %select_n3A_956 : vector<16xi32> to vector<16x1xi32>
        %gather3A_958 = vector.shape_cast %broadcast_in_dim3A_957 : vector<16x1xi32> to vector<16xi32>
        %gather3A_959 = tpu.dynamic_gather %masked_cumsum3A_948[%gather3A_958] in [0] : vector<16xf32>, vector<16xi32> -> vector<16xf32>
        %add3A_960 = arith.addf %add3A_894, %gather3A_959 : vector<16xf32>
        %bitcast3A_961 = vector.bitcast %add3A_949 : vector<16xf32> to vector<16xi32>
        %shift_right_arithmetic3A_962 = arith.constant 23 : i32
        %shift_right_arithmetic3A_963 = vector.broadcast %shift_right_arithmetic3A_962 : i32 to vector<16xi32>
        %shift_right_arithmetic3A_964 = arith.shrsi %bitcast3A_961, %shift_right_arithmetic3A_963 : vector<16xi32>
        %sub3A_965 = arith.constant 127 : i32
        %sub3A_966 = vector.broadcast %sub3A_965 : i32 to vector<16xi32>
        %sub3A_967 = arith.subi %shift_right_arithmetic3A_964, %sub3A_966 : vector<16xi32>
        %and3A_968 = arith.constant 8388607 : i32
        %and3A_969 = vector.broadcast %and3A_968 : i32 to vector<16xi32>
        %and3A_970 = arith.andi %bitcast3A_961, %and3A_969 : vector<16xi32>
        %or3A_971 = arith.constant 1065353216 : i32
        %or3A_972 = vector.broadcast %or3A_971 : i32 to vector<16xi32>
        %or3A_973 = arith.ori %and3A_970, %or3A_972 : vector<16xi32>
        %bitcast3A_974 = vector.bitcast %or3A_973 : vector<16xi32> to vector<16xf32>
        %sub3A_975 = arith.constant 1.500000e+00 : f32
        %sub3A_976 = vector.broadcast %sub3A_975 : f32 to vector<16xf32>
        %sub3A_977 = arith.subf %bitcast3A_974, %sub3A_976 : vector<16xf32>
        %mul3A_978 = arith.constant 0.0301022269 : f32
        %mul3A_979 = vector.broadcast %mul3A_978 : f32 to vector<16xf32>
        %mul3A_980 = arith.mulf %mul3A_979, %sub3A_977 : vector<16xf32>
        %add3A_981 = arith.constant -0.0548622794 : f32
        %add3A_982 = vector.broadcast %add3A_981 : f32 to vector<16xf32>
        %add3A_983 = arith.addf %mul3A_980, %add3A_982 : vector<16xf32>
        %mul3A_984 = arith.mulf %add3A_983, %sub3A_977 : vector<16xf32>
        %add3A_985 = arith.constant 0.0983221456 : f32
        %add3A_986 = vector.broadcast %add3A_985 : f32 to vector<16xf32>
        %add3A_987 = arith.addf %mul3A_984, %add3A_986 : vector<16xf32>
        %mul3A_988 = arith.mulf %add3A_987, %sub3A_977 : vector<16xf32>
        %add3A_989 = arith.constant -0.221751302 : f32
        %add3A_990 = vector.broadcast %add3A_989 : f32 to vector<16xf32>
        %add3A_991 = arith.addf %mul3A_988, %add3A_990 : vector<16xf32>
        %mul3A_992 = arith.mulf %add3A_991, %sub3A_977 : vector<16xf32>
        %add3A_993 = arith.constant 0.666679203 : f32
        %add3A_994 = vector.broadcast %add3A_993 : f32 to vector<16xf32>
        %add3A_995 = arith.addf %mul3A_992, %add3A_994 : vector<16xf32>
        %mul3A_996 = arith.mulf %add3A_995, %sub3A_977 : vector<16xf32>
        %add3A_997 = arith.constant 0.405459404 : f32
        %add3A_998 = vector.broadcast %add3A_997 : f32 to vector<16xf32>
        %add3A_999 = arith.addf %mul3A_996, %add3A_998 : vector<16xf32>
        %convert_element_type3A_1000 = arith.sitofp %sub3A_967 : vector<16xi32> to vector<16xf32>
        %mul3A_1001 = arith.constant 0.693147182 : f32
        %mul3A_1002 = vector.broadcast %mul3A_1001 : f32 to vector<16xf32>
        %mul3A_1003 = arith.mulf %convert_element_type3A_1000, %mul3A_1002 : vector<16xf32>
        %add3A_1004 = arith.addf %mul3A_1003, %add3A_999 : vector<16xf32>
        %add3A_1005 = arith.addf %sub3A_940, %add3A_1004 : vector<16xf32>
        %sub3A_1006 = arith.subf %add3A_1005, %gather3A_944 : vector<16xf32>
        %and3A_1007 = arith.constant 255 : i32
        %and3A_1008 = vector.broadcast %and3A_1007 : i32 to vector<16xi32>
        %and3A_1009 = arith.andi %sort3A_709, %and3A_1008 : vector<16xi32>
        %gather3A_1010 = tpu.vector_load_idx %arg7[%add3A_748, %and3A_1009] : memref<64x200xf32, #tpu.memory_space<vmem>>[vector<16xi32>, vector<16xi32>], vector<16xf32>,
        %exp3A_1011 = math.exp %gather3A_1010 : vector<16xf32>
        %broadcast_in_dim3A_1012 = arith.constant true
        %broadcast_in_dim3A_1013 = vector.broadcast %broadcast_in_dim3A_1012 : i1 to vector<16xi1>
        %masked_cumsum3A_1014 = tpu.scan <sum>, %exp3A_1011 masked %broadcast_in_dim3A_1013 : vector<16xf32>, vector<16xi1> -> vector<16xf32>
        %add3A_1015 = arith.addf %masked_cumsum3A_1014, %add3A_960 : vector<16xf32>
        %lt3A_1016 = arith.constant 0 : i32
        %lt3A_1017 = vector.broadcast %lt3A_1016 : i32 to vector<16xi32>
        %lt3A_1018 = arith.cmpi slt, %broadcast_in_dim3A_744, %lt3A_1017 : vector<16xi32>
        %add3A_1019 = arith.constant 16 : i32
        %add3A_1020 = vector.broadcast %add3A_1019 : i32 to vector<16xi32>
        %add3A_1021 = arith.addi %broadcast_in_dim3A_744, %add3A_1020 : vector<16xi32>
        %select_n3A_1022 = arith.select %lt3A_1018, %add3A_1021, %broadcast_in_dim3A_744 : vector<16xi1>, vector<16xi32>
        %broadcast_in_dim3A_1023 = vector.shape_cast %select_n3A_1022 : vector<16xi32> to vector<16x1xi32>
        %gather3A_1024 = vector.shape_cast %broadcast_in_dim3A_1023 : vector<16x1xi32> to vector<16xi32>
        %gather3A_1025 = tpu.dynamic_gather %masked_cumsum3A_1014[%gather3A_1024] in [0] : vector<16xf32>, vector<16xi32> -> vector<16xf32>
        %add3A_1026 = arith.addf %add3A_960, %gather3A_1025 : vector<16xf32>
        %bitcast3A_1027 = vector.bitcast %add3A_1015 : vector<16xf32> to vector<16xi32>
        %shift_right_arithmetic3A_1028 = arith.constant 23 : i32
        %shift_right_arithmetic3A_1029 = vector.broadcast %shift_right_arithmetic3A_1028 : i32 to vector<16xi32>
        %shift_right_arithmetic3A_1030 = arith.shrsi %bitcast3A_1027, %shift_right_arithmetic3A_1029 : vector<16xi32>
        %sub3A_1031 = arith.constant 127 : i32
        %sub3A_1032 = vector.broadcast %sub3A_1031 : i32 to vector<16xi32>
        %sub3A_1033 = arith.subi %shift_right_arithmetic3A_1030, %sub3A_1032 : vector<16xi32>
        %and3A_1034 = arith.constant 8388607 : i32
        %and3A_1035 = vector.broadcast %and3A_1034 : i32 to vector<16xi32>
        %and3A_1036 = arith.andi %bitcast3A_1027, %and3A_1035 : vector<16xi32>
        %or3A_1037 = arith.constant 1065353216 : i32
        %or3A_1038 = vector.broadcast %or3A_1037 : i32 to vector<16xi32>
        %or3A_1039 = arith.ori %and3A_1036, %or3A_1038 : vector<16xi32>
        %bitcast3A_1040 = vector.bitcast %or3A_1039 : vector<16xi32> to vector<16xf32>
        %sub3A_1041 = arith.constant 1.500000e+00 : f32
        %sub3A_1042 = vector.broadcast %sub3A_1041 : f32 to vector<16xf32>
        %sub3A_1043 = arith.subf %bitcast3A_1040, %sub3A_1042 : vector<16xf32>
        %mul3A_1044 = arith.constant 0.0301022269 : f32
        %mul3A_1045 = vector.broadcast %mul3A_1044 : f32 to vector<16xf32>
        %mul3A_1046 = arith.mulf %mul3A_1045, %sub3A_1043 : vector<16xf32>
        %add3A_1047 = arith.constant -0.0548622794 : f32
        %add3A_1048 = vector.broadcast %add3A_1047 : f32 to vector<16xf32>
        %add3A_1049 = arith.addf %mul3A_1046, %add3A_1048 : vector<16xf32>
        %mul3A_1050 = arith.mulf %add3A_1049, %sub3A_1043 : vector<16xf32>
        %add3A_1051 = arith.constant 0.0983221456 : f32
        %add3A_1052 = vector.broadcast %add3A_1051 : f32 to vector<16xf32>
        %add3A_1053 = arith.addf %mul3A_1050, %add3A_1052 : vector<16xf32>
        %mul3A_1054 = arith.mulf %add3A_1053, %sub3A_1043 : vector<16xf32>
        %add3A_1055 = arith.constant -0.221751302 : f32
        %add3A_1056 = vector.broadcast %add3A_1055 : f32 to vector<16xf32>
        %add3A_1057 = arith.addf %mul3A_1054, %add3A_1056 : vector<16xf32>
        %mul3A_1058 = arith.mulf %add3A_1057, %sub3A_1043 : vector<16xf32>
        %add3A_1059 = arith.constant 0.666679203 : f32
        %add3A_1060 = vector.broadcast %add3A_1059 : f32 to vector<16xf32>
        %add3A_1061 = arith.addf %mul3A_1058, %add3A_1060 : vector<16xf32>
        %mul3A_1062 = arith.mulf %add3A_1061, %sub3A_1043 : vector<16xf32>
        %add3A_1063 = arith.constant 0.405459404 : f32
        %add3A_1064 = vector.broadcast %add3A_1063 : f32 to vector<16xf32>
        %add3A_1065 = arith.addf %mul3A_1062, %add3A_1064 : vector<16xf32>
        %convert_element_type3A_1066 = arith.sitofp %sub3A_1033 : vector<16xi32> to vector<16xf32>
        %mul3A_1067 = arith.constant 0.693147182 : f32
        %mul3A_1068 = vector.broadcast %mul3A_1067 : f32 to vector<16xf32>
        %mul3A_1069 = arith.mulf %convert_element_type3A_1066, %mul3A_1068 : vector<16xf32>
        %add3A_1070 = arith.addf %mul3A_1069, %add3A_1065 : vector<16xf32>
        %add3A_1071 = arith.addf %sub3A_1006, %add3A_1070 : vector<16xf32>
        %sub3A_1072 = arith.subf %add3A_1071, %gather3A_1010 : vector<16xf32>
        %and3A_1073 = arith.constant 255 : i32
        %and3A_1074 = vector.broadcast %and3A_1073 : i32 to vector<16xi32>
        %and3A_1075 = arith.andi %sort3A_713, %and3A_1074 : vector<16xi32>
        %gather3A_1076 = tpu.vector_load_idx %arg7[%add3A_748, %and3A_1075] : memref<64x200xf32, #tpu.memory_space<vmem>>[vector<16xi32>, vector<16xi32>], vector<16xf32>,
        %exp3A_1077 = math.exp %gather3A_1076 : vector<16xf32>
        %broadcast_in_dim3A_1078 = arith.constant true
        %broadcast_in_dim3A_1079 = vector.broadcast %broadcast_in_dim3A_1078 : i1 to vector<16xi1>
        %masked_cumsum3A_1080 = tpu.scan <sum>, %exp3A_1077 masked %broadcast_in_dim3A_1079 : vector<16xf32>, vector<16xi1> -> vector<16xf32>
        %add3A_1081 = arith.addf %masked_cumsum3A_1080, %add3A_1026 : vector<16xf32>
        %lt3A_1082 = arith.constant 0 : i32
        %lt3A_1083 = vector.broadcast %lt3A_1082 : i32 to vector<16xi32>
        %lt3A_1084 = arith.cmpi slt, %broadcast_in_dim3A_744, %lt3A_1083 : vector<16xi32>
        %add3A_1085 = arith.constant 16 : i32
        %add3A_1086 = vector.broadcast %add3A_1085 : i32 to vector<16xi32>
        %add3A_1087 = arith.addi %broadcast_in_dim3A_744, %add3A_1086 : vector<16xi32>
        %select_n3A_1088 = arith.select %lt3A_1084, %add3A_1087, %broadcast_in_dim3A_744 : vector<16xi1>, vector<16xi32>
        %broadcast_in_dim3A_1089 = vector.shape_cast %select_n3A_1088 : vector<16xi32> to vector<16x1xi32>
        %gather3A_1090 = vector.shape_cast %broadcast_in_dim3A_1089 : vector<16x1xi32> to vector<16xi32>
        %gather3A_1091 = tpu.dynamic_gather %masked_cumsum3A_1080[%gather3A_1090] in [0] : vector<16xf32>, vector<16xi32> -> vector<16xf32>
        %add3A_1092 = arith.addf %add3A_1026, %gather3A_1091 : vector<16xf32>
        %bitcast3A_1093 = vector.bitcast %add3A_1081 : vector<16xf32> to vector<16xi32>
        %shift_right_arithmetic3A_1094 = arith.constant 23 : i32
        %shift_right_arithmetic3A_1095 = vector.broadcast %shift_right_arithmetic3A_1094 : i32 to vector<16xi32>
        %shift_right_arithmetic3A_1096 = arith.shrsi %bitcast3A_1093, %shift_right_arithmetic3A_1095 : vector<16xi32>
        %sub3A_1097 = arith.constant 127 : i32
        %sub3A_1098 = vector.broadcast %sub3A_1097 : i32 to vector<16xi32>
        %sub3A_1099 = arith.subi %shift_right_arithmetic3A_1096, %sub3A_1098 : vector<16xi32>
        %and3A_1100 = arith.constant 8388607 : i32
        %and3A_1101 = vector.broadcast %and3A_1100 : i32 to vector<16xi32>
        %and3A_1102 = arith.andi %bitcast3A_1093, %and3A_1101 : vector<16xi32>
        %or3A_1103 = arith.constant 1065353216 : i32
        %or3A_1104 = vector.broadcast %or3A_1103 : i32 to vector<16xi32>
        %or3A_1105 = arith.ori %and3A_1102, %or3A_1104 : vector<16xi32>
        %bitcast3A_1106 = vector.bitcast %or3A_1105 : vector<16xi32> to vector<16xf32>
        %sub3A_1107 = arith.constant 1.500000e+00 : f32
        %sub3A_1108 = vector.broadcast %sub3A_1107 : f32 to vector<16xf32>
        %sub3A_1109 = arith.subf %bitcast3A_1106, %sub3A_1108 : vector<16xf32>
        %mul3A_1110 = arith.constant 0.0301022269 : f32
        %mul3A_1111 = vector.broadcast %mul3A_1110 : f32 to vector<16xf32>
        %mul3A_1112 = arith.mulf %mul3A_1111, %sub3A_1109 : vector<16xf32>
        %add3A_1113 = arith.constant -0.0548622794 : f32
        %add3A_1114 = vector.broadcast %add3A_1113 : f32 to vector<16xf32>
        %add3A_1115 = arith.addf %mul3A_1112, %add3A_1114 : vector<16xf32>
        %mul3A_1116 = arith.mulf %add3A_1115, %sub3A_1109 : vector<16xf32>
        %add3A_1117 = arith.constant 0.0983221456 : f32
        %add3A_1118 = vector.broadcast %add3A_1117 : f32 to vector<16xf32>
        %add3A_1119 = arith.addf %mul3A_1116, %add3A_1118 : vector<16xf32>
        %mul3A_1120 = arith.mulf %add3A_1119, %sub3A_1109 : vector<16xf32>
        %add3A_1121 = arith.constant -0.221751302 : f32
        %add3A_1122 = vector.broadcast %add3A_1121 : f32 to vector<16xf32>
        %add3A_1123 = arith.addf %mul3A_1120, %add3A_1122 : vector<16xf32>
        %mul3A_1124 = arith.mulf %add3A_1123, %sub3A_1109 : vector<16xf32>
        %add3A_1125 = arith.constant 0.666679203 : f32
        %add3A_1126 = vector.broadcast %add3A_1125 : f32 to vector<16xf32>
        %add3A_1127 = arith.addf %mul3A_1124, %add3A_1126 : vector<16xf32>
        %mul3A_1128 = arith.mulf %add3A_1127, %sub3A_1109 : vector<16xf32>
        %add3A_1129 = arith.constant 0.405459404 : f32
        %add3A_1130 = vector.broadcast %add3A_1129 : f32 to vector<16xf32>
        %add3A_1131 = arith.addf %mul3A_1128, %add3A_1130 : vector<16xf32>
        %convert_element_type3A_1132 = arith.sitofp %sub3A_1099 : vector<16xi32> to vector<16xf32>
        %mul3A_1133 = arith.constant 0.693147182 : f32
        %mul3A_1134 = vector.broadcast %mul3A_1133 : f32 to vector<16xf32>
        %mul3A_1135 = arith.mulf %convert_element_type3A_1132, %mul3A_1134 : vector<16xf32>
        %add3A_1136 = arith.addf %mul3A_1135, %add3A_1131 : vector<16xf32>
        %add3A_1137 = arith.addf %sub3A_1072, %add3A_1136 : vector<16xf32>
        %sub3A_1138 = arith.subf %add3A_1137, %gather3A_1076 : vector<16xf32>
        %and3A_1139 = arith.constant 255 : i32
        %and3A_1140 = vector.broadcast %and3A_1139 : i32 to vector<16xi32>
        %and3A_1141 = arith.andi %sort3A_717, %and3A_1140 : vector<16xi32>
        %gather3A_1142 = tpu.vector_load_idx %arg7[%add3A_748, %and3A_1141] : memref<64x200xf32, #tpu.memory_space<vmem>>[vector<16xi32>, vector<16xi32>], vector<16xf32>,
        %exp3A_1143 = math.exp %gather3A_1142 : vector<16xf32>
        %broadcast_in_dim3A_1144 = arith.constant true
        %broadcast_in_dim3A_1145 = vector.broadcast %broadcast_in_dim3A_1144 : i1 to vector<16xi1>
        %masked_cumsum3A_1146 = tpu.scan <sum>, %exp3A_1143 masked %broadcast_in_dim3A_1145 : vector<16xf32>, vector<16xi1> -> vector<16xf32>
        %add3A_1147 = arith.addf %masked_cumsum3A_1146, %add3A_1092 : vector<16xf32>
        %lt3A_1148 = arith.constant 0 : i32
        %lt3A_1149 = vector.broadcast %lt3A_1148 : i32 to vector<16xi32>
        %lt3A_1150 = arith.cmpi slt, %broadcast_in_dim3A_744, %lt3A_1149 : vector<16xi32>
        %add3A_1151 = arith.constant 16 : i32
        %add3A_1152 = vector.broadcast %add3A_1151 : i32 to vector<16xi32>
        %add3A_1153 = arith.addi %broadcast_in_dim3A_744, %add3A_1152 : vector<16xi32>
        %select_n3A_1154 = arith.select %lt3A_1150, %add3A_1153, %broadcast_in_dim3A_744 : vector<16xi1>, vector<16xi32>
        %broadcast_in_dim3A_1155 = vector.shape_cast %select_n3A_1154 : vector<16xi32> to vector<16x1xi32>
        %gather3A_1156 = vector.shape_cast %broadcast_in_dim3A_1155 : vector<16x1xi32> to vector<16xi32>
        %gather3A_1157 = tpu.dynamic_gather %masked_cumsum3A_1146[%gather3A_1156] in [0] : vector<16xf32>, vector<16xi32> -> vector<16xf32>
        %add3A_1158 = arith.addf %add3A_1092, %gather3A_1157 : vector<16xf32>
        %bitcast3A_1159 = vector.bitcast %add3A_1147 : vector<16xf32> to vector<16xi32>
        %shift_right_arithmetic3A_1160 = arith.constant 23 : i32
        %shift_right_arithmetic3A_1161 = vector.broadcast %shift_right_arithmetic3A_1160 : i32 to vector<16xi32>
        %shift_right_arithmetic3A_1162 = arith.shrsi %bitcast3A_1159, %shift_right_arithmetic3A_1161 : vector<16xi32>
        %sub3A_1163 = arith.constant 127 : i32
        %sub3A_1164 = vector.broadcast %sub3A_1163 : i32 to vector<16xi32>
        %sub3A_1165 = arith.subi %shift_right_arithmetic3A_1162, %sub3A_1164 : vector<16xi32>
        %and3A_1166 = arith.constant 8388607 : i32
        %and3A_1167 = vector.broadcast %and3A_1166 : i32 to vector<16xi32>
        %and3A_1168 = arith.andi %bitcast3A_1159, %and3A_1167 : vector<16xi32>
        %or3A_1169 = arith.constant 1065353216 : i32
        %or3A_1170 = vector.broadcast %or3A_1169 : i32 to vector<16xi32>
        %or3A_1171 = arith.ori %and3A_1168, %or3A_1170 : vector<16xi32>
        %bitcast3A_1172 = vector.bitcast %or3A_1171 : vector<16xi32> to vector<16xf32>
        %sub3A_1173 = arith.constant 1.500000e+00 : f32
        %sub3A_1174 = vector.broadcast %sub3A_1173 : f32 to vector<16xf32>
        %sub3A_1175 = arith.subf %bitcast3A_1172, %sub3A_1174 : vector<16xf32>
        %mul3A_1176 = arith.constant 0.0301022269 : f32
        %mul3A_1177 = vector.broadcast %mul3A_1176 : f32 to vector<16xf32>
        %mul3A_1178 = arith.mulf %mul3A_1177, %sub3A_1175 : vector<16xf32>
        %add3A_1179 = arith.constant -0.0548622794 : f32
        %add3A_1180 = vector.broadcast %add3A_1179 : f32 to vector<16xf32>
        %add3A_1181 = arith.addf %mul3A_1178, %add3A_1180 : vector<16xf32>
        %mul3A_1182 = arith.mulf %add3A_1181, %sub3A_1175 : vector<16xf32>
        %add3A_1183 = arith.constant 0.0983221456 : f32
        %add3A_1184 = vector.broadcast %add3A_1183 : f32 to vector<16xf32>
        %add3A_1185 = arith.addf %mul3A_1182, %add3A_1184 : vector<16xf32>
        %mul3A_1186 = arith.mulf %add3A_1185, %sub3A_1175 : vector<16xf32>
        %add3A_1187 = arith.constant -0.221751302 : f32
        %add3A_1188 = vector.broadcast %add3A_1187 : f32 to vector<16xf32>
        %add3A_1189 = arith.addf %mul3A_1186, %add3A_1188 : vector<16xf32>
        %mul3A_1190 = arith.mulf %add3A_1189, %sub3A_1175 : vector<16xf32>
        %add3A_1191 = arith.constant 0.666679203 : f32
        %add3A_1192 = vector.broadcast %add3A_1191 : f32 to vector<16xf32>
        %add3A_1193 = arith.addf %mul3A_1190, %add3A_1192 : vector<16xf32>
        %mul3A_1194 = arith.mulf %add3A_1193, %sub3A_1175 : vector<16xf32>
        %add3A_1195 = arith.constant 0.405459404 : f32
        %add3A_1196 = vector.broadcast %add3A_1195 : f32 to vector<16xf32>
        %add3A_1197 = arith.addf %mul3A_1194, %add3A_1196 : vector<16xf32>
        %convert_element_type3A_1198 = arith.sitofp %sub3A_1165 : vector<16xi32> to vector<16xf32>
        %mul3A_1199 = arith.constant 0.693147182 : f32
        %mul3A_1200 = vector.broadcast %mul3A_1199 : f32 to vector<16xf32>
        %mul3A_1201 = arith.mulf %convert_element_type3A_1198, %mul3A_1200 : vector<16xf32>
        %add3A_1202 = arith.addf %mul3A_1201, %add3A_1197 : vector<16xf32>
        %add3A_1203 = arith.addf %sub3A_1138, %add3A_1202 : vector<16xf32>
        %sub3A_1204 = arith.subf %add3A_1203, %gather3A_1142 : vector<16xf32>
        %and3A_1205 = arith.constant 255 : i32
        %and3A_1206 = vector.broadcast %and3A_1205 : i32 to vector<16xi32>
        %and3A_1207 = arith.andi %sort3A_721, %and3A_1206 : vector<16xi32>
        %gather3A_1208 = tpu.vector_load_idx %arg7[%add3A_748, %and3A_1207] : memref<64x200xf32, #tpu.memory_space<vmem>>[vector<16xi32>, vector<16xi32>], vector<16xf32>,
        %exp3A_1209 = math.exp %gather3A_1208 : vector<16xf32>
        %broadcast_in_dim3A_1210 = arith.constant true
        %broadcast_in_dim3A_1211 = vector.broadcast %broadcast_in_dim3A_1210 : i1 to vector<16xi1>
        %masked_cumsum3A_1212 = tpu.scan <sum>, %exp3A_1209 masked %broadcast_in_dim3A_1211 : vector<16xf32>, vector<16xi1> -> vector<16xf32>
        %add3A_1213 = arith.addf %masked_cumsum3A_1212, %add3A_1158 : vector<16xf32>
        %lt3A_1214 = arith.constant 0 : i32
        %lt3A_1215 = vector.broadcast %lt3A_1214 : i32 to vector<16xi32>
        %lt3A_1216 = arith.cmpi slt, %broadcast_in_dim3A_744, %lt3A_1215 : vector<16xi32>
        %add3A_1217 = arith.constant 16 : i32
        %add3A_1218 = vector.broadcast %add3A_1217 : i32 to vector<16xi32>
        %add3A_1219 = arith.addi %broadcast_in_dim3A_744, %add3A_1218 : vector<16xi32>
        %select_n3A_1220 = arith.select %lt3A_1216, %add3A_1219, %broadcast_in_dim3A_744 : vector<16xi1>, vector<16xi32>
        %broadcast_in_dim3A_1221 = vector.shape_cast %select_n3A_1220 : vector<16xi32> to vector<16x1xi32>
        %gather3A_1222 = vector.shape_cast %broadcast_in_dim3A_1221 : vector<16x1xi32> to vector<16xi32>
        %gather3A_1223 = tpu.dynamic_gather %masked_cumsum3A_1212[%gather3A_1222] in [0] : vector<16xf32>, vector<16xi32> -> vector<16xf32>
        %add3A_1224 = arith.addf %add3A_1158, %gather3A_1223 : vector<16xf32>
        %bitcast3A_1225 = vector.bitcast %add3A_1213 : vector<16xf32> to vector<16xi32>
        %shift_right_arithmetic3A_1226 = arith.constant 23 : i32
        %shift_right_arithmetic3A_1227 = vector.broadcast %shift_right_arithmetic3A_1226 : i32 to vector<16xi32>
        %shift_right_arithmetic3A_1228 = arith.shrsi %bitcast3A_1225, %shift_right_arithmetic3A_1227 : vector<16xi32>
        %sub3A_1229 = arith.constant 127 : i32
        %sub3A_1230 = vector.broadcast %sub3A_1229 : i32 to vector<16xi32>
        %sub3A_1231 = arith.subi %shift_right_arithmetic3A_1228, %sub3A_1230 : vector<16xi32>
        %and3A_1232 = arith.constant 8388607 : i32
        %and3A_1233 = vector.broadcast %and3A_1232 : i32 to vector<16xi32>
        %and3A_1234 = arith.andi %bitcast3A_1225, %and3A_1233 : vector<16xi32>
        %or3A_1235 = arith.constant 1065353216 : i32
        %or3A_1236 = vector.broadcast %or3A_1235 : i32 to vector<16xi32>
        %or3A_1237 = arith.ori %and3A_1234, %or3A_1236 : vector<16xi32>
        %bitcast3A_1238 = vector.bitcast %or3A_1237 : vector<16xi32> to vector<16xf32>
        %sub3A_1239 = arith.constant 1.500000e+00 : f32
        %sub3A_1240 = vector.broadcast %sub3A_1239 : f32 to vector<16xf32>
        %sub3A_1241 = arith.subf %bitcast3A_1238, %sub3A_1240 : vector<16xf32>
        %mul3A_1242 = arith.constant 0.0301022269 : f32
        %mul3A_1243 = vector.broadcast %mul3A_1242 : f32 to vector<16xf32>
        %mul3A_1244 = arith.mulf %mul3A_1243, %sub3A_1241 : vector<16xf32>
        %add3A_1245 = arith.constant -0.0548622794 : f32
        %add3A_1246 = vector.broadcast %add3A_1245 : f32 to vector<16xf32>
        %add3A_1247 = arith.addf %mul3A_1244, %add3A_1246 : vector<16xf32>
        %mul3A_1248 = arith.mulf %add3A_1247, %sub3A_1241 : vector<16xf32>
        %add3A_1249 = arith.constant 0.0983221456 : f32
        %add3A_1250 = vector.broadcast %add3A_1249 : f32 to vector<16xf32>
        %add3A_1251 = arith.addf %mul3A_1248, %add3A_1250 : vector<16xf32>
        %mul3A_1252 = arith.mulf %add3A_1251, %sub3A_1241 : vector<16xf32>
        %add3A_1253 = arith.constant -0.221751302 : f32
        %add3A_1254 = vector.broadcast %add3A_1253 : f32 to vector<16xf32>
        %add3A_1255 = arith.addf %mul3A_1252, %add3A_1254 : vector<16xf32>
        %mul3A_1256 = arith.mulf %add3A_1255, %sub3A_1241 : vector<16xf32>
        %add3A_1257 = arith.constant 0.666679203 : f32
        %add3A_1258 = vector.broadcast %add3A_1257 : f32 to vector<16xf32>
        %add3A_1259 = arith.addf %mul3A_1256, %add3A_1258 : vector<16xf32>
        %mul3A_1260 = arith.mulf %add3A_1259, %sub3A_1241 : vector<16xf32>
        %add3A_1261 = arith.constant 0.405459404 : f32
        %add3A_1262 = vector.broadcast %add3A_1261 : f32 to vector<16xf32>
        %add3A_1263 = arith.addf %mul3A_1260, %add3A_1262 : vector<16xf32>
        %convert_element_type3A_1264 = arith.sitofp %sub3A_1231 : vector<16xi32> to vector<16xf32>
        %mul3A_1265 = arith.constant 0.693147182 : f32
        %mul3A_1266 = vector.broadcast %mul3A_1265 : f32 to vector<16xf32>
        %mul3A_1267 = arith.mulf %convert_element_type3A_1264, %mul3A_1266 : vector<16xf32>
        %add3A_1268 = arith.addf %mul3A_1267, %add3A_1263 : vector<16xf32>
        %add3A_1269 = arith.addf %sub3A_1204, %add3A_1268 : vector<16xf32>
        %sub3A_1270 = arith.subf %add3A_1269, %gather3A_1208 : vector<16xf32>
        %and3A_1271 = arith.constant 255 : i32
        %and3A_1272 = vector.broadcast %and3A_1271 : i32 to vector<16xi32>
        %and3A_1273 = arith.andi %sort3A_725, %and3A_1272 : vector<16xi32>
        %gather3A_1274 = tpu.vector_load_idx %arg7[%add3A_748, %and3A_1273] : memref<64x200xf32, #tpu.memory_space<vmem>>[vector<16xi32>, vector<16xi32>], vector<16xf32>,
        %exp3A_1275 = math.exp %gather3A_1274 : vector<16xf32>
        %broadcast_in_dim3A_1276 = arith.constant true
        %broadcast_in_dim3A_1277 = vector.broadcast %broadcast_in_dim3A_1276 : i1 to vector<16xi1>
        %masked_cumsum3A_1278 = tpu.scan <sum>, %exp3A_1275 masked %broadcast_in_dim3A_1277 : vector<16xf32>, vector<16xi1> -> vector<16xf32>
        %add3A_1279 = arith.addf %masked_cumsum3A_1278, %add3A_1224 : vector<16xf32>
        %lt3A_1280 = arith.constant 0 : i32
        %lt3A_1281 = vector.broadcast %lt3A_1280 : i32 to vector<16xi32>
        %lt3A_1282 = arith.cmpi slt, %broadcast_in_dim3A_744, %lt3A_1281 : vector<16xi32>
        %add3A_1283 = arith.constant 16 : i32
        %add3A_1284 = vector.broadcast %add3A_1283 : i32 to vector<16xi32>
        %add3A_1285 = arith.addi %broadcast_in_dim3A_744, %add3A_1284 : vector<16xi32>
        %select_n3A_1286 = arith.select %lt3A_1282, %add3A_1285, %broadcast_in_dim3A_744 : vector<16xi1>, vector<16xi32>
        %broadcast_in_dim3A_1287 = vector.shape_cast %select_n3A_1286 : vector<16xi32> to vector<16x1xi32>
        %gather3A_1288 = vector.shape_cast %broadcast_in_dim3A_1287 : vector<16x1xi32> to vector<16xi32>
        %gather3A_1289 = tpu.dynamic_gather %masked_cumsum3A_1278[%gather3A_1288] in [0] : vector<16xf32>, vector<16xi32> -> vector<16xf32>
        %add3A_1290 = arith.addf %add3A_1224, %gather3A_1289 : vector<16xf32>
        %bitcast3A_1291 = vector.bitcast %add3A_1279 : vector<16xf32> to vector<16xi32>
        %shift_right_arithmetic3A_1292 = arith.constant 23 : i32
        %shift_right_arithmetic3A_1293 = vector.broadcast %shift_right_arithmetic3A_1292 : i32 to vector<16xi32>
        %shift_right_arithmetic3A_1294 = arith.shrsi %bitcast3A_1291, %shift_right_arithmetic3A_1293 : vector<16xi32>
        %sub3A_1295 = arith.constant 127 : i32
        %sub3A_1296 = vector.broadcast %sub3A_1295 : i32 to vector<16xi32>
        %sub3A_1297 = arith.subi %shift_right_arithmetic3A_1294, %sub3A_1296 : vector<16xi32>
        %and3A_1298 = arith.constant 8388607 : i32
        %and3A_1299 = vector.broadcast %and3A_1298 : i32 to vector<16xi32>
        %and3A_1300 = arith.andi %bitcast3A_1291, %and3A_1299 : vector<16xi32>
        %or3A_1301 = arith.constant 1065353216 : i32
        %or3A_1302 = vector.broadcast %or3A_1301 : i32 to vector<16xi32>
        %or3A_1303 = arith.ori %and3A_1300, %or3A_1302 : vector<16xi32>
        %bitcast3A_1304 = vector.bitcast %or3A_1303 : vector<16xi32> to vector<16xf32>
        %sub3A_1305 = arith.constant 1.500000e+00 : f32
        %sub3A_1306 = vector.broadcast %sub3A_1305 : f32 to vector<16xf32>
        %sub3A_1307 = arith.subf %bitcast3A_1304, %sub3A_1306 : vector<16xf32>
        %mul3A_1308 = arith.constant 0.0301022269 : f32
        %mul3A_1309 = vector.broadcast %mul3A_1308 : f32 to vector<16xf32>
        %mul3A_1310 = arith.mulf %mul3A_1309, %sub3A_1307 : vector<16xf32>
        %add3A_1311 = arith.constant -0.0548622794 : f32
        %add3A_1312 = vector.broadcast %add3A_1311 : f32 to vector<16xf32>
        %add3A_1313 = arith.addf %mul3A_1310, %add3A_1312 : vector<16xf32>
        %mul3A_1314 = arith.mulf %add3A_1313, %sub3A_1307 : vector<16xf32>
        %add3A_1315 = arith.constant 0.0983221456 : f32
        %add3A_1316 = vector.broadcast %add3A_1315 : f32 to vector<16xf32>
        %add3A_1317 = arith.addf %mul3A_1314, %add3A_1316 : vector<16xf32>
        %mul3A_1318 = arith.mulf %add3A_1317, %sub3A_1307 : vector<16xf32>
        %add3A_1319 = arith.constant -0.221751302 : f32
        %add3A_1320 = vector.broadcast %add3A_1319 : f32 to vector<16xf32>
        %add3A_1321 = arith.addf %mul3A_1318, %add3A_1320 : vector<16xf32>
        %mul3A_1322 = arith.mulf %add3A_1321, %sub3A_1307 : vector<16xf32>
        %add3A_1323 = arith.constant 0.666679203 : f32
        %add3A_1324 = vector.broadcast %add3A_1323 : f32 to vector<16xf32>
        %add3A_1325 = arith.addf %mul3A_1322, %add3A_1324 : vector<16xf32>
        %mul3A_1326 = arith.mulf %add3A_1325, %sub3A_1307 : vector<16xf32>
        %add3A_1327 = arith.constant 0.405459404 : f32
        %add3A_1328 = vector.broadcast %add3A_1327 : f32 to vector<16xf32>
        %add3A_1329 = arith.addf %mul3A_1326, %add3A_1328 : vector<16xf32>
        %convert_element_type3A_1330 = arith.sitofp %sub3A_1297 : vector<16xi32> to vector<16xf32>
        %mul3A_1331 = arith.constant 0.693147182 : f32
        %mul3A_1332 = vector.broadcast %mul3A_1331 : f32 to vector<16xf32>
        %mul3A_1333 = arith.mulf %convert_element_type3A_1330, %mul3A_1332 : vector<16xf32>
        %add3A_1334 = arith.addf %mul3A_1333, %add3A_1329 : vector<16xf32>
        %add3A_1335 = arith.addf %sub3A_1270, %add3A_1334 : vector<16xf32>
        %sub3A_1336 = arith.subf %add3A_1335, %gather3A_1274 : vector<16xf32>
        %and3A_1337 = arith.constant 255 : i32
        %and3A_1338 = vector.broadcast %and3A_1337 : i32 to vector<16xi32>
        %and3A_1339 = arith.andi %sort3A_729, %and3A_1338 : vector<16xi32>
        %gather3A_1340 = tpu.vector_load_idx %arg7[%add3A_748, %and3A_1339] : memref<64x200xf32, #tpu.memory_space<vmem>>[vector<16xi32>, vector<16xi32>], vector<16xf32>,
        %exp3A_1341 = math.exp %gather3A_1340 : vector<16xf32>
        %broadcast_in_dim3A_1342 = arith.constant true
        %broadcast_in_dim3A_1343 = vector.broadcast %broadcast_in_dim3A_1342 : i1 to vector<16xi1>
        %masked_cumsum3A_1344 = tpu.scan <sum>, %exp3A_1341 masked %broadcast_in_dim3A_1343 : vector<16xf32>, vector<16xi1> -> vector<16xf32>
        %add3A_1345 = arith.addf %masked_cumsum3A_1344, %add3A_1290 : vector<16xf32>
        %lt3A_1346 = arith.constant 0 : i32
        %lt3A_1347 = vector.broadcast %lt3A_1346 : i32 to vector<16xi32>
        %lt3A_1348 = arith.cmpi slt, %broadcast_in_dim3A_744, %lt3A_1347 : vector<16xi32>
        %add3A_1349 = arith.constant 16 : i32
        %add3A_1350 = vector.broadcast %add3A_1349 : i32 to vector<16xi32>
        %add3A_1351 = arith.addi %broadcast_in_dim3A_744, %add3A_1350 : vector<16xi32>
        %select_n3A_1352 = arith.select %lt3A_1348, %add3A_1351, %broadcast_in_dim3A_744 : vector<16xi1>, vector<16xi32>
        %broadcast_in_dim3A_1353 = vector.shape_cast %select_n3A_1352 : vector<16xi32> to vector<16x1xi32>
        %gather3A_1354 = vector.shape_cast %broadcast_in_dim3A_1353 : vector<16x1xi32> to vector<16xi32>
        %gather3A_1355 = tpu.dynamic_gather %masked_cumsum3A_1344[%gather3A_1354] in [0] : vector<16xf32>, vector<16xi32> -> vector<16xf32>
        %add3A_1356 = arith.addf %add3A_1290, %gather3A_1355 : vector<16xf32>
        %bitcast3A_1357 = vector.bitcast %add3A_1345 : vector<16xf32> to vector<16xi32>
        %shift_right_arithmetic3A_1358 = arith.constant 23 : i32
        %shift_right_arithmetic3A_1359 = vector.broadcast %shift_right_arithmetic3A_1358 : i32 to vector<16xi32>
        %shift_right_arithmetic3A_1360 = arith.shrsi %bitcast3A_1357, %shift_right_arithmetic3A_1359 : vector<16xi32>
        %sub3A_1361 = arith.constant 127 : i32
        %sub3A_1362 = vector.broadcast %sub3A_1361 : i32 to vector<16xi32>
        %sub3A_1363 = arith.subi %shift_right_arithmetic3A_1360, %sub3A_1362 : vector<16xi32>
        %and3A_1364 = arith.constant 8388607 : i32
        %and3A_1365 = vector.broadcast %and3A_1364 : i32 to vector<16xi32>
        %and3A_1366 = arith.andi %bitcast3A_1357, %and3A_1365 : vector<16xi32>
        %or3A_1367 = arith.constant 1065353216 : i32
        %or3A_1368 = vector.broadcast %or3A_1367 : i32 to vector<16xi32>
        %or3A_1369 = arith.ori %and3A_1366, %or3A_1368 : vector<16xi32>
        %bitcast3A_1370 = vector.bitcast %or3A_1369 : vector<16xi32> to vector<16xf32>
        %sub3A_1371 = arith.constant 1.500000e+00 : f32
        %sub3A_1372 = vector.broadcast %sub3A_1371 : f32 to vector<16xf32>
        %sub3A_1373 = arith.subf %bitcast3A_1370, %sub3A_1372 : vector<16xf32>
        %mul3A_1374 = arith.constant 0.0301022269 : f32
        %mul3A_1375 = vector.broadcast %mul3A_1374 : f32 to vector<16xf32>
        %mul3A_1376 = arith.mulf %mul3A_1375, %sub3A_1373 : vector<16xf32>
        %add3A_1377 = arith.constant -0.0548622794 : f32
        %add3A_1378 = vector.broadcast %add3A_1377 : f32 to vector<16xf32>
        %add3A_1379 = arith.addf %mul3A_1376, %add3A_1378 : vector<16xf32>
        %mul3A_1380 = arith.mulf %add3A_1379, %sub3A_1373 : vector<16xf32>
        %add3A_1381 = arith.constant 0.0983221456 : f32
        %add3A_1382 = vector.broadcast %add3A_1381 : f32 to vector<16xf32>
        %add3A_1383 = arith.addf %mul3A_1380, %add3A_1382 : vector<16xf32>
        %mul3A_1384 = arith.mulf %add3A_1383, %sub3A_1373 : vector<16xf32>
        %add3A_1385 = arith.constant -0.221751302 : f32
        %add3A_1386 = vector.broadcast %add3A_1385 : f32 to vector<16xf32>
        %add3A_1387 = arith.addf %mul3A_1384, %add3A_1386 : vector<16xf32>
        %mul3A_1388 = arith.mulf %add3A_1387, %sub3A_1373 : vector<16xf32>
        %add3A_1389 = arith.constant 0.666679203 : f32
        %add3A_1390 = vector.broadcast %add3A_1389 : f32 to vector<16xf32>
        %add3A_1391 = arith.addf %mul3A_1388, %add3A_1390 : vector<16xf32>
        %mul3A_1392 = arith.mulf %add3A_1391, %sub3A_1373 : vector<16xf32>
        %add3A_1393 = arith.constant 0.405459404 : f32
        %add3A_1394 = vector.broadcast %add3A_1393 : f32 to vector<16xf32>
        %add3A_1395 = arith.addf %mul3A_1392, %add3A_1394 : vector<16xf32>
        %convert_element_type3A_1396 = arith.sitofp %sub3A_1363 : vector<16xi32> to vector<16xf32>
        %mul3A_1397 = arith.constant 0.693147182 : f32
        %mul3A_1398 = vector.broadcast %mul3A_1397 : f32 to vector<16xf32>
        %mul3A_1399 = arith.mulf %convert_element_type3A_1396, %mul3A_1398 : vector<16xf32>
        %add3A_1400 = arith.addf %mul3A_1399, %add3A_1395 : vector<16xf32>
        %add3A_1401 = arith.addf %sub3A_1336, %add3A_1400 : vector<16xf32>
        %sub3A_1402 = arith.subf %add3A_1401, %gather3A_1340 : vector<16xf32>
        %and3A_1403 = arith.constant 255 : i32
        %and3A_1404 = vector.broadcast %and3A_1403 : i32 to vector<16xi32>
        %and3A_1405 = arith.andi %sort3A_733, %and3A_1404 : vector<16xi32>
        %gather3A_1406 = tpu.vector_load_idx %arg7[%add3A_748, %and3A_1405] : memref<64x200xf32, #tpu.memory_space<vmem>>[vector<16xi32>, vector<16xi32>], vector<16xf32>,
        %exp3A_1407 = math.exp %gather3A_1406 : vector<16xf32>
        %broadcast_in_dim3A_1408 = arith.constant true
        %broadcast_in_dim3A_1409 = vector.broadcast %broadcast_in_dim3A_1408 : i1 to vector<16xi1>
        %masked_cumsum3A_1410 = tpu.scan <sum>, %exp3A_1407 masked %broadcast_in_dim3A_1409 : vector<16xf32>, vector<16xi1> -> vector<16xf32>
        %add3A_1411 = arith.addf %masked_cumsum3A_1410, %add3A_1356 : vector<16xf32>
        %lt3A_1412 = arith.constant 0 : i32
        %lt3A_1413 = vector.broadcast %lt3A_1412 : i32 to vector<16xi32>
        %lt3A_1414 = arith.cmpi slt, %broadcast_in_dim3A_744, %lt3A_1413 : vector<16xi32>
        %add3A_1415 = arith.constant 16 : i32
        %add3A_1416 = vector.broadcast %add3A_1415 : i32 to vector<16xi32>
        %add3A_1417 = arith.addi %broadcast_in_dim3A_744, %add3A_1416 : vector<16xi32>
        %select_n3A_1418 = arith.select %lt3A_1414, %add3A_1417, %broadcast_in_dim3A_744 : vector<16xi1>, vector<16xi32>
        %broadcast_in_dim3A_1419 = vector.shape_cast %select_n3A_1418 : vector<16xi32> to vector<16x1xi32>
        %gather3A_1420 = vector.shape_cast %broadcast_in_dim3A_1419 : vector<16x1xi32> to vector<16xi32>
        %gather3A_1421 = tpu.dynamic_gather %masked_cumsum3A_1410[%gather3A_1420] in [0] : vector<16xf32>, vector<16xi32> -> vector<16xf32>
        %add3A_1422 = arith.addf %add3A_1356, %gather3A_1421 : vector<16xf32>
        %bitcast3A_1423 = vector.bitcast %add3A_1411 : vector<16xf32> to vector<16xi32>
        %shift_right_arithmetic3A_1424 = arith.constant 23 : i32
        %shift_right_arithmetic3A_1425 = vector.broadcast %shift_right_arithmetic3A_1424 : i32 to vector<16xi32>
        %shift_right_arithmetic3A_1426 = arith.shrsi %bitcast3A_1423, %shift_right_arithmetic3A_1425 : vector<16xi32>
        %sub3A_1427 = arith.constant 127 : i32
        %sub3A_1428 = vector.broadcast %sub3A_1427 : i32 to vector<16xi32>
        %sub3A_1429 = arith.subi %shift_right_arithmetic3A_1426, %sub3A_1428 : vector<16xi32>
        %and3A_1430 = arith.constant 8388607 : i32
        %and3A_1431 = vector.broadcast %and3A_1430 : i32 to vector<16xi32>
        %and3A_1432 = arith.andi %bitcast3A_1423, %and3A_1431 : vector<16xi32>
        %or3A_1433 = arith.constant 1065353216 : i32
        %or3A_1434 = vector.broadcast %or3A_1433 : i32 to vector<16xi32>
        %or3A_1435 = arith.ori %and3A_1432, %or3A_1434 : vector<16xi32>
        %bitcast3A_1436 = vector.bitcast %or3A_1435 : vector<16xi32> to vector<16xf32>
        %sub3A_1437 = arith.constant 1.500000e+00 : f32
        %sub3A_1438 = vector.broadcast %sub3A_1437 : f32 to vector<16xf32>
        %sub3A_1439 = arith.subf %bitcast3A_1436, %sub3A_1438 : vector<16xf32>
        %mul3A_1440 = arith.constant 0.0301022269 : f32
        %mul3A_1441 = vector.broadcast %mul3A_1440 : f32 to vector<16xf32>
        %mul3A_1442 = arith.mulf %mul3A_1441, %sub3A_1439 : vector<16xf32>
        %add3A_1443 = arith.constant -0.0548622794 : f32
        %add3A_1444 = vector.broadcast %add3A_1443 : f32 to vector<16xf32>
        %add3A_1445 = arith.addf %mul3A_1442, %add3A_1444 : vector<16xf32>
        %mul3A_1446 = arith.mulf %add3A_1445, %sub3A_1439 : vector<16xf32>
        %add3A_1447 = arith.constant 0.0983221456 : f32
        %add3A_1448 = vector.broadcast %add3A_1447 : f32 to vector<16xf32>
        %add3A_1449 = arith.addf %mul3A_1446, %add3A_1448 : vector<16xf32>
        %mul3A_1450 = arith.mulf %add3A_1449, %sub3A_1439 : vector<16xf32>
        %add3A_1451 = arith.constant -0.221751302 : f32
        %add3A_1452 = vector.broadcast %add3A_1451 : f32 to vector<16xf32>
        %add3A_1453 = arith.addf %mul3A_1450, %add3A_1452 : vector<16xf32>
        %mul3A_1454 = arith.mulf %add3A_1453, %sub3A_1439 : vector<16xf32>
        %add3A_1455 = arith.constant 0.666679203 : f32
        %add3A_1456 = vector.broadcast %add3A_1455 : f32 to vector<16xf32>
        %add3A_1457 = arith.addf %mul3A_1454, %add3A_1456 : vector<16xf32>
        %mul3A_1458 = arith.mulf %add3A_1457, %sub3A_1439 : vector<16xf32>
        %add3A_1459 = arith.constant 0.405459404 : f32
        %add3A_1460 = vector.broadcast %add3A_1459 : f32 to vector<16xf32>
        %add3A_1461 = arith.addf %mul3A_1458, %add3A_1460 : vector<16xf32>
        %convert_element_type3A_1462 = arith.sitofp %sub3A_1429 : vector<16xi32> to vector<16xf32>
        %mul3A_1463 = arith.constant 0.693147182 : f32
        %mul3A_1464 = vector.broadcast %mul3A_1463 : f32 to vector<16xf32>
        %mul3A_1465 = arith.mulf %convert_element_type3A_1462, %mul3A_1464 : vector<16xf32>
        %add3A_1466 = arith.addf %mul3A_1465, %add3A_1461 : vector<16xf32>
        %add3A_1467 = arith.addf %sub3A_1402, %add3A_1466 : vector<16xf32>
        %sub3A_1468 = arith.subf %add3A_1467, %gather3A_1406 : vector<16xf32>
        %and3A_1469 = arith.constant 255 : i32
        %and3A_1470 = vector.broadcast %and3A_1469 : i32 to vector<16xi32>
        %and3A_1471 = arith.andi %sort3A_737, %and3A_1470 : vector<16xi32>
        %gather3A_1472 = tpu.vector_load_idx %arg7[%add3A_748, %and3A_1471] : memref<64x200xf32, #tpu.memory_space<vmem>>[vector<16xi32>, vector<16xi32>], vector<16xf32>,
        %exp3A_1473 = math.exp %gather3A_1472 : vector<16xf32>
        %broadcast_in_dim3A_1474 = arith.constant true
        %broadcast_in_dim3A_1475 = vector.broadcast %broadcast_in_dim3A_1474 : i1 to vector<16xi1>
        %masked_cumsum3A_1476 = tpu.scan <sum>, %exp3A_1473 masked %broadcast_in_dim3A_1475 : vector<16xf32>, vector<16xi1> -> vector<16xf32>
        %add3A_1477 = arith.addf %masked_cumsum3A_1476, %add3A_1422 : vector<16xf32>
        %lt3A_1478 = arith.constant 0 : i32
        %lt3A_1479 = vector.broadcast %lt3A_1478 : i32 to vector<16xi32>
        %lt3A_1480 = arith.cmpi slt, %broadcast_in_dim3A_744, %lt3A_1479 : vector<16xi32>
        %add3A_1481 = arith.constant 16 : i32
        %add3A_1482 = vector.broadcast %add3A_1481 : i32 to vector<16xi32>
        %add3A_1483 = arith.addi %broadcast_in_dim3A_744, %add3A_1482 : vector<16xi32>
        %select_n3A_1484 = arith.select %lt3A_1480, %add3A_1483, %broadcast_in_dim3A_744 : vector<16xi1>, vector<16xi32>
        %broadcast_in_dim3A_1485 = vector.shape_cast %select_n3A_1484 : vector<16xi32> to vector<16x1xi32>
        %gather3A_1486 = vector.shape_cast %broadcast_in_dim3A_1485 : vector<16x1xi32> to vector<16xi32>
        %gather3A_1487 = tpu.dynamic_gather %masked_cumsum3A_1476[%gather3A_1486] in [0] : vector<16xf32>, vector<16xi32> -> vector<16xf32>
        %add3A_1488 = arith.addf %add3A_1422, %gather3A_1487 : vector<16xf32>
        %bitcast3A_1489 = vector.bitcast %add3A_1477 : vector<16xf32> to vector<16xi32>
        %shift_right_arithmetic3A_1490 = arith.constant 23 : i32
        %shift_right_arithmetic3A_1491 = vector.broadcast %shift_right_arithmetic3A_1490 : i32 to vector<16xi32>
        %shift_right_arithmetic3A_1492 = arith.shrsi %bitcast3A_1489, %shift_right_arithmetic3A_1491 : vector<16xi32>
        %sub3A_1493 = arith.constant 127 : i32
        %sub3A_1494 = vector.broadcast %sub3A_1493 : i32 to vector<16xi32>
        %sub3A_1495 = arith.subi %shift_right_arithmetic3A_1492, %sub3A_1494 : vector<16xi32>
        %and3A_1496 = arith.constant 8388607 : i32
        %and3A_1497 = vector.broadcast %and3A_1496 : i32 to vector<16xi32>
        %and3A_1498 = arith.andi %bitcast3A_1489, %and3A_1497 : vector<16xi32>
        %or3A_1499 = arith.constant 1065353216 : i32
        %or3A_1500 = vector.broadcast %or3A_1499 : i32 to vector<16xi32>
        %or3A_1501 = arith.ori %and3A_1498, %or3A_1500 : vector<16xi32>
        %bitcast3A_1502 = vector.bitcast %or3A_1501 : vector<16xi32> to vector<16xf32>
        %sub3A_1503 = arith.constant 1.500000e+00 : f32
        %sub3A_1504 = vector.broadcast %sub3A_1503 : f32 to vector<16xf32>
        %sub3A_1505 = arith.subf %bitcast3A_1502, %sub3A_1504 : vector<16xf32>
        %mul3A_1506 = arith.constant 0.0301022269 : f32
        %mul3A_1507 = vector.broadcast %mul3A_1506 : f32 to vector<16xf32>
        %mul3A_1508 = arith.mulf %mul3A_1507, %sub3A_1505 : vector<16xf32>
        %add3A_1509 = arith.constant -0.0548622794 : f32
        %add3A_1510 = vector.broadcast %add3A_1509 : f32 to vector<16xf32>
        %add3A_1511 = arith.addf %mul3A_1508, %add3A_1510 : vector<16xf32>
        %mul3A_1512 = arith.mulf %add3A_1511, %sub3A_1505 : vector<16xf32>
        %add3A_1513 = arith.constant 0.0983221456 : f32
        %add3A_1514 = vector.broadcast %add3A_1513 : f32 to vector<16xf32>
        %add3A_1515 = arith.addf %mul3A_1512, %add3A_1514 : vector<16xf32>
        %mul3A_1516 = arith.mulf %add3A_1515, %sub3A_1505 : vector<16xf32>
        %add3A_1517 = arith.constant -0.221751302 : f32
        %add3A_1518 = vector.broadcast %add3A_1517 : f32 to vector<16xf32>
        %add3A_1519 = arith.addf %mul3A_1516, %add3A_1518 : vector<16xf32>
        %mul3A_1520 = arith.mulf %add3A_1519, %sub3A_1505 : vector<16xf32>
        %add3A_1521 = arith.constant 0.666679203 : f32
        %add3A_1522 = vector.broadcast %add3A_1521 : f32 to vector<16xf32>
        %add3A_1523 = arith.addf %mul3A_1520, %add3A_1522 : vector<16xf32>
        %mul3A_1524 = arith.mulf %add3A_1523, %sub3A_1505 : vector<16xf32>
        %add3A_1525 = arith.constant 0.405459404 : f32
        %add3A_1526 = vector.broadcast %add3A_1525 : f32 to vector<16xf32>
        %add3A_1527 = arith.addf %mul3A_1524, %add3A_1526 : vector<16xf32>
        %convert_element_type3A_1528 = arith.sitofp %sub3A_1495 : vector<16xi32> to vector<16xf32>
        %mul3A_1529 = arith.constant 0.693147182 : f32
        %mul3A_1530 = vector.broadcast %mul3A_1529 : f32 to vector<16xf32>
        %mul3A_1531 = arith.mulf %convert_element_type3A_1528, %mul3A_1530 : vector<16xf32>
        %add3A_1532 = arith.addf %mul3A_1531, %add3A_1527 : vector<16xf32>
        %add3A_1533 = arith.addf %sub3A_1468, %add3A_1532 : vector<16xf32>
        %sub3A_1534 = arith.subf %add3A_1533, %gather3A_1472 : vector<16xf32>
        %and3A_1535 = arith.constant 255 : i32
        %and3A_1536 = vector.broadcast %and3A_1535 : i32 to vector<16xi32>
        %and3A_1537 = arith.andi %sort3A_741, %and3A_1536 : vector<16xi32>
        %min3A_1538 = arith.constant 199 : i32
        %min3A_1539 = vector.broadcast %min3A_1538 : i32 to vector<16xi32>
        %min3A_1540 = arith.minsi %and3A_1537, %min3A_1539 : vector<16xi32>
        %gather3A_1541 = tpu.vector_load_idx %arg7[%add3A_748, %min3A_1540] : memref<64x200xf32, #tpu.memory_space<vmem>>[vector<16xi32>, vector<16xi32>], vector<16xf32>,
        %lt3A_1542 = arith.constant 8 : i32
        %lt3A_1543 = vector.broadcast %lt3A_1542 : i32 to vector<16xi32>
        %lt3A_1544 = arith.cmpi slt, %iota3A, %lt3A_1543 : vector<16xi32>
        %jit3A_1545 = arith.constant 0.000000e+00 : f32
        %broadcast_in_dim3A_1546 = vector.broadcast %jit3A_1545 : f32 to vector<16xf32>
        %select_n3A_1547 = arith.select %lt3A_1544, %gather3A_1541, %broadcast_in_dim3A_1546 : vector<16xi1>, vector<16xf32>
        %exp3A_1548 = math.exp %select_n3A_1547 : vector<16xf32>
        %lt3A_1549 = arith.constant 8 : i32
        %lt3A_1550 = vector.broadcast %lt3A_1549 : i32 to vector<16xi32>
        %lt3A_1551 = arith.cmpi slt, %iota3A, %lt3A_1550 : vector<16xi32>
        %jit3A_1552 = arith.constant 0.000000e+00 : f32
        %broadcast_in_dim3A_1553 = vector.broadcast %jit3A_1552 : f32 to vector<16xf32>
        %select_n3A_1554 = arith.select %lt3A_1551, %exp3A_1548, %broadcast_in_dim3A_1553 : vector<16xi1>, vector<16xf32>
        %broadcast_in_dim3A_1555 = arith.constant true
        %broadcast_in_dim3A_1556 = vector.broadcast %broadcast_in_dim3A_1555 : i1 to vector<16xi1>
        %masked_cumsum3A_1557 = tpu.scan <sum>, %select_n3A_1554 masked %broadcast_in_dim3A_1556 : vector<16xf32>, vector<16xi1> -> vector<16xf32>
        %add3A_1558 = arith.addf %masked_cumsum3A_1557, %add3A_1488 : vector<16xf32>
        %lt3A_1559 = arith.constant 0 : i32
        %lt3A_1560 = vector.broadcast %lt3A_1559 : i32 to vector<16xi32>
        %lt3A_1561 = arith.cmpi slt, %broadcast_in_dim3A_744, %lt3A_1560 : vector<16xi32>
        %add3A_1562 = arith.constant 16 : i32
        %add3A_1563 = vector.broadcast %add3A_1562 : i32 to vector<16xi32>
        %add3A_1564 = arith.addi %broadcast_in_dim3A_744, %add3A_1563 : vector<16xi32>
        %select_n3A_1565 = arith.select %lt3A_1561, %add3A_1564, %broadcast_in_dim3A_744 : vector<16xi1>, vector<16xi32>
        %broadcast_in_dim3A_1566 = vector.shape_cast %select_n3A_1565 : vector<16xi32> to vector<16x1xi32>
        %gather3A_1567 = vector.shape_cast %broadcast_in_dim3A_1566 : vector<16x1xi32> to vector<16xi32>
        %gather3A_1568 = tpu.dynamic_gather %masked_cumsum3A_1557[%gather3A_1567] in [0] : vector<16xf32>, vector<16xi32> -> vector<16xf32>
        %add3A_1569 = arith.addf %add3A_1488, %gather3A_1568 : vector<16xf32>
        %bitcast3A_1570 = vector.bitcast %add3A_1558 : vector<16xf32> to vector<16xi32>
        %shift_right_arithmetic3A_1571 = arith.constant 23 : i32
        %shift_right_arithmetic3A_1572 = vector.broadcast %shift_right_arithmetic3A_1571 : i32 to vector<16xi32>
        %shift_right_arithmetic3A_1573 = arith.shrsi %bitcast3A_1570, %shift_right_arithmetic3A_1572 : vector<16xi32>
        %sub3A_1574 = arith.constant 127 : i32
        %sub3A_1575 = vector.broadcast %sub3A_1574 : i32 to vector<16xi32>
        %sub3A_1576 = arith.subi %shift_right_arithmetic3A_1573, %sub3A_1575 : vector<16xi32>
        %and3A_1577 = arith.constant 8388607 : i32
        %and3A_1578 = vector.broadcast %and3A_1577 : i32 to vector<16xi32>
        %and3A_1579 = arith.andi %bitcast3A_1570, %and3A_1578 : vector<16xi32>
        %or3A_1580 = arith.constant 1065353216 : i32
        %or3A_1581 = vector.broadcast %or3A_1580 : i32 to vector<16xi32>
        %or3A_1582 = arith.ori %and3A_1579, %or3A_1581 : vector<16xi32>
        %bitcast3A_1583 = vector.bitcast %or3A_1582 : vector<16xi32> to vector<16xf32>
        %sub3A_1584 = arith.constant 1.500000e+00 : f32
        %sub3A_1585 = vector.broadcast %sub3A_1584 : f32 to vector<16xf32>
        %sub3A_1586 = arith.subf %bitcast3A_1583, %sub3A_1585 : vector<16xf32>
        %mul3A_1587 = arith.constant 0.0301022269 : f32
        %mul3A_1588 = vector.broadcast %mul3A_1587 : f32 to vector<16xf32>
        %mul3A_1589 = arith.mulf %mul3A_1588, %sub3A_1586 : vector<16xf32>
        %add3A_1590 = arith.constant -0.0548622794 : f32
        %add3A_1591 = vector.broadcast %add3A_1590 : f32 to vector<16xf32>
        %add3A_1592 = arith.addf %mul3A_1589, %add3A_1591 : vector<16xf32>
        %mul3A_1593 = arith.mulf %add3A_1592, %sub3A_1586 : vector<16xf32>
        %add3A_1594 = arith.constant 0.0983221456 : f32
        %add3A_1595 = vector.broadcast %add3A_1594 : f32 to vector<16xf32>
        %add3A_1596 = arith.addf %mul3A_1593, %add3A_1595 : vector<16xf32>
        %mul3A_1597 = arith.mulf %add3A_1596, %sub3A_1586 : vector<16xf32>
        %add3A_1598 = arith.constant -0.221751302 : f32
        %add3A_1599 = vector.broadcast %add3A_1598 : f32 to vector<16xf32>
        %add3A_1600 = arith.addf %mul3A_1597, %add3A_1599 : vector<16xf32>
        %mul3A_1601 = arith.mulf %add3A_1600, %sub3A_1586 : vector<16xf32>
        %add3A_1602 = arith.constant 0.666679203 : f32
        %add3A_1603 = vector.broadcast %add3A_1602 : f32 to vector<16xf32>
        %add3A_1604 = arith.addf %mul3A_1601, %add3A_1603 : vector<16xf32>
        %mul3A_1605 = arith.mulf %add3A_1604, %sub3A_1586 : vector<16xf32>
        %add3A_1606 = arith.constant 0.405459404 : f32
        %add3A_1607 = vector.broadcast %add3A_1606 : f32 to vector<16xf32>
        %add3A_1608 = arith.addf %mul3A_1605, %add3A_1607 : vector<16xf32>
        %convert_element_type3A_1609 = arith.sitofp %sub3A_1576 : vector<16xi32> to vector<16xf32>
        %mul3A_1610 = arith.constant 0.693147182 : f32
        %mul3A_1611 = vector.broadcast %mul3A_1610 : f32 to vector<16xf32>
        %mul3A_1612 = arith.mulf %convert_element_type3A_1609, %mul3A_1611 : vector<16xf32>
        %add3A_1613 = arith.addf %mul3A_1612, %add3A_1608 : vector<16xf32>
        %lt3A_1614 = arith.constant 8 : i32
        %lt3A_1615 = vector.broadcast %lt3A_1614 : i32 to vector<16xi32>
        %lt3A_1616 = arith.cmpi slt, %iota3A, %lt3A_1615 : vector<16xi32>
        %jit3A_1617 = arith.constant 0.000000e+00 : f32
        %broadcast_in_dim3A_1618 = vector.broadcast %jit3A_1617 : f32 to vector<16xf32>
        %select_n3A_1619 = arith.select %lt3A_1616, %add3A_1613, %broadcast_in_dim3A_1618 : vector<16xi1>, vector<16xf32>
        %add3A_1620 = arith.addf %sub3A_1534, %select_n3A_1619 : vector<16xf32>
        %sub3A_1621 = arith.subf %add3A_1620, %select_n3A_1547 : vector<16xf32>
        %add3A_1622 = arith.addf %scan3A_80, %sub3A_1621 : vector<16xf32>
        scf.yield %add3A_1622 : vector<16xf32>
      }
      %scan3A_78 = arith.constant 64 : i32
      scf.yield %scan3A_77 : vector<16xf32>
    }
    %scan3A_17 = arith.constant 4 : i32
    %swap3A = arith.constant 0 : index
    %swap3A_18 = tpu.vector_load %arg9[%swap3A] {strides = array<i32>} : memref<16xf32, #tpu.memory_space<vmem>>, vector<16xf32>,
    tpu.vector_store %arg9[%swap3A], %scan3A_16 {strides = array<i32>} : memref<16xf32, #tpu.memory_space<vmem>>, vector<16xf32>,
    %mul3A_19 = arith.constant 16 : i32
    %mul3A_20 = arith.muli %add3A, %mul3A_19 : i32
    "tpu.region"() ({
      %run_scoped3A = tpu.sem_alloc : memref<!tpu.dma_semaphore, #tpu.memory_space<semaphore_mem>>
      %dma_start3A_21 = tpu.memref_slice %arg4[%mul3A_20] : memref<512xf32, #tpu.memory_space<hbm>> -> memref<16xf32, #tpu.memory_space<hbm>>
      %dma_start3A_22 = tpu.memref_slice %arg4[%mul3A_20] : memref<512xf32, #tpu.memory_space<hbm>> -> memref<16xf32, #tpu.memory_space<hbm>>
      tpu.enqueue_dma source(%arg9 : memref<16xf32, #tpu.memory_space<vmem>>) target(%dma_start3A_22 : memref<16xf32, #tpu.memory_space<hbm>>) target_semaphore(%run_scoped3A : memref<!tpu.dma_semaphore, #tpu.memory_space<semaphore_mem>>)
      %dma_wait3A = tpu.memref_slice %arg4[%mul3A_20] : memref<512xf32, #tpu.memory_space<hbm>> -> memref<16xf32, #tpu.memory_space<hbm>>
      %dma_wait3A_23 = tpu.memref_slice %arg4[%mul3A_20] : memref<512xf32, #tpu.memory_space<hbm>> -> memref<16xf32, #tpu.memory_space<hbm>>
      tpu.wait_dma2 semaphore(%run_scoped3A : memref<!tpu.dma_semaphore, #tpu.memory_space<semaphore_mem>>) src(%arg9 : memref<16xf32, #tpu.memory_space<vmem>>) dst(%dma_wait3A_23 : memref<16xf32, #tpu.memory_space<hbm>>)
      tpu.yield
    }) : () -> ()
    return
  }
}

</mosaic_0001>

<sc_bundles>
// kernel: _sc_call.3.cloned.1.call-start
scs
__scs_entry_jumppad:
0x0: {  	(pc) =	sbr.rel $0x88, $3  }
0x1: {  	(tag) =	ssettag $0x0;
	lr =	simm.s32 $0x1  }
0x2: {  	[smem:$0x3F9F] =	sst lr;
	_ =	strace $0xD0000000  }
0x3: {  	_ = 	snop  }
0x4: {  	_ = 	snop  }
0x5: {  	_ = 	snop  }
0x6: {  	_ = 	snop  }
0x7: {  	_ = 	snop  }
__scs_overlays_trampoline_lowered:
0x8: {  	[smem:$0x3FAE] =	sst s0  }
0x9: {  	[smem:$0x3FAF] =	sst s1  }
0xa: {  	[smem:$0x3FB0] =	sst s2  }
0xb: {  	[smem:$0x3FB1] =	sst s3  }
0xc: {  	[smem:$0x3FB2] =	sst s4  }
0xd: {  	[smem:$0x3FB3] =	sst s5  }
0xe: {  	[smem:$0x3FB4] =	sst s6  }
0xf: {  	[smem:$0x3FB5] =	sst s7  }
0x10: {  	[smem:$0x3FB6] =	sst s8  }
0x11: {  	[smem:$0x3FB7] =	sst s9;
	s0 =	simm.s32 @!p0 $0x0  }
0x12: {  	s1 =	sld [smem:$0x3F9D];
	s0 =	simm.s32 @p0 $0x1  }
0x13: {  	[smem:$0x3FB8] =	sst s0;
	s0 =	simm.s32 @!p1 $0x0  }
0x14: {  	s2 =	sld [smem:$0x3F9C];
	s0 =	simm.s32 @p1 $0x1  }
0x15: {  	[smem:$0x3FB9] =	sst s0;
	s0 =	simm.s32 @!p2 $0x0  }
0x16: {  	s3 =	sld [smem:$0x3FDB];
	s0 =	simm.s32 @p2 $0x1  }
0x17: {  	s4 =	simm.s32 $0x1BF5;
	[smem:$0x3FBB] =	sst s0  }
0x18: {  	s0 =	sld [smem:$0x3F9E];
	_ =	swait.ge [sflag:s4], $0x0  }
0x19: {  	s7 =	sld [smem:$0x3F9F]  }
0x1a: {  	s8 =	sadd.s32 $0xFFFFE003, lr  }
0x1b: {  	s9 =	sadd.s32 $0xFFFFFEF7, lr;
	s5 =	simm.s32 $0xFFFFFFFF;
	p2 =	slt.u32 s8, $0xFFFFF086  }
0x1c: {  	p1 =	slt.u32 s9, $0xF7A;
	s5 =	simm.s32 @!p2 $0x0  }
0x1d: {  	s5 =	simm.s32 @p1 $0x1;
	p0 =	seq.s32 s7, s2  }
0x1e: {  	s7 =	smul.u32 @!p0 $0xF7A, s2;
	p2 =	seq.s32 @!p0 s5, $0x0  }
0x1f: {  	s9 =	smul.u32 $0xF7A, s1;
	s8 =	simm.s32 @!p0 $0x1BF5;
	p2 =	por !p2, p0  }
0x20: {  	[sflag:s8] =	ssyncset.s32 @!p0 $0xFFFFF086;
	s6 =	sadd.s32 @!p0 s3, s7;
	s7 =	simm.s32 @!p0 $0x108  }
0x21: {  	s3 =	sadd.s32 s3, s9;
	s6 =	sadd.s32 @!p0 $0x88, s6;
	s7 =	simm.s32 @p2 $0x1082  }
0x22: {  	[simem:s7], [sflag:s8] =	dma.local @!p0 [hbm:s6], $0xF7A  }
0x23: {  	s9 =	sor.u32 $0xD0000000, s2;
	s6 =	simm.s32 $0x108;
	_ =	swait.ge @!p0 [sflag:s8], $0x0  }
0x24: {  	s3 =	sadd.s32 $0x88, s3;
	s6 =	simm.s32 @!p1 $0x1082;
	[sflag:s4] =	ssyncset.s32 $0xFFFFF086  }
0x25: {  	[simem:s6], [sflag:s4] =	dma.local [hbm:s3], $0xF7A  }
0x26: {  	[smem:$0x3F9F] =	sst s1;
	(tag) =	ssettag s2;
	_ =	strace s9  }
0x27: {  	s1 =	sld [smem:$0x3FAF]  }
0x28: {  	s2 =	sld [smem:$0x3FB0]  }
0x29: {  	s4 =	sld [smem:$0x3FB2]  }
0x2a: {  	p0 =	seq.s32 s5, $0x0;
	s5 =	sld [smem:$0x3FB3]  }
0x2b: {  	s6 =	sld [smem:$0x3FB4]  }
0x2c: {  	s7 =	sld [smem:$0x3FB5]  }
0x2d: {  	s3 =	simm.s32 $0x108;
	s8 =	sld [smem:$0x3FB6]  }
0x2e: {  	s3 =	simm.s32 @!p0 $0x1082;
	s9 =	sld [smem:$0x3FB7]  }
0x2f: {  	lr =	sadd.s32 s0, s3;
	s0 =	sld [smem:$0x3FAE]  }
0x30: {  	s3 =	sld [smem:$0x3FB1]  }
0x31: {  	[smem:$0x3FBA] =	sst s10  }
0x32: {  	s10 =	sld [smem:$0x3FB8];
	_ =	sdelay $0x3  }
0x33: {  	p0 =	seq.s32 s10, $0x1;
	s10 =	sld [smem:$0x3FBA];
	_ =	sdelay $0x3  }
0x34: {  	[smem:$0x3FBA] =	sst s10  }
0x35: {  	s10 =	sld [smem:$0x3FB9];
	_ =	sdelay $0x3  }
0x36: {  	p1 =	seq.s32 s10, $0x1;
	s10 =	sld [smem:$0x3FBA];
	_ =	sdelay $0x3  }
0x37: {  	[smem:$0x3FBA] =	sst s10  }
0x38: {  	s10 =	sld [smem:$0x3FBB]  }
0x39: {  	_ = 	snop;
	(pc) =	sbr.ind lr, $3  }
0x3a: {  	_ = 	snop  }
0x3b: {  	_ = 	snop  }
0x3c: {  	p2 =	seq.s32 s10, $0x1;
	s10 =	sld [smem:$0x3FBA]  }
0x3d: {  	_ =	shalt  }
0x3e: {  	_ =	shalt  }
0x3f: {  	_ =	shalt  }
0x40: {  	_ =	shalt  }
0x41: {  	_ =	shalt  }
0x42: {  	_ =	shalt  }
0x43: {  	_ =	shalt  }
0x44: {  	_ =	shalt  }
0x45: {  	_ =	shalt  }
0x46: {  	_ =	shalt  }
0x47: {  	_ =	shalt  }
0x48: {  	_ =	shalt  }
0x49: {  	_ =	shalt  }
0x4a: {  	_ =	shalt  }
0x4b: {  	_ =	shalt  }
0x4c: {  	_ =	shalt  }
0x4d: {  	_ =	shalt  }
0x4e: {  	_ =	shalt  }
0x4f: {  	_ =	shalt  }
0x50: {  	_ =	shalt  }
0x51: {  	_ =	shalt  }
0x52: {  	_ =	shalt  }
0x53: {  	_ =	shalt  }
0x54: {  	_ =	shalt  }
0x55: {  	_ =	shalt  }
0x56: {  	_ =	shalt  }
0x57: {  	_ =	shalt  }
0x58: {  	_ =	shalt  }
0x59: {  	_ =	shalt  }
0x5a: {  	_ =	shalt  }
0x5b: {  	_ =	shalt  }
0x5c: {  	_ =	shalt  }
0x5d: {  	_ =	shalt  }
0x5e: {  	_ =	shalt  }
0x5f: {  	_ =	shalt  }
0x60: {  	_ =	shalt  }
0x61: {  	_ =	shalt  }
0x62: {  	_ =	shalt  }
0x63: {  	_ =	shalt  }
0x64: {  	_ =	shalt  }
0x65: {  	_ =	shalt  }
0x66: {  	_ =	shalt  }
0x67: {  	_ =	shalt  }
0x68: {  	_ =	shalt  }
0x69: {  	_ =	shalt  }
0x6a: {  	_ =	shalt  }
0x6b: {  	_ =	shalt  }
0x6c: {  	_ =	shalt  }
0x6d: {  	_ =	shalt  }
0x6e: {  	_ =	shalt  }
0x6f: {  	_ =	shalt  }
0x70: {  	_ =	shalt  }
0x71: {  	_ =	shalt  }
0x72: {  	_ =	shalt  }
0x73: {  	_ =	shalt  }
0x74: {  	_ =	shalt  }
0x75: {  	_ =	shalt  }
0x76: {  	_ =	shalt  }
0x77: {  	_ =	shalt  }
0x78: {  	_ =	shalt  }
0x79: {  	_ =	shalt  }
0x7a: {  	_ =	shalt  }
0x7b: {  	_ =	shalt  }
0x7c: {  	_ =	shalt  }
0x7d: {  	_ =	shalt  }
0x7e: {  	_ =	shalt  }
0x7f: {  	_ =	shalt  }
0x80: {  	_ =	shalt  }
0x81: {  	_ =	shalt  }
0x82: {  	_ =	shalt  }
0x83: {  	_ =	shalt  }
0x84: {  	_ =	shalt  }
0x85: {  	_ =	shalt  }
0x86: {  	_ =	shalt  }
0x87: {  	_ =	shalt  }
.Lfunc_end0:
.L_simem_size_0:
called_computation_lowered:
.L_overlay_start_0:
0x88: {  	s2 =	sld [smem:$0x3FD9]  }
0x89: {  	s3 =	sld [smem:$0x3FFE];
	_ =	sdelay $0x1  }
0x8a: {  	s1 =	srdreg.scid  }
0x8b: {  	s0 =	sand.u32 $0x1, s1  }
0x8c: {  	s17 =	sshll.u32 s0, $0xA;
	s2 =	sadd.s32 s3, s2  }
0x8d: {  	s2 =	sadd.s32 s2, s17  }
0x8e: {  	[smem:$0x3FC6] =	sst s2  }
0x8f: {  	_ = 	snop  }
0x90: {  	s2 =	sld [smem:$0x3FD0];
	(tm) =	ssettm $0x1  }
0x91: {  	s18 =	sld [smem:$0x3FFB];
	_ =	sdelay $0x3  }
0x92: {  	_ =	strace s18  }
0x93: {  	s3 =	sld [smem:$0x3FFC];
	_ =	sdelay $0x3  }
0x94: {  	_ =	strace s3  }
0x95: {  	s3 =	sld [smem:$0x3FFD];
	_ =	sdelay $0x3  }
0x96: {  	_ =	strace s3  }
0x97: {  	_ =	strace $0x8FFFFFFF  }
0x98: {  	s19 =	sld [smem:$0x3FDB];
	_ =	sdelay $0x1  }
0x99: {  	s4 =	simm.s32 $_scs_section_size  }
0x9a: {  	s5 =	simm.s32 $_size__tile_overlayer_lowered;
	s6 =	simm.s32 $_tile_overlayer_lowered  }
0x9b: {  	s22 =	simm.s32 $0x1BFF;
	s21 =	sshll.u32 s6, $0x1;
	s3 =	sadd.s32 s4, s19  }
0x9c: {  	s7 =	simm.s32 $0x0;
	s20 =	sshll.u32 s5, $0x1;
	s5 =	sadd.s32 s21, s3  }
0x9d: {  	[timem:s7], [sflag:s22] =	dma.local [hbm:s5], s20  }
0x9e: {  	_ =	swait.ge [sflag:s22], s20  }
0x9f: {  	s4 =	ssub.s32 $0x0, s20;
	[sflag:s22] =	ssyncset.done $0x0  }
0xa0: {  	[sflag:s22] =	ssyncadd.s32 s4;
	_ =	sdelay $0x1  }
0xa1: {  	s23 =	simm.s32 $0x1B8B  }
0xa2: {  	_ =	swait.ge [sflag:s23], $0x1  }
0xa3: {  	[sflag:s23] =	ssyncset.done $0x0  }
0xa4: {  	s25 =	simm.s32 $0x1B8E;
	s24 =	sld [smem:$0x3FFE];
	[sflag:s23] =	ssyncadd.s32 $0xFFFFFFFF  }
0xa5: {  	s26 =	simm.s32 $execute0_lowered;
	[smem:$0x3FD2] =	sst s25  }
0xa6: {  	s5 =	sshll.u32 s26, $0x1;
	_ =	strace $0x80000046;
	[dreg:$0x1] =	wrdreg $0xFFFFFFFF  }
0xa7: {  	s28 =	simm.s32 $_size_execute0_lowered;
	s3 =	sadd.s32 s3, s5;
	[dreg:$0x0] =	wrdreg $0x0  }
0xa8: {  	s5 =	sshll.u32 s28, $0x1;
	[dreg:$0x2] =	wrdreg s3  }
0xa9: {  	[dreg:$0x3] =	wrdreg s5  }
0xaa: {  	[dreg:$0x4] =	wrdreg $0xC0  }
0xab: {  	_ =	task [dreg:s7], $0x5FFFF  }
0xac: {  	[dreg:$0x1] =	wrdreg $0xFFFFFFFF  }
0xad: {  	[dreg:$0x0] =	wrdreg $0x60  }
0xae: {  	[dreg:$0x2] =	wrdreg s24  }
0xaf: {  	[dreg:$0x3] =	wrdreg s2  }
0xb0: {  	[dreg:$0x4] =	wrdreg $0x9  }
0xb1: {  	_ =	task.clear_ibuf [dreg:s7], $0x5FFFF;
	_ =	strace $0x90000046  }
0xb2: {  	s29 =	simm.s32 $0x9;
	_ =	strace $0x80000048  }
0xb3: {  	_ =	swait.ge [sflag:s29], $0x1  }
0xb4: {  	[sflag:s29] =	ssyncadd.s32 $0xFFFFFFFF  }
0xb5: {  	_ =	strace $0x90000048  }
0xb6: {  	_ =	sfence  }
0xb7: {  	s30 =	sld [smem:$0x0];
	_ =	sdelay $0x2  }
0xb8: {  	s31 =	sshll.u32 s1, $0xD;
	s1 =	sshrl.u32 s1, $0x2  }
0xb9: {  	s3 =	sand.u32 $0x4000, s31;
	s1 =	sadd.s32 s1, s30  }
0xba: {  	s0 =	sor.u32 s3, s0;
	s1 =	sshll.u32 s1, $0x11  }
0xbb: {  	s0 =	sor.u32 s1, s0  }
0xbc: {  	s0 =	sadd.s32 $0x8F2B, s0  }
0xbd: {  	[sflag:s0] =	ssyncadd.remote.s32 $0x1  }
0xbe: {  	_ =	sfence.sel $0xFFFF  }
0xbf: {  	[dreg:$0x0] =	wrdreg $0xFFFFFFFF;
	(pc) =	sbr.abs _section_cstart, $3  }
0xc0: {  	[dreg:$0x1] =	wrdreg $0xFFFFFFFF  }
0xc1: {  	_ =	task.clear_ibuf [dreg:s7], $0x2FFFF;
	_ =	strace $0x9FFFFFFF  }
0xc2: {  	(tm) =	ssettm $0x7FFFFFFF  }
0xc3: {  	_ =	shalt  }
tec
execute0_lowered:
.L_overlay_start_1:
0x0: {  	(tag) =	ssettag $0x1  }
0x1: {  	s4 =	rddreg [dreg:$0x0]  }
0x2: {  	s9 =	rddreg [dreg:$0x1];
	s2 =	simm.s32 $0x0;
	v53 =	vlaneseq.u32  }
0x3: {  	[smem:$0x7FF] =	sst s2;
	v54 =	vor.u32 $0x10, v53  }
0x4: {  	s0 =	rddreg [dreg:$0x2];
	v55 =	vor.u32 $0x20, v53;
	_ =	strace $0x80000047;
	[tilespmem:$0x1FF40] =	vst v54  }
0x5: {  	v56 =	vor.u32 $0x30, v53;
	[tilespmem:$0x1FF50] =	vst v55  }
0x6: {  	v57 =	vor.u32 $0x40, v53;
	[tilespmem:$0x1FF60] =	vst v56  }
0x7: {  	s3 =	srdreg.scid;
	s1 =	stileid.u32;
	v58 =	vor.u32 $0x50, v53;
	[tilespmem:$0x1FF70] =	vst v57  }
0x8: {  	s12 =	simm.s32 $0x8000;
	s13 =	simm.s32 $0xC000;
	s14 =	simm.s32 $0x1;
	v59 =	vor.u32 $0x60, v53;
	[tilespmem:$0x1FF80] =	vst v58  }
0x9: {  	s15 =	simm.s32 $0x2;
	s16 =	simm.s32 $0x10000;
	s17 =	simm.s32 $0x3;
	v60 =	vor.u32 $0x70, v53;
	[tilespmem:$0x1FF90] =	vst v59  }
0xa: {  	v7 =	vimm.s32 $0xC3C2C1C0;
	v8 =	vimm.s32 $0xC7C6C5C4;
	s18 =	simm.s32 $0x0;
	s5 =	sand.u32 $0x1, s3;
	s7 =	sshll.u32 s1, $0x1;
	v61 =	vor.u32 $0x80, v53;
	[tilespmem:$0x1FFA0] =	vst v60  }
0xb: {  	s3 =	sadd.s32 $0x1400, s4;
	v10 =	vunpack.c.0.s8.s32 v7;
	v11 =	vunpack.c.0.s8.s32 v8;
	v62 =	vor.u32 $0x90, v53;
	s6 =	ssub.s32 $0x2, s5;
	s7 =	sor.u32 s5, s7;
	[tilespmem:$0x1FFB0] =	vst v61  }
0xc: {  	vm0 =	vcmask $0x3F30;
	s4 =	sadd.s32 $0x81400, s4;
	v63 =	vor.u32 $0xA0, v53;
	[tilespmem:$0x1FFC0] =	vst v62;
	s8 =	sshrl.u32 s6, $0x1;
	s31 =	sshll.u32 s7, $0xE  }
0xd: {  	v13 =	vmul.u32 $0xFFFFFFFF, v53;
	v50 =	vor.u32 $0xB0, v53;
	[tilespmem:$0x1FFD0] =	vst v63;
	s5 =	sshll.u32 s7, $0x9;
	s11 =	sshll.u32 s7, $0x1;
	v12 =	vsel vm0, v11, v10;
	s10 =	ssub.s32 s6, s8  }
0xe: {  	[tilespmem:$0x1FFE0] =	vst v50;
	s6 =	sadd.s32 s3, s31;
	s7 =	sadd.s32 s4, s31;
	s8 =	sor.u32 $0x80, s5;
	v0 =	vand.u32 $0xFF, v12  }
0xf: {  	vm0 =	vmmov $0xff;
	v13 =	vadd.s32 $0xF, v13;
	s9 =	sadd.s32 s9, s11;
	s11 =	simm.s32 $0x4000;
	s10 =	smax.u32 s10, $0x1;
	[tilespmem:$0x1FFF0] =	vst v0  }
.LBB2_1:
0x10: {  	[tilespmem:s2], [sflag:$0x1] =	stream.linear.gather [hbm4b:s6+s2], $0x4000, $0x38;
	[tilespmem:$0x10080] =	vst v63  }
0x11: {  	s19 =	simm.s32 $0x0  }
0x12: {  	v14 =	vimm.f32 $0.0e+00;
	[tilespmem:s11], [sflag:$0x1] =	stream.linear.gather [hbm4b:s7+s2], $0x4000, $0x38;
	[tilespmem:$0x10080] =	vst v63  }
.LBB2_2:
0x13: {  	s20 =	sshll.u32 s19, $0x7  }
0x14: {  	s21 =	sor.u32 s20, s5  }
0x15: {  	s21 =	sshll.u32 s21, $0x5  }
0x16: {  	s22 =	sor.u32 $0x800, s21  }
0x17: {  	s21 =	simm.s32 $0x0;
	s23 =	sadd.s32 s3, s22  }
0x18: {  	[tilespmem:s12], [sflag:$0x2] =	stream.linear.gather [hbm4b:s23+s21], $0x4000, $0x38;
	[tilespmem:$0x10080] =	vst v63  }
0x19: {  	s22 =	sadd.s32 s4, s22  }
0x1a: {  	[tilespmem:s13], [sflag:$0x2] =	stream.linear.gather [hbm4b:s22+s21], $0x4000, $0x38;
	[tilespmem:$0x10080] =	vst v63  }
0x1b: {  	_ =	swait.ge [sflag:s14], $0x4000  }
0x1c: {  	[sflag:s14] =	ssyncset.done $0x0  }
0x1d: {  	[sflag:s14] =	ssyncadd.s32 $0xFFFFC000  }
0x1e: {  	_ =	swait.ge [sflag:s14], $0x4000  }
0x1f: {  	s30 =	sand.u32 $0x3800, s21;
	s31 =	sand.u32 $0x380, s21;
	[sflag:s14] =	ssyncset.done $0x0  }
0x20: {  	s22 =	sor.u32 s31, s30;
	[sflag:s14] =	ssyncadd.s32 $0xFFFFC000  }
0x21: {  	v16 =	vld [tilespmem:s22+$0x4000]  }
0x22: {  	v17 =	vld [tilespmem:s22+$0x4010]  }
0x23: {  	v18 =	vld [tilespmem:s22+$0x4020]  }
0x24: {  	v19 =	vld [tilespmem:s22+$0x4040]  }
0x25: {  	v20 =	vld [tilespmem:s22+$0x4400]  }
0x26: {  	v21 =	vld [tilespmem:s22+$0x4030];
	_ =	sdelay $0x1  }
0x27: {  	v16 =	vmul.f32 $8.388608000e+06, v16  }
0x28: {  	v17 =	vmul.f32 $8.388608000e+06, v17;
	v18 =	vmul.f32 $8.388608000e+06, v18  }
0x29: {  	v19 =	vmul.f32 $8.388608000e+06, v19;
	v20 =	vmul.f32 $8.388608000e+06, v20  }
0x2a: {  	v21 =	vmul.f32 $8.388608000e+06, v21;
	v16 =	vtrunc.f32 v16  }
0x2b: {  	v17 =	vtrunc.f32 v17;
	v18 =	vtrunc.f32 v18  }
0x2c: {  	v19 =	vtrunc.f32 v19;
	v16 =	vcvt.f32.s32 v16  }
0x2d: {  	v20 =	vtrunc.f32 v20;
	v17 =	vcvt.f32.s32 v17  }
0x2e: {  	v21 =	vtrunc.f32 v21;
	v18 =	vcvt.f32.s32 v18;
	v16 =	vshll.u32 v16, $0x8  }
0x2f: {  	v19 =	vcvt.f32.s32 v19;
	v17 =	vshll.u32 v17, $0x8;
	v16 =	vor.u32 v53, v16  }
0x30: {  	v20 =	vcvt.f32.s32 v20;
	v18 =	vshll.u32 v18, $0x8;
	v17 =	vor.u32 v54, v17;
	(xrf1) =	vsort.ascd.msk.u32 $0xffff, v16, v16  }
0x31: {  	v21 =	vcvt.f32.s32 v21;
	v19 =	vshll.u32 v19, $0x8;
	v18 =	vor.u32 v55, v18;
	(xrf1) =	vsort.ascd.msk.u32 $0xffff, v17, v17  }
0x32: {  	v22 =	vld [tilespmem:s22+$0x4050];
	v20 =	vshll.u32 v20, $0x8;
	v19 =	vor.u32 v57, v19;
	(xrf1) =	vsort.ascd.msk.u32 $0xffff, v18, v18  }
0x33: {  	v21 =	vshll.u32 v21, $0x8;
	v20 =	vor.u32 v61, v20;
	v16 =	vld [tilespmem:s22+$0x4060];
	(xrf1) =	vsort.ascd.msk.u32 $0xffff, v19, v19  }
0x34: {  	v17 =	vld [tilespmem:s22+$0x4410];
	(xrf1) =	vsort.ascd.msk.u32 $0xffff, v20, v20;
	v20 =	vor.u32 v56, v21  }
0x35: {  	v18 =	vld [tilespmem:s22+$0x4420];
	(xrf1) =	vsort.ascd.msk.u32 $0xffff, v20, v20;
	_ =	sdelay $0x1  }
0x36: {  	v19 =	vld [tilespmem:s22+$0x4070];
	_ =	sdelay $0x1  }
0x37: {  	v21 =	vld [tilespmem:s22+$0x4430];
	v20 =	vmul.f32 $8.388608000e+06, v22;
	v16 =	vmul.f32 $8.388608000e+06, v16  }
0x38: {  	v17 =	vmul.f32 $8.388608000e+06, v17;
	v18 =	vmul.f32 $8.388608000e+06, v18  }
0x39: {  	v20 =	vtrunc.f32 v20;
	v16 =	vtrunc.f32 v16  }
0x3a: {  	v22 =	vld [tilespmem:s22+$0x4438];
	v19 =	vmul.f32 $8.388608000e+06, v19;
	v20 =	vcvt.f32.s32 v20  }
0x3b: {  	v17 =	vtrunc.f32 v17;
	v16 =	vcvt.f32.s32 v16  }
0x3c: {  	v21 =	vmul.f32 $8.388608000e+06, v21;
	v18 =	vtrunc.f32 v18;
	v20 =	vshll.u32 v20, $0x8;
	v23, _, _ =	vpop (xrf1)  }
0x3d: {  	v17 =	vcvt.f32.s32 v17;
	v19 =	vtrunc.f32 v19;
	v20 =	vor.u32 v58, v20;
	v24, _, _ =	vpop (xrf1)  }
0x3e: {  	v18 =	vcvt.f32.s32 v18;
	v16 =	vshll.u32 v16, $0x8;
	v21 =	vtrunc.f32 v21;
	v25, _, _ =	vpop (xrf1)  }
0x3f: {  	v22 =	vmul.f32 $8.388608000e+06, v22;
	v19 =	vcvt.f32.s32 v19;
	v17 =	vshll.u32 v17, $0x8;
	v26, _, _ =	vpop (xrf1)  }
0x40: {  	v16 =	vor.u32 v59, v16;
	v17 =	vor.u32 v62, v17;
	v18 =	vshll.u32 v18, $0x8;
	(xrf1) =	vsort.ascd.msk.u32 $0xffff, v20, v20;
	v20, _, _ =	vpop (xrf1)  }
0x41: {  	v22 =	vtrunc.f32 v22;
	(xrf1) =	vsort.ascd.msk.u32 $0xffff, v16, v16;
	v16 =	vor.u32 v63, v18;
	v18 =	vcvt.f32.s32 v21;
	v21, _, _ =	vpop (xrf1)  }
0x42: {  	(xrf1) =	vsort.ascd.msk.u32 $0xffff, v17, v17;
	v17 =	vshll.u32 v19, $0x8;
	v19 =	vperm.xlane v21, v13;
	v21 =	vcvt.f32.s32 v22  }
0x43: {  	(xrf1) =	vsort.ascd.msk.u32 $0xffff, v16, v16;
	v16 =	vor.u32 v60, v17;
	v17 =	vshll.u32 v18, $0x8  }
0x44: {  	(xrf1) =	vsort.ascd.msk.u32 $0xffff, v16, v16;
	v16 =	vor.u32 v50, v17;
	vm1 =	vlt.s32 v25, v19;
	v17 =	vshll.u32 v21, $0x8  }
0x45: {  	(xrf1) =	vsort.ascd.msk.u32 $0xffff, v16, v16;
	v16 =	vsel vm1, v19, v25;
	v17 =	vor.u32 v0, v17  }
0x46: {  	(xrf1) =	vsort.ascd.msk.u32 $0xffff, v16, v16;
	v16 =	vsel vm0, $0x7FFFFFFF, v17  }
0x47: {  	(xrf1) =	vsort.ascd.msk.u32 $0xffff, v16, v16;
	_ =	sdelay $0x6  }
0x48: {  	v16, _, _ =	vpop (xrf1)  }
0x49: {  	v17, _, _ =	vpop (xrf1)  }
0x4a: {  	v18, _, _ =	vpop (xrf1)  }
0x4b: {  	v21, _, _ =	vpop (xrf1)  }
0x4c: {  	v22, _, _ =	vpop (xrf1)  }
0x4d: {  	v24 =	vperm.xlane v24, v13;
	v27, _, _ =	vpop (xrf1)  }
0x4e: {  	v28, _, _ =	vpop (xrf1)  }
0x4f: {  	vm2 =	vlt.s32 v23, v24;
	v29, _, _ =	vpop (xrf1)  }
0x50: {  	v30 =	vsel vm2, v23, v24;
	v16 =	vperm.xlane v16, v13;
	(xrf1) =	vsort.ascd.msk.u32 $0xffff, v29, v29  }
0x51: {  	v23 =	vsel vm2, v24, v23;
	v19 =	vsel vm1, v25, v19;
	(xrf1) =	vsort.ascd.msk.u32 $0xffff, v30, v30  }
0x52: {  	vm2 =	vlt.s32 v26, v16;
	v22 =	vperm.xlane v22, v13;
	(xrf1) =	vsort.ascd.msk.u32 $0xffff, v23, v23  }
0x53: {  	v41 =	vsel vm2, v26, v16;
	v23 =	vperm.xlane v27, v13;
	(xrf1) =	vsort.ascd.msk.u32 $0xffff, v19, v19  }
0x54: {  	v16 =	vsel vm2, v16, v26;
	vm1 =	vlt.s32 v17, v22;
	(xrf1) =	vsort.ascd.msk.u32 $0xffff, v41, v41  }
0x55: {  	v19 =	vsel vm1, v17, v22;
	vm2 =	vlt.s32 v21, v23;
	(xrf1) =	vsort.ascd.msk.u32 $0xffff, v16, v16  }
0x56: {  	v16 =	vsel vm1, v22, v17;
	v17 =	vperm.xlane v18, v13;
	(xrf1) =	vsort.ascd.msk.u32 $0xffff, v19, v19  }
0x57: {  	v18 =	vsel vm2, v21, v23;
	(xrf1) =	vsort.ascd.msk.u32 $0xffff, v16, v16  }
0x58: {  	v16 =	vsel vm2, v23, v21;
	vm1 =	vlt.s32 v20, v17;
	(xrf1) =	vsort.ascd.msk.u32 $0xffff, v18, v18  }
0x59: {  	(xrf1) =	vsort.ascd.msk.u32 $0xffff, v16, v16;
	v16 =	vsel vm1, v20, v17  }
0x5a: {  	v17 =	vsel vm1, v17, v20;
	(xrf1) =	vsort.ascd.msk.u32 $0xffff, v16, v16  }
0x5b: {  	(xrf1) =	vsort.ascd.msk.u32 $0xffff, v17, v17;
	_ =	sdelay $0x2  }
0x5c: {  	v16, _, _ =	vpop (xrf1)  }
0x5d: {  	v17, _, _ =	vpop (xrf1)  }
0x5e: {  	v18, _, _ =	vpop (xrf1)  }
0x5f: {  	v19, _, _ =	vpop (xrf1)  }
0x60: {  	v20, _, _ =	vpop (xrf1)  }
0x61: {  	v42 =	vperm.xlane v28, v13;
	v19 =	vperm.xlane v19, v13;
	v21, _, _ =	vpop (xrf1)  }
0x62: {  	v22, _, _ =	vpop (xrf1)  }
0x63: {  	(xrf1) =	vsort.ascd.msk.u32 $0xffff, v16, v16;
	vm2 =	vlt.s32 v17, v42;
	vm1 =	vlt.s32 v18, v19;
	v23, _, _ =	vpop (xrf1)  }
0x64: {  	v16 =	vsel vm2, v17, v42;
	v22 =	vperm.xlane v22, v13;
	v47 =	vsel vm1, v18, v19;
	v43, _, _ =	vpop (xrf1)  }
0x65: {  	v23 =	vperm.xlane v23, v13;
	vm14 =	vgt.s32 v16, v47;
	v44, _, _ =	vpop (xrf1);
	v25 =	vperm.xlane v43, v13  }
0x66: {  	vm4 =	vlt.s32 v21, v22;
	v50 =	vsel vm14, v47, v16;
	v26 =	vperm.xlane v44, v13;
	v45, _, _ =	vpop (xrf1)  }
0x67: {  	v16 =	vsel vm14, v16, v47;
	vm3 =	vlt.s32 v20, v23;
	v49 =	vsel vm4, v21, v22;
	v46, _, _ =	vpop (xrf1)  }
0x68: {  	(xrf1) =	vsort.ascd.msk.u32 $0xffff, v50, v50;
	vm5 =	vlt.s32 v45, v26;
	vm6 =	vlt.s32 v46, v25  }
0x69: {  	v48 =	vsel vm3, v20, v23;
	v31 =	vsel vm5, v45, v26;
	v32 =	vsel vm6, v46, v25  }
0x6a: {  	v26 =	vsel vm5, v26, v45;
	v25 =	vsel vm6, v25, v46;
	vm15 =	vgt.s32 v31, v32  }
0x6b: {  	(xrf1) =	vsort.ascd.msk.u32 $0xffff, v16, v16;
	vm6 =	vgt.s32 v26, v25;
	v51 =	vsel vm15, v32, v31  }
0x6c: {  	vm7 =	vgt.s32 v48, v49;
	v16 =	vsel vm6, v25, v26;
	(xrf1) =	vsort.ascd.msk.u32 $0xffff, v51, v51  }
0x6d: {  	v52 =	vsel vm7, v49, v48;
	(xrf1) =	vsort.ascd.msk.u32 $0xffff, v16, v16  }
0x6e: {  	(xrf1) =	vsort.ascd.msk.u32 $0xffff, v52, v52;
	_ =	sdelay $0x3  }
0x6f: {  	v16 =	vsel vm3, v23, v20;
	v20 =	vsel vm4, v22, v21  }
0x70: {  	vm3 =	vgt.s32 v16, v20  }
0x71: {  	v22 =	vsel vm2, v42, v17;
	v21 =	vsel vm3, v20, v16  }
0x72: {  	v17 =	vsel vm6, v26, v25;
	v16 =	vsel vm3, v16, v20;
	(xrf1) =	vsort.ascd.msk.u32 $0xffff, v21, v21  }
0x73: {  	v18 =	vsel vm1, v19, v18;
	(xrf1) =	vsort.ascd.msk.u32 $0xffff, v16, v16;
	v16 =	vsel vm7, v48, v49  }
0x74: {  	vm1 =	vgt.s32 v22, v18;
	v20, _, _ =	vpop (xrf1)  }
0x75: {  	v19 =	vsel vm1, v18, v22;
	(xrf1) =	vsort.ascd.msk.u32 $0xffff, v17, v17;
	v17, _, _ =	vpop (xrf1)  }
0x76: {  	v21 =	vsel vm1, v22, v18;
	(xrf1) =	vsort.ascd.msk.u32 $0xffff, v16, v16;
	v16, _, _ =	vpop (xrf1)  }
0x77: {  	(xrf1) =	vsort.ascd.msk.u32 $0xffff, v19, v19;
	v18, _, _ =	vpop (xrf1)  }
0x78: {  	v22 =	vsel vm15, v31, v32;
	(xrf1) =	vsort.ascd.msk.u32 $0xffff, v21, v21;
	v19, _, _ =	vpop (xrf1)  }
0x79: {  	s24 =	simm.s32 $0x0;
	v15 =	vimm.s32 $0xF;
	s23 =	simm.s32 $0x1;
	s22 =	simm.s32 $0x0;
	(xrf1) =	vsort.ascd.msk.u32 $0xffff, v22, v22;
	v21, _, _ =	vpop (xrf1)  }
.LBB2_3:
0x7a: {  	_ =	sdelay $0x6  }
0x7b: {  	v22, _, _ =	vpop (xrf1)  }
0x7c: {  	v20 =	vperm.xlane v20, v13;
	vm1 =	vgt.s32 v18, v19;
	v23, _, _ =	vpop (xrf1)  }
0x7d: {  	v21 =	vperm.xlane v21, v13;
	v42 =	vsel vm1, v19, v18;
	v24, _, _ =	vpop (xrf1);
	v23 =	vperm.xlane v23, v13  }
0x7e: {  	v18 =	vsel vm1, v18, v19;
	v22 =	vperm.xlane v22, v13;
	vm2 =	vgt.s32 v24, v20;
	v25, _, _ =	vpop (xrf1)  }
0x7f: {  	v25 =	vperm.xlane v25, v13;
	v26 =	vsel vm2, v24, v20;
	v27, _, _ =	vpop (xrf1);
	vm1 =	vlt.s32 v17, v23  }
0x80: {  	v20 =	vsel vm2, v20, v24;
	vm2 =	vlt.s32 v16, v22;
	v19, _, _ =	vpop (xrf1);
	v43 =	vsel vm1, v17, v23  }
0x81: {  	s21 =	sadd.s32 $0x80, s21;
	s24 =	sadd.s32 $0x100, s24;
	v52 =	vmov s22;
	v17 =	vsel vm1, v23, v17;
	v23 =	vsel vm2, v16, v22;
	v28, _, _ =	vpop (xrf1);
	(xrf1) =	vsort.ascd.msk.u32 $0xffff, v26, v26  }
0x82: {  	s25 =	sand.u32 $0x3800, s24;
	s26 =	sand.u32 $0x380, s21;
	v16 =	vsel vm2, v22, v16;
	vm3 =	vlt.s32 v27, v25;
	vm4 =	vlt.s32 v19, v21  }
0x83: {  	s25 =	sor.u32 s26, s25;
	vm5 =	vgt.s32 v28, v20;
	v22 =	vsel vm3, v27, v25;
	v25 =	vsel vm3, v25, v27  }
0x84: {  	v29 =	vld [tilespmem:s25+$0x4000];
	v30 =	vsel vm4, v19, v21;
	v19 =	vsel vm4, v21, v19;
	v21 =	vsel vm5, v20, v28  }
0x85: {  	v31 =	vld [tilespmem:s25+$0x4020];
	vm1 =	vgt.s32 v43, v22;
	vm2 =	vgt.s32 v23, v30;
	v20 =	vsel vm5, v28, v20  }
0x86: {  	v32 =	vld [tilespmem:s25+$0x4400];
	vm3 =	vgt.s32 v17, v25;
	vm4 =	vgt.s32 v16, v19;
	vm10 =	vgt.s32 v42, v21  }
0x87: {  	v35 =	vld [tilespmem:s25+$0x4030];
	v33 =	vsel vm1, v43, v22;
	v34 =	vsel vm2, v23, v30;
	vm6 =	vgt.s32 v18, v20  }
0x88: {  	v37 =	vld [tilespmem:s25+$0x4050];
	v36 =	vsel vm3, v25, v17;
	v17 =	vsel vm3, v17, v25;
	v46 =	vsel vm10, v21, v42  }
0x89: {  	v48 =	vmul.f32 $8.388608000e+06, v29;
	v38 =	vsel vm4, v19, v16;
	v21 =	vsel vm10, v42, v21;
	(xrf1) =	vsort.ascd.msk.u32 $0xffff, v46, v46  }
0x8a: {  	v44 =	vld [tilespmem:s25+$0x4010];
	v31 =	vmul.f32 $8.388608000e+06, v31;
	v16 =	vsel vm4, v16, v19;
	v19 =	vsel vm6, v20, v18;
	(xrf1) =	vsort.ascd.msk.u32 $0xffff, v21, v21  }
0x8b: {  	v45 =	vld [tilespmem:s25+$0x4040];
	v32 =	vmul.f32 $8.388608000e+06, v32;
	vm3 =	vgt.s32 v33, v34;
	v18 =	vsel vm6, v18, v20;
	(xrf1) =	vsort.ascd.msk.u32 $0xffff, v19, v19  }
0x8c: {  	v35 =	vmul.f32 $8.388608000e+06, v35;
	vm11 =	vgt.s32 v36, v38;
	v20 =	vsel vm3, v33, v34;
	(xrf1) =	vsort.ascd.msk.u32 $0xffff, v18, v18  }
0x8d: {  	v47 =	vld [tilespmem:s25+$0x4060];
	v37 =	vmul.f32 $8.388608000e+06, v37;
	vm12 =	vgt.s32 v17, v16;
	v0 =	vsel vm11, v38, v36;
	(xrf1) =	vsort.ascd.msk.u32 $0xffff, v20, v20  }
0x8e: {  	v51 =	vtrunc.f32 v31;
	v31 =	vtrunc.f32 v32;
	v39 =	vsel vm12, v17, v16;
	v19 =	vld [tilespmem:s25+$0x4420];
	(xrf1) =	vsort.ascd.msk.u32 $0xffff, v0, v0  }
0x8f: {  	v35 =	vtrunc.f32 v35;
	v27 =	vmul.f32 $8.388608000e+06, v44;
	v36 =	vsel vm11, v36, v38;
	v18 =	vld [tilespmem:s25+$0x4070];
	v49, _, _ =	vpop (xrf1);
	(xrf1) =	vsort.ascd.msk.u32 $0xffff, v39, v39  }
0x90: {  	v31 =	vcvt.f32.s32 v31;
	v28 =	vmul.f32 $8.388608000e+06, v45;
	v16 =	vsel vm12, v16, v17;
	v21 =	vld [tilespmem:s25+$0x4410];
	(xrf1) =	vsort.ascd.msk.u32 $0xffff, v36, v36  }
0x91: {  	v9 =	vshll.u32 v52, $0x7;
	v35 =	vcvt.f32.s32 v35;
	v50 =	vtrunc.f32 v27;
	v20 =	vld [tilespmem:s25+$0x4430];
	(xrf1) =	vsort.ascd.msk.u32 $0xffff, v16, v16  }
0x92: {  	v32 =	vshll.u32 v52, $0x8;
	v28 =	vtrunc.f32 v28;
	v25 =	vcvt.f32.s32 v50  }
0x93: {  	v31 =	vshll.u32 v31, $0x8;
	v17 =	vmul.f32 $8.388608000e+06, v47;
	v50 =	vcvt.f32.s32 v28  }
0x94: {  	v31 =	vor.u32 v61, v31;
	v16 =	vmul.f32 $8.388608000e+06, v18;
	v18 =	vmul.f32 $8.388608000e+06, v19  }
0x95: {  	v5 =	vsel vm3, v34, v33;
	v38 =	vtrunc.f32 v17;
	v21 =	vmul.f32 $8.388608000e+06, v21  }
0x96: {  	v17 =	vsel vm1, v22, v43;
	v22 =	vsel vm2, v30, v23;
	v20 =	vmul.f32 $8.388608000e+06, v20  }
0x97: {  	v28 =	vand.u32 $0x3800, v32;
	v25 =	vshll.u32 v25, $0x8;
	vm1 =	vgt.s32 v17, v22;
	v23, _, _ =	vpop (xrf1)  }
0x98: {  	v4 =	vsel vm1, v22, v17;
	v10 =	vtrunc.f32 v21;
	v11 =	vtrunc.f32 v18;
	v18, _, _ =	vpop (xrf1)  }
0x99: {  	v17 =	vsel vm1, v17, v22;
	v22 =	vcvt.f32.s32 v51;
	v26 =	vcvt.f32.s32 v10;
	v21, _, _ =	vpop (xrf1);
	(xrf1) =	vsort.ascd.msk.u32 $0xffff, v4, v4  }
0x9a: {  	v25 =	vor.u32 v54, v25;
	v19 =	vtrunc.f32 v48;
	v24 =	vtrunc.f32 v20;
	v20, _, _ =	vpop (xrf1);
	(xrf1) =	vsort.ascd.msk.u32 $0xffff, v17, v17  }
0x9b: {  	v22 =	vshll.u32 v22, $0x8;
	v6 =	vperm.xlane v49, v13;
	v19 =	vcvt.f32.s32 v19;
	v7, _, _ =	vpop (xrf1);
	(xrf1) =	vsort.ascd.msk.u32 $0xffff, v5, v5  }
0x9c: {  	v22 =	vor.u32 v55, v22;
	v40 =	vperm.xlane v23, v13;
	v8 =	vperm.xlane v20, v13;
	v41, _, _ =	vpop (xrf1)  }
0x9d: {  	v23 =	vand.u32 $0x380, v9;
	v43 =	vperm.xlane v18, v13;
	v42 =	vperm.xlane v21, v13;
	v9, _, _ =	vpop (xrf1)  }
0x9e: {  	vm3 =	vgt.s32 v7, v6;
	vm13 =	vgt.s32 v41, v8;
	vm2 =	vgt.s32 v9, v40;
	v44, _, _ =	vpop (xrf1)  }
0x9f: {  	v20 =	vsel vm3, v7, v6;
	v46 =	vsel vm13, v41, v8;
	v21 =	vsel vm2, v9, v40;
	v45, _, _ =	vpop (xrf1)  }
0xa0: {  	vm14 =	vgt.s32 v44, v42;
	vm15 =	vgt.s32 v45, v43;
	vm1 =	vgt.s32 v20, v21  }
0xa1: {  	v47 =	vsel vm14, v44, v42;
	v48 =	vsel vm15, v45, v43;
	v49 =	vsel vm1, v21, v20  }
0xa2: {  	v16 =	vtrunc.f32 v16;
	vm7 =	vgt.s32 v46, v48;
	vm8 =	vgt.s32 v47, v49  }
0xa3: {  	v29 =	vcvt.f32.s32 v16;
	v51 =	vsel vm7, v46, v48;
	v52 =	vsel vm8, v47, v49  }
0xa4: {  	v16 =	vshll.u32 v19, $0x8;
	v19 =	vsel vm3, v6, v7;
	vm9 =	vgt.s32 v51, v52  }
0xa5: {  	v30 =	vsel vm13, v8, v41;
	v3 =	vsel vm2, v40, v9;
	v10 =	vsel vm9, v51, v52  }
0xa6: {  	v27 =	vcvt.f32.s32 v11;
	v11 =	vsel vm14, v42, v44;
	vm13 =	vgt.s32 v19, v3;
	(xrf1) =	vsort.ascd.msk.u32 $0xffff, v10, v10  }
0xa7: {  	v0 =	vsel vm7, v48, v46;
	v1 =	vsel vm8, v49, v47;
	v51 =	vsel vm9, v52, v51;
	v52, _, _ =	vpop (xrf1)  }
0xa8: {  	v39 =	vshll.u32 v50, $0x8;
	v33 =	vsel vm15, v43, v45;
	vm3 =	vgt.s32 v0, v1;
	v2, _, _ =	vpop (xrf1);
	(xrf1) =	vsort.ascd.msk.u32 $0xffff, v51, v51  }
0xa9: {  	v8 =	vsel vm13, v19, v3;
	v5 =	vsel vm3, v0, v1;
	vm2 =	vgt.s32 v52, v30;
	v4, _, _ =	vpop (xrf1)  }
0xaa: {  	v18 =	vcvt.f32.s32 v38;
	vm4 =	vgt.s32 v2, v11;
	(xrf1) =	vsort.ascd.msk.u32 $0xffff, v5, v5;
	vm12 =	vgt.s32 v4, v33  }
0xab: {  	v6 =	vsel vm2, v52, v30;
	v7 =	vsel vm4, v2, v11;
	v43 =	vsel vm12, v4, v33  }
0xac: {  	v38 =	vsel vm3, v1, v0;
	vm15 =	vgt.s32 v7, v8;
	vm14 =	vgt.s32 v6, v43  }
0xad: {  	v36 =	vtrunc.f32 v37;
	(xrf1) =	vsort.ascd.msk.u32 $0xffff, v38, v38;
	v10 =	vsel vm15, v7, v8;
	v9 =	vsel vm14, v6, v43  }
0xae: {  	v26 =	vshll.u32 v26, $0x8;
	v19 =	vsel vm13, v3, v19;
	vm3 =	vgt.s32 v9, v10  }
0xaf: {  	v38 =	vor.u32 v53, v16;
	v16 =	vsel vm2, v30, v52;
	v41 =	vsel vm3, v9, v10  }
0xb0: {  	v27 =	vshll.u32 v27, $0x8;
	v11 =	vsel vm4, v11, v2;
	v33 =	vsel vm12, v33, v4;
	(xrf1) =	vsort.ascd.msk.u32 $0xffff, v41, v41  }
0xb1: {  	v21 =	vsel vm1, v20, v21;
	vm4 =	vgt.s32 v11, v19;
	vm2 =	vgt.s32 v16, v33  }
0xb2: {  	v48 =	vsel vm15, v8, v7;
	v47 =	vsel vm14, v43, v6;
	v40 =	vsel vm2, v16, v33  }
0xb3: {  	v33 =	vsel vm2, v33, v16;
	v49 =	vsel vm3, v10, v9;
	vm3 =	vgt.s32 v47, v48  }
0xb4: {  	v17 =	vcvt.f32.s32 v36;
	v41 =	vsel vm4, v11, v19;
	v16 =	vsel vm3, v47, v48;
	v50, _, _ =	vpop (xrf1);
	(xrf1) =	vsort.ascd.msk.u32 $0xffff, v49, v49  }
0xb5: {  	v19 =	vsel vm4, v19, v11;
	v32 =	vsel vm3, v48, v47;
	v51 =	vshll.u32 v50, $0x3  }
0xb6: {  	v48 =	vor.u32 v57, v39;
	v52 =	vand.u32 $0x7F, v50;
	v54, _, _ =	vpop (xrf1);
	(xrf1) =	vsort.ascd.msk.u32 $0xffff, v16, v16;
	v53 =	vand.u32 $0x400, v51  }
0xb7: {  	vm2 =	vgt.s32 v40, v41;
	v1 =	vshll.u32 v54, $0x3;
	v36 =	vor.u32 v53, v52  }
0xb8: {  	v16 =	vand.u32 $0x7F, v54;
	v3, _, _ =	vpop (xrf1);
	(xrf1) =	vsort.ascd.msk.u32 $0xffff, v32, v32;
	v55 =	vand.u32 $0x400, v1;
	v36 =	vor.u32 v28, v36  }
0xb9: {  	vm3 =	vgt.s32 v33, v19;
	v16 =	vor.u32 v55, v16;
	v36 =	vor.u32 v23, v36  }
0xba: {  	v8 =	vsel vm3, v33, v19;
	v9 =	vsel vm2, v40, v41;
	v16 =	vor.u32 v28, v16  }
0xbb: {  	v49 =	vshll.u32 v17, $0x8;
	v4 =	vshll.u32 v3, $0x3;
	v10, _, _ =	vpop (xrf1);
	(xrf1) =	vsort.ascd.msk.u32 $0xffff, v9, v9;
	v7 =	vor.u32 v23, v16  }
0xbc: {  	v32 =	vshll.u32 v35, $0x8;
	v5 =	vand.u32 $0x7F, v3;
	v6 =	vand.u32 $0x400, v4;
	(xrf1) =	vsort.ascd.msk.u32 $0xffff, v38, v38  }
0xbd: {  	v51 =	vsel vm3, v19, v33;
	v11 =	vshll.u32 v10, $0x3;
	(xrf1) =	vsort.ascd.msk.u32 $0xffff, v8, v8;
	v16 =	vor.u32 v6, v5  }
0xbe: {  	v46 =	vand.u32 $0x7F, v10;
	v35 =	vand.u32 $0x400, v11;
	v45 =	vor.u32 v28, v16;
	v50, _, _ =	vpop (xrf1);
	v16 =	vld.idx.msk [tilespmem:v36+s2+$0x0], $0xffff  }
0xbf: {  	v17 =	vor.u32 v35, v46;
	v47 =	vor.u32 v23, v45;
	v52 =	vshll.u32 v50, $0x3  }
0xc0: {  	v35 =	vor.u32 v28, v17;
	(xrf1) =	vsort.ascd.msk.u32 $0xffff, v25, v25;
	v53 =	vand.u32 $0x7F, v50;
	v17 =	vld.idx.msk [tilespmem:v7+s2+$0x0], $0xffff;
	v54 =	vand.u32 $0x400, v52  }
0xc1: {  	v57 =	vshll.u32 v18, $0x8;
	v8 =	vsel vm2, v41, v40;
	(xrf1) =	vsort.ascd.msk.u32 $0xffff, v51, v51;
	v18 =	vor.u32 v54, v53  }
0xc2: {  	v55 =	vor.u32 v23, v35;
	v45 =	vor.u32 v56, v32;
	v30 =	vor.u32 v28, v18;
	v19, _, _ =	vpop (xrf1)  }
0xc3: {  	(xrf1) =	vsort.ascd.msk.u32 $0xffff, v22, v22;
	v7 =	vor.u32 v23, v30;
	v4 =	vshll.u32 v19, $0x3;
	v5 =	vmul.f32 $1.442695020e+00, v16  }
0xc4: {  	v18 =	vld.idx.msk [tilespmem:v47+s2+$0x0], $0xffff;
	v19 =	vand.u32 $0x7F, v19;
	(xrf1) =	vsort.ascd.msk.u32 $0xffff, v48, v48;
	v22, _, _ =	vpop (xrf1);
	v48 =	vor.u32 v58, v49;
	v6 =	vand.u32 $0x400, v4  }
0xc5: {  	v9 =	vshll.u32 v22, $0x3;
	v11 =	vmul.f32 $1.442695020e+00, v17;
	v40 =	vand.u32 $0x7F, v22  }
0xc6: {  	(xrf1) =	vsort.ascd.msk.u32 $0xffff, v8, v8;
	v22, _, _ =	vpop (xrf1);
	v19 =	vor.u32 v6, v19;
	(erf) = vpow2.f32 v5;
	v35 =	vand.u32 $0x400, v9  }
0xc7: {  	v41 =	vshll.u32 v22, $0x3;
	v44 =	vand.u32 $0x7F, v22;
	v10 =	vor.u32 v28, v19  }
0xc8: {  	(xrf1) =	vsort.ascd.msk.u32 $0xffff, v31, v31;
	v20 =	vor.u32 v35, v40;
	(erf) = vpow2.f32 v11;
	v36 =	vor.u32 v23, v10  }
0xc9: {  	v22, _, _ =	vpop (xrf1);
	v19 =	vld.idx.msk [tilespmem:v55+s2+$0x0], $0xffff;
	v43 =	vmul.f32 $1.442695020e+00, v18;
	v30 =	vand.u32 $0x400, v41;
	(xrf1) =	vsort.ascd.msk.u32 $0xffff, v21, v21;
	v42 =	vor.u32 v28, v20  }
0xca: {  	v32, _, _ =	vpop (xrf1);
	v3 =	vshll.u32 v22, $0x3;
	v22 =	vand.u32 $0x7F, v22;
	v20 =	vld.idx.msk [tilespmem:v7+s2+$0x0], $0xffff;
	(xrf1) =	vsort.ascd.msk.u32 $0xffff, v45, v45;
	v31 =	vor.u32 v23, v42  }
0xcb: {  	v21 =	vor.u32 v30, v44;
	v46 =	vand.u32 $0x400, v3;
	v47, _, _ =	vpop (xrf1);
	(erf) = vpow2.f32 v43  }
0xcc: {  	v30 =	vor.u32 v28, v21;
	v22 =	vor.u32 v46, v22;
	v50 =	vshll.u32 v47, $0x3  }
0xcd: {  	v53 =	vand.u32 $0x7F, v47;
	v30 =	vor.u32 v23, v30;
	v51 =	vor.u32 v28, v22;
	v21 =	vld.idx.msk [tilespmem:v36+s2+$0x0], $0xffff  }
0xce: {  	v0 =	vand.u32 $0x400, v50;
	v54 =	vor.u32 v23, v51;
	v2 =	vmul.f32 $1.442695020e+00, v19;
	v35, _, _ =	vpop (xrf1);
	(xrf1) =	vsort.ascd.msk.u32 $0xffff, v48, v48  }
0xcf: {  	v56 =	vor.u32 v59, v57;
	v25 =	vor.u32 v0, v53;
	v52 =	vmul.f32 $1.442695020e+00, v20;
	v55, _, _ =	vpop (xrf1);
	v22 =	vld.idx.msk [tilespmem:v31+s2+$0x0], $0xffff  }
0xd0: {  	v59 =	vor.u32 v28, v25;
	(erf) = vpow2.f32 v2;
	v58 =	vshll.u32 v55, $0x3;
	v49 =	vpop (erf)  }
0xd1: {  	v4 =	vand.u32 $0x7F, v55;
	(erf) = vpow2.f32 v52;
	v5 =	vand.u32 $0x400, v58;
	(xrf2) =	vadd.scan.msk.f32 $0xffff, v49;
	v57 =	vpop (erf)  }
0xd2: {  	v6 =	vor.u32 v23, v59;
	v25 =	vld.idx.msk [tilespmem:v30+s2+$0x0], $0xffff;
	v31 =	vor.u32 v5, v4;
	v33, _, _ =	vpop (xrf1);
	v61 =	vmul.f32 $1.442695020e+00, v21  }
0xd3: {  	v8 =	vor.u32 v62, v26;
	v26 =	vld.idx.msk [tilespmem:v54+s2+$0x0], $0xffff;
	v31 =	vor.u32 v28, v31;
	v34, _, _ =	vpop (xrf1);
	(xrf1) =	vsort.ascd.msk.u32 $0xffff, v56, v56  }
0xd4: {  	(xrf2) =	vadd.scan.msk.f32 $0xffff, v57;
	v11 =	vor.u32 v23, v31;
	v9 =	vmul.f32 $1.442695020e+00, v22;
	v10, _, _ =	vpop (xrf1);
	(erf) = vpow2.f32 v61  }
0xd5: {  	v47 =	vor.u32 v63, v27;
	v7 =	vpop (erf);
	v43 =	vshll.u32 v10, $0x3  }
0xd6: {  	(xrf2) =	vadd.scan.msk.f32 $0xffff, v7;
	v46, _, _ =	vpop (xrf1);
	v44 =	vand.u32 $0x7F, v10;
	v31 =	vand.u32 $0x400, v43;
	(erf) = vpow2.f32 v9  }
0xd7: {  	v27 =	vld.idx.msk [tilespmem:v6+s2+$0x0], $0xffff;
	(xrf1) =	vsort.ascd.msk.u32 $0xffff, v8, v8;
	v48 =	vmul.f32 $1.442695020e+00, v25;
	v49, _, _ =	vpop (xrf1);
	v31 =	vor.u32 v31, v44  }
0xd8: {  	v24 =	vcvt.f32.s32 v24;
	v55 =	vld [tilespmem:$0x1FFE0];
	v53 =	vmul.f32 $1.442695020e+00, v26;
	v52, _, _ =	vpop (xrf1);
	v31 =	vor.u32 v28, v31  }
0xd9: {  	v38 =	vand.u32 $0xFF, v49;
	v45 =	vpop (erf);
	(erf) = vpow2.f32 v48;
	v50 =	vor.u32 v23, v31;
	v31 =	vld.idx.msk [tilespmem:v11+s2+$0x0], $0xffff  }
0xda: {  	(xrf2) =	vadd.scan.msk.f32 $0xffff, v45;
	v51 =	vpop (erf);
	(erf) = vpow2.f32 v53  }
0xdb: {  	v24 =	vshll.u32 v24, $0x8;
	v29 =	vshll.u32 v29, $0x8;
	(xrf1) =	vsort.ascd.msk.u32 $0xffff, v47, v47;
	v41, _, _ =	vpop (xrf2)  }
0xdc: {  	v29 =	vor.u32 v60, v29;
	v54 =	vmin.u32 v38, $0xC7;
	v58 =	vmul.f32 $1.442695020e+00, v27;
	(xrf2) =	vadd.scan.msk.f32 $0xffff, v51;
	v38, _, _ =	vpop (xrf1)  }
0xdd: {  	v24 =	vor.u32 v55, v24;
	(xrf1) =	vsort.ascd.msk.u32 $0xffff, v29, v29;
	v56 =	vshll.u32 v54, $0x3;
	v29 =	vand.u32 $0x7F, v54;
	v57 =	vpop (erf)  }
0xde: {  	v37 =	vand.u32 $0x400, v56;
	v42, _, _ =	vpop (xrf2);
	(erf) = vpow2.f32 v58;
	v61 =	vmul.f32 $1.442695020e+00, v31;
	(xrf2) =	vadd.scan.msk.f32 $0xffff, v57  }
0xdf: {  	(xrf1) =	vsort.ascd.msk.u32 $0xffff, v24, v24;
	v59 =	vor.u32 v37, v29;
	v30 =	vld.idx.msk [tilespmem:v50+s2+$0x0], $0xffff;
	v60 =	vpop (erf)  }
0xe0: {  	v24 =	vor.u32 v28, v59;
	v44, _, _ =	vpop (xrf2);
	(xrf2) =	vadd.scan.msk.f32 $0xffff, v60;
	(erf) = vpow2.f32 v61  }
0xe1: {  	v23 =	vor.u32 v23, v24;
	v47, _, _ =	vpop (xrf1)  }
0xe2: {  	v62 =	vpop (erf)  }
0xe3: {  	v63 =	vld [tilespmem:s25+$0x4438];
	v29 =	vperm.xlane v52, v13;
	v7 =	vpop (erf)  }
0xe4: {  	v45, _, _ =	vpop (xrf2);
	(xrf2) =	vadd.scan.msk.f32 $0xffff, v62;
	v6 =	vmul.f32 $1.442695020e+00, v30  }
0xe5: {  	vm1 =	vlt.s32 v33, v29;
	v5, _, _ =	vpop (xrf1)  }
0xe6: {  	v4 =	vsel vm1, v29, v33;
	v23 =	vld.idx.msk [tilespmem:v23+s2+$0x0], $0xffff;
	v48, _, _ =	vpop (xrf2);
	(erf) = vpow2.f32 v6;
	(xrf2) =	vadd.scan.msk.f32 $0xffff, v7  }
0xe7: {  	v35 =	vperm.xlane v35, v13;
	(xrf1) =	vsort.ascd.msk.u32 $0xffff, v4, v4;
	v10 =	vpop (erf)  }
0xe8: {  	v9 =	vmul.f32 $8.388608000e+06, v63;
	v52, _, _ =	vpop (xrf2)  }
0xe9: {  	vm2 =	vlt.s32 v32, v35;
	(xrf2) =	vadd.scan.msk.f32 $0xffff, v10;
	v56 =	vpop (erf)  }
0xea: {  	v40 =	vsel vm2, v32, v35;
	v24 =	vtrunc.f32 v9;
	v60 =	vperm.xlane v38, v13;
	v51, _, _ =	vpop (xrf2);
	(xrf2) =	vadd.scan.msk.f32 $0xffff, v56  }
0xeb: {  	v39 =	vsel vm2, v35, v32;
	v24 =	vcvt.f32.s32 v24;
	v62 =	vld [tilespmem:$0x1FFF0];
	v8, _, _ =	vpop (xrf1);
	v23 =	vnsel vm0, $0x0, v23  }
0xec: {  	vm3 =	vlt.s32 v34, v60;
	v61 =	vperm.xlane v5, v13;
	v11, _, _ =	vpop (xrf1);
	v58 =	vmul.f32 $1.442695020e+00, v23  }
0xed: {  	v59 =	vshll.u32 v24, $0x8;
	v38 =	vsel vm1, v33, v29;
	v37 =	vsel vm3, v34, v60;
	v57, _, _ =	vpop (xrf1)  }
0xee: {  	v36 =	vsel vm3, v60, v34;
	vm9 =	vlt.s32 v46, v61;
	(erf) = vpow2.f32 v58;
	v53, _, _ =	vpop (xrf2)  }
0xef: {  	v63 =	vperm.xlane v11, v13;
	v29 =	vsel vm9, v46, v61;
	v28 =	vsel vm9, v61, v46;
	v2 =	vpop (erf)  }
0xf0: {  	v46 =	vperm.xlane v41, v15;
	v0 =	vor.u32 v62, v59;
	v59 =	vperm.xlane v42, v15;
	v56, _, _ =	vpop (xrf2);
	(xrf2) =	vadd.scan.msk.f32 $0xffff, v2  }
0xf1: {  	vm8 =	vlt.s32 v47, v63;
	v62 =	vperm.xlane v48, v15;
	v1 =	vperm.xlane v57, v13  }
0xf2: {  	v43 =	vsel vm0, $0x7FFFFFFF, v0;
	v35 =	vsel vm8, v47, v63;
	v34 =	vsel vm8, v63, v47  }
0xf3: {  	v0 =	vperm.xlane v45, v15;
	v57 =	vperm.xlane v44, v15;
	vm2 =	vlt.s32 v8, v1;
	v4, _, _ =	vpop (xrf2)  }
0xf4: {  	v55 =	vperm.xlane v52, v15;
	v33 =	vsel vm2, v8, v1;
	v32 =	vsel vm2, v1, v8;
	v5, _, _ =	vpop (xrf2)  }
0xf5: {  	v1 =	vperm.xlane v51, v15;
	v3, _, _ =	vpop (xrf1);
	v6 =	vadd.f32 $0.0e+00, v5;
	v47 =	vperm.xlane v5, v15  }
0xf6: {  	v2 =	vperm.xlane v53, v15;
	v24 =	vperm.xlane v3, v13  }
0xf7: {  	v7 =	vpop (erf);
	v8 =	vperm.xlane v4, v15;
	v47 =	vadd.f32 $0.0e+00, v47;
	v9 =	vshra.s32 v6, $0x17  }
0xf8: {  	v60 =	vnsel vm0, $0x0, v7;
	v49 =	vand.u32 $0x7FFFFF, v6;
	v54 =	vadd.s32 $0xFFFFFF81, v9  }
0xf9: {  	v49 =	vor.u32 $0x3F800000, v49;
	v54 =	vcvt.s32.f32 v54;
	v50 =	vadd.f32 v4, v47  }
0xfa: {  	v58 =	vadd.f32 v8, v47;
	v10, _, _ =	vpop (xrf2);
	v63 =	vadd.f32 $-1.500000000e+00, v49;
	v8 =	vperm.xlane v56, v15  }
0xfb: {  	v11 =	vperm.xlane v10, v15;
	v47 =	vmul.f32 $6.931471820e-01, v54;
	v9 =	vshra.s32 v50, $0x17  }
0xfc: {  	v4 =	vadd.f32 v10, v58;
	v10 =	vmul.f32 $3.010222690e-02, v63;
	v50 =	vand.u32 $0x7FFFFF, v50  }
0xfd: {  	v49 =	vadd.f32 v11, v58;
	v54 =	vadd.s32 $0xFFFFFF81, v9;
	v50 =	vor.u32 $0x3F800000, v50  }
0xfe: {  	v11 =	vshra.s32 v4, $0x17;
	v54 =	vcvt.s32.f32 v54;
	v5 =	vadd.f32 $-5.486227940e-02, v10  }
0xff: {  	v61 =	vadd.f32 $-1.500000000e+00, v50;
	v4 =	vand.u32 $0x7FFFFF, v4;
	v56 =	vadd.f32 v56, v49  }
0x100: {  	v3 =	vadd.f32 v8, v49;
	v58 =	vadd.s32 $0xFFFFFF81, v11;
	v49 =	vmul.f32 $6.931471820e-01, v54  }
0x101: {  	v4 =	vor.u32 $0x3F800000, v4;
	v50 =	vcvt.s32.f32 v58;
	v5 =	vmul.f32 v5, v63  }
0x102: {  	v58 =	vadd.f32 $-1.500000000e+00, v4;
	v6 =	vshra.s32 v56, $0x17;
	v2 =	vadd.f32 v2, v3  }
0x103: {  	v8 =	vand.u32 $0x7FFFFF, v56;
	v3 =	vadd.f32 v53, v3;
	v53 =	vmul.f32 $3.010222690e-02, v61  }
0x104: {  	v9 =	vadd.s32 $0xFFFFFF81, v6;
	v10 =	vor.u32 $0x3F800000, v8;
	v50 =	vmul.f32 $6.931471820e-01, v50  }
0x105: {  	v6 =	vmul.f32 $3.010222690e-02, v58;
	v4 =	vcvt.s32.f32 v9;
	v7 =	vadd.f32 v51, v2  }
0x106: {  	v11 =	vshra.s32 v3, $0x17;
	v1 =	vadd.f32 v1, v2;
	v2 =	vadd.f32 $9.832214560e-02, v5  }
0x107: {  	v54 =	vadd.f32 $-1.500000000e+00, v10;
	v3 =	vand.u32 $0x7FFFFF, v3;
	v5 =	vadd.f32 $-5.486227940e-02, v53  }
0x108: {  	v8 =	vadd.s32 $0xFFFFFF81, v11;
	v3 =	vor.u32 $0x3F800000, v3;
	v6 =	vadd.f32 $-5.486227940e-02, v6  }
0x109: {  	v53 =	vcvt.s32.f32 v8;
	v56 =	vshra.s32 v7, $0x17;
	v51 =	vmul.f32 $6.931471820e-01, v4  }
0x10a: {  	v4 =	vadd.f32 v52, v1;
	v1 =	vadd.f32 v55, v1;
	v8 =	vmul.f32 $3.010222690e-02, v54  }
0x10b: {  	v55 =	vadd.f32 $-1.500000000e+00, v3;
	v9 =	vand.u32 $0x7FFFFF, v7;
	v2 =	vmul.f32 v2, v63  }
0x10c: {  	v5 =	vmul.f32 v5, v61;
	v10 =	vadd.s32 $0xFFFFFF81, v56;
	v3 =	vor.u32 $0x3F800000, v9  }
0x10d: {  	v6 =	vmul.f32 v6, v58;
	v56 =	vshra.s32 v4, $0x17;
	v52 =	vmul.f32 $6.931471820e-01, v53  }
0x10e: {  	v7 =	vcvt.s32.f32 v10;
	v62 =	vadd.f32 v62, v1;
	v53 =	vadd.f32 $-1.500000000e+00, v3  }
0x10f: {  	v3 =	vand.u32 $0x7FFFFF, v4;
	v1 =	vadd.f32 v48, v1;
	v2 =	vadd.f32 $-2.217513020e-01, v2  }
0x110: {  	v4 =	vadd.f32 $-5.486227940e-02, v8;
	v8 =	vmul.f32 $3.010222690e-02, v55;
	v5 =	vadd.f32 $9.832214560e-02, v5  }
0x111: {  	v11 =	vadd.s32 $0xFFFFFF81, v56;
	v3 =	vor.u32 $0x3F800000, v3;
	v6 =	vadd.f32 $9.832214560e-02, v6  }
0x112: {  	v9 =	vcvt.s32.f32 v11;
	v10 =	vshra.s32 v1, $0x17;
	v48 =	vmul.f32 $6.931471820e-01, v7  }
0x113: {  	v7 =	vadd.f32 v45, v62;
	v0 =	vadd.f32 v0, v62;
	v62 =	vmul.f32 $3.010222690e-02, v53  }
0x114: {  	v56 =	vadd.f32 $-1.500000000e+00, v3;
	v1 =	vand.u32 $0x7FFFFF, v1;
	v2 =	vmul.f32 v2, v63  }
0x115: {  	v3 =	vmul.f32 v4, v54;
	v4 =	vadd.f32 $-5.486227940e-02, v8;
	v5 =	vmul.f32 v5, v61  }
0x116: {  	v45 =	vadd.s32 $0xFFFFFF81, v10;
	v1 =	vor.u32 $0x3F800000, v1;
	v6 =	vmul.f32 v6, v58  }
0x117: {  	v8 =	vcvt.s32.f32 v45;
	v10 =	vshra.s32 v7, $0x17;
	v45 =	vmul.f32 $6.931471820e-01, v9  }
0x118: {  	v9 =	vadd.f32 v44, v0;
	v0 =	vadd.f32 v57, v0;
	v11 =	vmul.f32 $3.010222690e-02, v56  }
0x119: {  	v57 =	vadd.f32 $-1.500000000e+00, v1;
	v44 =	vand.u32 $0x7FFFFF, v7;
	v3 =	vadd.f32 $9.832214560e-02, v3  }
0x11a: {  	v4 =	vmul.f32 v4, v55;
	v7 =	vadd.f32 $-5.486227940e-02, v62;
	v2 =	vadd.f32 $6.666792030e-01, v2  }
0x11b: {  	v5 =	vadd.f32 $-2.217513020e-01, v5;
	v10 =	vadd.s32 $0xFFFFFF81, v10;
	v1 =	vor.u32 $0x3F800000, v44  }
0x11c: {  	(xrf2) =	vadd.scan.msk.f32 $0xffff, v60;
	v6 =	vadd.f32 $-2.217513020e-01, v6;
	v12 =	vshra.s32 v9, $0x17;
	v44 =	vmul.f32 $6.931471820e-01, v8  }
0x11d: {  	v62 =	vcvt.s32.f32 v10;
	v8 =	vadd.f32 v59, v0;
	v59 =	vadd.f32 $-1.500000000e+00, v1  }
0x11e: {  	v1 =	vand.u32 $0x7FFFFF, v9;
	v0 =	vadd.f32 v42, v0;
	v7 =	vmul.f32 v7, v53  }
0x11f: {  	v9 =	vadd.f32 $-5.486227940e-02, v11;
	v10 =	vmul.f32 $3.010222690e-02, v57;
	v2 =	vmul.f32 v2, v63  }
0x120: {  	v3 =	vmul.f32 v3, v54;
	v4 =	vadd.f32 $9.832214560e-02, v4;
	v5 =	vmul.f32 v5, v61  }
0x121: {  	v11 =	vadd.s32 $0xFFFFFF81, v12;
	v1 =	vor.u32 $0x3F800000, v1;
	v6 =	vmul.f32 v6, v58  }
0x122: {  	v41 =	vadd.f32 v41, v8;
	v8 =	vadd.f32 v46, v8;
	v12 =	vmul.f32 $3.010222690e-02, v59  }
0x123: {  	v60 =	vadd.f32 $-1.500000000e+00, v1;
	v46 =	vand.u32 $0x7FFFFF, v0;
	v7 =	vadd.f32 $9.832214560e-02, v7  }
0x124: {  	v9 =	vmul.f32 v9, v56;
	v10 =	vadd.f32 $-5.486227940e-02, v10;
	v2 =	vadd.f32 $4.054594040e-01, v2  }
0x125: {  	v3 =	vadd.f32 $-2.217513020e-01, v3;
	v4 =	vmul.f32 v4, v55;
	v5 =	vadd.f32 $6.666792030e-01, v5  }
0x126: {  	v42, _, _ =	vpop (xrf2);
	v0 =	vshra.s32 v0, $0x17;
	v1 =	vor.u32 $0x3F800000, v46;
	v6 =	vadd.f32 $6.666792030e-01, v6  }
0x127: {  	v0 =	vadd.s32 $0xFFFFFF81, v0;
	v46 =	vadd.f32 $-1.500000000e+00, v1;
	v42 =	vadd.f32 v42, v8  }
0x128: {  	v8 =	vmul.f32 v10, v57;
	v10 =	vadd.f32 $-5.486227940e-02, v12;
	v12 =	vmul.f32 $3.010222690e-02, v60  }
0x129: {  	v1 =	vand.u32 $0x7FFFFF, v41;
	v5 =	vmul.f32 v5, v61;
	v7 =	vmul.f32 v7, v53  }
0x12a: {  	v9 =	vadd.f32 $9.832214560e-02, v9;
	v2 =	vadd.f32 v2, v47;
	v3 =	vmul.f32 v3, v54  }
0x12b: {  	v4 =	vadd.f32 $-2.217513020e-01, v4;
	v1 =	vor.u32 $0x3F800000, v1;
	v5 =	vadd.f32 $4.054594040e-01, v5  }
0x12c: {  	(xrf1) =	vsort.ascd.msk.u32 $0xffff, v43, v43;
	v6 =	vmul.f32 v6, v58;
	v12 =	vadd.f32 $-5.486227940e-02, v12;
	v43 =	vadd.f32 $-1.500000000e+00, v1  }
0x12d: {  	v47 =	vand.u32 $0x7FFFFF, v42;
	v2 =	vsub.f32 v2, v31;
	v5 =	vadd.f32 v5, v49  }
0x12e: {  	v3 =	vadd.f32 $6.666792030e-01, v3;
	v8 =	vadd.f32 $9.832214560e-02, v8;
	v31 =	vmul.f32 $3.010222690e-02, v46  }
0x12f: {  	v4 =	vmul.f32 v4, v55;
	v49 =	vadd.f32 $4.054594040e-01, v6;
	v2 =	vadd.f32 v5, v2  }
0x130: {  	v7 =	vadd.f32 $-2.217513020e-01, v7;
	v9 =	vmul.f32 v9, v56;
	v1 =	vor.u32 $0x3F800000, v47  }
0x131: {  	v3 =	vmul.f32 v3, v54;
	v5 =	vadd.f32 v49, v50;
	v2 =	vsub.f32 v2, v27  }
0x132: {  	v6 =	vmul.f32 v10, v59;
	v4 =	vadd.f32 $6.666792030e-01, v4;
	v9 =	vadd.f32 $-2.217513020e-01, v9  }
0x133: {  	v49 =	vadd.f32 $4.054594040e-01, v3;
	v3 =	vmul.f32 $3.010222690e-02, v43;
	v47 =	vadd.f32 v5, v2  }
0x134: {  	v50 =	vmul.f32 v7, v53;
	v6 =	vadd.f32 $9.832214560e-02, v6;
	v27 =	vadd.f32 $-1.500000000e+00, v1  }
0x135: {  	v4 =	vmul.f32 v4, v55;
	v2 =	vadd.f32 v49, v51;
	v1 =	vsub.f32 v47, v30  }
0x136: {  	v7 =	vadd.f32 $-5.486227940e-02, v31;
	v5 =	vadd.f32 $6.666792030e-01, v50;
	v51 =	vmul.f32 v12, v60  }
0x137: {  	v31 =	vmul.f32 v8, v57;
	v30 =	vadd.f32 $4.054594040e-01, v4;
	v1 =	vadd.f32 v2, v1  }
0x138: {  	v3 =	vadd.f32 $-5.486227940e-02, v3;
	v47 =	vmul.f32 v9, v56;
	v49 =	vadd.f32 $9.832214560e-02, v51  }
0x139: {  	v5 =	vmul.f32 v5, v53;
	v2 =	vadd.f32 v30, v52;
	v1 =	vsub.f32 v1, v26  }
0x13a: {  	v7 =	vmul.f32 v7, v46;
	v50, _, _ =	vpop (xrf1);
	v4 =	vadd.f32 $-2.217513020e-01, v31;
	v8 =	vadd.f32 $6.666792030e-01, v47  }
0x13b: {  	v0 =	vcvt.s32.f32 v0;
	(xrf1) =	vsort.ascd.msk.u32 $0xffff, v50, v50;
	v51 =	vadd.f32 $4.054594040e-01, v5;
	v1 =	vadd.f32 v2, v1  }
0x13c: {  	v7 =	vadd.f32 $9.832214560e-02, v7;
	(xrf1) =	vsort.ascd.msk.u32 $0xffff, v40, v40;
	v4 =	vmul.f32 v4, v57;
	v52 =	vmul.f32 v6, v59  }
0x13d: {  	v8 =	vmul.f32 v8, v56;
	v2 =	vadd.f32 v51, v48;
	v1 =	vsub.f32 v1, v25  }
0x13e: {  	v3 =	vmul.f32 v3, v43;
	(xrf1) =	vsort.ascd.msk.u32 $0xffff, v39, v39;
	v4 =	vadd.f32 $6.666792030e-01, v4;
	v5 =	vadd.f32 $-2.217513020e-01, v52  }
0x13f: {  	v12 =	vmul.f32 $3.010222690e-02, v27;
	(xrf1) =	vsort.ascd.msk.u32 $0xffff, v38, v38;
	v30 =	vadd.f32 $4.054594040e-01, v8;
	v1 =	vadd.f32 v2, v1  }
0x140: {  	v3 =	vadd.f32 $9.832214560e-02, v3;
	v9 =	vmul.f32 v49, v60;
	(xrf1) =	vsort.ascd.msk.u32 $0xffff, v37, v37;
	v5 =	vmul.f32 v5, v59  }
0x141: {  	v4 =	vmul.f32 v4, v57;
	v2 =	vadd.f32 v30, v45;
	v1 =	vsub.f32 v1, v22  }
0x142: {  	v7 =	vmul.f32 v7, v46;
	v9 =	vadd.f32 $-2.217513020e-01, v9;
	(xrf1) =	vsort.ascd.msk.u32 $0xffff, v36, v36;
	v5 =	vadd.f32 $6.666792030e-01, v5  }
0x143: {  	v31 =	vcvt.s32.f32 v11;
	(xrf1) =	vsort.ascd.msk.u32 $0xffff, v35, v35;
	v36 =	vadd.f32 $4.054594040e-01, v4;
	v1 =	vadd.f32 v2, v1  }
0x144: {  	v7 =	vadd.f32 $-2.217513020e-01, v7;
	v3 =	vmul.f32 v3, v43;
	v9 =	vmul.f32 v9, v60;
	(xrf1) =	vsort.ascd.msk.u32 $0xffff, v34, v34  }
0x145: {  	v5 =	vmul.f32 v5, v59;
	v2 =	vadd.f32 v36, v44;
	v1 =	vsub.f32 v1, v21  }
0x146: {  	v47 =	vmul.f32 $6.931471820e-01, v31;
	v26 =	vadd.f32 $-5.486227940e-02, v12;
	(xrf1) =	vsort.ascd.msk.u32 $0xffff, v33, v33;
	v9 =	vadd.f32 $6.666792030e-01, v9  }
0x147: {  	v37 =	vmul.f32 $6.931471820e-01, v62;
	(xrf1) =	vsort.ascd.msk.u32 $0xffff, v32, v32;
	v38 =	vadd.f32 $4.054594040e-01, v5;
	v1 =	vadd.f32 v2, v1  }
0x148: {  	v39 =	vmul.f32 v7, v46;
	v3 =	vadd.f32 $-2.217513020e-01, v3;
	v6 =	vmul.f32 v26, v27;
	(xrf1) =	vsort.ascd.msk.u32 $0xffff, v29, v29  }
0x149: {  	v40 =	vmul.f32 v9, v60;
	v2 =	vadd.f32 v38, v37;
	v1 =	vsub.f32 v1, v20  }
0x14a: {  	v3 =	vmul.f32 v3, v43;
	v6 =	vadd.f32 $9.832214560e-02, v6;
	v5 =	vadd.f32 $6.666792030e-01, v39;
	v44, _, _ =	vpop (xrf1);
	(xrf1) =	vsort.ascd.msk.u32 $0xffff, v28, v28  }
0x14b: {  	v49 =	vshra.s32 v41, $0x17;
	v45 =	vadd.f32 $4.054594040e-01, v40;
	v1 =	vadd.f32 v2, v1  }
0x14c: {  	v3 =	vadd.f32 $6.666792030e-01, v3;
	v6 =	vmul.f32 v6, v27;
	v9 =	vadd.s32 $0xFFFFFF81, v49  }
0x14d: {  	v51 =	vmul.f32 v5, v46;
	v48, _, _ =	vpop (xrf1);
	v2 =	vadd.f32 v45, v47;
	v1 =	vsub.f32 v1, v19  }
0x14e: {  	v0 =	vmul.f32 $6.931471820e-01, v0;
	v9 =	vcvt.s32.f32 v9;
	v6 =	vadd.f32 $-2.217513020e-01, v6;
	v50, _, _ =	vpop (xrf1)  }
0x14f: {  	v29 =	vmul.f32 v3, v43;
	v25 =	vadd.f32 $4.054594040e-01, v51;
	v52, _, _ =	vpop (xrf1);
	v1 =	vadd.f32 v2, v1  }
0x150: {  	v33 =	vmul.f32 $6.931471820e-01, v9;
	v28 =	vshra.s32 v42, $0x17;
	v6 =	vmul.f32 v6, v27;
	v26, _, _ =	vpop (xrf1)  }
0x151: {  	v11 =	vadd.s32 $0xFFFFFF81, v28;
	v0 =	vadd.f32 v25, v0;
	v12, _, _ =	vpop (xrf1);
	v1 =	vsub.f32 v1, v18  }
0x152: {  	v32 =	vadd.f32 $4.054594040e-01, v29;
	v11 =	vcvt.s32.f32 v11;
	v30 =	vperm.xlane v52, v13;
	v31, _, _ =	vpop (xrf1)  }
0x153: {  	vm2 =	vlt.s32 v48, v24;
	v34, _, _ =	vpop (xrf1);
	v35 =	vperm.xlane v31, v13;
	v0 =	vadd.f32 v0, v1  }
0x154: {  	v39 =	vsel vm2, v48, v24;
	vm1 =	vlt.s32 v50, v30;
	v9 =	vperm.xlane v34, v13;
	v18, _, _ =	vpop (xrf1)  }
0x155: {  	vm10 =	vlt.s32 v12, v35;
	v19 =	vadd.f32 v32, v33;
	v36, _, _ =	vpop (xrf1);
	v0 =	vsub.f32 v0, v17  }
0x156: {  	vm3 =	vlt.s32 v26, v9;
	v41 =	vsel vm10, v12, v35;
	v5 =	vperm.xlane v36, v13  }
0x157: {  	v40 =	vsel vm3, v26, v9;
	v4 =	vsel vm3, v9, v26;
	v37, _, _ =	vpop (xrf1);
	v0 =	vadd.f32 v19, v0  }
0x158: {  	v20 =	vmul.f32 $6.931471820e-01, v11;
	v38, _, _ =	vpop (xrf1);
	(xrf1) =	vsort.ascd.msk.u32 $0xffff, v44, v44;
	v17 =	vperm.xlane v18, v13;
	vm11 =	vlt.s32 v37, v5  }
0x159: {  	v18 =	vsel vm11, v37, v5;
	v0 =	vsub.f32 v0, v16;
	v16 =	vsel vm1, v50, v30  }
0x15a: {  	v1 =	vsel vm11, v5, v37;
	vm12 =	vlt.s32 v38, v17;
	vm3 =	vgt.s32 v39, v16  }
0x15b: {  	v19 =	vsel vm12, v38, v17;
	v11 =	vsel vm12, v17, v38;
	v42 =	vsel vm3, v16, v39  }
0x15c: {  	v43 =	vsel vm3, v39, v16;
	vm3 =	vgt.s32 v18, v19;
	(xrf1) =	vsort.ascd.msk.u32 $0xffff, v42, v42  }
0x15d: {  	vm13 =	vgt.s32 v1, v11;
	v44 =	vsel vm3, v19, v18;
	(xrf1) =	vsort.ascd.msk.u32 $0xffff, v43, v43  }
0x15e: {  	vm14 =	vgt.s32 v40, v41;
	v45 =	vsel vm13, v11, v1;
	(xrf1) =	vsort.ascd.msk.u32 $0xffff, v44, v44  }
0x15f: {  	v6 =	vadd.f32 $6.666792030e-01, v6;
	v46 =	vsel vm14, v41, v40;
	(xrf1) =	vsort.ascd.msk.u32 $0xffff, v45, v45  }
0x160: {  	(xrf1) =	vsort.ascd.msk.u32 $0xffff, v46, v46  }
0x161: {  	v6 =	vmul.f32 v6, v27;
	_ =	sdelay $0x1  }
0x162: {  	v6 =	vadd.f32 $4.054594040e-01, v6;
	_ =	sdelay $0x1  }
0x163: {  	v63 =	vld [tilespmem:$0x1FFD0];
	v6 =	vadd.f32 v6, v20;
	v2 =	vsel vm10, v35, v12  }
0x164: {  	v61 =	vld [tilespmem:$0x1FFB0];
	v48 =	vsel vm2, v24, v48;
	vm15 =	vgt.s32 v4, v2  }
0x165: {  	v58 =	vld [tilespmem:$0x1FF80];
	v49 =	vsel vm1, v30, v50;
	v6 =	vnsel vm0, $0x0, v6;
	v47 =	vsel vm15, v2, v4  }
0x166: {  	v54 =	vld [tilespmem:$0x1FF40];
	v2 =	vsel vm15, v4, v2;
	v0 =	vadd.f32 v6, v0;
	(xrf1) =	vsort.ascd.msk.u32 $0xffff, v47, v47  }
0x167: {  	p0 =	sne.s32 s23, $0x3F;
	v55 =	vld [tilespmem:$0x1FF50];
	vm1 =	vgt.s32 v48, v49;
	v1 =	vsel vm13, v1, v11;
	(xrf1) =	vsort.ascd.msk.u32 $0xffff, v2, v2;
	v20, _, _ =	vpop (xrf1)  }
.Ltmp0:
0x168: {  	v62 =	vld [tilespmem:$0x1FFC0];
	v50 =	vsel vm14, v40, v41;
	v0 =	vsub.f32 v0, v23;
	(xrf1) =	vsort.ascd.msk.u32 $0xffff, v1, v1;
	v17, _, _ =	vpop (xrf1);
	(pc) =	sbr.rel @p0 .LBB2_3-.Ltmp0, $4  }
0x169: {  	v56 =	vld [tilespmem:$0x1FF60];
	v51 =	vsel vm1, v49, v48;
	v52 =	vsel vm3, v18, v19;
	(xrf1) =	vsort.ascd.msk.u32 $0xffff, v50, v50;
	v16, _, _ =	vpop (xrf1)  }
0x16a: {  	v57 =	vld [tilespmem:$0x1FF70];
	v14 =	vadd.f32 v0, v14;
	v0 =	vsel vm1, v48, v49;
	(xrf1) =	vsort.ascd.msk.u32 $0xffff, v51, v51;
	v18, _, _ =	vpop (xrf1)  }
0x16b: {  	v59 =	vld [tilespmem:$0x1FF90];
	(xrf1) =	vsort.ascd.msk.u32 $0xffff, v0, v0;
	v19, _, _ =	vpop (xrf1)  }
0x16c: {  	s22 =	smov.u32 s23;
	s23 =	sadd.s32 $0x1, s23;
	v53 =	vlaneseq.u32;
	v60 =	vld [tilespmem:$0x1FFA0];
	(xrf1) =	vsort.ascd.msk.u32 $0xffff, v52, v52;
	v21, _, _ =	vpop (xrf1)  }
0x16d: {  	_ =	sdelay $0x6  }
0x16e: {  	v0, _, _ =	vpop (xrf1)  }
0x16f: {  	v1 =	vperm.xlane v20, v13;
	vm1 =	vgt.s32 v18, v19;
	v2, _, _ =	vpop (xrf1)  }
0x170: {  	v5 =	vperm.xlane v21, v13;
	v43 =	vsel vm1, v19, v18;
	v8 =	vsel vm1, v18, v19;
	v3, _, _ =	vpop (xrf1)  }
0x171: {  	v0 =	vperm.xlane v0, v13;
	v2 =	vperm.xlane v2, v13;
	vm2 =	vgt.s32 v3, v1;
	v4, _, _ =	vpop (xrf1)  }
0x172: {  	v4 =	vperm.xlane v4, v13;
	v6 =	vsel vm2, v3, v1;
	v1 =	vsel vm2, v1, v3  }
0x173: {  	v7, _, _ =	vpop (xrf1);
	vm1 =	vlt.s32 v17, v2;
	vm2 =	vlt.s32 v16, v0;
	(xrf1) =	vsort.ascd.msk.u32 $0xffff, v6, v6  }
0x174: {  	v9, _, _ =	vpop (xrf1);
	v44 =	vsel vm1, v17, v2;
	v2 =	vsel vm1, v2, v17;
	v11 =	vsel vm2, v16, v0  }
0x175: {  	v0 =	vsel vm2, v0, v16;
	v10, _, _ =	vpop (xrf1);
	vm3 =	vlt.s32 v7, v4;
	vm4 =	vlt.s32 v9, v5  }
0x176: {  	vm5 =	vgt.s32 v10, v1;
	v12 =	vsel vm3, v7, v4;
	v4 =	vsel vm3, v4, v7  }
0x177: {  	v45 =	vsel vm4, v9, v5;
	v5 =	vsel vm4, v5, v9;
	v46 =	vsel vm5, v1, v10  }
0x178: {  	vm1 =	vgt.s32 v44, v12;
	vm2 =	vgt.s32 v11, v45;
	v1 =	vsel vm5, v10, v1  }
0x179: {  	vm3 =	vgt.s32 v2, v4;
	vm4 =	vgt.s32 v0, v5;
	vm10 =	vgt.s32 v43, v46  }
0x17a: {  	v47 =	vsel vm1, v44, v12;
	v16 =	vsel vm2, v11, v45;
	vm6 =	vgt.s32 v8, v1  }
0x17b: {  	v17 =	vsel vm3, v4, v2;
	v2 =	vsel vm3, v2, v4;
	v48 =	vsel vm10, v46, v43  }
0x17c: {  	v18 =	vsel vm4, v5, v0;
	v3 =	vsel vm10, v43, v46;
	(xrf1) =	vsort.ascd.msk.u32 $0xffff, v48, v48  }
0x17d: {  	v0 =	vsel vm4, v0, v5;
	v49 =	vsel vm6, v1, v8;
	(xrf1) =	vsort.ascd.msk.u32 $0xffff, v3, v3  }
0x17e: {  	vm3 =	vgt.s32 v47, v16;
	v1 =	vsel vm6, v8, v1;
	(xrf1) =	vsort.ascd.msk.u32 $0xffff, v49, v49  }
0x17f: {  	vm11 =	vgt.s32 v17, v18;
	v50 =	vsel vm3, v47, v16;
	(xrf1) =	vsort.ascd.msk.u32 $0xffff, v1, v1  }
0x180: {  	vm12 =	vgt.s32 v2, v0;
	v51 =	vsel vm11, v18, v17;
	(xrf1) =	vsort.ascd.msk.u32 $0xffff, v50, v50  }
0x181: {  	v52 =	vsel vm12, v2, v0;
	(xrf1) =	vsort.ascd.msk.u32 $0xffff, v51, v51  }
0x182: {  	v8 =	vsel vm11, v17, v18;
	(xrf1) =	vsort.ascd.msk.u32 $0xffff, v52, v52  }
0x183: {  	v0 =	vsel vm12, v0, v2;
	(xrf1) =	vsort.ascd.msk.u32 $0xffff, v8, v8  }
0x184: {  	(xrf1) =	vsort.ascd.msk.u32 $0xffff, v0, v0;
	_ =	sdelay $0x2  }
0x185: {  	v24 =	vsel vm1, v12, v44;
	v25 =	vsel vm2, v45, v11  }
0x186: {  	vm1 =	vgt.s32 v24, v25  }
0x187: {  	v28 =	vsel vm1, v25, v24;
	v9, _, _ =	vpop (xrf1)  }
0x188: {  	v1 =	vsel vm1, v24, v25;
	v26, _, _ =	vpop (xrf1);
	(xrf1) =	vsort.ascd.msk.u32 $0xffff, v28, v28  }
0x189: {  	v31 =	vsel vm3, v16, v47;
	v27, _, _ =	vpop (xrf1);
	(xrf1) =	vsort.ascd.msk.u32 $0xffff, v1, v1  }
0x18a: {  	v29, _, _ =	vpop (xrf1);
	(xrf1) =	vsort.ascd.msk.u32 $0xffff, v31, v31  }
0x18b: {  	v0 =	vperm.xlane v9, v13;
	v30, _, _ =	vpop (xrf1)  }
0x18c: {  	v32, _, _ =	vpop (xrf1);
	v2 =	vperm.xlane v30, v13  }
0x18d: {  	v3 =	vperm.xlane v26, v13;
	v4 =	vperm.xlane v27, v13;
	v33, _, _ =	vpop (xrf1);
	vm2 =	vgt.s32 v32, v0  }
0x18e: {  	v6 =	vperm.xlane v29, v13;
	v34, _, _ =	vpop (xrf1);
	vm3 =	vgt.s32 v33, v2;
	v20 =	vsel vm2, v32, v0  }
0x18f: {  	v0 =	vsel vm2, v0, v32;
	vm13 =	vgt.s32 v34, v3;
	v35, _, _ =	vpop (xrf1);
	v37 =	vsel vm3, v33, v2  }
0x190: {  	v39 =	vsel vm3, v2, v33;
	vm14 =	vgt.s32 v35, v6;
	v21 =	vsel vm13, v34, v3;
	v36, _, _ =	vpop (xrf1)  }
0x191: {  	v3 =	vsel vm13, v3, v34;
	vm15 =	vgt.s32 v36, v4;
	vm1 =	vgt.s32 v20, v21  }
0x192: {  	v38 =	vsel vm14, v35, v6;
	v12 =	vsel vm15, v36, v4;
	v16 =	vsel vm1, v21, v20  }
0x193: {  	v40 =	vsel vm14, v6, v35;
	vm7 =	vgt.s32 v37, v12;
	vm8 =	vgt.s32 v38, v16  }
0x194: {  	vm13 =	vgt.s32 v0, v3;
	v17 =	vsel vm7, v37, v12;
	v18 =	vsel vm8, v38, v16  }
0x195: {  	v4 =	vsel vm15, v4, v36;
	v43 =	vsel vm7, v12, v37;
	vm9 =	vgt.s32 v17, v18  }
0x196: {  	v44 =	vsel vm8, v16, v38;
	v16 =	vsel vm13, v0, v3;
	v19 =	vsel vm9, v17, v18;
	v42, _, _ =	vpop (xrf1)  }
0x197: {  	vm3 =	vgt.s32 v43, v44;
	v41 =	vsel vm9, v18, v17;
	(xrf1) =	vsort.ascd.msk.u32 $0xffff, v19, v19;
	v45, _, _ =	vpop (xrf1)  }
0x198: {  	v47 =	vsel vm3, v43, v44;
	vm2 =	vgt.s32 v42, v39;
	(xrf1) =	vsort.ascd.msk.u32 $0xffff, v41, v41;
	v46, _, _ =	vpop (xrf1)  }
0x199: {  	vm4 =	vgt.s32 v45, v40;
	v48 =	vsel vm2, v42, v39;
	vm12 =	vgt.s32 v46, v4  }
0x19a: {  	(xrf1) =	vsort.ascd.msk.u32 $0xffff, v47, v47;
	v49 =	vsel vm4, v45, v40;
	v12 =	vsel vm12, v46, v4  }
0x19b: {  	v8 =	vsel vm3, v44, v43;
	vm15 =	vgt.s32 v49, v16;
	vm14 =	vgt.s32 v48, v12  }
0x19c: {  	(xrf1) =	vsort.ascd.msk.u32 $0xffff, v8, v8;
	v18 =	vsel vm15, v49, v16;
	v17 =	vsel vm14, v48, v12  }
0x19d: {  	v50 =	vmov s22;
	vm3 =	vgt.s32 v17, v18  }
0x19e: {  	v0 =	vsel vm13, v3, v0;
	v1 =	vsel vm2, v39, v42;
	v52 =	vsel vm3, v17, v18  }
0x19f: {  	v51 =	vshll.u32 v50, $0x7;
	v25 =	vsel vm15, v16, v49;
	v24 =	vsel vm14, v12, v48;
	(xrf1) =	vsort.ascd.msk.u32 $0xffff, v52, v52  }
0x1a0: {  	v2 =	vsel vm4, v40, v45;
	v26 =	vsel vm3, v18, v17;
	vm3 =	vgt.s32 v24, v25  }
0x1a1: {  	v9 =	vshll.u32 v50, $0x8;
	v4 =	vsel vm12, v4, v46;
	v33 =	vsel vm3, v24, v25;
	(xrf1) =	vsort.ascd.msk.u32 $0xffff, v26, v26  }
0x1a2: {  	v28 =	vand.u32 $0x3800, v9;
	vm4 =	vgt.s32 v2, v0;
	vm2 =	vgt.s32 v1, v4;
	(xrf1) =	vsort.ascd.msk.u32 $0xffff, v33, v33  }
0x1a3: {  	v19 =	vand.u32 $0x380, v51;
	v31 =	vsel vm4, v2, v0;
	v30 =	vsel vm2, v1, v4  }
0x1a4: {  	v0 =	vsel vm4, v0, v2;
	v1 =	vsel vm2, v4, v1;
	vm2 =	vgt.s32 v30, v31  }
0x1a5: {  	v39 =	vsel vm2, v30, v31;
	v3 =	vsel vm3, v25, v24;
	vm3 =	vgt.s32 v1, v0;
	v29, _, _ =	vpop (xrf1)  }
0x1a6: {  	v24 =	vsel vm2, v31, v30;
	v44 =	vsel vm3, v1, v0;
	(xrf1) =	vsort.ascd.msk.u32 $0xffff, v3, v3;
	v32 =	vshll.u32 v29, $0x3  }
0x1a7: {  	v0 =	vsel vm3, v0, v1;
	v7 =	vand.u32 $0x7F, v29;
	v34, _, _ =	vpop (xrf1);
	(xrf1) =	vsort.ascd.msk.u32 $0xffff, v39, v39;
	v6 =	vand.u32 $0x400, v32  }
0x1a8: {  	v35 =	vshll.u32 v34, $0x3;
	v37 =	vand.u32 $0x7F, v34;
	v38, _, _ =	vpop (xrf1);
	v6 =	vor.u32 v6, v7  }
0x1a9: {  	(xrf1) =	vsort.ascd.msk.u32 $0xffff, v44, v44;
	v2 =	vand.u32 $0x400, v35;
	v40 =	vshll.u32 v38, $0x3;
	v41 =	vand.u32 $0x7F, v38  }
0x1aa: {  	v43, _, _ =	vpop (xrf1);
	(xrf1) =	vsort.ascd.msk.u32 $0xffff, v0, v0;
	v36 =	vor.u32 v28, v6;
	v2 =	vor.u32 v2, v37;
	v42 =	vand.u32 $0x400, v40  }
0x1ab: {  	v4 =	vor.u32 v19, v36;
	v2 =	vor.u32 v28, v2;
	v3 =	vor.u32 v42, v41  }
0x1ac: {  	v45 =	vshll.u32 v43, $0x3;
	v2 =	vor.u32 v19, v2;
	v3 =	vor.u32 v28, v3  }
0x1ad: {  	v46 =	vand.u32 $0x7F, v43;
	v47 =	vand.u32 $0x400, v45;
	v3 =	vor.u32 v19, v3;
	v48, _, _ =	vpop (xrf1)  }
0x1ae: {  	v30 =	vsel vm1, v20, v21;
	v49 =	vor.u32 v47, v46;
	v50 =	vshll.u32 v48, $0x3  }
0x1af: {  	v0 =	vor.u32 v28, v49;
	v51 =	vand.u32 $0x7F, v48;
	v52, _, _ =	vpop (xrf1);
	v1 =	vand.u32 $0x400, v50  }
0x1b0: {  	v0 =	vor.u32 v19, v0;
	v16 =	vld.idx.msk [tilespmem:v4+s2+$0x0], $0xffff;
	v10 =	vshll.u32 v52, $0x3;
	v26, _, _ =	vpop (xrf1);
	v1 =	vor.u32 v1, v51  }
0x1b1: {  	(xrf1) =	vsort.ascd.msk.u32 $0xffff, v24, v24;
	v17 =	vld.idx.msk [tilespmem:v2+s2+$0x0], $0xffff;
	v2 =	vand.u32 $0x7F, v52;
	v25 =	vand.u32 $0x400, v10;
	v27 =	vshll.u32 v26, $0x3  }
0x1b2: {  	v18 =	vld.idx.msk [tilespmem:v3+s2+$0x0], $0xffff;
	v2 =	vor.u32 v25, v2;
	v3 =	vand.u32 $0x7F, v26;
	v4 =	vand.u32 $0x400, v27  }
0x1b3: {  	v1 =	vor.u32 v28, v1;
	v2 =	vor.u32 v28, v2;
	v3 =	vor.u32 v4, v3  }
0x1b4: {  	v1 =	vor.u32 v19, v1;
	v2 =	vor.u32 v19, v2;
	v31, _, _ =	vpop (xrf1);
	v3 =	vor.u32 v28, v3  }
0x1b5: {  	(xrf1) =	vsort.ascd.msk.u32 $0xffff, v30, v30;
	v11 =	vmul.f32 $1.442695020e+00, v16;
	v32 =	vshll.u32 v31, $0x3;
	v34, _, _ =	vpop (xrf1);
	v4 =	vand.u32 $0x7F, v31  }
0x1b6: {  	v38 =	vor.u32 v19, v3;
	v5 =	vand.u32 $0x400, v32;
	v35 =	vshll.u32 v34, $0x3  }
0x1b7: {  	v36 =	vand.u32 $0x7F, v34;
	v40, _, _ =	vpop (xrf1);
	(erf) = vpow2.f32 v11;
	v4 =	vor.u32 v5, v4  }
0x1b8: {  	v37 =	vand.u32 $0x400, v35;
	v41 =	vshll.u32 v40, $0x3;
	v43 =	vand.u32 $0x7F, v40  }
0x1b9: {  	v42, _, _ =	vpop (xrf1);
	v39 =	vor.u32 v28, v4;
	v5 =	vor.u32 v37, v36;
	v44 =	vand.u32 $0x400, v41  }
0x1ba: {  	v20 =	vld.idx.msk [tilespmem:v0+s2+$0x0], $0xffff;
	v45 =	vshll.u32 v42, $0x3;
	v46 =	vand.u32 $0x7F, v42;
	v3 =	vor.u32 v19, v39  }
0x1bb: {  	v21 =	vld.idx.msk [tilespmem:v1+s2+$0x0], $0xffff;
	v5 =	vor.u32 v28, v5;
	v1 =	vor.u32 v44, v43;
	v47 =	vand.u32 $0x400, v45  }
0x1bc: {  	v22 =	vld.idx.msk [tilespmem:v2+s2+$0x0], $0xffff;
	v5 =	vor.u32 v19, v5;
	v1 =	vor.u32 v28, v1;
	v2 =	vor.u32 v47, v46  }
0x1bd: {  	v29 =	vmul.f32 $1.442695020e+00, v17;
	v49 =	vor.u32 v19, v1;
	v50 =	vor.u32 v28, v2  }
0x1be: {  	v33 =	vmul.f32 $1.442695020e+00, v18;
	v23 =	vld.idx.msk [tilespmem:v38+s2+$0x0], $0xffff;
	v1 =	vor.u32 v19, v50  }
0x1bf: {  	(erf) = vpow2.f32 v29;
	v51, _, _ =	vpop (xrf1)  }
0x1c0: {  	v48 =	vmul.f32 $1.442695020e+00, v20;
	(erf) = vpow2.f32 v33;
	v9 =	vshll.u32 v51, $0x3;
	v24 =	vld.idx.msk [tilespmem:v3+s2+$0x0], $0xffff  }
0x1c1: {  	v52 =	vmul.f32 $1.442695020e+00, v21;
	v2 =	vand.u32 $0x7F, v51;
	v4 =	vand.u32 $0x400, v9;
	v25 =	vld.idx.msk [tilespmem:v5+s2+$0x0], $0xffff  }
0x1c2: {  	(erf) = vpow2.f32 v48;
	v10 =	vmul.f32 $1.442695020e+00, v22;
	v2 =	vor.u32 v4, v2;
	v27 =	vld.idx.msk [tilespmem:v49+s2+$0x0], $0xffff  }
0x1c3: {  	v26, _, _ =	vpop (xrf1);
	(erf) = vpow2.f32 v52;
	v11 =	vmul.f32 $1.442695020e+00, v23;
	v2 =	vor.u32 v28, v2;
	v32 =	vld.idx.msk [tilespmem:v1+s2+$0x0], $0xffff  }
0x1c4: {  	v0 =	vand.u32 $0xFF, v26;
	(erf) = vpow2.f32 v10;
	v34 =	vpop (erf);
	v2 =	vor.u32 v19, v2  }
0x1c5: {  	v0 =	vmin.u32 v0, $0xC7;
	(erf) = vpow2.f32 v11;
	(xrf2) =	vadd.scan.msk.f32 $0xffff, v34;
	v29 =	vmul.f32 $1.442695020e+00, v24  }
0x1c6: {  	v35 =	vshll.u32 v0, $0x3;
	v0 =	vand.u32 $0x7F, v0;
	v36 =	vmul.f32 $1.442695020e+00, v25  }
0x1c7: {  	v3 =	vand.u32 $0x400, v35;
	(erf) = vpow2.f32 v29;
	v37 =	vmul.f32 $1.442695020e+00, v27  }
0x1c8: {  	v0 =	vor.u32 v3, v0;
	(erf) = vpow2.f32 v36;
	v38 =	vmul.f32 $1.442695020e+00, v32  }
0x1c9: {  	v39 =	vpop (erf);
	v0 =	vor.u32 v28, v0;
	v26 =	vld.idx.msk [tilespmem:v2+s2+$0x0], $0xffff;
	(erf) = vpow2.f32 v37  }
0x1ca: {  	(xrf2) =	vadd.scan.msk.f32 $0xffff, v39;
	v40 =	vpop (erf);
	v0 =	vor.u32 v19, v0;
	(erf) = vpow2.f32 v38  }
0x1cb: {  	v41 =	vpop (erf);
	(xrf2) =	vadd.scan.msk.f32 $0xffff, v40  }
0x1cc: {  	(xrf2) =	vadd.scan.msk.f32 $0xffff, v41;
	v42 =	vpop (erf)  }
0x1cd: {  	v43 =	vpop (erf);
	(xrf2) =	vadd.scan.msk.f32 $0xffff, v42  }
0x1ce: {  	v45 =	vpop (erf);
	(xrf2) =	vadd.scan.msk.f32 $0xffff, v43;
	v44 =	vmul.f32 $1.442695020e+00, v26  }
0x1cf: {  	v0 =	vld.idx.msk [tilespmem:v0+s2+$0x0], $0xffff;
	v28, _, _ =	vpop (xrf2)  }
0x1d0: {  	(xrf2) =	vadd.scan.msk.f32 $0xffff, v45;
	v46 =	vpop (erf);
	(erf) = vpow2.f32 v44  }
0x1d1: {  	(xrf2) =	vadd.scan.msk.f32 $0xffff, v46;
	v47 =	vpop (erf)  }
0x1d2: {  	(xrf2) =	vadd.scan.msk.f32 $0xffff, v47;
	v48 =	vpop (erf)  }
0x1d3: {  	(xrf2) =	vadd.scan.msk.f32 $0xffff, v48;
	v49 =	vpop (erf)  }
0x1d4: {  	v29, _, _ =	vpop (xrf2);
	v19 =	vnsel vm0, $0x0, v0;
	(xrf2) =	vadd.scan.msk.f32 $0xffff, v49  }
0x1d5: {  	v0, _, _ =	vpop (xrf2);
	v50 =	vmul.f32 $1.442695020e+00, v19  }
0x1d6: {  	v2, _, _ =	vpop (xrf2)  }
0x1d7: {  	(erf) = vpow2.f32 v50;
	v1, _, _ =	vpop (xrf2)  }
0x1d8: {  	v4, _, _ =	vpop (xrf2)  }
0x1d9: {  	v51 =	vpop (erf)  }
0x1da: {  	v3, _, _ =	vpop (xrf2);
	(xrf2) =	vadd.scan.msk.f32 $0xffff, v51  }
0x1db: {  	v5, _, _ =	vpop (xrf2)  }
0x1dc: {  	v52, _, _ =	vpop (xrf2)  }
0x1dd: {  	v30 =	vperm.xlane v29, v15;
	v8 =	vperm.xlane v0, v15;
	v42, _, _ =	vpop (xrf2)  }
0x1de: {  	v10 =	vperm.xlane v2, v15;
	v9 =	vperm.xlane v1, v15;
	v43, _, _ =	vpop (xrf2)  }
0x1df: {  	v31 =	vperm.xlane v4, v15;
	v12 =	vadd.f32 $0.0e+00, v43;
	v11 =	vperm.xlane v43, v15  }
0x1e0: {  	v36 =	vperm.xlane v3, v15;
	v34 =	vpop (erf);
	v37 =	vperm.xlane v5, v15  }
0x1e1: {  	v38 =	vnsel vm0, $0x0, v34;
	v11 =	vadd.f32 $0.0e+00, v11;
	v44 =	vshra.s32 v12, $0x17  }
0x1e2: {  	v35 =	vperm.xlane v42, v15;
	v12 =	vand.u32 $0x7FFFFF, v12;
	v34 =	vadd.s32 $0xFFFFFF81, v44  }
0x1e3: {  	v12 =	vor.u32 $0x3F800000, v12;
	v39 =	vcvt.s32.f32 v34;
	v7 =	vadd.f32 v42, v11  }
0x1e4: {  	v40 =	vperm.xlane v52, v15;
	v11 =	vadd.f32 v35, v11;
	v34 =	vadd.f32 $-1.500000000e+00, v12;
	v45, _, _ =	vpop (xrf2)  }
0x1e5: {  	v12 =	vperm.xlane v45, v15;
	v48 =	vmul.f32 $6.931471820e-01, v39;
	v46 =	vshra.s32 v7, $0x17  }
0x1e6: {  	v35 =	vadd.f32 v45, v11;
	v41 =	vmul.f32 $3.010222690e-02, v34;
	v7 =	vand.u32 $0x7FFFFF, v7  }
0x1e7: {  	v7 =	vor.u32 $0x3F800000, v7;
	v11 =	vadd.f32 v12, v11;
	v12 =	vadd.s32 $0xFFFFFF81, v46  }
0x1e8: {  	v47 =	vshra.s32 v35, $0x17;
	v49 =	vadd.f32 $-1.500000000e+00, v7;
	v12 =	vcvt.s32.f32 v12  }
0x1e9: {  	v42 =	vadd.s32 $0xFFFFFF81, v47;
	v6 =	vadd.f32 v52, v11;
	v11 =	vadd.f32 v40, v11  }
0x1ea: {  	v52 =	vadd.f32 $-5.486227940e-02, v41;
	v41 =	vand.u32 $0x7FFFFF, v35;
	v51 =	vmul.f32 $3.010222690e-02, v49  }
0x1eb: {  	v7 =	vor.u32 $0x3F800000, v41;
	v46 =	vmul.f32 $6.931471820e-01, v12;
	v12 =	vcvt.s32.f32 v42  }
0x1ec: {  	v43 =	vshra.s32 v6, $0x17;
	v35 =	vadd.f32 v37, v11;
	v50 =	vmul.f32 v52, v34  }
0x1ed: {  	v6 =	vand.u32 $0x7FFFFF, v6;
	v5 =	vadd.f32 v5, v11;
	v7 =	vadd.f32 $-1.500000000e+00, v7  }
0x1ee: {  	v11 =	vadd.f32 $-5.486227940e-02, v51;
	v39 =	vadd.s32 $0xFFFFFF81, v43;
	v6 =	vor.u32 $0x3F800000, v6  }
0x1ef: {  	v45 =	vmul.f32 $6.931471820e-01, v12;
	v39 =	vcvt.s32.f32 v39;
	v3 =	vadd.f32 v3, v35  }
0x1f0: {  	v52 =	vshra.s32 v5, $0x17;
	v12 =	vadd.f32 v36, v35;
	v47 =	vadd.f32 $9.832214560e-02, v50  }
0x1f1: {  	v6 =	vadd.f32 $-1.500000000e+00, v6;
	v5 =	vand.u32 $0x7FFFFF, v5;
	v50 =	vmul.f32 $3.010222690e-02, v7  }
0x1f2: {  	v11 =	vmul.f32 v11, v49;
	v51 =	vadd.s32 $0xFFFFFF81, v52;
	v5 =	vor.u32 $0x3F800000, v5  }
0x1f3: {  	v40 =	vcvt.s32.f32 v51;
	v52 =	vshra.s32 v3, $0x17;
	v37 =	vmul.f32 $6.931471820e-01, v39  }
0x1f4: {  	v4 =	vadd.f32 v4, v12;
	v12 =	vadd.f32 v31, v12;
	v31 =	vmul.f32 $3.010222690e-02, v6  }
0x1f5: {  	v42 =	vadd.f32 $-1.500000000e+00, v5;
	v3 =	vand.u32 $0x7FFFFF, v3;
	v5 =	vmul.f32 v47, v34  }
0x1f6: {  	v47 =	vadd.f32 $-5.486227940e-02, v50;
	v11 =	vadd.f32 $9.832214560e-02, v11;
	v51 =	vadd.s32 $0xFFFFFF81, v52  }
0x1f7: {  	(xrf2) =	vadd.scan.msk.f32 $0xffff, v38;
	v3 =	vor.u32 $0x3F800000, v3;
	v52 =	vshra.s32 v4, $0x17;
	v35 =	vmul.f32 $6.931471820e-01, v40  }
0x1f8: {  	v44 =	vcvt.s32.f32 v51;
	v9 =	vadd.f32 v9, v12;
	v36 =	vadd.f32 $-1.500000000e+00, v3  }
0x1f9: {  	v50 =	vand.u32 $0x7FFFFF, v4;
	v1 =	vadd.f32 v1, v12;
	v4 =	vadd.f32 $-2.217513020e-01, v5  }
0x1fa: {  	p0 =	seq.s32 s19, $0x3;
	v5 =	vadd.f32 $-5.486227940e-02, v31;
	v12 =	vmul.f32 $3.010222690e-02, v42;
	v51 =	vmul.f32 v47, v7  }
0x1fb: {  	s20 =	sadd.s32 @!p0 s20, s8;
	v11 =	vmul.f32 v11, v49;
	v47 =	vadd.s32 $0xFFFFFF81, v52;
	v3 =	vor.u32 $0x3F800000, v50  }
0x1fc: {  	s20 =	sshll.u32 @!p0 s20, $0x5;
	v50 =	vcvt.s32.f32 v47;
	v52 =	vshra.s32 v1, $0x17;
	v38 =	vmul.f32 $6.931471820e-01, v44  }
0x1fd: {  	s21 =	sadd.s32 @!p0 s3, s20;
	s22 =	simm.s32 @!p0 $0x0;
	v2 =	vadd.f32 v2, v9;
	v9 =	vadd.f32 v10, v9;
	v10 =	vmul.f32 $3.010222690e-02, v36  }
0x1fe: {  	[tilespmem:s22], [sflag:$0x1] =	stream.linear.gather @!p0 [hbm4b:s21+s22], $0x4000, $0x38;
	v43 =	vadd.f32 $-1.500000000e+00, v3;
	v1 =	vand.u32 $0x7FFFFF, v1;
	v47 =	vmul.f32 v5, v6;
	[tilespmem:$0x10080] =	vst v63  }
0x1ff: {  	v5 =	vadd.f32 $-5.486227940e-02, v12;
	v12 =	vadd.f32 $9.832214560e-02, v51;
	v51 =	vadd.s32 $0xFFFFFF81, v52  }
0x200: {  	s20 =	sadd.s32 @!p0 s4, s20;
	s21 =	simm.s32 @!p0 $0x4000;
	v3 =	vmul.f32 v4, v34;
	v1 =	vor.u32 $0x3F800000, v1;
	v31 =	vcvt.s32.f32 v51  }
0x201: {  	[tilespmem:s21], [sflag:$0x1] =	stream.linear.gather @!p0 [hbm4b:s20+s22], $0x4000, $0x38;
	v39 =	vmul.f32 $6.931471820e-01, v50;
	v0 =	vadd.f32 v0, v9;
	v8 =	vadd.f32 v8, v9;
	v9, _, _ =	vpop (xrf2);
	[tilespmem:$0x10080] =	vst v63  }
0x202: {  	v52 =	vshra.s32 v2, $0x17;
	v50 =	vmul.f32 $3.010222690e-02, v43;
	v2 =	vand.u32 $0x7FFFFF, v2;
	_ =	swait.ge [sflag:s15], $0x4000  }
0x203: {  	v4 =	vadd.f32 $9.832214560e-02, v47;
	v44 =	vadd.f32 $-1.500000000e+00, v1;
	v1 =	vmul.f32 v5, v42;
	[sflag:s15] =	ssyncset.done $0x0  }
0x204: {  	v5 =	vadd.f32 $-5.486227940e-02, v10;
	v10 =	vadd.f32 $-2.217513020e-01, v11;
	v51 =	vmul.f32 v12, v7;
	[sflag:s15] =	ssyncadd.s32 $0xFFFFC000  }
0x205: {  	s20 =	simm.s32 $0x0;
	v47 =	vadd.s32 $0xFFFFFF81, v52;
	v12 =	vadd.f32 v30, v8;
	v52 =	vmul.f32 v4, v6;
	_ =	swait.ge [sflag:s15], $0x4000  }
0x206: {  	s30 =	sand.u32 $0x3800, s20;
	s31 =	sand.u32 $0x380, s20;
	v2 =	vor.u32 $0x3F800000, v2;
	v40 =	vadd.f32 v29, v8;
	v29 =	vadd.f32 $-2.217513020e-01, v51;
	[sflag:s15] =	ssyncset.done $0x0  }
0x207: {  	v33 =	vperm.xlane v28, v15;
	s21 =	sor.u32 s31, s30;
	v30 =	vadd.f32 $-1.500000000e+00, v2;
	v2 =	vadd.f32 $-2.217513020e-01, v52;
	[sflag:s15] =	ssyncadd.s32 $0xFFFFC000  }
0x208: {  	v4 =	vmul.f32 v5, v36;
	v5 =	vadd.f32 $-5.486227940e-02, v50;
	v8 =	vmul.f32 v29, v7;
	v50 =	vld [tilespmem:s21+$0xC000]  }
0x209: {  	v29 =	vadd.f32 v28, v12;
	v12 =	vadd.f32 v33, v12;
	v2 =	vmul.f32 v2, v6;
	v33 =	vld [tilespmem:s21+$0xC010]  }
0x20a: {  	v3 =	vadd.f32 $6.666792030e-01, v3;
	v41 =	vshra.s32 v0, $0x17;
	v8 =	vadd.f32 $6.666792030e-01, v8;
	v51 =	vld [tilespmem:s21+$0xC020]  }
0x20b: {  	v10 =	vmul.f32 v10, v49;
	v28 =	vadd.f32 v9, v12;
	v2 =	vadd.f32 $6.666792030e-01, v2;
	v9 =	vld [tilespmem:s21+$0xC040]  }
0x20c: {  	v0 =	vand.u32 $0x7FFFFF, v0;
	v3 =	vmul.f32 v3, v34;
	v7 =	vmul.f32 v8, v7;
	v8 =	vld [tilespmem:s21+$0xC400]  }
0x20d: {  	v0 =	vor.u32 $0x3F800000, v0;
	v10 =	vadd.f32 $6.666792030e-01, v10;
	v2 =	vmul.f32 v2, v6;
	v6 =	vld [tilespmem:s21+$0xC030]  }
0x20e: {  	v52 =	vmul.f32 $3.010222690e-02, v30;
	v34 =	vadd.f32 $-1.500000000e+00, v0;
	v3 =	vadd.f32 $4.054594040e-01, v3  }
0x20f: {  	v0 =	vmul.f32 v10, v49;
	v49 =	vand.u32 $0x7FFFFF, v40;
	v12 =	vmul.f32 $8.388608000e+06, v50  }
0x210: {  	v10 =	vor.u32 $0x3F800000, v49;
	v49 =	vmul.f32 $8.388608000e+06, v33;
	v50 =	vmul.f32 $8.388608000e+06, v51  }
0x211: {  	v3 =	vadd.f32 v3, v48;
	v9 =	vmul.f32 $8.388608000e+06, v9;
	v8 =	vmul.f32 $8.388608000e+06, v8  }
0x212: {  	v33 =	vadd.f32 $-1.500000000e+00, v10;
	v6 =	vmul.f32 $8.388608000e+06, v6;
	v10 =	vtrunc.f32 v12  }
0x213: {  	v48 =	vtrunc.f32 v49;
	v49 =	vtrunc.f32 v50  }
0x214: {  	v3 =	vsub.f32 v3, v32;
	v9 =	vtrunc.f32 v9;
	v10 =	vcvt.f32.s32 v10  }
0x215: {  	v50 =	vadd.f32 $-5.486227940e-02, v52;
	v8 =	vtrunc.f32 v8;
	v32 =	vcvt.f32.s32 v48  }
0x216: {  	v6 =	vtrunc.f32 v6;
	v52 =	vcvt.f32.s32 v49;
	v10 =	vshll.u32 v10, $0x8  }
0x217: {  	v9 =	vcvt.f32.s32 v9;
	v32 =	vshll.u32 v32, $0x8;
	v10 =	vor.u32 v53, v10  }
0x218: {  	v8 =	vcvt.f32.s32 v8;
	v48 =	vshll.u32 v52, $0x8;
	v32 =	vor.u32 v54, v32;
	(xrf1) =	vsort.ascd.msk.u32 $0xffff, v10, v10  }
0x219: {  	v6 =	vcvt.f32.s32 v6;
	v9 =	vshll.u32 v9, $0x8;
	v48 =	vor.u32 v55, v48;
	(xrf1) =	vsort.ascd.msk.u32 $0xffff, v32, v32  }
0x21a: {  	v8 =	vshll.u32 v8, $0x8;
	v9 =	vor.u32 v57, v9;
	(xrf1) =	vsort.ascd.msk.u32 $0xffff, v48, v48  }
0x21b: {  	v6 =	vshll.u32 v6, $0x8;
	v8 =	vor.u32 v61, v8;
	(xrf1) =	vsort.ascd.msk.u32 $0xffff, v9, v9  }
0x21c: {  	v49 =	vld [tilespmem:s21+$0xC050];
	v6 =	vor.u32 v56, v6;
	(xrf1) =	vsort.ascd.msk.u32 $0xffff, v8, v8  }
0x21d: {  	v10 =	vld [tilespmem:s21+$0xC060];
	(xrf1) =	vsort.ascd.msk.u32 $0xffff, v6, v6  }
0x21e: {  	v1 =	vadd.f32 $9.832214560e-02, v1;
	v4 =	vadd.f32 $9.832214560e-02, v4  }
0x21f: {  	v5 =	vmul.f32 v5, v43;
	v12 =	vand.u32 $0x7FFFFF, v29;
	v52 =	vmul.f32 $3.010222690e-02, v34;
	v48 =	vld [tilespmem:s21+$0xC410]  }
0x220: {  	v1 =	vmul.f32 v1, v42;
	v0 =	vadd.f32 $4.054594040e-01, v0;
	v12 =	vor.u32 $0x3F800000, v12  }
0x221: {  	v51 =	vadd.f32 $-5.486227940e-02, v52;
	v52 =	vld [tilespmem:s21+$0xC438];
	v32 =	vadd.f32 $-1.500000000e+00, v12;
	v12 =	vmul.f32 $8.388608000e+06, v49  }
0x222: {  	v4 =	vmul.f32 v4, v36;
	v0 =	vadd.f32 v0, v46;
	v8 =	vld [tilespmem:s21+$0xC070];
	v10 =	vmul.f32 $8.388608000e+06, v10  }
0x223: {  	v5 =	vadd.f32 $9.832214560e-02, v5;
	v7 =	vadd.f32 $4.054594040e-01, v7;
	v9 =	vld [tilespmem:s21+$0xC420];
	v12 =	vtrunc.f32 v12  }
0x224: {  	v0 =	vadd.f32 v0, v3;
	v6 =	vld [tilespmem:s21+$0xC430];
	v49 =	vmul.f32 $8.388608000e+06, v48;
	v10 =	vtrunc.f32 v10  }
0x225: {  	v1 =	vadd.f32 $-2.217513020e-01, v1;
	v7 =	vadd.f32 v7, v45;
	v10 =	vcvt.f32.s32 v10  }
0x226: {  	v0 =	vsub.f32 v0, v27;
	v3 =	vtrunc.f32 v49;
	v49 =	vcvt.f32.s32 v12;
	v12, _, _ =	vpop (xrf1)  }
0x227: {  	v1 =	vmul.f32 v1, v42;
	v8 =	vmul.f32 $8.388608000e+06, v8;
	v10 =	vshll.u32 v10, $0x8;
	v45, _, _ =	vpop (xrf1)  }
0x228: {  	v0 =	vadd.f32 v7, v0;
	v27 =	vmul.f32 $8.388608000e+06, v52;
	v9 =	vmul.f32 $8.388608000e+06, v9;
	v46, _, _ =	vpop (xrf1)  }
0x229: {  	v6 =	vmul.f32 $8.388608000e+06, v6;
	v8 =	vtrunc.f32 v8;
	v7 =	vshll.u32 v49, $0x8;
	v48, _, _ =	vpop (xrf1)  }
0x22a: {  	v52 =	vor.u32 v59, v10;
	v8 =	vcvt.f32.s32 v8;
	v7 =	vor.u32 v58, v7;
	v10, _, _ =	vpop (xrf1)  }
0x22b: {  	v4 =	vadd.f32 $-2.217513020e-01, v4;
	v9 =	vtrunc.f32 v9;
	v3 =	vcvt.f32.s32 v3;
	(xrf1) =	vsort.ascd.msk.u32 $0xffff, v7, v7;
	v49, _, _ =	vpop (xrf1)  }
0x22c: {  	v9 =	vcvt.f32.s32 v9;
	(xrf1) =	vsort.ascd.msk.u32 $0xffff, v52, v52;
	v52 =	vshll.u32 v8, $0x8;
	v8 =	vperm.xlane v49, v13;
	v49 =	vld [tilespmem:$0x1FFE0]  }
0x22d: {  	v5 =	vmul.f32 v5, v43;
	v6 =	vtrunc.f32 v6;
	v3 =	vshll.u32 v3, $0x8  }
0x22e: {  	v3 =	vor.u32 v62, v3;
	v9 =	vshll.u32 v9, $0x8;
	v6 =	vcvt.f32.s32 v6  }
0x22f: {  	v4 =	vmul.f32 v4, v36;
	v1 =	vadd.f32 $6.666792030e-01, v1;
	v7 =	vor.u32 v63, v9;
	(xrf1) =	vsort.ascd.msk.u32 $0xffff, v3, v3  }
0x230: {  	v2 =	vadd.f32 $4.054594040e-01, v2;
	v3 =	vor.u32 v60, v52;
	v6 =	vshll.u32 v6, $0x8;
	(xrf1) =	vsort.ascd.msk.u32 $0xffff, v7, v7  }
0x231: {  	v5 =	vadd.f32 $-2.217513020e-01, v5;
	v1 =	vmul.f32 v1, v42;
	(xrf1) =	vsort.ascd.msk.u32 $0xffff, v3, v3;
	v52 =	vor.u32 v49, v6  }
0x232: {  	v2 =	vadd.f32 v2, v37;
	v0 =	vsub.f32 v0, v26;
	(xrf1) =	vsort.ascd.msk.u32 $0xffff, v52, v52;
	v52 =	vld [tilespmem:$0x1FFF0]  }
0x233: {  	v4 =	vadd.f32 $6.666792030e-01, v4;
	v1 =	vadd.f32 $4.054594040e-01, v1;
	v27 =	vtrunc.f32 v27  }
0x234: {  	v11 =	vmul.f32 $3.010222690e-02, v44;
	v0 =	vadd.f32 v2, v0;
	v27 =	vcvt.f32.s32 v27  }
0x235: {  	v5 =	vmul.f32 v5, v43;
	v4 =	vmul.f32 v4, v36;
	v1 =	vadd.f32 v1, v35  }
0x236: {  	v0 =	vsub.f32 v0, v25;
	v26 =	vshll.u32 v27, $0x8;
	vm1 =	vlt.s32 v46, v8  }
0x237: {  	v5 =	vadd.f32 $6.666792030e-01, v5;
	v27 =	vsel vm1, v8, v46;
	v6 =	vor.u32 v52, v26  }
0x238: {  	v42 =	vadd.f32 $4.054594040e-01, v4;
	v0 =	vadd.f32 v1, v0;
	(xrf1) =	vsort.ascd.msk.u32 $0xffff, v27, v27;
	v9 =	vsel vm0, $0x7FFFFFFF, v6  }
0x239: {  	v11 =	vadd.f32 $-5.486227940e-02, v11;
	v5 =	vmul.f32 v5, v43;
	(xrf1) =	vsort.ascd.msk.u32 $0xffff, v9, v9  }
0x23a: {  	v35 =	vmul.f32 v51, v34;
	v1 =	vadd.f32 v42, v38;
	v0 =	vsub.f32 v0, v24  }
0x23b: {  	v11 =	vmul.f32 v11, v44;
	v38 =	vadd.f32 $4.054594040e-01, v5  }
0x23c: {  	v0 =	vadd.f32 v1, v0;
	v3 =	vcvt.s32.f32 v47;
	v47 =	vadd.f32 $9.832214560e-02, v35  }
0x23d: {  	v11 =	vadd.f32 $9.832214560e-02, v11;
	v37 =	vmul.f32 $3.010222690e-02, v32  }
0x23e: {  	v1 =	vadd.f32 v38, v39;
	v0 =	vsub.f32 v0, v23;
	v4 =	vmul.f32 v47, v34  }
0x23f: {  	v36 =	vmul.f32 v11, v44;
	v11 =	vadd.f32 $-5.486227940e-02, v37  }
0x240: {  	v31 =	vmul.f32 $6.931471820e-01, v31;
	v0 =	vadd.f32 v1, v0;
	v4 =	vadd.f32 $-2.217513020e-01, v4;
	v51, _, _ =	vpop (xrf1)  }
0x241: {  	v11 =	vmul.f32 v11, v32;
	v43 =	vperm.xlane v45, v13;
	v24, _, _ =	vpop (xrf1)  }
0x242: {  	v39 =	vshra.s32 v40, $0x17;
	v0 =	vsub.f32 v0, v22;
	v4 =	vmul.f32 v4, v34;
	v5, _, _ =	vpop (xrf1)  }
0x243: {  	v7 =	vmul.f32 $3.010222690e-02, v33;
	vm2 =	vlt.s32 v12, v43;
	v8 =	vsel vm1, v46, v8;
	v42, _, _ =	vpop (xrf1)  }
0x244: {  	v4 =	vadd.f32 $6.666792030e-01, v4;
	v26 =	vmul.f32 v50, v30;
	v50 =	vadd.f32 $-2.217513020e-01, v36;
	v23, _, _ =	vpop (xrf1)  }
0x245: {  	v5 =	vperm.xlane v5, v13;
	v52 =	vand.u32 $0x7FFFFF, v28;
	v6 =	vadd.f32 $-5.486227940e-02, v7;
	v45, _, _ =	vpop (xrf1)  }
0x246: {  	v23 =	vperm.xlane v23, v13;
	v27 =	vadd.f32 $9.832214560e-02, v26;
	v7 =	vmul.f32 v50, v44;
	v1, _, _ =	vpop (xrf1)  }
0x247: {  	v9 =	vperm.xlane v51, v13;
	v50 =	vsel vm2, v12, v43;
	v12 =	vsel vm2, v43, v12;
	v47, _, _ =	vpop (xrf1)  }
0x248: {  	v25 =	vor.u32 $0x3F800000, v52;
	v43 =	vmul.f32 v4, v34;
	v2 =	vmul.f32 v27, v30;
	(xrf1) =	vsort.ascd.msk.u32 $0xffff, v47, v47  }
0x249: {  	v6 =	vmul.f32 v6, v33;
	v7 =	vadd.f32 $6.666792030e-01, v7;
	vm2 =	vlt.s32 v48, v9;
	(xrf1) =	vsort.ascd.msk.u32 $0xffff, v50, v50  }
0x24a: {  	vm1 =	vlt.s32 v24, v23;
	v52 =	vsel vm2, v48, v9;
	v2 =	vadd.f32 $-2.217513020e-01, v2;
	(xrf1) =	vsort.ascd.msk.u32 $0xffff, v12, v12  }
0x24b: {  	v3 =	vmul.f32 $6.931471820e-01, v3;
	v9 =	vsel vm2, v9, v48;
	v7 =	vmul.f32 v7, v44;
	(xrf1) =	vsort.ascd.msk.u32 $0xffff, v8, v8  }
0x24c: {  	v6 =	vadd.f32 $9.832214560e-02, v6;
	v2 =	vmul.f32 v2, v30;
	v35 =	vperm.xlane v45, v13;
	(xrf1) =	vsort.ascd.msk.u32 $0xffff, v52, v52  }
0x24d: {  	v22 =	vsel vm1, v24, v23;
	v40 =	vsel vm1, v23, v24;
	v7 =	vadd.f32 $4.054594040e-01, v7;
	(xrf1) =	vsort.ascd.msk.u32 $0xffff, v9, v9  }
0x24e: {  	v6 =	vmul.f32 v6, v33;
	v2 =	vadd.f32 $6.666792030e-01, v2;
	vm2 =	vlt.s32 v42, v35;
	(xrf1) =	vsort.ascd.msk.u32 $0xffff, v22, v22  }
0x24f: {  	v25 =	vadd.f32 $-1.500000000e+00, v25;
	v7 =	vadd.f32 v7, v31;
	v22 =	vsel vm2, v42, v35;
	(xrf1) =	vsort.ascd.msk.u32 $0xffff, v40, v40  }
0x250: {  	v51 =	vadd.s32 $0xFFFFFF81, v41;
	v2 =	vmul.f32 v2, v30;
	v23 =	vsel vm2, v35, v42;
	(xrf1) =	vsort.ascd.msk.u32 $0xffff, v22, v22  }
0x251: {  	vm1 =	vlt.s32 v10, v5;
	v6 =	vadd.f32 $-2.217513020e-01, v6;
	v12 =	vmul.f32 $3.010222690e-02, v25;
	(xrf1) =	vsort.ascd.msk.u32 $0xffff, v23, v23  }
0x252: {  	v0 =	vadd.f32 v7, v0;
	v2 =	vadd.f32 $4.054594040e-01, v2;
	v22 =	vsel vm1, v10, v5  }
0x253: {  	v44 =	vmul.f32 v6, v33;
	v12 =	vadd.f32 $-5.486227940e-02, v12;
	v5 =	vsel vm1, v5, v10;
	(xrf1) =	vsort.ascd.msk.u32 $0xffff, v22, v22  }
0x254: {  	v41 =	vcvt.s32.f32 v51;
	v0 =	vsub.f32 v0, v21;
	v2 =	vadd.f32 v2, v3;
	(xrf1) =	vsort.ascd.msk.u32 $0xffff, v5, v5  }
0x255: {  	v11 =	vadd.f32 $9.832214560e-02, v11;
	v4 =	vadd.f32 $6.666792030e-01, v44;
	v42 =	vmul.f32 v12, v25  }
0x256: {  	v48 =	vadd.f32 $4.054594040e-01, v43;
	v0 =	vadd.f32 v2, v0;
	v50 =	vmul.f32 $6.931471820e-01, v41;
	v47, _, _ =	vpop (xrf1)  }
0x257: {  	v45 =	vmul.f32 v11, v32;
	v4 =	vmul.f32 v4, v33;
	v46 =	vadd.f32 $9.832214560e-02, v42;
	v51, _, _ =	vpop (xrf1)  }
0x258: {  	v8 =	vadd.s32 $0xFFFFFF81, v39;
	v0 =	vsub.f32 v0, v20;
	v2 =	vadd.f32 v48, v50;
	v52, _, _ =	vpop (xrf1)  }
0x259: {  	v8 =	vcvt.s32.f32 v8;
	v6 =	vmul.f32 v46, v25;
	v31, _, _ =	vpop (xrf1)  }
0x25a: {  	v4 =	vadd.f32 $4.054594040e-01, v4;
	v0 =	vadd.f32 v2, v0;
	v33, _, _ =	vpop (xrf1)  }
0x25b: {  	v8 =	vmul.f32 $6.931471820e-01, v8;
	v5 =	vadd.f32 $-2.217513020e-01, v45;
	v6 =	vadd.f32 $-2.217513020e-01, v6;
	v34, _, _ =	vpop (xrf1)  }
0x25c: {  	v1 =	vperm.xlane v1, v13;
	v0 =	vsub.f32 v0, v18;
	v3 =	vperm.xlane v31, v13;
	v12, _, _ =	vpop (xrf1)  }
0x25d: {  	v4 =	vadd.f32 v4, v8;
	v5 =	vmul.f32 v5, v32;
	v6 =	vmul.f32 v6, v25;
	v18, _, _ =	vpop (xrf1)  }
0x25e: {  	v20 =	vshra.s32 v29, $0x17;
	(xrf1) =	vsort.ascd.msk.u32 $0xffff, v47, v47;
	vm2 =	vlt.s32 v51, v1;
	vm1 =	vlt.s32 v52, v3;
	v35, _, _ =	vpop (xrf1)  }
0x25f: {  	v37 =	vsel vm2, v51, v1;
	v36 =	vperm.xlane v12, v13;
	v23 =	vsel vm1, v52, v3;
	v21, _, _ =	vpop (xrf1)  }
0x260: {  	v18 =	vperm.xlane v18, v13;
	vm14 =	vgt.s32 v37, v23;
	v12 =	vperm.xlane v21, v13  }
0x261: {  	v8 =	vperm.xlane v35, v13;
	vm12 =	vlt.s32 v34, v36;
	v7 =	vsel vm14, v37, v23;
	v21, _, _ =	vpop (xrf1)  }
0x262: {  	vm11 =	vlt.s32 v33, v18;
	v41 =	vsel vm12, v34, v36;
	v22, _, _ =	vpop (xrf1);
	vm3 =	vlt.s32 v21, v12  }
0x263: {  	v38 =	vsel vm11, v33, v18;
	vm13 =	vlt.s32 v22, v8;
	v39 =	vsel vm3, v21, v12  }
0x264: {  	v40 =	vsel vm13, v22, v8;
	v12 =	vsel vm3, v12, v21;
	v21 =	vsel vm14, v23, v37  }
0x265: {  	v8 =	vsel vm13, v8, v22;
	v22 =	vshra.s32 v28, $0x17;
	vm3 =	vgt.s32 v39, v40;
	(xrf1) =	vsort.ascd.msk.u32 $0xffff, v21, v21  }
0x266: {  	v21 =	vadd.s32 $0xFFFFFF81, v22;
	vm6 =	vgt.s32 v12, v8;
	v22 =	vsel vm3, v40, v39;
	(xrf1) =	vsort.ascd.msk.u32 $0xffff, v7, v7  }
0x267: {  	v5 =	vadd.f32 $6.666792030e-01, v5;
	vm15 =	vgt.s32 v38, v41;
	v42 =	vsel vm6, v8, v12;
	(xrf1) =	vsort.ascd.msk.u32 $0xffff, v22, v22  }
0x268: {  	v20 =	vadd.s32 $0xFFFFFF81, v20;
	v22 =	vsel vm15, v41, v38;
	(xrf1) =	vsort.ascd.msk.u32 $0xffff, v42, v42  }
0x269: {  	v20 =	vcvt.s32.f32 v20;
	v6 =	vadd.f32 $6.666792030e-01, v6;
	v5 =	vmul.f32 v5, v32;
	(xrf1) =	vsort.ascd.msk.u32 $0xffff, v22, v22  }
0x26a: {  	v0 =	vadd.f32 v4, v0  }
0x26b: {  	v20 =	vmul.f32 $6.931471820e-01, v20;
	v6 =	vmul.f32 v6, v25;
	v5 =	vadd.f32 $4.054594040e-01, v5  }
0x26c: {  	v0 =	vsub.f32 v0, v17;
	v43 =	vcvt.s32.f32 v21  }
0x26d: {  	v6 =	vadd.f32 $4.054594040e-01, v6;
	v5 =	vadd.f32 v5, v20  }
0x26e: {  	v2 =	vsel vm12, v36, v34;
	v45 =	vsel vm11, v18, v33;
	v7 =	vmul.f32 $6.931471820e-01, v43  }
0x26f: {  	v1 =	vsel vm2, v1, v51;
	v0 =	vadd.f32 v5, v0;
	vm4 =	vgt.s32 v45, v2  }
0x270: {  	v3 =	vsel vm1, v3, v52;
	v47 =	vsel vm4, v2, v45;
	v44 =	vadd.f32 v6, v7  }
0x271: {  	v0 =	vsub.f32 v0, v16;
	v2 =	vsel vm4, v45, v2;
	(xrf1) =	vsort.ascd.msk.u32 $0xffff, v47, v47  }
0x272: {  	vm1 =	vgt.s32 v1, v3;
	v48 =	vsel vm6, v12, v8;
	v20, _, _ =	vpop (xrf1);
	(xrf1) =	vsort.ascd.msk.u32 $0xffff, v2, v2;
	v46 =	vnsel vm0, $0x0, v44  }
0x273: {  	v50 =	vsel vm15, v38, v41;
	(xrf1) =	vsort.ascd.msk.u32 $0xffff, v48, v48;
	v0 =	vadd.f32 v46, v0;
	v17, _, _ =	vpop (xrf1)  }
0x274: {  	v51 =	vsel vm1, v3, v1;
	(xrf1) =	vsort.ascd.msk.u32 $0xffff, v50, v50;
	v16, _, _ =	vpop (xrf1)  }
0x275: {  	v1 =	vsel vm1, v1, v3;
	v0 =	vsub.f32 v0, v19;
	(xrf1) =	vsort.ascd.msk.u32 $0xffff, v51, v51;
	v18, _, _ =	vpop (xrf1)  }
0x276: {  	v52 =	vsel vm3, v39, v40;
	(xrf1) =	vsort.ascd.msk.u32 $0xffff, v1, v1;
	v19, _, _ =	vpop (xrf1)  }
0x277: {  	s23 =	simm.s32 $0x0;
	s22 =	simm.s32 $0x1;
	s21 =	simm.s32 $0x0;
	v14 =	vadd.f32 v0, v14;
	v50 =	vmov v49;
	(xrf1) =	vsort.ascd.msk.u32 $0xffff, v52, v52;
	v21, _, _ =	vpop (xrf1)  }
.LBB2_5:
0x278: {  	_ =	sdelay $0x1  }
0x279: {  	s20 =	sadd.s32 $0x80, s20;
	s23 =	sadd.s32 $0x100, s23  }
0x27a: {  	s24 =	sand.u32 $0x3800, s23;
	s25 =	sand.u32 $0x380, s20  }
0x27b: {  	s24 =	sor.u32 s25, s24  }
0x27c: {  	vm1 =	vgt.s32 v18, v19;
	v12 =	vld [tilespmem:s24+$0xC000]  }
0x27d: {  	v49 =	vsel vm1, v19, v18;
	v8 =	vsel vm1, v18, v19;
	v18 =	vld [tilespmem:s24+$0xC020]  }
0x27e: {  	v0, _, _ =	vpop (xrf1)  }
0x27f: {  	v1 =	vperm.xlane v20, v13;
	v2, _, _ =	vpop (xrf1)  }
0x280: {  	v5 =	vperm.xlane v21, v13;
	v19 =	vld [tilespmem:s24+$0xC400];
	v0 =	vperm.xlane v0, v13;
	v3, _, _ =	vpop (xrf1)  }
0x281: {  	v37 =	vmul.f32 $8.388608000e+06, v12;
	v2 =	vperm.xlane v2, v13;
	v4, _, _ =	vpop (xrf1)  }
0x282: {  	v18 =	vmul.f32 $8.388608000e+06, v18;
	vm2 =	vgt.s32 v3, v1;
	v4 =	vperm.xlane v4, v13  }
0x283: {  	v6 =	vsel vm2, v3, v1;
	v7, _, _ =	vpop (xrf1);
	v1 =	vsel vm2, v1, v3;
	vm1 =	vlt.s32 v17, v2  }
0x284: {  	vm2 =	vlt.s32 v16, v0;
	v9, _, _ =	vpop (xrf1);
	v51 =	vsel vm1, v17, v2;
	v2 =	vsel vm1, v2, v17  }
0x285: {  	v19 =	vmul.f32 $8.388608000e+06, v19;
	v11 =	vsel vm2, v16, v0;
	v0 =	vsel vm2, v0, v16;
	v10, _, _ =	vpop (xrf1);
	(xrf1) =	vsort.ascd.msk.u32 $0xffff, v6, v6  }
0x286: {  	vm3 =	vlt.s32 v7, v4;
	vm4 =	vlt.s32 v9, v5;
	vm5 =	vgt.s32 v10, v1  }
0x287: {  	v22 =	vld [tilespmem:s24+$0xC030];
	v16 =	vsel vm3, v7, v4;
	v4 =	vsel vm3, v4, v7;
	v17 =	vsel vm4, v9, v5  }
0x288: {  	v24 =	vld [tilespmem:s24+$0xC050];
	v5 =	vsel vm4, v5, v9;
	v28 =	vsel vm5, v1, v10;
	vm1 =	vgt.s32 v51, v16  }
0x289: {  	v31 =	vld [tilespmem:s24+$0xC060];
	vm2 =	vgt.s32 v11, v17;
	v1 =	vsel vm5, v10, v1;
	vm3 =	vgt.s32 v2, v4  }
0x28a: {  	v36 =	vld [tilespmem:s24+$0xC070];
	vm4 =	vgt.s32 v0, v5;
	vm10 =	vgt.s32 v49, v28;
	v20 =	vsel vm1, v51, v16  }
0x28b: {  	v34 =	vld [tilespmem:s24+$0xC420];
	v21 =	vsel vm2, v11, v17;
	vm6 =	vgt.s32 v8, v1;
	v30 =	vsel vm10, v28, v49  }
0x28c: {  	v38 =	vld [tilespmem:s24+$0xC430];
	v22 =	vmul.f32 $8.388608000e+06, v22;
	v23 =	vsel vm3, v4, v2;
	v3 =	vsel vm10, v49, v28;
	(xrf1) =	vsort.ascd.msk.u32 $0xffff, v30, v30  }
0x28d: {  	v24 =	vmul.f32 $8.388608000e+06, v24;
	v2 =	vsel vm3, v2, v4;
	v32 =	vsel vm6, v1, v8;
	(xrf1) =	vsort.ascd.msk.u32 $0xffff, v3, v3  }
0x28e: {  	v39 =	vmul.f32 $8.388608000e+06, v31;
	vm3 =	vgt.s32 v20, v21;
	v1 =	vsel vm6, v8, v1;
	(xrf1) =	vsort.ascd.msk.u32 $0xffff, v32, v32  }
0x28f: {  	v52 =	vld [tilespmem:s24+$0xC010];
	v40 =	vmul.f32 $8.388608000e+06, v36;
	v25 =	vsel vm4, v5, v0;
	v35 =	vsel vm3, v20, v21;
	(xrf1) =	vsort.ascd.msk.u32 $0xffff, v1, v1  }
0x290: {  	v41 =	vmul.f32 $8.388608000e+06, v34;
	v0 =	vsel vm4, v0, v5;
	vm11 =	vgt.s32 v23, v25;
	(xrf1) =	vsort.ascd.msk.u32 $0xffff, v35, v35  }
0x291: {  	v29 =	vld [tilespmem:s24+$0xC040];
	v43 =	vmul.f32 $8.388608000e+06, v38;
	vm12 =	vgt.s32 v2, v0;
	v15 =	vsel vm11, v25, v23  }
0x292: {  	v42 =	vtrunc.f32 v37;
	v44 =	vtrunc.f32 v18;
	v26 =	vsel vm12, v2, v0;
	(xrf1) =	vsort.ascd.msk.u32 $0xffff, v15, v15  }
0x293: {  	v46 =	vtrunc.f32 v19;
	v19 =	vtrunc.f32 v22;
	v23 =	vsel vm11, v23, v25;
	v12, _, _ =	vpop (xrf1);
	(xrf1) =	vsort.ascd.msk.u32 $0xffff, v26, v26  }
0x294: {  	v22 =	vtrunc.f32 v24;
	v7 =	vmul.f32 $8.388608000e+06, v52;
	v0 =	vsel vm12, v0, v2;
	(xrf1) =	vsort.ascd.msk.u32 $0xffff, v23, v23  }
0x295: {  	v24 =	vtrunc.f32 v43;
	v19 =	vcvt.f32.s32 v19;
	(xrf1) =	vsort.ascd.msk.u32 $0xffff, v0, v0  }
0x296: {  	v33 =	vld [tilespmem:s24+$0xC410];
	v18 =	vmov s21;
	v10 =	vmul.f32 $8.388608000e+06, v29;
	v7 =	vtrunc.f32 v7  }
0x297: {  	v6 =	vsel vm1, v16, v51;
	v11 =	vsel vm2, v17, v11;
	v4 =	vcvt.f32.s32 v42  }
0x298: {  	v45 =	vtrunc.f32 v10;
	vm1 =	vgt.s32 v6, v11;
	v7 =	vcvt.f32.s32 v7  }
0x299: {  	v8 =	vcvt.f32.s32 v44;
	v28 =	vshll.u32 v18, $0x8;
	v10 =	vcvt.f32.s32 v46  }
0x29a: {  	v2 =	vtrunc.f32 v39;
	v48 =	vsel vm1, v6, v11;
	v9 =	vcvt.f32.s32 v45;
	v16, _, _ =	vpop (xrf1)  }
0x29b: {  	v28 =	vand.u32 $0x3800, v28;
	v3 =	vmul.f32 $8.388608000e+06, v33;
	v15 =	vsel vm1, v11, v6;
	v17, _, _ =	vpop (xrf1)  }
0x29c: {  	v43 =	vshll.u32 v4, $0x8;
	v7 =	vshll.u32 v7, $0x8;
	v8 =	vshll.u32 v8, $0x8;
	v47, _, _ =	vpop (xrf1);
	(xrf1) =	vsort.ascd.msk.u32 $0xffff, v15, v15  }
0x29d: {  	v3 =	vtrunc.f32 v3;
	v1 =	vtrunc.f32 v41;
	v15 =	vsel vm3, v21, v20;
	v49, _, _ =	vpop (xrf1);
	(xrf1) =	vsort.ascd.msk.u32 $0xffff, v48, v48  }
0x29e: {  	v10 =	vshll.u32 v10, $0x8;
	v27 =	vcvt.f32.s32 v1;
	v0 =	vtrunc.f32 v40;
	v51, _, _ =	vpop (xrf1);
	(xrf1) =	vsort.ascd.msk.u32 $0xffff, v15, v15  }
0x29f: {  	v9 =	vshll.u32 v9, $0x8;
	v12 =	vperm.xlane v12, v13;
	v29 =	vcvt.f32.s32 v0  }
0x2a0: {  	v7 =	vor.u32 v54, v7;
	v16 =	vperm.xlane v16, v13;
	v5 =	vperm.xlane v49, v13;
	v52, _, _ =	vpop (xrf1)  }
0x2a1: {  	v9 =	vor.u32 v57, v9;
	v30 =	vperm.xlane v17, v13;
	v25 =	vperm.xlane v47, v13;
	v31, _, _ =	vpop (xrf1)  }
0x2a2: {  	vm3 =	vgt.s32 v51, v12;
	vm13 =	vgt.s32 v52, v5;
	vm2 =	vgt.s32 v31, v16;
	v32, _, _ =	vpop (xrf1)  }
0x2a3: {  	v20 =	vsel vm3, v51, v12;
	v34 =	vsel vm13, v52, v5;
	v21 =	vsel vm2, v31, v16;
	v33, _, _ =	vpop (xrf1)  }
0x2a4: {  	vm14 =	vgt.s32 v32, v25;
	vm15 =	vgt.s32 v33, v30;
	vm1 =	vgt.s32 v20, v21  }
0x2a5: {  	v35 =	vsel vm14, v32, v25;
	v36 =	vsel vm15, v33, v30;
	v37 =	vsel vm1, v21, v20  }
0x2a6: {  	v0 =	vor.u32 v53, v43;
	vm7 =	vgt.s32 v34, v36;
	vm8 =	vgt.s32 v35, v37  }
0x2a7: {  	v44 =	vsel vm3, v12, v51;
	v38 =	vsel vm7, v34, v36;
	v39 =	vsel vm8, v35, v37  }
0x2a8: {  	v45 =	vsel vm13, v5, v52;
	v52 =	vsel vm2, v16, v31;
	vm9 =	vgt.s32 v38, v39  }
0x2a9: {  	v51 =	vsel vm7, v36, v34;
	v12 =	vsel vm8, v37, v35;
	v42 =	vsel vm9, v38, v39  }
0x2aa: {  	v26 =	vcvt.f32.s32 v3;
	v49, _, _ =	vpop (xrf1);
	vm3 =	vgt.s32 v51, v12;
	v48 =	vsel vm9, v39, v38;
	(xrf1) =	vsort.ascd.msk.u32 $0xffff, v42, v42  }
0x2ab: {  	v17 =	vcvt.f32.s32 v22;
	v46 =	vsel vm14, v25, v32;
	v22, _, _ =	vpop (xrf1);
	v35 =	vsel vm3, v51, v12;
	(xrf1) =	vsort.ascd.msk.u32 $0xffff, v48, v48  }
0x2ac: {  	v23 =	vshll.u32 v18, $0x7;
	vm13 =	vgt.s32 v44, v52;
	v47 =	vsel vm15, v30, v33;
	v16, _, _ =	vpop (xrf1);
	(xrf1) =	vsort.ascd.msk.u32 $0xffff, v35, v35  }
0x2ad: {  	vm2 =	vgt.s32 v49, v45;
	v39 =	vsel vm13, v44, v52;
	v11 =	vsel vm3, v12, v51  }
0x2ae: {  	v18 =	vcvt.f32.s32 v2;
	vm4 =	vgt.s32 v22, v46;
	vm12 =	vgt.s32 v16, v47;
	(xrf1) =	vsort.ascd.msk.u32 $0xffff, v11, v11  }
0x2af: {  	v36 =	vsel vm2, v49, v45;
	v37 =	vsel vm4, v22, v46;
	v38 =	vsel vm12, v16, v47  }
0x2b0: {  	v1 =	vsel vm13, v52, v44;
	vm15 =	vgt.s32 v37, v39;
	vm14 =	vgt.s32 v36, v38  }
0x2b1: {  	v2 =	vsel vm2, v45, v49;
	v40 =	vsel vm15, v37, v39;
	v12 =	vsel vm14, v36, v38  }
0x2b2: {  	v42 =	vor.u32 v55, v8;
	v3 =	vsel vm4, v46, v22;
	vm3 =	vgt.s32 v12, v40  }
0x2b3: {  	v4 =	vsel vm12, v47, v16;
	vm4 =	vgt.s32 v3, v1;
	v41 =	vsel vm3, v12, v40  }
0x2b4: {  	v23 =	vand.u32 $0x380, v23;
	vm2 =	vgt.s32 v2, v4;
	v44 =	vsel vm15, v39, v37;
	(xrf1) =	vsort.ascd.msk.u32 $0xffff, v41, v41  }
0x2b5: {  	v46 =	vsel vm4, v3, v1;
	v1 =	vsel vm4, v1, v3;
	v43 =	vsel vm14, v38, v36  }
0x2b6: {  	v22 =	vsel vm2, v2, v4;
	v2 =	vsel vm2, v4, v2;
	v38 =	vor.u32 v61, v10  }
0x2b7: {  	vm2 =	vgt.s32 v22, v46;
	v45 =	vsel vm3, v40, v12;
	vm3 =	vgt.s32 v43, v44  }
0x2b8: {  	v55 =	vshll.u32 v19, $0x8;
	v48 =	vsel vm3, v43, v44;
	v6 =	vsel vm3, v44, v43;
	v12, _, _ =	vpop (xrf1);
	(xrf1) =	vsort.ascd.msk.u32 $0xffff, v45, v45  }
0x2b9: {  	vm3 =	vgt.s32 v2, v1;
	v16 =	vshll.u32 v12, $0x3;
	v47 =	vand.u32 $0x7F, v12;
	v12, _, _ =	vpop (xrf1)  }
0x2ba: {  	(xrf1) =	vsort.ascd.msk.u32 $0xffff, v48, v48;
	v15 =	vand.u32 $0x400, v16;
	v49 =	vshll.u32 v12, $0x3;
	v12 =	vand.u32 $0x7F, v12;
	v51, _, _ =	vpop (xrf1)  }
0x2bb: {  	v11 =	vor.u32 v15, v47;
	v3 =	vand.u32 $0x400, v49;
	v52 =	vshll.u32 v51, $0x3  }
0x2bc: {  	(xrf1) =	vsort.ascd.msk.u32 $0xffff, v6, v6;
	v4 =	vand.u32 $0x7F, v51;
	v54, _, _ =	vpop (xrf1);
	v11 =	vor.u32 v28, v11;
	v3 =	vor.u32 v3, v12  }
0x2bd: {  	v15 =	vand.u32 $0x400, v52;
	v12 =	vsel vm2, v22, v46;
	v19 =	vshll.u32 v54, $0x3  }
0x2be: {  	v32 =	vand.u32 $0x7F, v54;
	v11 =	vor.u32 v23, v11;
	v3 =	vor.u32 v28, v3  }
0x2bf: {  	v4 =	vor.u32 v15, v4;
	(xrf1) =	vsort.ascd.msk.u32 $0xffff, v12, v12;
	v12 =	vand.u32 $0x400, v19;
	v3 =	vor.u32 v23, v3  }
0x2c0: {  	v4 =	vor.u32 v28, v4;
	(xrf1) =	vsort.ascd.msk.u32 $0xffff, v0, v0;
	v0 =	vor.u32 v12, v32  }
0x2c1: {  	v53 =	vsel vm3, v2, v1;
	v4 =	vor.u32 v23, v4;
	v0 =	vor.u32 v28, v0  }
0x2c2: {  	v43 =	vsel vm2, v46, v22;
	(xrf1) =	vsort.ascd.msk.u32 $0xffff, v53, v53;
	v33, _, _ =	vpop (xrf1);
	v0 =	vor.u32 v23, v0  }
0x2c3: {  	v37 =	vshll.u32 v18, $0x8;
	v34 =	vsel vm3, v1, v2;
	v35 =	vshll.u32 v33, $0x3;
	(xrf1) =	vsort.ascd.msk.u32 $0xffff, v7, v7;
	v16 =	vld.idx.msk [tilespmem:v11+s12+$0x0], $0xffff  }
0x2c4: {  	v36 =	vand.u32 $0x7F, v33;
	v2 =	vand.u32 $0x400, v35;
	(xrf1) =	vsort.ascd.msk.u32 $0xffff, v34, v34;
	v11 =	vshll.u32 v17, $0x8;
	v17 =	vld.idx.msk [tilespmem:v3+s12+$0x0], $0xffff  }
0x2c5: {  	v48 =	vsel vm1, v20, v21;
	v6 =	vor.u32 v59, v37;
	v2 =	vor.u32 v2, v36  }
0x2c6: {  	v54 =	vor.u32 v56, v55;
	v2 =	vor.u32 v28, v2;
	v25 =	vor.u32 v58, v11;
	v18 =	vld.idx.msk [tilespmem:v4+s12+$0x0], $0xffff;
	v39, _, _ =	vpop (xrf1)  }
0x2c7: {  	v2 =	vor.u32 v23, v2;
	v19 =	vld.idx.msk [tilespmem:v0+s12+$0x0], $0xffff;
	(xrf1) =	vsort.ascd.msk.u32 $0xffff, v42, v42;
	v40 =	vshll.u32 v39, $0x3  }
0x2c8: {  	v41 =	vmul.f32 $1.442695020e+00, v16;
	v1 =	vand.u32 $0x7F, v39;
	v44, _, _ =	vpop (xrf1);
	v42 =	vand.u32 $0x400, v40  }
0x2c9: {  	(xrf1) =	vsort.ascd.msk.u32 $0xffff, v9, v9;
	v45 =	vshll.u32 v44, $0x3;
	v46 =	vmul.f32 $1.442695020e+00, v17;
	v3 =	vand.u32 $0x7F, v44  }
0x2ca: {  	(xrf1) =	vsort.ascd.msk.u32 $0xffff, v43, v43;
	v49, _, _ =	vpop (xrf1);
	v1 =	vor.u32 v42, v1;
	(erf) = vpow2.f32 v41;
	v47 =	vand.u32 $0x400, v45  }
0x2cb: {  	(xrf1) =	vsort.ascd.msk.u32 $0xffff, v38, v38;
	v51 =	vshll.u32 v49, $0x3;
	v52 =	vmul.f32 $1.442695020e+00, v18;
	(erf) = vpow2.f32 v46  }
0x2cc: {  	v20 =	vld.idx.msk [tilespmem:v2+s12+$0x0], $0xffff;
	v1 =	vor.u32 v28, v1;
	v3 =	vor.u32 v47, v3;
	v57 =	vmul.f32 $1.442695020e+00, v19  }
0x2cd: {  	(xrf1) =	vsort.ascd.msk.u32 $0xffff, v48, v48;
	v1 =	vor.u32 v23, v1;
	v3 =	vor.u32 v28, v3;
	(erf) = vpow2.f32 v52  }
0x2ce: {  	v53 =	vand.u32 $0x7F, v49;
	v0 =	vand.u32 $0x400, v51;
	v55, _, _ =	vpop (xrf1);
	v3 =	vor.u32 v23, v3  }
0x2cf: {  	v0 =	vor.u32 v0, v53;
	v32, _, _ =	vpop (xrf1);
	v56 =	vshll.u32 v55, $0x3;
	(xrf1) =	vsort.ascd.msk.u32 $0xffff, v54, v54;
	(erf) = vpow2.f32 v57  }
0x2d0: {  	v0 =	vor.u32 v28, v0;
	v4 =	vand.u32 $0x7F, v55;
	v2 =	vand.u32 $0x400, v56;
	v61, _, _ =	vpop (xrf1)  }
0x2d1: {  	v0 =	vor.u32 v23, v0;
	v2 =	vor.u32 v2, v4;
	v35, _, _ =	vpop (xrf1);
	v33 =	vmul.f32 $1.442695020e+00, v20;
	(xrf1) =	vsort.ascd.msk.u32 $0xffff, v25, v25  }
0x2d2: {  	v31 =	vshll.u32 v61, $0x3;
	v34 =	vand.u32 $0x7F, v61;
	v2 =	vor.u32 v28, v2;
	v36, _, _ =	vpop (xrf1);
	v21 =	vld.idx.msk [tilespmem:v1+s12+$0x0], $0xffff  }
0x2d3: {  	v4 =	vand.u32 $0x400, v31;
	v2 =	vor.u32 v23, v2;
	v38 =	vshll.u32 v36, $0x3;
	v22 =	vld.idx.msk [tilespmem:v3+s12+$0x0], $0xffff;
	v30 =	vpop (erf)  }
0x2d4: {  	v1 =	vor.u32 v4, v34;
	v40 =	vand.u32 $0x7F, v36;
	v4 =	vand.u32 $0x400, v38;
	v37 =	vpop (erf)  }
0x2d5: {  	v1 =	vor.u32 v28, v1;
	(erf) = vpow2.f32 v33;
	v3 =	vor.u32 v4, v40;
	v33, _, _ =	vpop (xrf1)  }
0x2d6: {  	v25 =	vld.idx.msk [tilespmem:v0+s12+$0x0], $0xffff;
	v1 =	vor.u32 v23, v1;
	(xrf2) =	vadd.scan.msk.f32 $0xffff, v30;
	v3 =	vor.u32 v28, v3;
	v42 =	vpop (erf)  }
0x2d7: {  	(xrf2) =	vadd.scan.msk.f32 $0xffff, v37;
	v3 =	vor.u32 v23, v3;
	v39 =	vmul.f32 $1.442695020e+00, v21;
	v34, _, _ =	vpop (xrf1)  }
0x2d8: {  	v41 =	vshll.u32 v26, $0x8;
	(xrf1) =	vsort.ascd.msk.u32 $0xffff, v6, v6;
	v54 =	vpop (erf);
	v48 =	vmul.f32 $1.442695020e+00, v22  }
0x2d9: {  	v43 =	vor.u32 v62, v41;
	v26 =	vld.idx.msk [tilespmem:v2+s12+$0x0], $0xffff;
	(xrf2) =	vadd.scan.msk.f32 $0xffff, v42;
	v49, _, _ =	vpop (xrf1);
	(erf) = vpow2.f32 v39  }
0x2da: {  	v51 =	vshll.u32 v27, $0x8;
	v46, _, _ =	vpop (xrf1);
	(xrf1) =	vsort.ascd.msk.u32 $0xffff, v43, v43;
	v52 =	vshll.u32 v49, $0x3;
	(erf) = vpow2.f32 v48  }
0x2db: {  	(xrf2) =	vadd.scan.msk.f32 $0xffff, v54;
	v53 =	vand.u32 $0x7F, v49;
	v27 =	vld.idx.msk [tilespmem:v1+s12+$0x0], $0xffff;
	v56 =	vmul.f32 $1.442695020e+00, v25;
	v4 =	vand.u32 $0x400, v52;
	v57, _, _ =	vpop (xrf1)  }
0x2dc: {  	v58 =	vcvt.f32.s32 v24;
	v55 =	vor.u32 v4, v53;
	v31 =	vld.idx.msk [tilespmem:v3+s12+$0x0], $0xffff;
	v5 =	vand.u32 $0xFF, v57  }
0x2dd: {  	v0 =	vor.u32 v63, v51;
	(erf) = vpow2.f32 v56;
	v59 =	vor.u32 v28, v55;
	v63, _, _ =	vpop (xrf1)  }
0x2de: {  	(xrf1) =	vsort.ascd.msk.u32 $0xffff, v0, v0;
	v11 =	vmul.f32 $1.442695020e+00, v26;
	v0 =	vor.u32 v23, v59;
	v62 =	vpop (erf)  }
0x2df: {  	v61 =	vshll.u32 v29, $0x8;
	v2 =	vshll.u32 v58, $0x8;
	v24 =	vmin.u32 v5, $0xC7;
	v5, _, _ =	vpop (xrf1)  }
0x2e0: {  	v1 =	vor.u32 v60, v61;
	(erf) = vpow2.f32 v11;
	v36 =	vmul.f32 $1.442695020e+00, v27;
	v41, _, _ =	vpop (xrf2);
	(xrf2) =	vadd.scan.msk.f32 $0xffff, v62  }
0x2e1: {  	v2 =	vor.u32 v50, v2;
	(xrf1) =	vsort.ascd.msk.u32 $0xffff, v1, v1;
	v42, _, _ =	vpop (xrf2);
	v40 =	vmul.f32 $1.442695020e+00, v31  }
0x2e2: {  	v29 =	vshll.u32 v24, $0x3;
	(xrf1) =	vsort.ascd.msk.u32 $0xffff, v2, v2;
	v30 =	vpop (erf);
	(erf) = vpow2.f32 v36  }
0x2e3: {  	v37 =	vand.u32 $0x7F, v24;
	v4 =	vand.u32 $0x400, v29;
	(xrf2) =	vadd.scan.msk.f32 $0xffff, v30;
	v30 =	vld.idx.msk [tilespmem:v0+s12+$0x0], $0xffff;
	v39 =	vpop (erf);
	(erf) = vpow2.f32 v40  }
0x2e4: {  	v38 =	vor.u32 v4, v37;
	v44, _, _ =	vpop (xrf2);
	(xrf2) =	vadd.scan.msk.f32 $0xffff, v39  }
0x2e5: {  	v47 =	vld [tilespmem:s24+$0xC438];
	v45, _, _ =	vpop (xrf2);
	v0 =	vor.u32 v28, v38  }
0x2e6: {  	v0 =	vor.u32 v23, v0;
	v43 =	vpop (erf)  }
0x2e7: {  	v3, _, _ =	vpop (xrf1)  }
0x2e8: {  	v2 =	vperm.xlane v63, v13;
	(xrf2) =	vadd.scan.msk.f32 $0xffff, v43;
	v56, _, _ =	vpop (xrf1);
	v57 =	vmul.f32 $1.442695020e+00, v30  }
0x2e9: {  	v58 =	vpop (erf)  }
0x2ea: {  	v59 =	vmul.f32 $8.388608000e+06, v47;
	vm1 =	vlt.s32 v33, v2;
	v48, _, _ =	vpop (xrf2);
	(xrf2) =	vadd.scan.msk.f32 $0xffff, v58;
	(erf) = vpow2.f32 v57  }
0x2eb: {  	v55 =	vsel vm1, v2, v33;
	v0 =	vld.idx.msk [tilespmem:v0+s12+$0x0], $0xffff;
	v60 =	vpop (erf)  }
0x2ec: {  	v63 =	vperm.xlane v35, v13;
	v1 =	vtrunc.f32 v59;
	(xrf1) =	vsort.ascd.msk.u32 $0xffff, v55, v55;
	v62 =	vpop (erf)  }
0x2ed: {  	v35 =	vperm.xlane v5, v13;
	v1 =	vcvt.f32.s32 v1;
	v52, _, _ =	vpop (xrf2);
	(xrf2) =	vadd.scan.msk.f32 $0xffff, v60  }
0x2ee: {  	v15 =	vmov v14;
	v14 =	vmov v50;
	v4, _, _ =	vpop (xrf2);
	(xrf2) =	vadd.scan.msk.f32 $0xffff, v62  }
0x2ef: {  	v12 =	vld [tilespmem:$0x1FFF0];
	vm2 =	vlt.s32 v32, v63;
	vm3 =	vlt.s32 v34, v35;
	v29 =	vshll.u32 v1, $0x8;
	v8, _, _ =	vpop (xrf1)  }
0x2f0: {  	v37 =	vsel vm3, v34, v35;
	v47 =	vperm.xlane v56, v13;
	v61, _, _ =	vpop (xrf1);
	v23 =	vnsel vm0, $0x0, v0  }
0x2f1: {  	v36 =	vsel vm3, v35, v34;
	v6 =	vperm.xlane v61, v13;
	v24, _, _ =	vpop (xrf1);
	v28 =	vmul.f32 $1.442695020e+00, v23  }
0x2f2: {  	v40 =	vsel vm2, v32, v63;
	v38 =	vsel vm1, v33, v2;
	v39 =	vsel vm2, v63, v32;
	v7, _, _ =	vpop (xrf2)  }
0x2f3: {  	vm9 =	vlt.s32 v46, v47;
	vm8 =	vlt.s32 v3, v6;
	(erf) = vpow2.f32 v28;
	v50 =	vpop (erf)  }
0x2f4: {  	v49 =	vperm.xlane v24, v13;
	v0 =	vor.u32 v12, v29;
	v35 =	vsel vm8, v3, v6;
	v11, _, _ =	vpop (xrf2);
	(xrf2) =	vadd.scan.msk.f32 $0xffff, v50  }
0x2f5: {  	v29 =	vsel vm9, v46, v47;
	v28 =	vsel vm9, v47, v46;
	v47 =	vimm.s32 $0xF  }
0x2f6: {  	v34 =	vsel vm8, v6, v3;
	v43 =	vsel vm0, $0x7FFFFFFF, v0;
	v46 =	vperm.xlane v41, v47  }
0x2f7: {  	vm2 =	vlt.s32 v8, v49;
	v57 =	vperm.xlane v44, v47;
	v59 =	vperm.xlane v42, v47;
	v2, _, _ =	vpop (xrf2)  }
0x2f8: {  	v33 =	vsel vm2, v8, v49;
	v0 =	vperm.xlane v48, v47;
	v1 =	vperm.xlane v45, v47;
	v53, _, _ =	vpop (xrf2)  }
0x2f9: {  	v6 =	vperm.xlane v52, v47;
	v10 =	vperm.xlane v4, v47;
	v54 =	vadd.f32 $0.0e+00, v53  }
0x2fa: {  	v32 =	vsel vm2, v49, v8;
	v12 =	vperm.xlane v7, v47;
	v51, _, _ =	vpop (xrf1);
	v3 =	vperm.xlane v53, v47  }
0x2fb: {  	v62 =	vperm.xlane v11, v47;
	v24 =	vperm.xlane v51, v13;
	v56 =	vshra.s32 v54, $0x17  }
0x2fc: {  	v49 =	vperm.xlane v2, v47;
	v55 =	vpop (erf);
	v3 =	vadd.f32 $0.0e+00, v3;
	v8 =	vadd.s32 $0xFFFFFF81, v56  }
0x2fd: {  	v60 =	vnsel vm0, $0x0, v55;
	v5 =	vand.u32 $0x7FFFFF, v54;
	v8 =	vcvt.s32.f32 v8  }
0x2fe: {  	v5 =	vor.u32 $0x3F800000, v5;
	v2 =	vadd.f32 v2, v3;
	v3 =	vadd.f32 v49, v3;
	v58, _, _ =	vpop (xrf2)  }
0x2ff: {  	v63 =	vadd.f32 $-1.500000000e+00, v5;
	v61 =	vperm.xlane v58, v47;
	v47 =	vmul.f32 $6.931471820e-01, v8  }
0x300: {  	v53 =	vshra.s32 v2, $0x17;
	v9 =	vadd.f32 v58, v3;
	v2 =	vand.u32 $0x7FFFFF, v2  }
0x301: {  	v54 =	vmul.f32 $3.010222690e-02, v63;
	v55 =	vadd.s32 $0xFFFFFF81, v53;
	v2 =	vor.u32 $0x3F800000, v2  }
0x302: {  	v3 =	vadd.f32 v61, v3;
	v56 =	vshra.s32 v9, $0x17;
	v5 =	vcvt.s32.f32 v55  }
0x303: {  	v50 =	vadd.f32 $-5.486227940e-02, v54;
	v61 =	vadd.f32 $-1.500000000e+00, v2;
	v58 =	vand.u32 $0x7FFFFF, v9  }
0x304: {  	v8 =	vadd.s32 $0xFFFFFF81, v56;
	v11 =	vadd.f32 v11, v3;
	v3 =	vadd.f32 v62, v3  }
0x305: {  	v2 =	vor.u32 $0x3F800000, v58;
	v49 =	vmul.f32 $6.931471820e-01, v5;
	v53 =	vcvt.s32.f32 v8  }
0x306: {  	v58 =	vadd.f32 $-1.500000000e+00, v2;
	v62 =	vshra.s32 v11, $0x17;
	v54 =	vadd.f32 v12, v3  }
0x307: {  	v12 =	vmul.f32 v50, v63;
	v11 =	vand.u32 $0x7FFFFF, v11;
	v3 =	vadd.f32 v7, v3  }
0x308: {  	v7 =	vmul.f32 $3.010222690e-02, v61;
	v50 =	vmul.f32 $6.931471820e-01, v53;
	v55 =	vadd.s32 $0xFFFFFF81, v62  }
0x309: {  	v9 =	vmul.f32 $3.010222690e-02, v58;
	v56 =	vor.u32 $0x3F800000, v11;
	v2 =	vcvt.s32.f32 v55  }
0x30a: {  	v62 =	vshra.s32 v3, $0x17;
	v4 =	vadd.f32 v4, v54;
	v5 =	vadd.f32 v10, v54  }
0x30b: {  	v8 =	vadd.f32 $9.832214560e-02, v12;
	v54 =	vadd.f32 $-1.500000000e+00, v56;
	v3 =	vand.u32 $0x7FFFFF, v3  }
0x30c: {  	v7 =	vadd.f32 $-5.486227940e-02, v7;
	v56 =	vadd.s32 $0xFFFFFF81, v62;
	v3 =	vor.u32 $0x3F800000, v3  }
0x30d: {  	v10 =	vcvt.s32.f32 v56;
	v62 =	vshra.s32 v4, $0x17;
	v51 =	vmul.f32 $6.931471820e-01, v2  }
0x30e: {  	v2 =	vadd.f32 v52, v5;
	v5 =	vadd.f32 v6, v5;
	v6 =	vmul.f32 $3.010222690e-02, v54  }
0x30f: {  	v55 =	vadd.f32 $-1.500000000e+00, v3;
	v56 =	vand.u32 $0x7FFFFF, v4;
	v4 =	vmul.f32 v8, v63  }
0x310: {  	v7 =	vmul.f32 v7, v61;
	v8 =	vadd.f32 $-5.486227940e-02, v9;
	v62 =	vadd.s32 $0xFFFFFF81, v62  }
0x311: {  	v3 =	vor.u32 $0x3F800000, v56;
	v56 =	vshra.s32 v2, $0x17;
	v52 =	vmul.f32 $6.931471820e-01, v10  }
0x312: {  	v9 =	vcvt.s32.f32 v62;
	v0 =	vadd.f32 v0, v5;
	v53 =	vadd.f32 $-1.500000000e+00, v3  }
0x313: {  	v2 =	vand.u32 $0x7FFFFF, v2;
	v62 =	vadd.f32 v48, v5;
	v4 =	vadd.f32 $-2.217513020e-01, v4  }
0x314: {  	v5 =	vadd.f32 $-5.486227940e-02, v6;
	v6 =	vmul.f32 $3.010222690e-02, v55;
	v7 =	vadd.f32 $9.832214560e-02, v7  }
0x315: {  	v8 =	vmul.f32 v8, v58;
	v56 =	vadd.s32 $0xFFFFFF81, v56;
	v2 =	vor.u32 $0x3F800000, v2  }
0x316: {  	v10 =	vcvt.s32.f32 v56;
	v11 =	vshra.s32 v62, $0x17;
	v48 =	vmul.f32 $6.931471820e-01, v9  }
0x317: {  	v9 =	vadd.f32 v45, v0;
	v0 =	vadd.f32 v1, v0;
	v1 =	vmul.f32 $3.010222690e-02, v53  }
0x318: {  	v56 =	vadd.f32 $-1.500000000e+00, v2;
	v62 =	vand.u32 $0x7FFFFF, v62;
	v3 =	vmul.f32 v4, v63  }
0x319: {  	v4 =	vmul.f32 v5, v54;
	v5 =	vadd.f32 $-5.486227940e-02, v6;
	v6 =	vmul.f32 v7, v61  }
0x31a: {  	v7 =	vadd.f32 $9.832214560e-02, v8;
	v45 =	vadd.s32 $0xFFFFFF81, v11;
	v2 =	vor.u32 $0x3F800000, v62  }
0x31b: {  	v8 =	vcvt.s32.f32 v45;
	v62 =	vshra.s32 v9, $0x17;
	v45 =	vmul.f32 $6.931471820e-01, v10  }
0x31c: {  	v10 =	vadd.f32 v44, v0;
	v0 =	vadd.f32 v57, v0;
	v12 =	vmul.f32 $3.010222690e-02, v56  }
0x31d: {  	v57 =	vadd.f32 $-1.500000000e+00, v2;
	v44 =	vand.u32 $0x7FFFFF, v9;
	v4 =	vadd.f32 $9.832214560e-02, v4  }
0x31e: {  	v5 =	vmul.f32 v5, v55;
	v1 =	vadd.f32 $-5.486227940e-02, v1;
	v3 =	vadd.f32 $6.666792030e-01, v3  }
0x31f: {  	v6 =	vadd.f32 $-2.217513020e-01, v6;
	v7 =	vmul.f32 v7, v58;
	v62 =	vadd.s32 $0xFFFFFF81, v62  }
0x320: {  	(xrf2) =	vadd.scan.msk.f32 $0xffff, v60;
	v2 =	vor.u32 $0x3F800000, v44;
	v11 =	vshra.s32 v10, $0x17;
	v44 =	vmul.f32 $6.931471820e-01, v8  }
0x321: {  	v62 =	vcvt.s32.f32 v62;
	v8 =	vadd.f32 v59, v0;
	v59 =	vadd.f32 $-1.500000000e+00, v2  }
0x322: {  	v2 =	vand.u32 $0x7FFFFF, v10;
	v0 =	vadd.f32 v42, v0;
	v1 =	vmul.f32 v1, v53  }
0x323: {  	v9 =	vadd.f32 $-5.486227940e-02, v12;
	v10 =	vmul.f32 $3.010222690e-02, v57;
	v3 =	vmul.f32 v3, v63  }
0x324: {  	v4 =	vmul.f32 v4, v54;
	v5 =	vadd.f32 $9.832214560e-02, v5;
	v6 =	vmul.f32 v6, v61  }
0x325: {  	v7 =	vadd.f32 $-2.217513020e-01, v7;
	v11 =	vadd.s32 $0xFFFFFF81, v11;
	v2 =	vor.u32 $0x3F800000, v2  }
0x326: {  	v41 =	vadd.f32 v41, v8;
	v8 =	vadd.f32 v46, v8;
	v12 =	vmul.f32 $3.010222690e-02, v59  }
0x327: {  	v60 =	vadd.f32 $-1.500000000e+00, v2;
	v46 =	vand.u32 $0x7FFFFF, v0;
	v1 =	vadd.f32 $9.832214560e-02, v1  }
0x328: {  	v9 =	vmul.f32 v9, v56;
	v10 =	vadd.f32 $-5.486227940e-02, v10;
	v3 =	vadd.f32 $4.054594040e-01, v3  }
0x329: {  	v4 =	vadd.f32 $-2.217513020e-01, v4;
	v5 =	vmul.f32 v5, v55;
	v6 =	vadd.f32 $6.666792030e-01, v6  }
0x32a: {  	v42, _, _ =	vpop (xrf2);
	v7 =	vmul.f32 v7, v58;
	v0 =	vshra.s32 v0, $0x17;
	v2 =	vor.u32 $0x3F800000, v46  }
0x32b: {  	v0 =	vadd.s32 $0xFFFFFF81, v0;
	v46 =	vadd.f32 $-1.500000000e+00, v2;
	v42 =	vadd.f32 v42, v8  }
0x32c: {  	v8 =	vmul.f32 v10, v57;
	v10 =	vadd.f32 $-5.486227940e-02, v12;
	v12 =	vmul.f32 $3.010222690e-02, v60  }
0x32d: {  	v2 =	vand.u32 $0x7FFFFF, v41;
	v6 =	vmul.f32 v6, v61;
	v1 =	vmul.f32 v1, v53  }
0x32e: {  	v9 =	vadd.f32 $9.832214560e-02, v9;
	v3 =	vadd.f32 v3, v47;
	v4 =	vmul.f32 v4, v54  }
0x32f: {  	v5 =	vadd.f32 $-2.217513020e-01, v5;
	v7 =	vadd.f32 $6.666792030e-01, v7;
	v0 =	vcvt.s32.f32 v0  }
0x330: {  	v2 =	vor.u32 $0x3F800000, v2;
	v6 =	vadd.f32 $4.054594040e-01, v6;
	v12 =	vadd.f32 $-5.486227940e-02, v12  }
0x331: {  	(xrf1) =	vsort.ascd.msk.u32 $0xffff, v43, v43;
	v43 =	vadd.f32 $-1.500000000e+00, v2;
	v47 =	vand.u32 $0x7FFFFF, v42;
	v3 =	vsub.f32 v3, v31  }
0x332: {  	v7 =	vmul.f32 v7, v58;
	v4 =	vadd.f32 $6.666792030e-01, v4;
	v8 =	vadd.f32 $9.832214560e-02, v8  }
0x333: {  	v31 =	vmul.f32 $3.010222690e-02, v46;
	v5 =	vmul.f32 v5, v55;
	v6 =	vadd.f32 v6, v49  }
0x334: {  	v1 =	vadd.f32 $-2.217513020e-01, v1;
	v9 =	vmul.f32 v9, v56;
	v2 =	vor.u32 $0x3F800000, v47  }
0x335: {  	v49 =	vadd.f32 $4.054594040e-01, v7;
	v4 =	vmul.f32 v4, v54;
	v3 =	vadd.f32 v6, v3  }
0x336: {  	v5 =	vadd.f32 $6.666792030e-01, v5;
	v1 =	vmul.f32 v1, v53;
	v9 =	vadd.f32 $-2.217513020e-01, v9  }
0x337: {  	v7 =	vmul.f32 v10, v59;
	v6 =	vadd.f32 v49, v50;
	v3 =	vsub.f32 v3, v27  }
0x338: {  	v47 =	vadd.f32 $4.054594040e-01, v4;
	v49 =	vmul.f32 $3.010222690e-02, v43;
	v1 =	vadd.f32 $6.666792030e-01, v1  }
0x339: {  	v5 =	vmul.f32 v5, v55;
	v27 =	vadd.f32 $-1.500000000e+00, v2;
	v10 =	vadd.f32 v6, v3  }
0x33a: {  	v50 =	vmul.f32 v12, v60;
	v4 =	vadd.f32 $-5.486227940e-02, v49;
	v6 =	vadd.f32 $9.832214560e-02, v7  }
0x33b: {  	v1 =	vmul.f32 v1, v53;
	v3 =	vadd.f32 v47, v51;
	v2 =	vsub.f32 v10, v30  }
0x33c: {  	v7 =	vadd.f32 $-5.486227940e-02, v31;
	v51 =	vadd.f32 $4.054594040e-01, v5;
	v5 =	vmul.f32 v8, v57  }
0x33d: {  	v0 =	vmul.f32 $6.931471820e-01, v0;
	v31 =	vadd.f32 $9.832214560e-02, v50;
	v2 =	vadd.f32 v3, v2  }
0x33e: {  	v1 =	vadd.f32 $4.054594040e-01, v1;
	v4 =	vmul.f32 v4, v43;
	v5 =	vadd.f32 $-2.217513020e-01, v5  }
0x33f: {  	v30 =	vmul.f32 v9, v56;
	v3 =	vadd.f32 v51, v52;
	v2 =	vsub.f32 v2, v26  }
0x340: {  	v47, _, _ =	vpop (xrf1);
	v12 =	vmul.f32 $3.010222690e-02, v27;
	v1 =	vadd.f32 v1, v48;
	v4 =	vadd.f32 $9.832214560e-02, v4  }
0x341: {  	(xrf1) =	vsort.ascd.msk.u32 $0xffff, v47, v47;
	v7 =	vmul.f32 v7, v46;
	v8 =	vadd.f32 $6.666792030e-01, v30;
	v2 =	vadd.f32 v3, v2  }
0x342: {  	v49 =	vmul.f32 v5, v57;
	v51 =	vmul.f32 v6, v59;
	v52 =	vadd.f32 $-5.486227940e-02, v12  }
0x343: {  	(xrf1) =	vsort.ascd.msk.u32 $0xffff, v40, v40;
	v7 =	vadd.f32 $9.832214560e-02, v7;
	v8 =	vmul.f32 v8, v56;
	v2 =	vsub.f32 v2, v25  }
0x344: {  	v9 =	vmul.f32 v31, v60;
	(xrf1) =	vsort.ascd.msk.u32 $0xffff, v39, v39;
	v5 =	vadd.f32 $-2.217513020e-01, v51;
	v3 =	vadd.f32 $6.666792030e-01, v49  }
0x345: {  	v47 =	vshra.s32 v41, $0x17;
	(xrf1) =	vsort.ascd.msk.u32 $0xffff, v38, v38;
	v26 =	vadd.f32 $4.054594040e-01, v8;
	v1 =	vadd.f32 v1, v2  }
0x346: {  	v9 =	vadd.f32 $-2.217513020e-01, v9;
	v4 =	vmul.f32 v4, v43;
	(xrf1) =	vsort.ascd.msk.u32 $0xffff, v37, v37;
	v5 =	vmul.f32 v5, v59  }
0x347: {  	v3 =	vmul.f32 v3, v57;
	v2 =	vadd.f32 v26, v45;
	v1 =	vsub.f32 v1, v22  }
0x348: {  	(xrf1) =	vsort.ascd.msk.u32 $0xffff, v36, v36;
	v36 =	vmul.f32 $6.931471820e-01, v62;
	v7 =	vmul.f32 v7, v46;
	v5 =	vadd.f32 $6.666792030e-01, v5  }
0x349: {  	v9 =	vmul.f32 v9, v60;
	(xrf1) =	vsort.ascd.msk.u32 $0xffff, v35, v35;
	v31 =	vadd.f32 $4.054594040e-01, v3;
	v1 =	vadd.f32 v2, v1  }
0x34a: {  	v6 =	vmul.f32 v52, v27;
	v4 =	vadd.f32 $-2.217513020e-01, v4;
	(xrf1) =	vsort.ascd.msk.u32 $0xffff, v34, v34;
	v7 =	vadd.f32 $-2.217513020e-01, v7  }
0x34b: {  	v5 =	vmul.f32 v5, v59;
	v2 =	vadd.f32 v31, v44;
	v1 =	vsub.f32 v1, v21  }
0x34c: {  	v9 =	vadd.f32 $6.666792030e-01, v9;
	v6 =	vadd.f32 $9.832214560e-02, v6;
	v4 =	vmul.f32 v4, v43;
	(xrf1) =	vsort.ascd.msk.u32 $0xffff, v33, v33  }
0x34d: {  	(xrf1) =	vsort.ascd.msk.u32 $0xffff, v32, v32;
	v38 =	vmul.f32 v7, v46;
	v37 =	vadd.f32 $4.054594040e-01, v5;
	v1 =	vadd.f32 v2, v1  }
0x34e: {  	v39 =	vmul.f32 v9, v60;
	v6 =	vmul.f32 v6, v27;
	v4 =	vadd.f32 $6.666792030e-01, v4;
	(xrf1) =	vsort.ascd.msk.u32 $0xffff, v29, v29  }
0x34f: {  	v30 =	vcvt.s32.f32 v11;
	v40, _, _ =	vpop (xrf1);
	(xrf1) =	vsort.ascd.msk.u32 $0xffff, v28, v28;
	v2 =	vadd.f32 v37, v36;
	v1 =	vsub.f32 v1, v20  }
0x350: {  	v9 =	vadd.s32 $0xFFFFFF81, v47;
	v6 =	vadd.f32 $-2.217513020e-01, v6;
	v5 =	vadd.f32 $6.666792030e-01, v38  }
0x351: {  	v45 =	vmul.f32 $6.931471820e-01, v30;
	v44 =	vadd.f32 $4.054594040e-01, v39;
	v1 =	vadd.f32 v2, v1  }
0x352: {  	v9 =	vcvt.s32.f32 v9;
	v26 =	vshra.s32 v42, $0x17;
	v6 =	vmul.f32 v6, v27;
	v8, _, _ =	vpop (xrf1)  }
0x353: {  	v49 =	vmul.f32 v5, v46;
	v48, _, _ =	vpop (xrf1);
	v2 =	vadd.f32 v44, v45;
	v1 =	vsub.f32 v1, v19  }
0x354: {  	v11 =	vadd.s32 $0xFFFFFF81, v26;
	v28 =	vmul.f32 v4, v43;
	v6 =	vadd.f32 $6.666792030e-01, v6;
	v51, _, _ =	vpop (xrf1)  }
0x355: {  	v32 =	vmul.f32 $6.931471820e-01, v9;
	v52 =	vadd.f32 $4.054594040e-01, v49;
	v25, _, _ =	vpop (xrf1);
	v1 =	vadd.f32 v2, v1  }
0x356: {  	v11 =	vcvt.s32.f32 v11;
	v31 =	vadd.f32 $4.054594040e-01, v28;
	vm2 =	vlt.s32 v8, v24;
	v12, _, _ =	vpop (xrf1)  }
0x357: {  	v6 =	vmul.f32 v6, v27;
	v0 =	vadd.f32 v52, v0;
	v30, _, _ =	vpop (xrf1);
	v1 =	vsub.f32 v1, v18  }
0x358: {  	v38 =	vsel vm2, v8, v24;
	v29 =	vperm.xlane v51, v13;
	v33, _, _ =	vpop (xrf1);
	v34 =	vperm.xlane v30, v13  }
0x359: {  	v50 =	vmovc v14;
	v14 =	vadd.f32 v31, v32;
	v9 =	vperm.xlane v33, v13;
	v0 =	vadd.f32 v0, v1  }
0x35a: {  	v6 =	vadd.f32 $4.054594040e-01, v6;
	vm1 =	vlt.s32 v48, v29;
	vm10 =	vlt.s32 v12, v34;
	v18, _, _ =	vpop (xrf1)  }
0x35b: {  	vm3 =	vlt.s32 v25, v9;
	v19 =	vmul.f32 $6.931471820e-01, v11;
	v35, _, _ =	vpop (xrf1);
	v0 =	vsub.f32 v0, v17  }
0x35c: {  	v39 =	vsel vm3, v25, v9;
	v3 =	vsel vm3, v9, v25;
	v5 =	vperm.xlane v35, v13;
	v36, _, _ =	vpop (xrf1)  }
0x35d: {  	v6 =	vadd.f32 v6, v19;
	v37, _, _ =	vpop (xrf1);
	(xrf1) =	vsort.ascd.msk.u32 $0xffff, v40, v40;
	v0 =	vadd.f32 v14, v0  }
0x35e: {  	v40 =	vsel vm10, v12, v34;
	v17 =	vperm.xlane v18, v13;
	vm11 =	vlt.s32 v36, v5  }
0x35f: {  	v18 =	vsel vm11, v36, v5;
	v0 =	vsub.f32 v0, v16;
	v16 =	vsel vm1, v48, v29  }
0x360: {  	v1 =	vsel vm11, v5, v36;
	vm12 =	vlt.s32 v37, v17;
	vm3 =	vgt.s32 v38, v16  }
0x361: {  	v19 =	vsel vm12, v37, v17;
	v11 =	vsel vm12, v17, v37;
	v41 =	vsel vm3, v16, v38  }
0x362: {  	v42 =	vsel vm3, v38, v16;
	vm3 =	vgt.s32 v18, v19;
	(xrf1) =	vsort.ascd.msk.u32 $0xffff, v41, v41  }
0x363: {  	vm13 =	vgt.s32 v1, v11;
	v43 =	vsel vm3, v19, v18;
	(xrf1) =	vsort.ascd.msk.u32 $0xffff, v42, v42  }
0x364: {  	vm14 =	vgt.s32 v39, v40;
	v44 =	vsel vm13, v11, v1;
	(xrf1) =	vsort.ascd.msk.u32 $0xffff, v43, v43  }
0x365: {  	v45 =	vsel vm14, v40, v39;
	(xrf1) =	vsort.ascd.msk.u32 $0xffff, v44, v44  }
0x366: {  	(xrf1) =	vsort.ascd.msk.u32 $0xffff, v45, v45;
	_ =	sdelay $0x4  }
0x367: {  	v63 =	vld [tilespmem:$0x1FFD0];
	v2 =	vsel vm10, v34, v12  }
0x368: {  	v61 =	vld [tilespmem:$0x1FFB0];
	v47 =	vsel vm2, v24, v8;
	vm15 =	vgt.s32 v3, v2  }
0x369: {  	v58 =	vld [tilespmem:$0x1FF80];
	v6 =	vnsel vm0, $0x0, v6;
	v46 =	vsel vm15, v2, v3;
	v2 =	vsel vm15, v3, v2  }
0x36a: {  	v54 =	vld [tilespmem:$0x1FF40];
	v49 =	vsel vm14, v39, v40;
	v0 =	vadd.f32 v6, v0;
	(xrf1) =	vsort.ascd.msk.u32 $0xffff, v46, v46  }
0x36b: {  	p0 =	sne.s32 s22, $0x3F;
	v55 =	vld [tilespmem:$0x1FF50];
	v48 =	vsel vm1, v29, v48;
	v1 =	vsel vm13, v1, v11;
	(xrf1) =	vsort.ascd.msk.u32 $0xffff, v2, v2;
	v20, _, _ =	vpop (xrf1)  }
.Ltmp1:
0x36c: {  	v56 =	vld [tilespmem:$0x1FF60];
	vm1 =	vgt.s32 v47, v48;
	v0 =	vsub.f32 v0, v23;
	(xrf1) =	vsort.ascd.msk.u32 $0xffff, v1, v1;
	v17, _, _ =	vpop (xrf1);
	(pc) =	sbr.rel @p0 .LBB2_5-.Ltmp1, $4  }
0x36d: {  	v62 =	vld [tilespmem:$0x1FFC0];
	v51 =	vsel vm1, v48, v47;
	v52 =	vsel vm3, v18, v19;
	(xrf1) =	vsort.ascd.msk.u32 $0xffff, v49, v49;
	v16, _, _ =	vpop (xrf1)  }
0x36e: {  	v57 =	vld [tilespmem:$0x1FF70];
	v14 =	vadd.f32 v0, v15;
	v0 =	vsel vm1, v47, v48;
	(xrf1) =	vsort.ascd.msk.u32 $0xffff, v51, v51;
	v18, _, _ =	vpop (xrf1)  }
0x36f: {  	v60 =	vld [tilespmem:$0x1FFA0];
	(xrf1) =	vsort.ascd.msk.u32 $0xffff, v0, v0;
	v19, _, _ =	vpop (xrf1)  }
0x370: {  	s21 =	smov.u32 s22;
	s22 =	sadd.s32 $0x1, s22;
	v53 =	vlaneseq.u32;
	v59 =	vld [tilespmem:$0x1FF90];
	(xrf1) =	vsort.ascd.msk.u32 $0xffff, v52, v52;
	v21, _, _ =	vpop (xrf1)  }
0x371: {  	_ =	sdelay $0x6  }
0x372: {  	v0, _, _ =	vpop (xrf1)  }
0x373: {  	v1 =	vperm.xlane v20, v13;
	v2, _, _ =	vpop (xrf1)  }
0x374: {  	vm1 =	vgt.s32 v18, v19;
	v3, _, _ =	vpop (xrf1)  }
0x375: {  	v5 =	vperm.xlane v21, v13;
	v2 =	vperm.xlane v2, v13;
	vm2 =	vgt.s32 v3, v1  }
0x376: {  	v8 =	vsel vm1, v18, v19;
	v0 =	vperm.xlane v0, v13;
	v6 =	vsel vm2, v3, v1  }
0x377: {  	v4, _, _ =	vpop (xrf1);
	v1 =	vsel vm2, v1, v3;
	v3 =	vsel vm1, v19, v18;
	vm1 =	vlt.s32 v17, v2  }
0x378: {  	v4 =	vperm.xlane v4, v13;
	v7, _, _ =	vpop (xrf1);
	vm2 =	vlt.s32 v16, v0;
	v30 =	vsel vm1, v17, v2  }
0x379: {  	v9, _, _ =	vpop (xrf1);
	v2 =	vsel vm1, v2, v17;
	v11 =	vsel vm2, v16, v0;
	v0 =	vsel vm2, v0, v16  }
0x37a: {  	v10, _, _ =	vpop (xrf1);
	(xrf1) =	vsort.ascd.msk.u32 $0xffff, v6, v6;
	vm3 =	vlt.s32 v7, v4;
	vm4 =	vlt.s32 v9, v5  }
0x37b: {  	vm5 =	vgt.s32 v10, v1;
	v12 =	vsel vm3, v7, v4;
	v4 =	vsel vm3, v4, v7  }
0x37c: {  	v31 =	vsel vm4, v9, v5;
	v5 =	vsel vm4, v5, v9;
	v32 =	vsel vm5, v1, v10  }
0x37d: {  	vm1 =	vgt.s32 v30, v12;
	vm2 =	vgt.s32 v11, v31;
	v1 =	vsel vm5, v10, v1  }
0x37e: {  	vm3 =	vgt.s32 v2, v4;
	vm4 =	vgt.s32 v0, v5;
	vm10 =	vgt.s32 v3, v32  }
0x37f: {  	v33 =	vsel vm1, v30, v12;
	v34 =	vsel vm2, v11, v31;
	vm6 =	vgt.s32 v8, v1  }
0x380: {  	v17 =	vsel vm3, v4, v2;
	v2 =	vsel vm3, v2, v4;
	v35 =	vsel vm10, v32, v3  }
0x381: {  	v36 =	vsel vm4, v5, v0;
	v3 =	vsel vm10, v3, v32;
	(xrf1) =	vsort.ascd.msk.u32 $0xffff, v35, v35  }
0x382: {  	v0 =	vsel vm4, v0, v5;
	v37 =	vsel vm6, v1, v8;
	(xrf1) =	vsort.ascd.msk.u32 $0xffff, v3, v3  }
0x383: {  	vm3 =	vgt.s32 v33, v34;
	v1 =	vsel vm6, v8, v1;
	(xrf1) =	vsort.ascd.msk.u32 $0xffff, v37, v37  }
0x384: {  	vm11 =	vgt.s32 v17, v36;
	v3 =	vsel vm3, v33, v34;
	(xrf1) =	vsort.ascd.msk.u32 $0xffff, v1, v1  }
0x385: {  	vm12 =	vgt.s32 v2, v0;
	v1 =	vsel vm11, v36, v17;
	(xrf1) =	vsort.ascd.msk.u32 $0xffff, v3, v3  }
0x386: {  	v3 =	vsel vm12, v2, v0;
	(xrf1) =	vsort.ascd.msk.u32 $0xffff, v1, v1  }
0x387: {  	v1 =	vsel vm11, v17, v36;
	(xrf1) =	vsort.ascd.msk.u32 $0xffff, v3, v3  }
0x388: {  	v0 =	vsel vm12, v0, v2;
	(xrf1) =	vsort.ascd.msk.u32 $0xffff, v1, v1  }
0x389: {  	(xrf1) =	vsort.ascd.msk.u32 $0xffff, v0, v0;
	_ =	sdelay $0x4  }
0x38a: {  	v2 =	vsel vm2, v31, v11;
	v1 =	vsel vm1, v12, v30;
	v0, _, _ =	vpop (xrf1)  }
0x38b: {  	vm1 =	vgt.s32 v1, v2;
	v3, _, _ =	vpop (xrf1)  }
0x38c: {  	v39 =	vsel vm1, v2, v1;
	v1 =	vsel vm1, v1, v2;
	v38, _, _ =	vpop (xrf1)  }
0x38d: {  	(xrf1) =	vsort.ascd.msk.u32 $0xffff, v39, v39;
	v40, _, _ =	vpop (xrf1)  }
0x38e: {  	v41 =	vsel vm3, v34, v33;
	v2, _, _ =	vpop (xrf1);
	(xrf1) =	vsort.ascd.msk.u32 $0xffff, v1, v1  }
0x38f: {  	v0 =	vperm.xlane v0, v13;
	v1, _, _ =	vpop (xrf1);
	(xrf1) =	vsort.ascd.msk.u32 $0xffff, v41, v41  }
0x390: {  	v3 =	vperm.xlane v3, v13;
	v2 =	vperm.xlane v2, v13;
	v42, _, _ =	vpop (xrf1)  }
0x391: {  	v4 =	vperm.xlane v38, v13;
	v6 =	vperm.xlane v40, v13;
	v43, _, _ =	vpop (xrf1)  }
0x392: {  	vm2 =	vgt.s32 v1, v0;
	vm3 =	vgt.s32 v42, v2;
	vm13 =	vgt.s32 v43, v3;
	v44, _, _ =	vpop (xrf1)  }
0x393: {  	v19 =	vsel vm2, v1, v0;
	v46 =	vsel vm3, v42, v2;
	v20 =	vsel vm13, v43, v3;
	v45, _, _ =	vpop (xrf1)  }
0x394: {  	vm14 =	vgt.s32 v44, v6;
	vm15 =	vgt.s32 v45, v4;
	vm1 =	vgt.s32 v19, v20  }
0x395: {  	v47 =	vsel vm14, v44, v6;
	v12 =	vsel vm15, v45, v4;
	v48 =	vsel vm1, v20, v19  }
0x396: {  	vm7 =	vgt.s32 v46, v12;
	vm8 =	vgt.s32 v47, v48  }
0x397: {  	v49 =	vsel vm7, v46, v12;
	v51 =	vsel vm8, v47, v48  }
0x398: {  	vm9 =	vgt.s32 v49, v51  }
0x399: {  	v0 =	vsel vm2, v0, v1;
	v1 =	vsel vm3, v2, v42;
	v52 =	vsel vm9, v49, v51  }
0x39a: {  	v3 =	vsel vm13, v3, v43;
	v24 =	vsel vm9, v51, v49;
	(xrf1) =	vsort.ascd.msk.u32 $0xffff, v52, v52  }
0x39b: {  	v26 =	vsel vm7, v12, v46;
	v27 =	vsel vm8, v48, v47;
	v25, _, _ =	vpop (xrf1);
	(xrf1) =	vsort.ascd.msk.u32 $0xffff, v24, v24  }
0x39c: {  	v2 =	vsel vm14, v6, v44;
	vm13 =	vgt.s32 v0, v3;
	vm3 =	vgt.s32 v26, v27;
	v28, _, _ =	vpop (xrf1)  }
0x39d: {  	v4 =	vsel vm15, v4, v45;
	v33 =	vsel vm13, v0, v3;
	v30 =	vsel vm3, v26, v27;
	v29, _, _ =	vpop (xrf1)  }
0x39e: {  	vm2 =	vgt.s32 v25, v1;
	vm4 =	vgt.s32 v28, v2;
	vm12 =	vgt.s32 v29, v4  }
0x39f: {  	v31 =	vsel vm2, v25, v1;
	v32 =	vsel vm4, v28, v2;
	v12 =	vsel vm12, v29, v4  }
0x3a0: {  	(xrf1) =	vsort.ascd.msk.u32 $0xffff, v30, v30;
	vm15 =	vgt.s32 v32, v33;
	vm14 =	vgt.s32 v31, v12  }
0x3a1: {  	v36 =	vsel vm15, v32, v33;
	v35 =	vsel vm14, v31, v12  }
0x3a2: {  	v34 =	vmov s21;
	v8 =	vsel vm3, v27, v26;
	vm3 =	vgt.s32 v35, v36  }
0x3a3: {  	v37 =	vshll.u32 v34, $0x7;
	(xrf1) =	vsort.ascd.msk.u32 $0xffff, v8, v8;
	v38 =	vsel vm3, v35, v36  }
0x3a4: {  	v9 =	vshll.u32 v34, $0x8;
	v22 =	vand.u32 $0x380, v37;
	v0 =	vsel vm13, v3, v0;
	(xrf1) =	vsort.ascd.msk.u32 $0xffff, v38, v38  }
0x3a5: {  	v1 =	vsel vm2, v1, v25;
	v2 =	vsel vm4, v2, v28;
	v4 =	vsel vm12, v4, v29  }
0x3a6: {  	vm4 =	vgt.s32 v2, v0;
	vm2 =	vgt.s32 v1, v4;
	v39 =	vsel vm15, v33, v32  }
0x3a7: {  	v43 =	vsel vm4, v2, v0;
	v0 =	vsel vm4, v0, v2;
	v40 =	vsel vm3, v36, v35  }
0x3a8: {  	v29 =	vand.u32 $0x3800, v9;
	v3 =	vsel vm14, v12, v31;
	v42 =	vsel vm2, v1, v4;
	v41, _, _ =	vpop (xrf1);
	(xrf1) =	vsort.ascd.msk.u32 $0xffff, v40, v40  }
0x3a9: {  	v1 =	vsel vm2, v4, v1;
	vm2 =	vgt.s32 v42, v43;
	vm3 =	vgt.s32 v3, v39;
	v46, _, _ =	vpop (xrf1)  }
0x3aa: {  	v45 =	vsel vm3, v3, v39;
	v3 =	vsel vm3, v39, v3;
	v2 =	vshll.u32 v46, $0x3  }
0x3ab: {  	vm3 =	vgt.s32 v1, v0;
	v48 =	vand.u32 $0x7F, v46;
	v2 =	vand.u32 $0x400, v2  }
0x3ac: {  	v11 =	vsel vm3, v1, v0;
	v44 =	vshll.u32 v41, $0x3;
	v2 =	vor.u32 v2, v48  }
0x3ad: {  	v7 =	vand.u32 $0x7F, v41;
	(xrf1) =	vsort.ascd.msk.u32 $0xffff, v45, v45;
	v6 =	vand.u32 $0x400, v44;
	v2 =	vor.u32 v29, v2  }
0x3ae: {  	(xrf1) =	vsort.ascd.msk.u32 $0xffff, v3, v3;
	v6 =	vor.u32 v6, v7;
	v49, _, _ =	vpop (xrf1);
	v2 =	vor.u32 v22, v2  }
0x3af: {  	v3 =	vsel vm2, v42, v43;
	v47 =	vor.u32 v29, v6;
	v51 =	vshll.u32 v49, $0x3  }
0x3b0: {  	(xrf1) =	vsort.ascd.msk.u32 $0xffff, v3, v3;
	v3 =	vand.u32 $0x7F, v49;
	v4 =	vor.u32 v22, v47;
	v52 =	vand.u32 $0x400, v51  }
0x3b1: {  	v0 =	vsel vm3, v0, v1;
	v10, _, _ =	vpop (xrf1);
	(xrf1) =	vsort.ascd.msk.u32 $0xffff, v11, v11;
	v3 =	vor.u32 v52, v3  }
0x3b2: {  	v21 =	vshll.u32 v10, $0x3;
	v1 =	vand.u32 $0x7F, v10;
	v3 =	vor.u32 v29, v3;
	v24, _, _ =	vpop (xrf1)  }
0x3b3: {  	v23 =	vand.u32 $0x400, v21;
	v3 =	vor.u32 v22, v3;
	v17 =	vld.idx.msk [tilespmem:v2+s12+$0x0], $0xffff;
	v2 =	vand.u32 $0x7F, v24  }
0x3b4: {  	(xrf1) =	vsort.ascd.msk.u32 $0xffff, v0, v0;
	v0 =	vor.u32 v23, v1;
	v1 =	vshll.u32 v24, $0x3  }
0x3b5: {  	v16 =	vld.idx.msk [tilespmem:v4+s12+$0x0], $0xffff;
	v1 =	vand.u32 $0x400, v1  }
0x3b6: {  	v1 =	vor.u32 v1, v2;
	v2, _, _ =	vpop (xrf1)  }
0x3b7: {  	v25 =	vshll.u32 v2, $0x3  }
0x3b8: {  	v31 =	vsel vm1, v19, v20;
	v18 =	vld.idx.msk [tilespmem:v3+s12+$0x0], $0xffff;
	v3 =	vand.u32 $0x400, v25  }
0x3b9: {  	v27 =	vsel vm2, v43, v42;
	v0 =	vor.u32 v29, v0;
	v2 =	vand.u32 $0x7F, v2  }
0x3ba: {  	v1 =	vor.u32 v29, v1;
	(xrf1) =	vsort.ascd.msk.u32 $0xffff, v27, v27;
	v26 =	vmul.f32 $1.442695020e+00, v16;
	v2 =	vor.u32 v3, v2  }
0x3bb: {  	v0 =	vor.u32 v22, v0;
	v1 =	vor.u32 v22, v1;
	v2 =	vor.u32 v29, v2;
	v3, _, _ =	vpop (xrf1)  }
0x3bc: {  	(erf) = vpow2.f32 v26;
	v2 =	vor.u32 v22, v2;
	v28 =	vshll.u32 v3, $0x3;
	v32, _, _ =	vpop (xrf1)  }
0x3bd: {  	(xrf1) =	vsort.ascd.msk.u32 $0xffff, v31, v31;
	v3 =	vand.u32 $0x7F, v3;
	v4 =	vand.u32 $0x400, v28;
	v33 =	vshll.u32 v32, $0x3  }
0x3be: {  	v35, _, _ =	vpop (xrf1);
	v3 =	vor.u32 v4, v3;
	v4 =	vand.u32 $0x7F, v32;
	v5 =	vand.u32 $0x400, v33  }
0x3bf: {  	v36 =	vshll.u32 v35, $0x3;
	v37 =	vand.u32 $0x7F, v35;
	v39, _, _ =	vpop (xrf1);
	v3 =	vor.u32 v29, v3  }
0x3c0: {  	v19 =	vld.idx.msk [tilespmem:v0+s12+$0x0], $0xffff;
	v4 =	vor.u32 v5, v4;
	v38 =	vand.u32 $0x400, v36;
	v40 =	vshll.u32 v39, $0x3  }
0x3c1: {  	v20 =	vld.idx.msk [tilespmem:v1+s12+$0x0], $0xffff;
	v1 =	vand.u32 $0x7F, v39;
	v0 =	vor.u32 v22, v3;
	v3 =	vor.u32 v29, v4  }
0x3c2: {  	v5 =	vor.u32 v38, v37;
	v41, _, _ =	vpop (xrf1);
	v42 =	vand.u32 $0x400, v40;
	v3 =	vor.u32 v22, v3  }
0x3c3: {  	v5 =	vor.u32 v29, v5;
	v43 =	vshll.u32 v41, $0x3;
	v1 =	vor.u32 v42, v1  }
0x3c4: {  	v21 =	vld.idx.msk [tilespmem:v2+s12+$0x0], $0xffff;
	v2 =	vand.u32 $0x7F, v41;
	v44 =	vand.u32 $0x400, v43;
	v5 =	vor.u32 v22, v5  }
0x3c5: {  	v30 =	vmul.f32 $1.442695020e+00, v17;
	v1 =	vor.u32 v29, v1;
	v2 =	vor.u32 v44, v2  }
0x3c6: {  	v34 =	vmul.f32 $1.442695020e+00, v18;
	v23 =	vld.idx.msk [tilespmem:v0+s12+$0x0], $0xffff;
	v0 =	vor.u32 v22, v1;
	v1 =	vor.u32 v29, v2  }
0x3c7: {  	(erf) = vpow2.f32 v30;
	v45 =	vmul.f32 $1.442695020e+00, v19;
	v1 =	vor.u32 v22, v1  }
0x3c8: {  	(erf) = vpow2.f32 v34;
	v24 =	vld.idx.msk [tilespmem:v3+s12+$0x0], $0xffff;
	v2, _, _ =	vpop (xrf1);
	v3 =	vmul.f32 $1.442695020e+00, v20  }
0x3c9: {  	(erf) = vpow2.f32 v45;
	v47 =	vmul.f32 $1.442695020e+00, v21;
	v46 =	vshll.u32 v2, $0x3;
	v25 =	vld.idx.msk [tilespmem:v5+s12+$0x0], $0xffff  }
0x3ca: {  	v2 =	vand.u32 $0x7F, v2;
	v4 =	vand.u32 $0x400, v46;
	(erf) = vpow2.f32 v3  }
0x3cb: {  	v2 =	vor.u32 v4, v2;
	(erf) = vpow2.f32 v47;
	v26 =	vld.idx.msk [tilespmem:v0+s12+$0x0], $0xffff;
	v0, _, _ =	vpop (xrf1)  }
0x3cc: {  	v3 =	vmul.f32 $1.442695020e+00, v23;
	v2 =	vor.u32 v29, v2;
	v28 =	vld.idx.msk [tilespmem:v1+s12+$0x0], $0xffff;
	v0 =	vand.u32 $0xFF, v0  }
0x3cd: {  	v48 =	vmul.f32 $1.442695020e+00, v24;
	v2 =	vor.u32 v22, v2;
	v1 =	vpop (erf);
	v0 =	vmin.u32 v0, $0xC7  }
0x3ce: {  	(erf) = vpow2.f32 v3;
	(xrf2) =	vadd.scan.msk.f32 $0xffff, v1;
	v1 =	vmul.f32 $1.442695020e+00, v25;
	v3 =	vshll.u32 v0, $0x3  }
0x3cf: {  	(erf) = vpow2.f32 v48;
	v0 =	vand.u32 $0x7F, v0;
	v3 =	vand.u32 $0x400, v3  }
0x3d0: {  	(erf) = vpow2.f32 v1;
	v0 =	vor.u32 v3, v0  }
0x3d1: {  	v49 =	vmul.f32 $1.442695020e+00, v26;
	v0 =	vor.u32 v29, v0;
	v1 =	vmul.f32 $1.442695020e+00, v28  }
0x3d2: {  	v27 =	vld.idx.msk [tilespmem:v2+s12+$0x0], $0xffff;
	v0 =	vor.u32 v22, v0  }
0x3d3: {  	v2 =	vpop (erf);
	(erf) = vpow2.f32 v49  }
0x3d4: {  	(xrf2) =	vadd.scan.msk.f32 $0xffff, v2;
	v2 =	vpop (erf);
	(erf) = vpow2.f32 v1  }
0x3d5: {  	(xrf2) =	vadd.scan.msk.f32 $0xffff, v2;
	v1 =	vpop (erf)  }
0x3d6: {  	v2 =	vpop (erf);
	(xrf2) =	vadd.scan.msk.f32 $0xffff, v1  }
0x3d7: {  	v1 =	vpop (erf);
	(xrf2) =	vadd.scan.msk.f32 $0xffff, v2;
	v2 =	vmul.f32 $1.442695020e+00, v27;
	v0 =	vld.idx.msk [tilespmem:v0+s12+$0x0], $0xffff  }
0x3d8: {  	v3 =	vpop (erf)  }
0x3d9: {  	(xrf2) =	vadd.scan.msk.f32 $0xffff, v1;
	v1 =	vpop (erf);
	(erf) = vpow2.f32 v2  }
0x3da: {  	v29, _, _ =	vpop (xrf2);
	(xrf2) =	vadd.scan.msk.f32 $0xffff, v3  }
0x3db: {  	(xrf2) =	vadd.scan.msk.f32 $0xffff, v1;
	v1 =	vpop (erf)  }
0x3dc: {  	(xrf2) =	vadd.scan.msk.f32 $0xffff, v1;
	v1 =	vpop (erf);
	v22 =	vnsel vm0, $0x0, v0  }
0x3dd: {  	(xrf2) =	vadd.scan.msk.f32 $0xffff, v1;
	v0 =	vpop (erf);
	v1 =	vmul.f32 $1.442695020e+00, v22  }
0x3de: {  	v30, _, _ =	vpop (xrf2);
	(xrf2) =	vadd.scan.msk.f32 $0xffff, v0  }
0x3df: {  	v0, _, _ =	vpop (xrf2)  }
0x3e0: {  	v2, _, _ =	vpop (xrf2)  }
0x3e1: {  	(erf) = vpow2.f32 v1;
	v1, _, _ =	vpop (xrf2)  }
0x3e2: {  	v3 =	vpop (erf)  }
0x3e3: {  	v4, _, _ =	vpop (xrf2)  }
0x3e4: {  	(xrf2) =	vadd.scan.msk.f32 $0xffff, v3;
	v3, _, _ =	vpop (xrf2)  }
0x3e5: {  	v5, _, _ =	vpop (xrf2)  }
0x3e6: {  	v15 =	vimm.s32 $0xF;
	v51, _, _ =	vpop (xrf2)  }
0x3e7: {  	v31 =	vperm.xlane v29, v15;
	v9 =	vperm.xlane v30, v15;
	v52, _, _ =	vpop (xrf2)  }
0x3e8: {  	v8 =	vperm.xlane v0, v15;
	v11 =	vperm.xlane v2, v15;
	v12, _, _ =	vpop (xrf2)  }
0x3e9: {  	v10 =	vperm.xlane v1, v15;
	v36 =	vperm.xlane v4, v15;
	v32 =	vadd.f32 $0.0e+00, v12  }
0x3ea: {  	v35 =	vperm.xlane v3, v15;
	v12 =	vperm.xlane v12, v15  }
0x3eb: {  	v37 =	vperm.xlane v5, v15;
	v34 =	vperm.xlane v52, v15;
	v33 =	vpop (erf);
	v44 =	vshra.s32 v32, $0x17  }
0x3ec: {  	v41 =	vnsel vm0, $0x0, v33;
	v12 =	vadd.f32 $0.0e+00, v12;
	v33 =	vadd.s32 $0xFFFFFF81, v44  }
0x3ed: {  	v39 =	vperm.xlane v51, v15;
	v32 =	vand.u32 $0x7FFFFF, v32;
	v33 =	vcvt.s32.f32 v33  }
0x3ee: {  	v32 =	vor.u32 $0x3F800000, v32;
	v7 =	vadd.f32 v52, v12;
	v12 =	vadd.f32 v34, v12;
	v45, _, _ =	vpop (xrf2)  }
0x3ef: {  	v42 =	vadd.f32 $-1.500000000e+00, v32;
	v38 =	vperm.xlane v45, v15;
	v32 =	vmul.f32 $6.931471820e-01, v33  }
0x3f0: {  	v46 =	vshra.s32 v7, $0x17;
	v34 =	vadd.f32 v45, v12;
	v7 =	vand.u32 $0x7FFFFF, v7  }
0x3f1: {  	v40 =	vmul.f32 $3.010222690e-02, v42;
	v33 =	vadd.s32 $0xFFFFFF81, v46;
	v7 =	vor.u32 $0x3F800000, v7  }
0x3f2: {  	v12 =	vadd.f32 v38, v12;
	v47 =	vshra.s32 v34, $0x17;
	v33 =	vcvt.s32.f32 v33  }
0x3f3: {  	v48 =	vadd.f32 $-5.486227940e-02, v40;
	v7 =	vadd.f32 $-1.500000000e+00, v7;
	v34 =	vand.u32 $0x7FFFFF, v34  }
0x3f4: {  	v38 =	vadd.s32 $0xFFFFFF81, v47;
	v34 =	vor.u32 $0x3F800000, v34;
	v6 =	vadd.f32 v51, v12  }
0x3f5: {  	v12 =	vadd.f32 v39, v12;
	v33 =	vmul.f32 $6.931471820e-01, v33;
	v38 =	vcvt.s32.f32 v38  }
0x3f6: {  	v39 =	vmul.f32 v48, v42;
	v43 =	vadd.f32 $-1.500000000e+00, v34;
	v49 =	vshra.s32 v6, $0x17  }
0x3f7: {  	v37 =	vadd.f32 v37, v12;
	v6 =	vand.u32 $0x7FFFFF, v6;
	v5 =	vadd.f32 v5, v12  }
0x3f8: {  	v12 =	vmul.f32 $3.010222690e-02, v7;
	v34 =	vmul.f32 $6.931471820e-01, v38;
	v51 =	vadd.s32 $0xFFFFFF81, v49  }
0x3f9: {  	v45 =	vadd.f32 $9.832214560e-02, v39;
	v6 =	vor.u32 $0x3F800000, v6;
	v40 =	vcvt.s32.f32 v51  }
0x3fa: {  	v44 =	vshra.s32 v5, $0x17;
	v3 =	vadd.f32 v3, v37;
	v37 =	vadd.f32 v35, v37  }
0x3fb: {  	v38 =	vadd.f32 $-1.500000000e+00, v6;
	v5 =	vand.u32 $0x7FFFFF, v5;
	v52 =	vadd.f32 $-5.486227940e-02, v12  }
0x3fc: {  	v12 =	vmul.f32 $3.010222690e-02, v43;
	v49 =	vmul.f32 v45, v42;
	v47 =	vadd.s32 $0xFFFFFF81, v44  }
0x3fd: {  	v5 =	vor.u32 $0x3F800000, v5;
	v44 =	vcvt.s32.f32 v47;
	v46 =	vshra.s32 v3, $0x17  }
0x3fe: {  	v35 =	vmul.f32 $6.931471820e-01, v40;
	v4 =	vadd.f32 v4, v37;
	v48 =	vadd.f32 v36, v37  }
0x3ff: {  	v47 =	vmul.f32 $3.010222690e-02, v38;
	v39 =	vadd.f32 $-1.500000000e+00, v5;
	v3 =	vand.u32 $0x7FFFFF, v3  }
0x400: {  	v6 =	vmul.f32 v52, v7;
	v12 =	vadd.f32 $-5.486227940e-02, v12;
	v51 =	vadd.s32 $0xFFFFFF81, v46  }
0x401: {  	v3 =	vor.u32 $0x3F800000, v3;
	v52 =	vshra.s32 v4, $0x17;
	v36 =	vmul.f32 $6.931471820e-01, v44  }
0x402: {  	v44 =	vcvt.s32.f32 v51;
	v10 =	vadd.f32 v10, v48;
	v37 =	vadd.f32 $-1.500000000e+00, v3  }
0x403: {  	v3 =	vand.u32 $0x7FFFFF, v4;
	v1 =	vadd.f32 v1, v48;
	v4 =	vadd.f32 $-2.217513020e-01, v49  }
0x404: {  	v48 =	vadd.f32 $-5.486227940e-02, v47;
	v49 =	vmul.f32 $3.010222690e-02, v39;
	v6 =	vadd.f32 $9.832214560e-02, v6  }
0x405: {  	v12 =	vmul.f32 v12, v43;
	v51 =	vadd.s32 $0xFFFFFF81, v52;
	v3 =	vor.u32 $0x3F800000, v3  }
0x406: {  	v45 =	vcvt.s32.f32 v51;
	v52 =	vshra.s32 v1, $0x17;
	v40 =	vmul.f32 $6.931471820e-01, v44  }
0x407: {  	v2 =	vadd.f32 v2, v10;
	v10 =	vadd.f32 v11, v10;
	v11 =	vmul.f32 $3.010222690e-02, v37  }
0x408: {  	v3 =	vadd.f32 $-1.500000000e+00, v3;
	v1 =	vand.u32 $0x7FFFFF, v1;
	v4 =	vmul.f32 v4, v42  }
0x409: {  	v5 =	vmul.f32 v48, v38;
	v48 =	vadd.f32 $-5.486227940e-02, v49;
	v6 =	vmul.f32 v6, v7  }
0x40a: {  	v12 =	vadd.f32 $9.832214560e-02, v12;
	v49 =	vadd.s32 $0xFFFFFF81, v52;
	v1 =	vor.u32 $0x3F800000, v1  }
0x40b: {  	v46 =	vcvt.s32.f32 v49;
	v51 =	vshra.s32 v2, $0x17;
	v0 =	vadd.f32 v0, v10  }
0x40c: {  	v8 =	vadd.f32 v8, v10;
	v52 =	vmul.f32 $3.010222690e-02, v3;
	v1 =	vadd.f32 $-1.500000000e+00, v1  }
0x40d: {  	v2 =	vand.u32 $0x7FFFFF, v2;
	v5 =	vadd.f32 $9.832214560e-02, v5;
	v11 =	vadd.f32 $-5.486227940e-02, v11  }
0x40e: {  	v44 =	vmul.f32 v48, v39;
	v4 =	vadd.f32 $6.666792030e-01, v4;
	v6 =	vadd.f32 $-2.217513020e-01, v6  }
0x40f: {  	v12 =	vmul.f32 v12, v43;
	v47 =	vadd.s32 $0xFFFFFF81, v51;
	v2 =	vor.u32 $0x3F800000, v2  }
0x410: {  	(xrf2) =	vadd.scan.msk.f32 $0xffff, v41;
	v48 =	vshra.s32 v0, $0x17;
	v41 =	vmul.f32 $6.931471820e-01, v46;
	v46 =	vcvt.s32.f32 v47  }
0x411: {  	v9 =	vadd.f32 v9, v8;
	v2 =	vadd.f32 $-1.500000000e+00, v2;
	v0 =	vand.u32 $0x7FFFFF, v0  }
0x412: {  	v11 =	vmul.f32 v11, v37;
	v10 =	vadd.f32 $-5.486227940e-02, v52;
	v52 =	vmul.f32 $3.010222690e-02, v1  }
0x413: {  	v8 =	vadd.f32 v30, v8;
	v4 =	vmul.f32 v4, v42;
	v5 =	vmul.f32 v5, v38  }
0x414: {  	v49 =	vadd.f32 $9.832214560e-02, v44;
	v6 =	vmul.f32 v6, v7;
	v12 =	vadd.f32 $-2.217513020e-01, v12  }
0x415: {  	v44 =	vadd.s32 $0xFFFFFF81, v48;
	v0 =	vor.u32 $0x3F800000, v0;
	v29 =	vadd.f32 v29, v9  }
0x416: {  	v9 =	vadd.f32 v31, v9;
	v31 =	vmul.f32 $3.010222690e-02, v2;
	v0 =	vadd.f32 $-1.500000000e+00, v0  }
0x417: {  	v51 =	vand.u32 $0x7FFFFF, v8;
	v11 =	vadd.f32 $9.832214560e-02, v11;
	v30 =	vadd.f32 $-5.486227940e-02, v52  }
0x418: {  	v10 =	vmul.f32 v10, v3;
	v4 =	vadd.f32 $4.054594040e-01, v4;
	v5 =	vadd.f32 $-2.217513020e-01, v5  }
0x419: {  	v42 =	vmul.f32 v49, v39;
	v6 =	vadd.f32 $6.666792030e-01, v6;
	v47 =	vor.u32 $0x3F800000, v51  }
0x41a: {  	v12 =	vmul.f32 v12, v43;
	v47 =	vadd.f32 $-1.500000000e+00, v47;
	v49 =	vand.u32 $0x7FFFFF, v29  }
0x41b: {  	v31 =	vadd.f32 $-5.486227940e-02, v31;
	v48 =	vmul.f32 $3.010222690e-02, v0;
	v6 =	vmul.f32 v6, v7  }
0x41c: {  	v7 =	vmul.f32 v11, v37;
	v10 =	vadd.f32 $9.832214560e-02, v10;
	v4 =	vadd.f32 v4, v32  }
0x41d: {  	v52, _, _ =	vpop (xrf2);
	v5 =	vmul.f32 v5, v38;
	v11 =	vadd.f32 $-2.217513020e-01, v42;
	v12 =	vadd.f32 $6.666792030e-01, v12  }
0x41e: {  	v9 =	vadd.f32 v52, v9;
	v52 =	vor.u32 $0x3F800000, v49;
	v6 =	vadd.f32 $4.054594040e-01, v6  }
0x41f: {  	v30 =	vmul.f32 v30, v1;
	v42 =	vadd.f32 $-5.486227940e-02, v48;
	v32 =	vadd.f32 $-1.500000000e+00, v52  }
0x420: {  	v45 =	vmul.f32 $6.931471820e-01, v45;
	v4 =	vsub.f32 v4, v28;
	v5 =	vadd.f32 $6.666792030e-01, v5  }
0x421: {  	v12 =	vmul.f32 v12, v43;
	v49 =	vadd.f32 $9.832214560e-02, v30;
	v6 =	vadd.f32 v6, v33  }
0x422: {  	v51 =	vmul.f32 $3.010222690e-02, v47;
	v11 =	vmul.f32 v11, v39;
	v7 =	vadd.f32 $-2.217513020e-01, v7  }
0x423: {  	v48 =	vand.u32 $0x7FFFFF, v9;
	v52 =	vadd.f32 $4.054594040e-01, v12;
	v4 =	vadd.f32 v6, v4  }
0x424: {  	v10 =	vmul.f32 v10, v3;
	v12 =	vmul.f32 v31, v2;
	v33 =	vor.u32 $0x3F800000, v48  }
0x425: {  	v5 =	vmul.f32 v5, v38;
	v6 =	vadd.f32 v52, v34;
	v4 =	vsub.f32 v4, v26  }
0x426: {  	v11 =	vadd.f32 $6.666792030e-01, v11;
	v38 =	vmul.f32 $3.010222690e-02, v32;
	v30 =	vadd.f32 $-5.486227940e-02, v51  }
0x427: {  	v7 =	vmul.f32 v7, v37;
	v5 =	vadd.f32 $4.054594040e-01, v5;
	v4 =	vadd.f32 v6, v4  }
0x428: {  	v10 =	vadd.f32 $-2.217513020e-01, v10;
	v43 =	vmul.f32 v49, v1;
	v12 =	vadd.f32 $9.832214560e-02, v12  }
0x429: {  	v11 =	vmul.f32 v11, v39;
	v5 =	vadd.f32 v5, v35;
	v4 =	vsub.f32 v4, v27  }
0x42a: {  	v7 =	vadd.f32 $6.666792030e-01, v7;
	v10 =	vmul.f32 v10, v3;
	v26 =	vadd.f32 $-1.500000000e+00, v33  }
0x42b: {  	v39 =	vmul.f32 v42, v0;
	v42 =	vadd.f32 $4.054594040e-01, v11;
	v4 =	vadd.f32 v5, v4  }
0x42c: {  	v7 =	vmul.f32 v7, v37;
	v10 =	vadd.f32 $6.666792030e-01, v10;
	v11 =	vadd.f32 $-2.217513020e-01, v43  }
0x42d: {  	v28 =	vmul.f32 v12, v2;
	v5 =	vadd.f32 v42, v36;
	v4 =	vsub.f32 v4, v25  }
0x42e: {  	v33 =	vmul.f32 v30, v47;
	v6 =	vadd.f32 $-5.486227940e-02, v38;
	v49 =	vadd.f32 $4.054594040e-01, v7  }
0x42f: {  	v52 =	vmul.f32 v11, v1;
	v31 =	vadd.f32 $-2.217513020e-01, v28;
	v4 =	vadd.f32 v5, v4  }
0x430: {  	v3 =	vmul.f32 v10, v3;
	v11 =	vadd.f32 $9.832214560e-02, v33;
	v27 =	vadd.f32 $9.832214560e-02, v39  }
0x431: {  	v48 =	vmul.f32 $3.010222690e-02, v26;
	v5 =	vadd.f32 v49, v40;
	v4 =	vsub.f32 v4, v24  }
0x432: {  	v51 =	vshra.s32 v8, $0x17;
	v8 =	vadd.f32 $6.666792030e-01, v52;
	v3 =	vadd.f32 $4.054594040e-01, v3  }
0x433: {  	v12 =	vadd.f32 $-5.486227940e-02, v48;
	v10 =	vmul.f32 v31, v2;
	v4 =	vadd.f32 v5, v4  }
0x434: {  	v35 =	vmul.f32 v27, v0;
	v3 =	vadd.f32 v3, v45;
	v1 =	vmul.f32 v8, v1  }
0x435: {  	v6 =	vmul.f32 v6, v32;
	v36 =	vadd.f32 $6.666792030e-01, v10;
	v4 =	vsub.f32 v4, v23  }
0x436: {  	v37 =	vadd.f32 $-2.217513020e-01, v35;
	v1 =	vadd.f32 $4.054594040e-01, v1  }
0x437: {  	v11 =	vmul.f32 v11, v47;
	v6 =	vadd.f32 $9.832214560e-02, v6;
	v3 =	vadd.f32 v3, v4  }
0x438: {  	v2 =	vmul.f32 v36, v2;
	v10 =	vmul.f32 v37, v0;
	v1 =	vadd.f32 v1, v41  }
0x439: {  	v6 =	vmul.f32 v6, v32;
	v40 =	vadd.f32 $-2.217513020e-01, v11;
	v3 =	vsub.f32 v3, v21  }
0x43a: {  	v41 =	vmul.f32 v12, v26;
	v2 =	vadd.f32 $4.054594040e-01, v2;
	v39 =	vadd.f32 $6.666792030e-01, v10  }
0x43b: {  	v38 =	vmul.f32 $6.931471820e-01, v46;
	v6 =	vadd.f32 $-2.217513020e-01, v6;
	v1 =	vadd.f32 v1, v3  }
0x43c: {  	v42 =	vmul.f32 v40, v47;
	v43 =	vadd.f32 $9.832214560e-02, v41;
	v0 =	vmul.f32 v39, v0  }
0x43d: {  	v34 =	vcvt.s32.f32 v44;
	v2 =	vadd.f32 v2, v38;
	v1 =	vsub.f32 v1, v20  }
0x43e: {  	v6 =	vmul.f32 v6, v32;
	v44 =	vadd.f32 $6.666792030e-01, v42;
	v0 =	vadd.f32 $4.054594040e-01, v0  }
0x43f: {  	v3 =	vadd.s32 $0xFFFFFF81, v51;
	v1 =	vadd.f32 v2, v1;
	v2 =	vmul.f32 $6.931471820e-01, v34  }
0x440: {  	v45 =	vshra.s32 v29, $0x17;
	v46 =	vmul.f32 v43, v26;
	v3 =	vcvt.s32.f32 v3  }
0x441: {  	v1 =	vsub.f32 v1, v19;
	v0 =	vadd.f32 v0, v2;
	v2 =	vmul.f32 v44, v47  }
0x442: {  	v48 =	vadd.f32 $6.666792030e-01, v6;
	v49 =	vadd.f32 $-2.217513020e-01, v46;
	v47 =	vadd.s32 $0xFFFFFF81, v45  }
0x443: {  	v0 =	vadd.f32 v0, v1;
	v1 =	vadd.f32 $4.054594040e-01, v2;
	v2 =	vmul.f32 $6.931471820e-01, v3  }
0x444: {  	v6 =	vmul.f32 v49, v26;
	v51 =	vshra.s32 v9, $0x17;
	v3 =	vcvt.s32.f32 v47  }
0x445: {  	v0 =	vsub.f32 v0, v18;
	v1 =	vadd.f32 v1, v2;
	v2 =	vmul.f32 v48, v32  }
0x446: {  	v52 =	vadd.f32 $6.666792030e-01, v6;
	v4 =	vadd.s32 $0xFFFFFF81, v51  }
0x447: {  	v0 =	vadd.f32 v1, v0;
	v1 =	vadd.f32 $4.054594040e-01, v2;
	v2 =	vmul.f32 $6.931471820e-01, v3  }
0x448: {  	v4 =	vcvt.s32.f32 v4;
	v3 =	vmul.f32 v52, v26  }
0x449: {  	v0 =	vsub.f32 v0, v17;
	v1 =	vadd.f32 v1, v2  }
0x44a: {  	v2 =	vadd.f32 $4.054594040e-01, v3;
	v3 =	vmul.f32 $6.931471820e-01, v4  }
0x44b: {  	v0 =	vadd.f32 v1, v0  }
0x44c: {  	v1 =	vadd.f32 v2, v3  }
0x44d: {  	s19 =	sadd.s32 $0x1, s19;
	v0 =	vsub.f32 v0, v16  }
0x44e: {  	p0 =	sne.s32 s19, $0x4;
	v1 =	vnsel vm0, $0x0, v1  }
.Ltmp2:
0x44f: {  	v0 =	vadd.f32 v1, v0;
	(pc) =	sbr.rel @p0 .LBB2_2-.Ltmp2, $3  }
0x450: {  	_ = 	snop  }
0x451: {  	v0 =	vsub.f32 v0, v22;
	_ =	sdelay $0x1  }
0x452: {  	v14 =	vadd.f32 v0, v14;
	v0 =	vld [tilespmem:$0x1FFF0]  }
0x453: {  	s18 =	sadd.s32 $0x1, s18  }
0x454: {  	p0 =	sne.s32 s18, s10  }
.Ltmp3:
0x455: {  	[tilespmem:$0x10000] =	vst v14;
	(pc) =	sbr.rel @p0 .LBB2_1-.Ltmp3, $4  }
0x456: {  	[hbm4b:s9+s2] =	stream.linear.scatter [tilespmem:s16], [sflag:$0x3], $0x10, $0x38;
	[tilespmem:$0x10080] =	vst v63  }
0x457: {  	_ =	swait.ge [sflag:s17], $0x10  }
0x458: {  	[sflag:s17] =	ssyncset.done $0x0  }
0x459: {  	[sflag:s17] =	ssyncadd.s32 $0xFFFFFFF0  }
0x45a: {  	_ =	sfence.sel $0x180000  }
0x45b: {  	[bflag:$0x0] =	sbarrier.arrive $0xFFFF  }
0x45c: {  	p0 =	sne.s32 s1, $0x0;
	_ =	strace $0x90000047  }
0x45d: {  	s0 =	sadd.s32 @!p0 $0x100000, s0;
	[bflag:$0x2] =	sbarrier.arrive $0xFFFF  }
0x45e: {  	[sflag:s0] =	ssyncadd.tile.s32 @!p0 $0x1;
	_ =	shalt  }
.Lfunc_end2:
_tile_overlayer_lowered:
.L_overlay_start_2:
0x45f: {  	(tag) =	ssettag $0x2  }
0x460: {  	s0 =	rddreg [dreg:$0x0];
	s2 =	stileid.u32  }
0x461: {  	s1 =	rddreg [dreg:$0x1];
	p0 =	sne.s32 s2, $0x0  }
0x462: {  	s3 =	rddreg [dreg:$0x2];
	[bflag:$0x3] =	sbarrier.arrive $0xFFFF;
	s2 =	simm.s32 @!p0 $0x1C03  }
0x463: {  	[timem:s3], [sflag:s2] =	dma.local @!p0 [hbm:s0], s1  }
0x464: {  	s0 =	simm.s32 @!p0 $0x3  }
0x465: {  	_ =	swait.ge @!p0 [sflag:s0], s1  }
0x466: {  	s1 =	ssub.s32 @!p0 $0x0, s1;
	[sflag:s0] =	ssyncset.done @!p0 $0x0  }
0x467: {  	[sflag:s0] =	ssyncadd.s32 @!p0 s1  }
0x468: {  	[bflag:$0x3] =	sbarrier.arrive $0xFFFF  }
0x469: {  	_ =	shalt  }

</sc_bundles>
